<compile_context>
chip_gen: v7x
topology: tpu7x:2x2x1
jax: 0.10.2.dev20260603
libtpu: 0.0.44.dev20260713+nightly
codegen_flags: <defaults>
</compile_context>

<pallas_src>
import functools

import jax
import jax.numpy as jnp
from jax import lax
from jax.experimental import pallas as pl
from jax.experimental.pallas import tpu as pltpu
from jax.experimental.pallas import tpu_sc as plsc


_RPS = 4


def _topk_idx_body(scores_ref, idxp_ref, idxe_ref):
    N = scores_ref.shape[-1]
    K = idxp_ref.shape[-1]
    g = pl.program_id(0)
    for r in range(_RPS):
        b = g * _RPS + r
        s = scores_ref[r]
        scol = jnp.reshape(s, (N, 1))
        ni = lax.broadcasted_iota(jnp.int32, (N, N), 0)
        mi = lax.broadcasted_iota(jnp.int32, (N, N), 1)
        beats = (s > scol) | ((s == scol) & (mi < ni))
        ones = jnp.ones((N, 8), jnp.float32)
        rank_f = lax.dot_general(beats.astype(jnp.float32), ones,
                                 dimension_numbers=(((1,), (0,)), ((), ())))
        rank = rank_f[:, :1].astype(jnp.int32)
        jrow = lax.broadcasted_iota(jnp.int32, (1, K), 1)
        sel = rank == jrow
        nidx = lax.broadcasted_iota(jnp.int32, (N, K), 0)
        idx = jnp.sum(jnp.where(sel, nidx, 0), axis=0, keepdims=True)
        idxp_ref[r] = idx + b * N
        idxe_ref[r] = idx + 1


def _topk_indices(scores, B, N, K):
    scores3 = scores.reshape(B, 1, N)
    idxp, idxe = pl.pallas_call(
        _topk_idx_body,
        grid=(B // _RPS,),
        in_specs=[pl.BlockSpec((_RPS, 1, N), lambda g: (g, 0, 0))],
        out_specs=[
            pl.BlockSpec((_RPS, 1, K), lambda g: (g, 0, 0)),
            pl.BlockSpec((_RPS, 1, K), lambda g: (g, 0, 0)),
        ],
        out_shape=[
            jax.ShapeDtypeStruct((B, 1, K), jnp.int32),
            jax.ShapeDtypeStruct((B, 1, K), jnp.int32),
        ],
    )(scores3)
    return (idxp.reshape(B * K // _CHUNK, _CHUNK),
            idxe.reshape(B * K // _CHUNK, _CHUNK))


_NC, _NS = 2, 16
_NW = _NC * _NS
_CHUNK = 16
_NBUF = 4


def _sc_gather_body(magno_hbm, pos_hbm, idxp_hbm, idxe_hbm, out_hbm,
                    idxp_v, idxe_v, rows_v, pose_v, gsems, ssems):
    D = rows_v[0].shape[-1]
    K = out_hbm.shape[1]
    rows_total = out_hbm.shape[0] * K
    rows_per_w = rows_total // _NW

    def out_slice(c):
        off = base + c * _CHUNK
        return out_hbm.at[off // K, pl.ds(pl.multiple_of(off % K, _CHUNK),
                                          _CHUNK)]
    nchunk = rows_per_w // _CHUNK
    wid = lax.axis_index("s") * _NC + lax.axis_index("c")
    base = wid * rows_per_w
    cbase = wid * nchunk

    pltpu.sync_copy(idxp_hbm.at[pl.ds(cbase, nchunk)], idxp_v)
    pltpu.sync_copy(idxe_hbm.at[pl.ds(cbase, nchunk)], idxe_v)

    def start(c, slot):
        pltpu.async_copy(magno_hbm.at[idxp_v.at[c]], rows_v[slot], gsems[slot])
        pltpu.async_copy(pos_hbm.at[idxe_v.at[c]], pose_v[slot], gsems[slot])

    def finish(c, slot):
        pltpu.make_async_copy(magno_hbm.at[idxp_v.at[c]], rows_v[slot],
                              gsems[slot]).wait()
        pltpu.make_async_copy(pos_hbm.at[idxe_v.at[c]], pose_v[slot],
                              gsems[slot]).wait()

        def addrow(r, carry):
            for d0 in range(0, D, 16):
                rows_v[slot][r, pl.ds(d0, 16)] = (
                    rows_v[slot][r, pl.ds(d0, 16)]
                    + pose_v[slot][r, pl.ds(d0, 16)])
            return carry

        lax.fori_loop(0, _CHUNK, addrow, 0)
        copy = pltpu.async_copy(rows_v[slot], out_slice(c), ssems[slot])
        return copy

    _AHEAD = _NBUF - 1
    for a in range(_AHEAD):
        start(a, a)

    def group(g, carry):
        for b in range(_NBUF):
            c = g * _NBUF + b
            nslot = (b + _AHEAD) % _NBUF

            @pl.when(c + _AHEAD < nchunk)
            def _():
                @pl.when(c + _AHEAD >= _NBUF)
                def _():
                    pltpu.make_async_copy(rows_v[nslot],
                                          out_slice(c + _AHEAD - _NBUF),
                                          ssems[nslot]).wait()
                start(c + _AHEAD, nslot)

            finish(c, b)
        return carry

    lax.fori_loop(0, nchunk // _NBUF, group, 0)
    for b in range(_NBUF):
        c = nchunk - _NBUF + b
        slot = c % _NBUF
        pltpu.make_async_copy(rows_v[slot], out_slice(c),
                              ssems[slot]).wait()


def _sc_gather(magno_flat, pos_flat, idxp, idxe, B, K, D):
    nchunk_w = B * K // _NW // _CHUNK
    mesh = plsc.VectorSubcoreMesh(core_axis_name="c", subcore_axis_name="s")
    return pl.kernel(
        _sc_gather_body,
        out_type=jax.ShapeDtypeStruct((B, K, D), jnp.float32),
        mesh=mesh,
        scratch_types=[
            pltpu.VMEM((nchunk_w, _CHUNK), jnp.int32),
            pltpu.VMEM((nchunk_w, _CHUNK), jnp.int32),
            [pltpu.VMEM((_CHUNK, D), jnp.float32) for _ in range(_NBUF)],
            [pltpu.VMEM((_CHUNK, D), jnp.float32) for _ in range(_NBUF)],
            [pltpu.SemaphoreType.DMA for _ in range(_NBUF)],
            [pltpu.SemaphoreType.DMA for _ in range(_NBUF)],
        ],
    )(magno_flat, pos_flat, idxp, idxe)


def kernel(magno_patches, vit_positional_embedding, scores):
    B, N, D = magno_patches.shape
    K = N // 4
    idxp, idxe = _topk_indices(scores, B, N, K)
    magno_flat = magno_patches.reshape(B * N, D)
    pos_flat = vit_positional_embedding[0]
    return _sc_gather(magno_flat, pos_flat, idxp, idxe, B, K, D)

# --- scband reference (transcript-rebuilt; emitter-appended) ---
"""Pipeline reference for scband-flexible-patch-selector-1803886264436 (READ-ONLY COPY).

The authoritative reference and input builder live on the scoring server;
editing this copy changes nothing except your own understanding.
"""

import jax, jax.numpy as jnp
import numpy as np

PATCH_PERCENTAGE = 0.25

def setup_inputs(seed: int = 0) -> dict:
    key = jax.random.key(seed)
    k1, k2, k3 = jax.random.split(key, 3)
    B, N, D = 64, 1024, 768
    magno_patches = jax.random.normal(k1, (B, N, D), dtype=jnp.float32)
    vit_positional_embedding = jax.random.normal(k2, (1, N + 1, D), dtype=jnp.float32)
    scores = jax.random.normal(k3, (B, N), dtype=jnp.float32)
    return {"magno_patches": magno_patches, "vit_positional_embedding": vit_positional_embedding, "scores": scores}

def reference(magno_patches, vit_positional_embedding, scores):
    B, N, D = magno_patches.shape
    k = int(N * PATCH_PERCENTAGE)
    # top_k selection strategy
    _, indices = jax.lax.top_k(scores, k)  # (B, k)
    # gather selected patches
    selected_patches = jnp.take_along_axis(magno_patches, indices[:, :, None], axis=1)  # (B, k, D)
    # positional embeddings (skip CLS token at position 0)
    pos_embed_patches = vit_positional_embedding[:, 1:, :]  # (1, N, D)
    pos_b = jnp.broadcast_to(pos_embed_patches, (B, N, pos_embed_patches.shape[-1]))
    selected_pos_embed = jnp.take_along_axis(pos_b, indices[:, :, None], axis=1)  # (B, k, D)
    return selected_patches + selected_pos_embed

if __name__ == "__main__":
    import jax
    _d = setup_inputs()
    print(jax.jit(kernel)(*tuple(_d.values())))

</pallas_src>

<mosaic_0001>
#map = affine_map<(d0, d1) -> (0, 0)>
#map1 = affine_map<(d0, d1) -> (0, 0, 0)>
module attributes {stable_mosaic.version = 14 : i64} {
  func.func @_sc_gather_body(%arg0: i32, %arg1: i32, %arg2: memref<65536x768xf32, #tpu.memory_space<hbm>>, %arg3: memref<1025x768xf32, #tpu.memory_space<hbm>>, %arg4: memref<1024x16xi32, #tpu.memory_space<hbm>>, %arg5: memref<1024x16xi32, #tpu.memory_space<hbm>>, %arg6: memref<64x256x768xf32, #tpu.memory_space<hbm>>, %arg7: memref<32x16xi32, #tpu.memory_space<vmem>>, %arg8: memref<32x16xi32, #tpu.memory_space<vmem>>, %arg9: memref<16x768xf32, #tpu.memory_space<vmem>>, %arg10: memref<16x768xf32, #tpu.memory_space<vmem>>, %arg11: memref<16x768xf32, #tpu.memory_space<vmem>>, %arg12: memref<16x768xf32, #tpu.memory_space<vmem>>, %arg13: memref<16x768xf32, #tpu.memory_space<vmem>>, %arg14: memref<16x768xf32, #tpu.memory_space<vmem>>, %arg15: memref<16x768xf32, #tpu.memory_space<vmem>>, %arg16: memref<16x768xf32, #tpu.memory_space<vmem>>, %arg17: memref<!tpu.dma_semaphore, #tpu.memory_space<semaphore_mem>>, %arg18: memref<!tpu.dma_semaphore, #tpu.memory_space<semaphore_mem>>, %arg19: memref<!tpu.dma_semaphore, #tpu.memory_space<semaphore_mem>>, %arg20: memref<!tpu.dma_semaphore, #tpu.memory_space<semaphore_mem>>, %arg21: memref<!tpu.dma_semaphore, #tpu.memory_space<semaphore_mem>>, %arg22: memref<!tpu.dma_semaphore, #tpu.memory_space<semaphore_mem>>, %arg23: memref<!tpu.dma_semaphore, #tpu.memory_space<semaphore_mem>>, %arg24: memref<!tpu.dma_semaphore, #tpu.memory_space<semaphore_mem>>) attributes {dimension_semantics = [#tpu.dimension_semantics<core_parallel>, #tpu.dimension_semantics<subcore_parallel>], iteration_bounds = array<i64: 2, 16>, scalar_prefetch = 0 : i64, scratch_operands = 18 : i64, tpu.core_type = #tpu.core_type<sc_vector_subcore>, window_params = [{transform_indices = #map}, {transform_indices = #map}, {transform_indices = #map}, {transform_indices = #map}, {transform_indices = #map1}]} {
    %mul3A = arith.constant 2 : i32
    %mul3A_0 = arith.muli %arg1, %mul3A : i32
    %add3A = arith.addi %mul3A_0, %arg0 : i32
    %mul3A_1 = arith.constant 512 : i32
    %mul3A_2 = arith.muli %add3A, %mul3A_1 : i32
    %mul3A_3 = arith.constant 32 : i32
    %mul3A_4 = arith.muli %add3A, %mul3A_3 : i32
    "tpu.region"() ({
      %run_scoped3A = tpu.sem_alloc : memref<!tpu.dma_semaphore, #tpu.memory_space<semaphore_mem>>
      %dma_start3A_235 = arith.constant 0 : i32
      %dma_start3A_236 = tpu.memref_slice %arg4[%mul3A_4, %dma_start3A_235] : memref<1024x16xi32, #tpu.memory_space<hbm>> -> memref<32x16xi32, #tpu.memory_space<hbm>>
      %dma_start3A_237 = arith.constant 0 : i32
      %dma_start3A_238 = tpu.memref_slice %arg4[%mul3A_4, %dma_start3A_237] : memref<1024x16xi32, #tpu.memory_space<hbm>> -> memref<32x16xi32, #tpu.memory_space<hbm>>
      tpu.enqueue_dma source(%dma_start3A_238 : memref<32x16xi32, #tpu.memory_space<hbm>>) target(%arg7 : memref<32x16xi32, #tpu.memory_space<vmem>>) target_semaphore(%run_scoped3A : memref<!tpu.dma_semaphore, #tpu.memory_space<semaphore_mem>>)
      %dma_wait3A_239 = arith.constant 0 : i32
      %dma_wait3A_240 = tpu.memref_slice %arg4[%mul3A_4, %dma_wait3A_239] : memref<1024x16xi32, #tpu.memory_space<hbm>> -> memref<32x16xi32, #tpu.memory_space<hbm>>
      %dma_wait3A_241 = arith.constant 0 : i32
      %dma_wait3A_242 = tpu.memref_slice %arg4[%mul3A_4, %dma_wait3A_241] : memref<1024x16xi32, #tpu.memory_space<hbm>> -> memref<32x16xi32, #tpu.memory_space<hbm>>
      tpu.wait_dma2 semaphore(%run_scoped3A : memref<!tpu.dma_semaphore, #tpu.memory_space<semaphore_mem>>) src(%dma_wait3A_242 : memref<32x16xi32, #tpu.memory_space<hbm>>) dst(%arg7 : memref<32x16xi32, #tpu.memory_space<vmem>>)
      tpu.yield
    }) : () -> ()
    "tpu.region"() ({
      %run_scoped3A = tpu.sem_alloc : memref<!tpu.dma_semaphore, #tpu.memory_space<semaphore_mem>>
      %dma_start3A_235 = arith.constant 0 : i32
      %dma_start3A_236 = tpu.memref_slice %arg5[%mul3A_4, %dma_start3A_235] : memref<1024x16xi32, #tpu.memory_space<hbm>> -> memref<32x16xi32, #tpu.memory_space<hbm>>
      %dma_start3A_237 = arith.constant 0 : i32
      %dma_start3A_238 = tpu.memref_slice %arg5[%mul3A_4, %dma_start3A_237] : memref<1024x16xi32, #tpu.memory_space<hbm>> -> memref<32x16xi32, #tpu.memory_space<hbm>>
      tpu.enqueue_dma source(%dma_start3A_238 : memref<32x16xi32, #tpu.memory_space<hbm>>) target(%arg8 : memref<32x16xi32, #tpu.memory_space<vmem>>) target_semaphore(%run_scoped3A : memref<!tpu.dma_semaphore, #tpu.memory_space<semaphore_mem>>)
      %dma_wait3A_239 = arith.constant 0 : i32
      %dma_wait3A_240 = tpu.memref_slice %arg5[%mul3A_4, %dma_wait3A_239] : memref<1024x16xi32, #tpu.memory_space<hbm>> -> memref<32x16xi32, #tpu.memory_space<hbm>>
      %dma_wait3A_241 = arith.constant 0 : i32
      %dma_wait3A_242 = tpu.memref_slice %arg5[%mul3A_4, %dma_wait3A_241] : memref<1024x16xi32, #tpu.memory_space<hbm>> -> memref<32x16xi32, #tpu.memory_space<hbm>>
      tpu.wait_dma2 semaphore(%run_scoped3A : memref<!tpu.dma_semaphore, #tpu.memory_space<semaphore_mem>>) src(%dma_wait3A_242 : memref<32x16xi32, #tpu.memory_space<hbm>>) dst(%arg8 : memref<32x16xi32, #tpu.memory_space<vmem>>)
      tpu.yield
    }) : () -> ()
    %dma_start3A = arith.constant 0 : i32
    %dma_start3A_5 = arith.constant 0 : i32
    %dma_start3A_6 = tpu.memref_slice %arg7[%dma_start3A, %dma_start3A_5] : memref<32x16xi32, #tpu.memory_space<vmem>> -> memref<1x16xi32, #tpu.memory_space<vmem>>
    %dma_start3A_7 = tpu.memref_squeeze %dma_start3A_6 : memref<1x16xi32, #tpu.memory_space<vmem>> -> memref<16xi32, #tpu.memory_space<vmem>>
    %dma_start3A_8 = arith.constant 0 : i32
    %dma_start3A_9 = arith.constant 0 : i32
    %dma_start3A_10 = tpu.memref_slice %arg2[%dma_start3A_8, %dma_start3A_9] : memref<65536x768xf32, #tpu.memory_space<hbm>> -> memref<65536x768xf32, #tpu.memory_space<hbm>>
    tpu.enqueue_indirect_dma source(%dma_start3A_10 : memref<65536x768xf32, #tpu.memory_space<hbm>>) target(%arg9 : memref<16x768xf32, #tpu.memory_space<vmem>>) offsets(%dma_start3A_7 : memref<16xi32, #tpu.memory_space<vmem>>) semaphore(%arg17 : memref<!tpu.dma_semaphore, #tpu.memory_space<semaphore_mem>>)
    %dma_start3A_11 = arith.constant 0 : i32
    %dma_start3A_12 = arith.constant 0 : i32
    %dma_start3A_13 = tpu.memref_slice %arg8[%dma_start3A_11, %dma_start3A_12] : memref<32x16xi32, #tpu.memory_space<vmem>> -> memref<1x16xi32, #tpu.memory_space<vmem>>
    %dma_start3A_14 = tpu.memref_squeeze %dma_start3A_13 : memref<1x16xi32, #tpu.memory_space<vmem>> -> memref<16xi32, #tpu.memory_space<vmem>>
    %dma_start3A_15 = arith.constant 0 : i32
    %dma_start3A_16 = arith.constant 0 : i32
    %dma_start3A_17 = tpu.memref_slice %arg3[%dma_start3A_15, %dma_start3A_16] : memref<1025x768xf32, #tpu.memory_space<hbm>> -> memref<1025x768xf32, #tpu.memory_space<hbm>>
    tpu.enqueue_indirect_dma source(%dma_start3A_17 : memref<1025x768xf32, #tpu.memory_space<hbm>>) target(%arg13 : memref<16x768xf32, #tpu.memory_space<vmem>>) offsets(%dma_start3A_14 : memref<16xi32, #tpu.memory_space<vmem>>) semaphore(%arg17 : memref<!tpu.dma_semaphore, #tpu.memory_space<semaphore_mem>>)
    %dma_start3A_18 = arith.constant 1 : i32
    %dma_start3A_19 = arith.constant 0 : i32
    %dma_start3A_20 = tpu.memref_slice %arg7[%dma_start3A_18, %dma_start3A_19] : memref<32x16xi32, #tpu.memory_space<vmem>> -> memref<1x16xi32, #tpu.memory_space<vmem>>
    %dma_start3A_21 = tpu.memref_squeeze %dma_start3A_20 : memref<1x16xi32, #tpu.memory_space<vmem>> -> memref<16xi32, #tpu.memory_space<vmem>>
    %dma_start3A_22 = arith.constant 0 : i32
    %dma_start3A_23 = arith.constant 0 : i32
    %dma_start3A_24 = tpu.memref_slice %arg2[%dma_start3A_22, %dma_start3A_23] : memref<65536x768xf32, #tpu.memory_space<hbm>> -> memref<65536x768xf32, #tpu.memory_space<hbm>>
    tpu.enqueue_indirect_dma source(%dma_start3A_24 : memref<65536x768xf32, #tpu.memory_space<hbm>>) target(%arg10 : memref<16x768xf32, #tpu.memory_space<vmem>>) offsets(%dma_start3A_21 : memref<16xi32, #tpu.memory_space<vmem>>) semaphore(%arg18 : memref<!tpu.dma_semaphore, #tpu.memory_space<semaphore_mem>>)
    %dma_start3A_25 = arith.constant 1 : i32
    %dma_start3A_26 = arith.constant 0 : i32
    %dma_start3A_27 = tpu.memref_slice %arg8[%dma_start3A_25, %dma_start3A_26] : memref<32x16xi32, #tpu.memory_space<vmem>> -> memref<1x16xi32, #tpu.memory_space<vmem>>
    %dma_start3A_28 = tpu.memref_squeeze %dma_start3A_27 : memref<1x16xi32, #tpu.memory_space<vmem>> -> memref<16xi32, #tpu.memory_space<vmem>>
    %dma_start3A_29 = arith.constant 0 : i32
    %dma_start3A_30 = arith.constant 0 : i32
    %dma_start3A_31 = tpu.memref_slice %arg3[%dma_start3A_29, %dma_start3A_30] : memref<1025x768xf32, #tpu.memory_space<hbm>> -> memref<1025x768xf32, #tpu.memory_space<hbm>>
    tpu.enqueue_indirect_dma source(%dma_start3A_31 : memref<1025x768xf32, #tpu.memory_space<hbm>>) target(%arg14 : memref<16x768xf32, #tpu.memory_space<vmem>>) offsets(%dma_start3A_28 : memref<16xi32, #tpu.memory_space<vmem>>) semaphore(%arg18 : memref<!tpu.dma_semaphore, #tpu.memory_space<semaphore_mem>>)
    %dma_start3A_32 = arith.constant 2 : i32
    %dma_start3A_33 = arith.constant 0 : i32
    %dma_start3A_34 = tpu.memref_slice %arg7[%dma_start3A_32, %dma_start3A_33] : memref<32x16xi32, #tpu.memory_space<vmem>> -> memref<1x16xi32, #tpu.memory_space<vmem>>
    %dma_start3A_35 = tpu.memref_squeeze %dma_start3A_34 : memref<1x16xi32, #tpu.memory_space<vmem>> -> memref<16xi32, #tpu.memory_space<vmem>>
    %dma_start3A_36 = arith.constant 0 : i32
    %dma_start3A_37 = arith.constant 0 : i32
    %dma_start3A_38 = tpu.memref_slice %arg2[%dma_start3A_36, %dma_start3A_37] : memref<65536x768xf32, #tpu.memory_space<hbm>> -> memref<65536x768xf32, #tpu.memory_space<hbm>>
    tpu.enqueue_indirect_dma source(%dma_start3A_38 : memref<65536x768xf32, #tpu.memory_space<hbm>>) target(%arg11 : memref<16x768xf32, #tpu.memory_space<vmem>>) offsets(%dma_start3A_35 : memref<16xi32, #tpu.memory_space<vmem>>) semaphore(%arg19 : memref<!tpu.dma_semaphore, #tpu.memory_space<semaphore_mem>>)
    %dma_start3A_39 = arith.constant 2 : i32
    %dma_start3A_40 = arith.constant 0 : i32
    %dma_start3A_41 = tpu.memref_slice %arg8[%dma_start3A_39, %dma_start3A_40] : memref<32x16xi32, #tpu.memory_space<vmem>> -> memref<1x16xi32, #tpu.memory_space<vmem>>
    %dma_start3A_42 = tpu.memref_squeeze %dma_start3A_41 : memref<1x16xi32, #tpu.memory_space<vmem>> -> memref<16xi32, #tpu.memory_space<vmem>>
    %dma_start3A_43 = arith.constant 0 : i32
    %dma_start3A_44 = arith.constant 0 : i32
    %dma_start3A_45 = tpu.memref_slice %arg3[%dma_start3A_43, %dma_start3A_44] : memref<1025x768xf32, #tpu.memory_space<hbm>> -> memref<1025x768xf32, #tpu.memory_space<hbm>>
    tpu.enqueue_indirect_dma source(%dma_start3A_45 : memref<1025x768xf32, #tpu.memory_space<hbm>>) target(%arg15 : memref<16x768xf32, #tpu.memory_space<vmem>>) offsets(%dma_start3A_42 : memref<16xi32, #tpu.memory_space<vmem>>) semaphore(%arg19 : memref<!tpu.dma_semaphore, #tpu.memory_space<semaphore_mem>>)
    %scan3A = arith.constant 0 : i32
    %scan3A_46 = arith.constant 0 : i32
    %scan3A_47 = arith.constant 8 : i32
    %scan3A_48 = arith.addi %scan3A_46, %scan3A_47 : i32
    %scan3A_49 = arith.constant 1 : i32
    scf.for %scan3A_235 = %scan3A_46 to %scan3A_48 step %scan3A_49  : i32 {
      %mul3A_236 = arith.constant 4 : i32
      %mul3A_237 = arith.muli %scan3A_235, %mul3A_236 : i32
      %add3A_238 = arith.constant 0 : i32
      %add3A_239 = arith.addi %mul3A_237, %add3A_238 : i32
      %add3A_240 = arith.constant 3 : i32
      %add3A_241 = arith.addi %add3A_239, %add3A_240 : i32
      %lt3A_242 = arith.constant 32 : i32
      %lt3A_243 = arith.cmpi slt, %add3A_241, %lt3A_242 : i32
      %convert_element_type3A = arith.extui %lt3A_243 : i1 to i32
      %cond3A = arith.constant 0 : i32
      %cond3A_244 = arith.cmpi ne, %convert_element_type3A, %cond3A : i32
      scf.if %cond3A_244 {
        %add3A_550 = arith.constant 3 : i32
        %add3A_551 = arith.addi %add3A_239, %add3A_550 : i32
        %ge3A = arith.constant 4 : i32
        %ge3A_552 = arith.cmpi sge, %add3A_551, %ge3A : i32
        %convert_element_type3A_553 = arith.extui %ge3A_552 : i1 to i32
        %cond3A_554 = arith.constant 0 : i32
        %cond3A_555 = arith.cmpi ne, %convert_element_type3A_553, %cond3A_554 : i32
        scf.if %cond3A_555 {
          %add3A_570 = arith.constant 3 : i32
          %add3A_571 = arith.addi %add3A_239, %add3A_570 : i32
          %sub3A_572 = arith.constant 4 : i32
          %sub3A_573 = arith.subi %add3A_571, %sub3A_572 : i32
          %mul3A_574 = arith.constant 16 : i32
          %mul3A_575 = arith.muli %sub3A_573, %mul3A_574 : i32
          %add3A_576 = arith.addi %mul3A_2, %mul3A_575 : i32
          %jit3A_577 = arith.constant 256 : i32
          %div3A_578 = arith.divsi %add3A_576, %jit3A_577 : i32
          %sign3A_579 = arith.constant 0 : i32
          %sign3A_580 = arith.cmpi sgt, %add3A_576, %sign3A_579 : i32
          %sign3A_581 = arith.extui %sign3A_580 : i1 to i32
          %sign3A_582 = arith.constant 0 : i32
          %sign3A_583 = arith.cmpi slt, %add3A_576, %sign3A_582 : i32
          %sign3A_584 = arith.extui %sign3A_583 : i1 to i32
          %sign3A_585 = arith.subi %sign3A_581, %sign3A_584 : i32
          %sign3A_586 = arith.constant 0 : i32
          %sign3A_587 = arith.cmpi sgt, %jit3A_577, %sign3A_586 : i32
          %sign3A_588 = arith.extui %sign3A_587 : i1 to i32
          %sign3A_589 = arith.constant 0 : i32
          %sign3A_590 = arith.cmpi slt, %jit3A_577, %sign3A_589 : i32
          %sign3A_591 = arith.extui %sign3A_590 : i1 to i32
          %sign3A_592 = arith.subi %sign3A_588, %sign3A_591 : i32
          %ne3A_593 = arith.cmpi ne, %sign3A_585, %sign3A_592 : i32
          %rem3A_594 = arith.remsi %add3A_576, %jit3A_577 : i32
          %ne3A_595 = arith.constant 0 : i32
          %ne3A_596 = arith.cmpi ne, %rem3A_594, %ne3A_595 : i32
          %and3A_597 = arith.andi %ne3A_593, %ne3A_596 : i1
          %sub3A_598 = arith.constant 1 : i32
          %sub3A_599 = arith.subi %div3A_578, %sub3A_598 : i32
          %select_n3A_600 = arith.select %and3A_597, %sub3A_599, %div3A_578 : i32
          %jit3A_601 = arith.constant 256 : i32
          %eq3A_602 = arith.constant 0 : i32
          %eq3A_603 = arith.cmpi eq, %jit3A_601, %eq3A_602 : i32
          %jit3A_604 = arith.constant 1 : i32
          %select_n3A_605 = arith.select %eq3A_603, %jit3A_604, %jit3A_601 : i32
          %rem3A_606 = arith.remsi %add3A_576, %select_n3A_605 : i32
          %ne3A_607 = arith.constant 0 : i32
          %ne3A_608 = arith.cmpi ne, %rem3A_606, %ne3A_607 : i32
          %lt3A_609 = arith.constant 0 : i32
          %lt3A_610 = arith.cmpi slt, %rem3A_606, %lt3A_609 : i32
          %lt3A_611 = arith.constant 0 : i32
          %lt3A_612 = arith.cmpi slt, %select_n3A_605, %lt3A_611 : i32
          %ne3A_613 = arith.xori %lt3A_610, %lt3A_612 : i1
          %and3A_614 = arith.andi %ne3A_613, %ne3A_608 : i1
          %add3A_615 = arith.addi %rem3A_606, %select_n3A_605 : i32
          %select_n3A_616 = arith.select %and3A_614, %add3A_615, %rem3A_606 : i32
          %multiple_of3A_617 = tpu.assume_multiple %select_n3A_616, 16 : i32
          %dma_wait3A_618 = arith.constant 0 : i32
          %dma_wait3A_619 = tpu.memref_slice %arg6[%select_n3A_600, %multiple_of3A_617, %dma_wait3A_618] : memref<64x256x768xf32, #tpu.memory_space<hbm>> -> memref<1x16x768xf32, #tpu.memory_space<hbm>>
          %dma_wait3A_620 = tpu.memref_squeeze %dma_wait3A_619 : memref<1x16x768xf32, #tpu.memory_space<hbm>> -> memref<16x768xf32, #tpu.memory_space<hbm>>
          %dma_wait3A_621 = arith.constant 0 : i32
          %dma_wait3A_622 = tpu.memref_slice %arg6[%select_n3A_600, %multiple_of3A_617, %dma_wait3A_621] : memref<64x256x768xf32, #tpu.memory_space<hbm>> -> memref<1x16x768xf32, #tpu.memory_space<hbm>>
          %dma_wait3A_623 = tpu.memref_squeeze %dma_wait3A_622 : memref<1x16x768xf32, #tpu.memory_space<hbm>> -> memref<16x768xf32, #tpu.memory_space<hbm>>
          tpu.wait_dma2 semaphore(%arg24 : memref<!tpu.dma_semaphore, #tpu.memory_space<semaphore_mem>>) src(%arg12 : memref<16x768xf32, #tpu.memory_space<vmem>>) dst(%dma_wait3A_623 : memref<16x768xf32, #tpu.memory_space<hbm>>)
        } else {
        }
        %add3A_556 = arith.constant 3 : i32
        %add3A_557 = arith.addi %add3A_239, %add3A_556 : i32
        %dma_start3A_558 = arith.constant 0 : i32
        %dma_start3A_559 = tpu.memref_slice %arg7[%add3A_557, %dma_start3A_558] : memref<32x16xi32, #tpu.memory_space<vmem>> -> memref<1x16xi32, #tpu.memory_space<vmem>>
        %dma_start3A_560 = tpu.memref_squeeze %dma_start3A_559 : memref<1x16xi32, #tpu.memory_space<vmem>> -> memref<16xi32, #tpu.memory_space<vmem>>
        %dma_start3A_561 = arith.constant 0 : i32
        %dma_start3A_562 = arith.constant 0 : i32
        %dma_start3A_563 = tpu.memref_slice %arg2[%dma_start3A_561, %dma_start3A_562] : memref<65536x768xf32, #tpu.memory_space<hbm>> -> memref<65536x768xf32, #tpu.memory_space<hbm>>
        tpu.enqueue_indirect_dma source(%dma_start3A_563 : memref<65536x768xf32, #tpu.memory_space<hbm>>) target(%arg12 : memref<16x768xf32, #tpu.memory_space<vmem>>) offsets(%dma_start3A_560 : memref<16xi32, #tpu.memory_space<vmem>>) semaphore(%arg20 : memref<!tpu.dma_semaphore, #tpu.memory_space<semaphore_mem>>)
        %dma_start3A_564 = arith.constant 0 : i32
        %dma_start3A_565 = tpu.memref_slice %arg8[%add3A_557, %dma_start3A_564] : memref<32x16xi32, #tpu.memory_space<vmem>> -> memref<1x16xi32, #tpu.memory_space<vmem>>
        %dma_start3A_566 = tpu.memref_squeeze %dma_start3A_565 : memref<1x16xi32, #tpu.memory_space<vmem>> -> memref<16xi32, #tpu.memory_space<vmem>>
        %dma_start3A_567 = arith.constant 0 : i32
        %dma_start3A_568 = arith.constant 0 : i32
        %dma_start3A_569 = tpu.memref_slice %arg3[%dma_start3A_567, %dma_start3A_568] : memref<1025x768xf32, #tpu.memory_space<hbm>> -> memref<1025x768xf32, #tpu.memory_space<hbm>>
        tpu.enqueue_indirect_dma source(%dma_start3A_569 : memref<1025x768xf32, #tpu.memory_space<hbm>>) target(%arg16 : memref<16x768xf32, #tpu.memory_space<vmem>>) offsets(%dma_start3A_566 : memref<16xi32, #tpu.memory_space<vmem>>) semaphore(%arg20 : memref<!tpu.dma_semaphore, #tpu.memory_space<semaphore_mem>>)
      } else {
      }
      %dma_wait3A_245 = arith.constant 0 : i32
      %dma_wait3A_246 = tpu.memref_slice %arg7[%add3A_239, %dma_wait3A_245] : memref<32x16xi32, #tpu.memory_space<vmem>> -> memref<1x16xi32, #tpu.memory_space<vmem>>
      %dma_wait3A_247 = tpu.memref_squeeze %dma_wait3A_246 : memref<1x16xi32, #tpu.memory_space<vmem>> -> memref<16xi32, #tpu.memory_space<vmem>>
      %dma_wait3A_248 = arith.constant 0 : i32
      %dma_wait3A_249 = arith.constant 0 : i32
      %dma_wait3A_250 = tpu.memref_slice %arg2[%dma_wait3A_248, %dma_wait3A_249] : memref<65536x768xf32, #tpu.memory_space<hbm>> -> memref<65536x768xf32, #tpu.memory_space<hbm>>
      tpu.wait_indirect_dma semaphore(%arg17 : memref<!tpu.dma_semaphore, #tpu.memory_space<semaphore_mem>>) src(%dma_wait3A_250 : memref<65536x768xf32, #tpu.memory_space<hbm>>) dst(%arg9 : memref<16x768xf32, #tpu.memory_space<vmem>>)
      %dma_wait3A_251 = arith.constant 0 : i32
      %dma_wait3A_252 = tpu.memref_slice %arg8[%add3A_239, %dma_wait3A_251] : memref<32x16xi32, #tpu.memory_space<vmem>> -> memref<1x16xi32, #tpu.memory_space<vmem>>
      %dma_wait3A_253 = tpu.memref_squeeze %dma_wait3A_252 : memref<1x16xi32, #tpu.memory_space<vmem>> -> memref<16xi32, #tpu.memory_space<vmem>>
      %dma_wait3A_254 = arith.constant 0 : i32
      %dma_wait3A_255 = arith.constant 0 : i32
      %dma_wait3A_256 = tpu.memref_slice %arg3[%dma_wait3A_254, %dma_wait3A_255] : memref<1025x768xf32, #tpu.memory_space<hbm>> -> memref<1025x768xf32, #tpu.memory_space<hbm>>
      tpu.wait_indirect_dma semaphore(%arg17 : memref<!tpu.dma_semaphore, #tpu.memory_space<semaphore_mem>>) src(%dma_wait3A_256 : memref<1025x768xf32, #tpu.memory_space<hbm>>) dst(%arg13 : memref<16x768xf32, #tpu.memory_space<vmem>>)
      %scan3A_257 = arith.constant 0 : i32
      %scan3A_258 = arith.constant 0 : i32
      %scan3A_259 = arith.constant 16 : i32
      %scan3A_260 = arith.addi %scan3A_258, %scan3A_259 : i32
      %scan3A_261 = arith.constant 1 : i32
      scf.for %scan3A_550 = %scan3A_258 to %scan3A_260 step %scan3A_261  : i32 {
        %get3A = arith.index_cast %scan3A_550 : i32 to index
        %get3A_551 = arith.constant 0 : index
        %get3A_552 = tpu.vector_load %arg9[%get3A, %get3A_551] {strides = array<i32>} : memref<16x768xf32, #tpu.memory_space<vmem>>, vector<1x16xf32>,
        %get3A_553 = vector.shape_cast %get3A_552 : vector<1x16xf32> to vector<16xf32>
        %get3A_554 = arith.index_cast %scan3A_550 : i32 to index
        %get3A_555 = arith.constant 0 : index
        %get3A_556 = tpu.vector_load %arg13[%get3A_554, %get3A_555] {strides = array<i32>} : memref<16x768xf32, #tpu.memory_space<vmem>>, vector<1x16xf32>,
        %get3A_557 = vector.shape_cast %get3A_556 : vector<1x16xf32> to vector<16xf32>
        %add3A_558 = arith.addf %get3A_553, %get3A_557 : vector<16xf32>
        %swap3A = arith.index_cast %scan3A_550 : i32 to index
        %swap3A_559 = arith.constant 0 : index
        %swap3A_560 = tpu.vector_load %arg9[%swap3A, %swap3A_559] {strides = array<i32>} : memref<16x768xf32, #tpu.memory_space<vmem>>, vector<1x16xf32>,
        %swap3A_561 = vector.shape_cast %swap3A_560 : vector<1x16xf32> to vector<16xf32>
        %swap3A_562 = vector.shape_cast %add3A_558 : vector<16xf32> to vector<1x16xf32>
        tpu.vector_store %arg9[%swap3A, %swap3A_559], %swap3A_562 {strides = array<i32>} : memref<16x768xf32, #tpu.memory_space<vmem>>, vector<1x16xf32>,
        %get3A_563 = arith.index_cast %scan3A_550 : i32 to index
        %get3A_564 = arith.constant 16 : index
        %get3A_565 = tpu.vector_load %arg9[%get3A_563, %get3A_564] {strides = array<i32>} : memref<16x768xf32, #tpu.memory_space<vmem>>, vector<1x16xf32>,
        %get3A_566 = vector.shape_cast %get3A_565 : vector<1x16xf32> to vector<16xf32>
        %get3A_567 = arith.index_cast %scan3A_550 : i32 to index
        %get3A_568 = arith.constant 16 : index
        %get3A_569 = tpu.vector_load %arg13[%get3A_567, %get3A_568] {strides = array<i32>} : memref<16x768xf32, #tpu.memory_space<vmem>>, vector<1x16xf32>,
        %get3A_570 = vector.shape_cast %get3A_569 : vector<1x16xf32> to vector<16xf32>
        %add3A_571 = arith.addf %get3A_566, %get3A_570 : vector<16xf32>
        %swap3A_572 = arith.index_cast %scan3A_550 : i32 to index
        %swap3A_573 = arith.constant 16 : index
        %swap3A_574 = tpu.vector_load %arg9[%swap3A_572, %swap3A_573] {strides = array<i32>} : memref<16x768xf32, #tpu.memory_space<vmem>>, vector<1x16xf32>,
        %swap3A_575 = vector.shape_cast %swap3A_574 : vector<1x16xf32> to vector<16xf32>
        %swap3A_576 = vector.shape_cast %add3A_571 : vector<16xf32> to vector<1x16xf32>
        tpu.vector_store %arg9[%swap3A_572, %swap3A_573], %swap3A_576 {strides = array<i32>} : memref<16x768xf32, #tpu.memory_space<vmem>>, vector<1x16xf32>,
        %get3A_577 = arith.index_cast %scan3A_550 : i32 to index
        %get3A_578 = arith.constant 32 : index
        %get3A_579 = tpu.vector_load %arg9[%get3A_577, %get3A_578] {strides = array<i32>} : memref<16x768xf32, #tpu.memory_space<vmem>>, vector<1x16xf32>,
        %get3A_580 = vector.shape_cast %get3A_579 : vector<1x16xf32> to vector<16xf32>
        %get3A_581 = arith.index_cast %scan3A_550 : i32 to index
        %get3A_582 = arith.constant 32 : index
        %get3A_583 = tpu.vector_load %arg13[%get3A_581, %get3A_582] {strides = array<i32>} : memref<16x768xf32, #tpu.memory_space<vmem>>, vector<1x16xf32>,
        %get3A_584 = vector.shape_cast %get3A_583 : vector<1x16xf32> to vector<16xf32>
        %add3A_585 = arith.addf %get3A_580, %get3A_584 : vector<16xf32>
        %swap3A_586 = arith.index_cast %scan3A_550 : i32 to index
        %swap3A_587 = arith.constant 32 : index
        %swap3A_588 = tpu.vector_load %arg9[%swap3A_586, %swap3A_587] {strides = array<i32>} : memref<16x768xf32, #tpu.memory_space<vmem>>, vector<1x16xf32>,
        %swap3A_589 = vector.shape_cast %swap3A_588 : vector<1x16xf32> to vector<16xf32>
        %swap3A_590 = vector.shape_cast %add3A_585 : vector<16xf32> to vector<1x16xf32>
        tpu.vector_store %arg9[%swap3A_586, %swap3A_587], %swap3A_590 {strides = array<i32>} : memref<16x768xf32, #tpu.memory_space<vmem>>, vector<1x16xf32>,
        %get3A_591 = arith.index_cast %scan3A_550 : i32 to index
        %get3A_592 = arith.constant 48 : index
        %get3A_593 = tpu.vector_load %arg9[%get3A_591, %get3A_592] {strides = array<i32>} : memref<16x768xf32, #tpu.memory_space<vmem>>, vector<1x16xf32>,
        %get3A_594 = vector.shape_cast %get3A_593 : vector<1x16xf32> to vector<16xf32>
        %get3A_595 = arith.index_cast %scan3A_550 : i32 to index
        %get3A_596 = arith.constant 48 : index
        %get3A_597 = tpu.vector_load %arg13[%get3A_595, %get3A_596] {strides = array<i32>} : memref<16x768xf32, #tpu.memory_space<vmem>>, vector<1x16xf32>,
        %get3A_598 = vector.shape_cast %get3A_597 : vector<1x16xf32> to vector<16xf32>
        %add3A_599 = arith.addf %get3A_594, %get3A_598 : vector<16xf32>
        %swap3A_600 = arith.index_cast %scan3A_550 : i32 to index
        %swap3A_601 = arith.constant 48 : index
        %swap3A_602 = tpu.vector_load %arg9[%swap3A_600, %swap3A_601] {strides = array<i32>} : memref<16x768xf32, #tpu.memory_space<vmem>>, vector<1x16xf32>,
        %swap3A_603 = vector.shape_cast %swap3A_602 : vector<1x16xf32> to vector<16xf32>
        %swap3A_604 = vector.shape_cast %add3A_599 : vector<16xf32> to vector<1x16xf32>
        tpu.vector_store %arg9[%swap3A_600, %swap3A_601], %swap3A_604 {strides = array<i32>} : memref<16x768xf32, #tpu.memory_space<vmem>>, vector<1x16xf32>,
        %get3A_605 = arith.index_cast %scan3A_550 : i32 to index
        %get3A_606 = arith.constant 64 : index
        %get3A_607 = tpu.vector_load %arg9[%get3A_605, %get3A_606] {strides = array<i32>} : memref<16x768xf32, #tpu.memory_space<vmem>>, vector<1x16xf32>,
        %get3A_608 = vector.shape_cast %get3A_607 : vector<1x16xf32> to vector<16xf32>
        %get3A_609 = arith.index_cast %scan3A_550 : i32 to index
        %get3A_610 = arith.constant 64 : index
        %get3A_611 = tpu.vector_load %arg13[%get3A_609, %get3A_610] {strides = array<i32>} : memref<16x768xf32, #tpu.memory_space<vmem>>, vector<1x16xf32>,
        %get3A_612 = vector.shape_cast %get3A_611 : vector<1x16xf32> to vector<16xf32>
        %add3A_613 = arith.addf %get3A_608, %get3A_612 : vector<16xf32>
        %swap3A_614 = arith.index_cast %scan3A_550 : i32 to index
        %swap3A_615 = arith.constant 64 : index
        %swap3A_616 = tpu.vector_load %arg9[%swap3A_614, %swap3A_615] {strides = array<i32>} : memref<16x768xf32, #tpu.memory_space<vmem>>, vector<1x16xf32>,
        %swap3A_617 = vector.shape_cast %swap3A_616 : vector<1x16xf32> to vector<16xf32>
        %swap3A_618 = vector.shape_cast %add3A_613 : vector<16xf32> to vector<1x16xf32>
        tpu.vector_store %arg9[%swap3A_614, %swap3A_615], %swap3A_618 {strides = array<i32>} : memref<16x768xf32, #tpu.memory_space<vmem>>, vector<1x16xf32>,
        %get3A_619 = arith.index_cast %scan3A_550 : i32 to index
        %get3A_620 = arith.constant 80 : index
        %get3A_621 = tpu.vector_load %arg9[%get3A_619, %get3A_620] {strides = array<i32>} : memref<16x768xf32, #tpu.memory_space<vmem>>, vector<1x16xf32>,
        %get3A_622 = vector.shape_cast %get3A_621 : vector<1x16xf32> to vector<16xf32>
        %get3A_623 = arith.index_cast %scan3A_550 : i32 to index
        %get3A_624 = arith.constant 80 : index
        %get3A_625 = tpu.vector_load %arg13[%get3A_623, %get3A_624] {strides = array<i32>} : memref<16x768xf32, #tpu.memory_space<vmem>>, vector<1x16xf32>,
        %get3A_626 = vector.shape_cast %get3A_625 : vector<1x16xf32> to vector<16xf32>
        %add3A_627 = arith.addf %get3A_622, %get3A_626 : vector<16xf32>
        %swap3A_628 = arith.index_cast %scan3A_550 : i32 to index
        %swap3A_629 = arith.constant 80 : index
        %swap3A_630 = tpu.vector_load %arg9[%swap3A_628, %swap3A_629] {strides = array<i32>} : memref<16x768xf32, #tpu.memory_space<vmem>>, vector<1x16xf32>,
        %swap3A_631 = vector.shape_cast %swap3A_630 : vector<1x16xf32> to vector<16xf32>
        %swap3A_632 = vector.shape_cast %add3A_627 : vector<16xf32> to vector<1x16xf32>
        tpu.vector_store %arg9[%swap3A_628, %swap3A_629], %swap3A_632 {strides = array<i32>} : memref<16x768xf32, #tpu.memory_space<vmem>>, vector<1x16xf32>,
        %get3A_633 = arith.index_cast %scan3A_550 : i32 to index
        %get3A_634 = arith.constant 96 : index
        %get3A_635 = tpu.vector_load %arg9[%get3A_633, %get3A_634] {strides = array<i32>} : memref<16x768xf32, #tpu.memory_space<vmem>>, vector<1x16xf32>,
        %get3A_636 = vector.shape_cast %get3A_635 : vector<1x16xf32> to vector<16xf32>
        %get3A_637 = arith.index_cast %scan3A_550 : i32 to index
        %get3A_638 = arith.constant 96 : index
        %get3A_639 = tpu.vector_load %arg13[%get3A_637, %get3A_638] {strides = array<i32>} : memref<16x768xf32, #tpu.memory_space<vmem>>, vector<1x16xf32>,
        %get3A_640 = vector.shape_cast %get3A_639 : vector<1x16xf32> to vector<16xf32>
        %add3A_641 = arith.addf %get3A_636, %get3A_640 : vector<16xf32>
        %swap3A_642 = arith.index_cast %scan3A_550 : i32 to index
        %swap3A_643 = arith.constant 96 : index
        %swap3A_644 = tpu.vector_load %arg9[%swap3A_642, %swap3A_643] {strides = array<i32>} : memref<16x768xf32, #tpu.memory_space<vmem>>, vector<1x16xf32>,
        %swap3A_645 = vector.shape_cast %swap3A_644 : vector<1x16xf32> to vector<16xf32>
        %swap3A_646 = vector.shape_cast %add3A_641 : vector<16xf32> to vector<1x16xf32>
        tpu.vector_store %arg9[%swap3A_642, %swap3A_643], %swap3A_646 {strides = array<i32>} : memref<16x768xf32, #tpu.memory_space<vmem>>, vector<1x16xf32>,
        %get3A_647 = arith.index_cast %scan3A_550 : i32 to index
        %get3A_648 = arith.constant 112 : index
        %get3A_649 = tpu.vector_load %arg9[%get3A_647, %get3A_648] {strides = array<i32>} : memref<16x768xf32, #tpu.memory_space<vmem>>, vector<1x16xf32>,
        %get3A_650 = vector.shape_cast %get3A_649 : vector<1x16xf32> to vector<16xf32>
        %get3A_651 = arith.index_cast %scan3A_550 : i32 to index
        %get3A_652 = arith.constant 112 : index
        %get3A_653 = tpu.vector_load %arg13[%get3A_651, %get3A_652] {strides = array<i32>} : memref<16x768xf32, #tpu.memory_space<vmem>>, vector<1x16xf32>,
        %get3A_654 = vector.shape_cast %get3A_653 : vector<1x16xf32> to vector<16xf32>
        %add3A_655 = arith.addf %get3A_650, %get3A_654 : vector<16xf32>
        %swap3A_656 = arith.index_cast %scan3A_550 : i32 to index
        %swap3A_657 = arith.constant 112 : index
        %swap3A_658 = tpu.vector_load %arg9[%swap3A_656, %swap3A_657] {strides = array<i32>} : memref<16x768xf32, #tpu.memory_space<vmem>>, vector<1x16xf32>,
        %swap3A_659 = vector.shape_cast %swap3A_658 : vector<1x16xf32> to vector<16xf32>
        %swap3A_660 = vector.shape_cast %add3A_655 : vector<16xf32> to vector<1x16xf32>
        tpu.vector_store %arg9[%swap3A_656, %swap3A_657], %swap3A_660 {strides = array<i32>} : memref<16x768xf32, #tpu.memory_space<vmem>>, vector<1x16xf32>,
        %get3A_661 = arith.index_cast %scan3A_550 : i32 to index
        %get3A_662 = arith.constant 128 : index
        %get3A_663 = tpu.vector_load %arg9[%get3A_661, %get3A_662] {strides = array<i32>} : memref<16x768xf32, #tpu.memory_space<vmem>>, vector<1x16xf32>,
        %get3A_664 = vector.shape_cast %get3A_663 : vector<1x16xf32> to vector<16xf32>
        %get3A_665 = arith.index_cast %scan3A_550 : i32 to index
        %get3A_666 = arith.constant 128 : index
        %get3A_667 = tpu.vector_load %arg13[%get3A_665, %get3A_666] {strides = array<i32>} : memref<16x768xf32, #tpu.memory_space<vmem>>, vector<1x16xf32>,
        %get3A_668 = vector.shape_cast %get3A_667 : vector<1x16xf32> to vector<16xf32>
        %add3A_669 = arith.addf %get3A_664, %get3A_668 : vector<16xf32>
        %swap3A_670 = arith.index_cast %scan3A_550 : i32 to index
        %swap3A_671 = arith.constant 128 : index
        %swap3A_672 = tpu.vector_load %arg9[%swap3A_670, %swap3A_671] {strides = array<i32>} : memref<16x768xf32, #tpu.memory_space<vmem>>, vector<1x16xf32>,
        %swap3A_673 = vector.shape_cast %swap3A_672 : vector<1x16xf32> to vector<16xf32>
        %swap3A_674 = vector.shape_cast %add3A_669 : vector<16xf32> to vector<1x16xf32>
        tpu.vector_store %arg9[%swap3A_670, %swap3A_671], %swap3A_674 {strides = array<i32>} : memref<16x768xf32, #tpu.memory_space<vmem>>, vector<1x16xf32>,
        %get3A_675 = arith.index_cast %scan3A_550 : i32 to index
        %get3A_676 = arith.constant 144 : index
        %get3A_677 = tpu.vector_load %arg9[%get3A_675, %get3A_676] {strides = array<i32>} : memref<16x768xf32, #tpu.memory_space<vmem>>, vector<1x16xf32>,
        %get3A_678 = vector.shape_cast %get3A_677 : vector<1x16xf32> to vector<16xf32>
        %get3A_679 = arith.index_cast %scan3A_550 : i32 to index
        %get3A_680 = arith.constant 144 : index
        %get3A_681 = tpu.vector_load %arg13[%get3A_679, %get3A_680] {strides = array<i32>} : memref<16x768xf32, #tpu.memory_space<vmem>>, vector<1x16xf32>,
        %get3A_682 = vector.shape_cast %get3A_681 : vector<1x16xf32> to vector<16xf32>
        %add3A_683 = arith.addf %get3A_678, %get3A_682 : vector<16xf32>
        %swap3A_684 = arith.index_cast %scan3A_550 : i32 to index
        %swap3A_685 = arith.constant 144 : index
        %swap3A_686 = tpu.vector_load %arg9[%swap3A_684, %swap3A_685] {strides = array<i32>} : memref<16x768xf32, #tpu.memory_space<vmem>>, vector<1x16xf32>,
        %swap3A_687 = vector.shape_cast %swap3A_686 : vector<1x16xf32> to vector<16xf32>
        %swap3A_688 = vector.shape_cast %add3A_683 : vector<16xf32> to vector<1x16xf32>
        tpu.vector_store %arg9[%swap3A_684, %swap3A_685], %swap3A_688 {strides = array<i32>} : memref<16x768xf32, #tpu.memory_space<vmem>>, vector<1x16xf32>,
        %get3A_689 = arith.index_cast %scan3A_550 : i32 to index
        %get3A_690 = arith.constant 160 : index
        %get3A_691 = tpu.vector_load %arg9[%get3A_689, %get3A_690] {strides = array<i32>} : memref<16x768xf32, #tpu.memory_space<vmem>>, vector<1x16xf32>,
        %get3A_692 = vector.shape_cast %get3A_691 : vector<1x16xf32> to vector<16xf32>
        %get3A_693 = arith.index_cast %scan3A_550 : i32 to index
        %get3A_694 = arith.constant 160 : index
        %get3A_695 = tpu.vector_load %arg13[%get3A_693, %get3A_694] {strides = array<i32>} : memref<16x768xf32, #tpu.memory_space<vmem>>, vector<1x16xf32>,
        %get3A_696 = vector.shape_cast %get3A_695 : vector<1x16xf32> to vector<16xf32>
        %add3A_697 = arith.addf %get3A_692, %get3A_696 : vector<16xf32>
        %swap3A_698 = arith.index_cast %scan3A_550 : i32 to index
        %swap3A_699 = arith.constant 160 : index
        %swap3A_700 = tpu.vector_load %arg9[%swap3A_698, %swap3A_699] {strides = array<i32>} : memref<16x768xf32, #tpu.memory_space<vmem>>, vector<1x16xf32>,
        %swap3A_701 = vector.shape_cast %swap3A_700 : vector<1x16xf32> to vector<16xf32>
        %swap3A_702 = vector.shape_cast %add3A_697 : vector<16xf32> to vector<1x16xf32>
        tpu.vector_store %arg9[%swap3A_698, %swap3A_699], %swap3A_702 {strides = array<i32>} : memref<16x768xf32, #tpu.memory_space<vmem>>, vector<1x16xf32>,
        %get3A_703 = arith.index_cast %scan3A_550 : i32 to index
        %get3A_704 = arith.constant 176 : index
        %get3A_705 = tpu.vector_load %arg9[%get3A_703, %get3A_704] {strides = array<i32>} : memref<16x768xf32, #tpu.memory_space<vmem>>, vector<1x16xf32>,
        %get3A_706 = vector.shape_cast %get3A_705 : vector<1x16xf32> to vector<16xf32>
        %get3A_707 = arith.index_cast %scan3A_550 : i32 to index
        %get3A_708 = arith.constant 176 : index
        %get3A_709 = tpu.vector_load %arg13[%get3A_707, %get3A_708] {strides = array<i32>} : memref<16x768xf32, #tpu.memory_space<vmem>>, vector<1x16xf32>,
        %get3A_710 = vector.shape_cast %get3A_709 : vector<1x16xf32> to vector<16xf32>
        %add3A_711 = arith.addf %get3A_706, %get3A_710 : vector<16xf32>
        %swap3A_712 = arith.index_cast %scan3A_550 : i32 to index
        %swap3A_713 = arith.constant 176 : index
        %swap3A_714 = tpu.vector_load %arg9[%swap3A_712, %swap3A_713] {strides = array<i32>} : memref<16x768xf32, #tpu.memory_space<vmem>>, vector<1x16xf32>,
        %swap3A_715 = vector.shape_cast %swap3A_714 : vector<1x16xf32> to vector<16xf32>
        %swap3A_716 = vector.shape_cast %add3A_711 : vector<16xf32> to vector<1x16xf32>
        tpu.vector_store %arg9[%swap3A_712, %swap3A_713], %swap3A_716 {strides = array<i32>} : memref<16x768xf32, #tpu.memory_space<vmem>>, vector<1x16xf32>,
        %get3A_717 = arith.index_cast %scan3A_550 : i32 to index
        %get3A_718 = arith.constant 192 : index
        %get3A_719 = tpu.vector_load %arg9[%get3A_717, %get3A_718] {strides = array<i32>} : memref<16x768xf32, #tpu.memory_space<vmem>>, vector<1x16xf32>,
        %get3A_720 = vector.shape_cast %get3A_719 : vector<1x16xf32> to vector<16xf32>
        %get3A_721 = arith.index_cast %scan3A_550 : i32 to index
        %get3A_722 = arith.constant 192 : index
        %get3A_723 = tpu.vector_load %arg13[%get3A_721, %get3A_722] {strides = array<i32>} : memref<16x768xf32, #tpu.memory_space<vmem>>, vector<1x16xf32>,
        %get3A_724 = vector.shape_cast %get3A_723 : vector<1x16xf32> to vector<16xf32>
        %add3A_725 = arith.addf %get3A_720, %get3A_724 : vector<16xf32>
        %swap3A_726 = arith.index_cast %scan3A_550 : i32 to index
        %swap3A_727 = arith.constant 192 : index
        %swap3A_728 = tpu.vector_load %arg9[%swap3A_726, %swap3A_727] {strides = array<i32>} : memref<16x768xf32, #tpu.memory_space<vmem>>, vector<1x16xf32>,
        %swap3A_729 = vector.shape_cast %swap3A_728 : vector<1x16xf32> to vector<16xf32>
        %swap3A_730 = vector.shape_cast %add3A_725 : vector<16xf32> to vector<1x16xf32>
        tpu.vector_store %arg9[%swap3A_726, %swap3A_727], %swap3A_730 {strides = array<i32>} : memref<16x768xf32, #tpu.memory_space<vmem>>, vector<1x16xf32>,
        %get3A_731 = arith.index_cast %scan3A_550 : i32 to index
        %get3A_732 = arith.constant 208 : index
        %get3A_733 = tpu.vector_load %arg9[%get3A_731, %get3A_732] {strides = array<i32>} : memref<16x768xf32, #tpu.memory_space<vmem>>, vector<1x16xf32>,
        %get3A_734 = vector.shape_cast %get3A_733 : vector<1x16xf32> to vector<16xf32>
        %get3A_735 = arith.index_cast %scan3A_550 : i32 to index
        %get3A_736 = arith.constant 208 : index
        %get3A_737 = tpu.vector_load %arg13[%get3A_735, %get3A_736] {strides = array<i32>} : memref<16x768xf32, #tpu.memory_space<vmem>>, vector<1x16xf32>,
        %get3A_738 = vector.shape_cast %get3A_737 : vector<1x16xf32> to vector<16xf32>
        %add3A_739 = arith.addf %get3A_734, %get3A_738 : vector<16xf32>
        %swap3A_740 = arith.index_cast %scan3A_550 : i32 to index
        %swap3A_741 = arith.constant 208 : index
        %swap3A_742 = tpu.vector_load %arg9[%swap3A_740, %swap3A_741] {strides = array<i32>} : memref<16x768xf32, #tpu.memory_space<vmem>>, vector<1x16xf32>,
        %swap3A_743 = vector.shape_cast %swap3A_742 : vector<1x16xf32> to vector<16xf32>
        %swap3A_744 = vector.shape_cast %add3A_739 : vector<16xf32> to vector<1x16xf32>
        tpu.vector_store %arg9[%swap3A_740, %swap3A_741], %swap3A_744 {strides = array<i32>} : memref<16x768xf32, #tpu.memory_space<vmem>>, vector<1x16xf32>,
        %get3A_745 = arith.index_cast %scan3A_550 : i32 to index
        %get3A_746 = arith.constant 224 : index
        %get3A_747 = tpu.vector_load %arg9[%get3A_745, %get3A_746] {strides = array<i32>} : memref<16x768xf32, #tpu.memory_space<vmem>>, vector<1x16xf32>,
        %get3A_748 = vector.shape_cast %get3A_747 : vector<1x16xf32> to vector<16xf32>
        %get3A_749 = arith.index_cast %scan3A_550 : i32 to index
        %get3A_750 = arith.constant 224 : index
        %get3A_751 = tpu.vector_load %arg13[%get3A_749, %get3A_750] {strides = array<i32>} : memref<16x768xf32, #tpu.memory_space<vmem>>, vector<1x16xf32>,
        %get3A_752 = vector.shape_cast %get3A_751 : vector<1x16xf32> to vector<16xf32>
        %add3A_753 = arith.addf %get3A_748, %get3A_752 : vector<16xf32>
        %swap3A_754 = arith.index_cast %scan3A_550 : i32 to index
        %swap3A_755 = arith.constant 224 : index
        %swap3A_756 = tpu.vector_load %arg9[%swap3A_754, %swap3A_755] {strides = array<i32>} : memref<16x768xf32, #tpu.memory_space<vmem>>, vector<1x16xf32>,
        %swap3A_757 = vector.shape_cast %swap3A_756 : vector<1x16xf32> to vector<16xf32>
        %swap3A_758 = vector.shape_cast %add3A_753 : vector<16xf32> to vector<1x16xf32>
        tpu.vector_store %arg9[%swap3A_754, %swap3A_755], %swap3A_758 {strides = array<i32>} : memref<16x768xf32, #tpu.memory_space<vmem>>, vector<1x16xf32>,
        %get3A_759 = arith.index_cast %scan3A_550 : i32 to index
        %get3A_760 = arith.constant 240 : index
        %get3A_761 = tpu.vector_load %arg9[%get3A_759, %get3A_760] {strides = array<i32>} : memref<16x768xf32, #tpu.memory_space<vmem>>, vector<1x16xf32>,
        %get3A_762 = vector.shape_cast %get3A_761 : vector<1x16xf32> to vector<16xf32>
        %get3A_763 = arith.index_cast %scan3A_550 : i32 to index
        %get3A_764 = arith.constant 240 : index
        %get3A_765 = tpu.vector_load %arg13[%get3A_763, %get3A_764] {strides = array<i32>} : memref<16x768xf32, #tpu.memory_space<vmem>>, vector<1x16xf32>,
        %get3A_766 = vector.shape_cast %get3A_765 : vector<1x16xf32> to vector<16xf32>
        %add3A_767 = arith.addf %get3A_762, %get3A_766 : vector<16xf32>
        %swap3A_768 = arith.index_cast %scan3A_550 : i32 to index
        %swap3A_769 = arith.constant 240 : index
        %swap3A_770 = tpu.vector_load %arg9[%swap3A_768, %swap3A_769] {strides = array<i32>} : memref<16x768xf32, #tpu.memory_space<vmem>>, vector<1x16xf32>,
        %swap3A_771 = vector.shape_cast %swap3A_770 : vector<1x16xf32> to vector<16xf32>
        %swap3A_772 = vector.shape_cast %add3A_767 : vector<16xf32> to vector<1x16xf32>
        tpu.vector_store %arg9[%swap3A_768, %swap3A_769], %swap3A_772 {strides = array<i32>} : memref<16x768xf32, #tpu.memory_space<vmem>>, vector<1x16xf32>,
        %get3A_773 = arith.index_cast %scan3A_550 : i32 to index
        %get3A_774 = arith.constant 256 : index
        %get3A_775 = tpu.vector_load %arg9[%get3A_773, %get3A_774] {strides = array<i32>} : memref<16x768xf32, #tpu.memory_space<vmem>>, vector<1x16xf32>,
        %get3A_776 = vector.shape_cast %get3A_775 : vector<1x16xf32> to vector<16xf32>
        %get3A_777 = arith.index_cast %scan3A_550 : i32 to index
        %get3A_778 = arith.constant 256 : index
        %get3A_779 = tpu.vector_load %arg13[%get3A_777, %get3A_778] {strides = array<i32>} : memref<16x768xf32, #tpu.memory_space<vmem>>, vector<1x16xf32>,
        %get3A_780 = vector.shape_cast %get3A_779 : vector<1x16xf32> to vector<16xf32>
        %add3A_781 = arith.addf %get3A_776, %get3A_780 : vector<16xf32>
        %swap3A_782 = arith.index_cast %scan3A_550 : i32 to index
        %swap3A_783 = arith.constant 256 : index
        %swap3A_784 = tpu.vector_load %arg9[%swap3A_782, %swap3A_783] {strides = array<i32>} : memref<16x768xf32, #tpu.memory_space<vmem>>, vector<1x16xf32>,
        %swap3A_785 = vector.shape_cast %swap3A_784 : vector<1x16xf32> to vector<16xf32>
        %swap3A_786 = vector.shape_cast %add3A_781 : vector<16xf32> to vector<1x16xf32>
        tpu.vector_store %arg9[%swap3A_782, %swap3A_783], %swap3A_786 {strides = array<i32>} : memref<16x768xf32, #tpu.memory_space<vmem>>, vector<1x16xf32>,
        %get3A_787 = arith.index_cast %scan3A_550 : i32 to index
        %get3A_788 = arith.constant 272 : index
        %get3A_789 = tpu.vector_load %arg9[%get3A_787, %get3A_788] {strides = array<i32>} : memref<16x768xf32, #tpu.memory_space<vmem>>, vector<1x16xf32>,
        %get3A_790 = vector.shape_cast %get3A_789 : vector<1x16xf32> to vector<16xf32>
        %get3A_791 = arith.index_cast %scan3A_550 : i32 to index
        %get3A_792 = arith.constant 272 : index
        %get3A_793 = tpu.vector_load %arg13[%get3A_791, %get3A_792] {strides = array<i32>} : memref<16x768xf32, #tpu.memory_space<vmem>>, vector<1x16xf32>,
        %get3A_794 = vector.shape_cast %get3A_793 : vector<1x16xf32> to vector<16xf32>
        %add3A_795 = arith.addf %get3A_790, %get3A_794 : vector<16xf32>
        %swap3A_796 = arith.index_cast %scan3A_550 : i32 to index
        %swap3A_797 = arith.constant 272 : index
        %swap3A_798 = tpu.vector_load %arg9[%swap3A_796, %swap3A_797] {strides = array<i32>} : memref<16x768xf32, #tpu.memory_space<vmem>>, vector<1x16xf32>,
        %swap3A_799 = vector.shape_cast %swap3A_798 : vector<1x16xf32> to vector<16xf32>
        %swap3A_800 = vector.shape_cast %add3A_795 : vector<16xf32> to vector<1x16xf32>
        tpu.vector_store %arg9[%swap3A_796, %swap3A_797], %swap3A_800 {strides = array<i32>} : memref<16x768xf32, #tpu.memory_space<vmem>>, vector<1x16xf32>,
        %get3A_801 = arith.index_cast %scan3A_550 : i32 to index
        %get3A_802 = arith.constant 288 : index
        %get3A_803 = tpu.vector_load %arg9[%get3A_801, %get3A_802] {strides = array<i32>} : memref<16x768xf32, #tpu.memory_space<vmem>>, vector<1x16xf32>,
        %get3A_804 = vector.shape_cast %get3A_803 : vector<1x16xf32> to vector<16xf32>
        %get3A_805 = arith.index_cast %scan3A_550 : i32 to index
        %get3A_806 = arith.constant 288 : index
        %get3A_807 = tpu.vector_load %arg13[%get3A_805, %get3A_806] {strides = array<i32>} : memref<16x768xf32, #tpu.memory_space<vmem>>, vector<1x16xf32>,
        %get3A_808 = vector.shape_cast %get3A_807 : vector<1x16xf32> to vector<16xf32>
        %add3A_809 = arith.addf %get3A_804, %get3A_808 : vector<16xf32>
        %swap3A_810 = arith.index_cast %scan3A_550 : i32 to index
        %swap3A_811 = arith.constant 288 : index
        %swap3A_812 = tpu.vector_load %arg9[%swap3A_810, %swap3A_811] {strides = array<i32>} : memref<16x768xf32, #tpu.memory_space<vmem>>, vector<1x16xf32>,
        %swap3A_813 = vector.shape_cast %swap3A_812 : vector<1x16xf32> to vector<16xf32>
        %swap3A_814 = vector.shape_cast %add3A_809 : vector<16xf32> to vector<1x16xf32>
        tpu.vector_store %arg9[%swap3A_810, %swap3A_811], %swap3A_814 {strides = array<i32>} : memref<16x768xf32, #tpu.memory_space<vmem>>, vector<1x16xf32>,
        %get3A_815 = arith.index_cast %scan3A_550 : i32 to index
        %get3A_816 = arith.constant 304 : index
        %get3A_817 = tpu.vector_load %arg9[%get3A_815, %get3A_816] {strides = array<i32>} : memref<16x768xf32, #tpu.memory_space<vmem>>, vector<1x16xf32>,
        %get3A_818 = vector.shape_cast %get3A_817 : vector<1x16xf32> to vector<16xf32>
        %get3A_819 = arith.index_cast %scan3A_550 : i32 to index
        %get3A_820 = arith.constant 304 : index
        %get3A_821 = tpu.vector_load %arg13[%get3A_819, %get3A_820] {strides = array<i32>} : memref<16x768xf32, #tpu.memory_space<vmem>>, vector<1x16xf32>,
        %get3A_822 = vector.shape_cast %get3A_821 : vector<1x16xf32> to vector<16xf32>
        %add3A_823 = arith.addf %get3A_818, %get3A_822 : vector<16xf32>
        %swap3A_824 = arith.index_cast %scan3A_550 : i32 to index
        %swap3A_825 = arith.constant 304 : index
        %swap3A_826 = tpu.vector_load %arg9[%swap3A_824, %swap3A_825] {strides = array<i32>} : memref<16x768xf32, #tpu.memory_space<vmem>>, vector<1x16xf32>,
        %swap3A_827 = vector.shape_cast %swap3A_826 : vector<1x16xf32> to vector<16xf32>
        %swap3A_828 = vector.shape_cast %add3A_823 : vector<16xf32> to vector<1x16xf32>
        tpu.vector_store %arg9[%swap3A_824, %swap3A_825], %swap3A_828 {strides = array<i32>} : memref<16x768xf32, #tpu.memory_space<vmem>>, vector<1x16xf32>,
        %get3A_829 = arith.index_cast %scan3A_550 : i32 to index
        %get3A_830 = arith.constant 320 : index
        %get3A_831 = tpu.vector_load %arg9[%get3A_829, %get3A_830] {strides = array<i32>} : memref<16x768xf32, #tpu.memory_space<vmem>>, vector<1x16xf32>,
        %get3A_832 = vector.shape_cast %get3A_831 : vector<1x16xf32> to vector<16xf32>
        %get3A_833 = arith.index_cast %scan3A_550 : i32 to index
        %get3A_834 = arith.constant 320 : index
        %get3A_835 = tpu.vector_load %arg13[%get3A_833, %get3A_834] {strides = array<i32>} : memref<16x768xf32, #tpu.memory_space<vmem>>, vector<1x16xf32>,
        %get3A_836 = vector.shape_cast %get3A_835 : vector<1x16xf32> to vector<16xf32>
        %add3A_837 = arith.addf %get3A_832, %get3A_836 : vector<16xf32>
        %swap3A_838 = arith.index_cast %scan3A_550 : i32 to index
        %swap3A_839 = arith.constant 320 : index
        %swap3A_840 = tpu.vector_load %arg9[%swap3A_838, %swap3A_839] {strides = array<i32>} : memref<16x768xf32, #tpu.memory_space<vmem>>, vector<1x16xf32>,
        %swap3A_841 = vector.shape_cast %swap3A_840 : vector<1x16xf32> to vector<16xf32>
        %swap3A_842 = vector.shape_cast %add3A_837 : vector<16xf32> to vector<1x16xf32>
        tpu.vector_store %arg9[%swap3A_838, %swap3A_839], %swap3A_842 {strides = array<i32>} : memref<16x768xf32, #tpu.memory_space<vmem>>, vector<1x16xf32>,
        %get3A_843 = arith.index_cast %scan3A_550 : i32 to index
        %get3A_844 = arith.constant 336 : index
        %get3A_845 = tpu.vector_load %arg9[%get3A_843, %get3A_844] {strides = array<i32>} : memref<16x768xf32, #tpu.memory_space<vmem>>, vector<1x16xf32>,
        %get3A_846 = vector.shape_cast %get3A_845 : vector<1x16xf32> to vector<16xf32>
        %get3A_847 = arith.index_cast %scan3A_550 : i32 to index
        %get3A_848 = arith.constant 336 : index
        %get3A_849 = tpu.vector_load %arg13[%get3A_847, %get3A_848] {strides = array<i32>} : memref<16x768xf32, #tpu.memory_space<vmem>>, vector<1x16xf32>,
        %get3A_850 = vector.shape_cast %get3A_849 : vector<1x16xf32> to vector<16xf32>
        %add3A_851 = arith.addf %get3A_846, %get3A_850 : vector<16xf32>
        %swap3A_852 = arith.index_cast %scan3A_550 : i32 to index
        %swap3A_853 = arith.constant 336 : index
        %swap3A_854 = tpu.vector_load %arg9[%swap3A_852, %swap3A_853] {strides = array<i32>} : memref<16x768xf32, #tpu.memory_space<vmem>>, vector<1x16xf32>,
        %swap3A_855 = vector.shape_cast %swap3A_854 : vector<1x16xf32> to vector<16xf32>
        %swap3A_856 = vector.shape_cast %add3A_851 : vector<16xf32> to vector<1x16xf32>
        tpu.vector_store %arg9[%swap3A_852, %swap3A_853], %swap3A_856 {strides = array<i32>} : memref<16x768xf32, #tpu.memory_space<vmem>>, vector<1x16xf32>,
        %get3A_857 = arith.index_cast %scan3A_550 : i32 to index
        %get3A_858 = arith.constant 352 : index
        %get3A_859 = tpu.vector_load %arg9[%get3A_857, %get3A_858] {strides = array<i32>} : memref<16x768xf32, #tpu.memory_space<vmem>>, vector<1x16xf32>,
        %get3A_860 = vector.shape_cast %get3A_859 : vector<1x16xf32> to vector<16xf32>
        %get3A_861 = arith.index_cast %scan3A_550 : i32 to index
        %get3A_862 = arith.constant 352 : index
        %get3A_863 = tpu.vector_load %arg13[%get3A_861, %get3A_862] {strides = array<i32>} : memref<16x768xf32, #tpu.memory_space<vmem>>, vector<1x16xf32>,
        %get3A_864 = vector.shape_cast %get3A_863 : vector<1x16xf32> to vector<16xf32>
        %add3A_865 = arith.addf %get3A_860, %get3A_864 : vector<16xf32>
        %swap3A_866 = arith.index_cast %scan3A_550 : i32 to index
        %swap3A_867 = arith.constant 352 : index
        %swap3A_868 = tpu.vector_load %arg9[%swap3A_866, %swap3A_867] {strides = array<i32>} : memref<16x768xf32, #tpu.memory_space<vmem>>, vector<1x16xf32>,
        %swap3A_869 = vector.shape_cast %swap3A_868 : vector<1x16xf32> to vector<16xf32>
        %swap3A_870 = vector.shape_cast %add3A_865 : vector<16xf32> to vector<1x16xf32>
        tpu.vector_store %arg9[%swap3A_866, %swap3A_867], %swap3A_870 {strides = array<i32>} : memref<16x768xf32, #tpu.memory_space<vmem>>, vector<1x16xf32>,
        %get3A_871 = arith.index_cast %scan3A_550 : i32 to index
        %get3A_872 = arith.constant 368 : index
        %get3A_873 = tpu.vector_load %arg9[%get3A_871, %get3A_872] {strides = array<i32>} : memref<16x768xf32, #tpu.memory_space<vmem>>, vector<1x16xf32>,
        %get3A_874 = vector.shape_cast %get3A_873 : vector<1x16xf32> to vector<16xf32>
        %get3A_875 = arith.index_cast %scan3A_550 : i32 to index
        %get3A_876 = arith.constant 368 : index
        %get3A_877 = tpu.vector_load %arg13[%get3A_875, %get3A_876] {strides = array<i32>} : memref<16x768xf32, #tpu.memory_space<vmem>>, vector<1x16xf32>,
        %get3A_878 = vector.shape_cast %get3A_877 : vector<1x16xf32> to vector<16xf32>
        %add3A_879 = arith.addf %get3A_874, %get3A_878 : vector<16xf32>
        %swap3A_880 = arith.index_cast %scan3A_550 : i32 to index
        %swap3A_881 = arith.constant 368 : index
        %swap3A_882 = tpu.vector_load %arg9[%swap3A_880, %swap3A_881] {strides = array<i32>} : memref<16x768xf32, #tpu.memory_space<vmem>>, vector<1x16xf32>,
        %swap3A_883 = vector.shape_cast %swap3A_882 : vector<1x16xf32> to vector<16xf32>
        %swap3A_884 = vector.shape_cast %add3A_879 : vector<16xf32> to vector<1x16xf32>
        tpu.vector_store %arg9[%swap3A_880, %swap3A_881], %swap3A_884 {strides = array<i32>} : memref<16x768xf32, #tpu.memory_space<vmem>>, vector<1x16xf32>,
        %get3A_885 = arith.index_cast %scan3A_550 : i32 to index
        %get3A_886 = arith.constant 384 : index
        %get3A_887 = tpu.vector_load %arg9[%get3A_885, %get3A_886] {strides = array<i32>} : memref<16x768xf32, #tpu.memory_space<vmem>>, vector<1x16xf32>,
        %get3A_888 = vector.shape_cast %get3A_887 : vector<1x16xf32> to vector<16xf32>
        %get3A_889 = arith.index_cast %scan3A_550 : i32 to index
        %get3A_890 = arith.constant 384 : index
        %get3A_891 = tpu.vector_load %arg13[%get3A_889, %get3A_890] {strides = array<i32>} : memref<16x768xf32, #tpu.memory_space<vmem>>, vector<1x16xf32>,
        %get3A_892 = vector.shape_cast %get3A_891 : vector<1x16xf32> to vector<16xf32>
        %add3A_893 = arith.addf %get3A_888, %get3A_892 : vector<16xf32>
        %swap3A_894 = arith.index_cast %scan3A_550 : i32 to index
        %swap3A_895 = arith.constant 384 : index
        %swap3A_896 = tpu.vector_load %arg9[%swap3A_894, %swap3A_895] {strides = array<i32>} : memref<16x768xf32, #tpu.memory_space<vmem>>, vector<1x16xf32>,
        %swap3A_897 = vector.shape_cast %swap3A_896 : vector<1x16xf32> to vector<16xf32>
        %swap3A_898 = vector.shape_cast %add3A_893 : vector<16xf32> to vector<1x16xf32>
        tpu.vector_store %arg9[%swap3A_894, %swap3A_895], %swap3A_898 {strides = array<i32>} : memref<16x768xf32, #tpu.memory_space<vmem>>, vector<1x16xf32>,
        %get3A_899 = arith.index_cast %scan3A_550 : i32 to index
        %get3A_900 = arith.constant 400 : index
        %get3A_901 = tpu.vector_load %arg9[%get3A_899, %get3A_900] {strides = array<i32>} : memref<16x768xf32, #tpu.memory_space<vmem>>, vector<1x16xf32>,
        %get3A_902 = vector.shape_cast %get3A_901 : vector<1x16xf32> to vector<16xf32>
        %get3A_903 = arith.index_cast %scan3A_550 : i32 to index
        %get3A_904 = arith.constant 400 : index
        %get3A_905 = tpu.vector_load %arg13[%get3A_903, %get3A_904] {strides = array<i32>} : memref<16x768xf32, #tpu.memory_space<vmem>>, vector<1x16xf32>,
        %get3A_906 = vector.shape_cast %get3A_905 : vector<1x16xf32> to vector<16xf32>
        %add3A_907 = arith.addf %get3A_902, %get3A_906 : vector<16xf32>
        %swap3A_908 = arith.index_cast %scan3A_550 : i32 to index
        %swap3A_909 = arith.constant 400 : index
        %swap3A_910 = tpu.vector_load %arg9[%swap3A_908, %swap3A_909] {strides = array<i32>} : memref<16x768xf32, #tpu.memory_space<vmem>>, vector<1x16xf32>,
        %swap3A_911 = vector.shape_cast %swap3A_910 : vector<1x16xf32> to vector<16xf32>
        %swap3A_912 = vector.shape_cast %add3A_907 : vector<16xf32> to vector<1x16xf32>
        tpu.vector_store %arg9[%swap3A_908, %swap3A_909], %swap3A_912 {strides = array<i32>} : memref<16x768xf32, #tpu.memory_space<vmem>>, vector<1x16xf32>,
        %get3A_913 = arith.index_cast %scan3A_550 : i32 to index
        %get3A_914 = arith.constant 416 : index
        %get3A_915 = tpu.vector_load %arg9[%get3A_913, %get3A_914] {strides = array<i32>} : memref<16x768xf32, #tpu.memory_space<vmem>>, vector<1x16xf32>,
        %get3A_916 = vector.shape_cast %get3A_915 : vector<1x16xf32> to vector<16xf32>
        %get3A_917 = arith.index_cast %scan3A_550 : i32 to index
        %get3A_918 = arith.constant 416 : index
        %get3A_919 = tpu.vector_load %arg13[%get3A_917, %get3A_918] {strides = array<i32>} : memref<16x768xf32, #tpu.memory_space<vmem>>, vector<1x16xf32>,
        %get3A_920 = vector.shape_cast %get3A_919 : vector<1x16xf32> to vector<16xf32>
        %add3A_921 = arith.addf %get3A_916, %get3A_920 : vector<16xf32>
        %swap3A_922 = arith.index_cast %scan3A_550 : i32 to index
        %swap3A_923 = arith.constant 416 : index
        %swap3A_924 = tpu.vector_load %arg9[%swap3A_922, %swap3A_923] {strides = array<i32>} : memref<16x768xf32, #tpu.memory_space<vmem>>, vector<1x16xf32>,
        %swap3A_925 = vector.shape_cast %swap3A_924 : vector<1x16xf32> to vector<16xf32>
        %swap3A_926 = vector.shape_cast %add3A_921 : vector<16xf32> to vector<1x16xf32>
        tpu.vector_store %arg9[%swap3A_922, %swap3A_923], %swap3A_926 {strides = array<i32>} : memref<16x768xf32, #tpu.memory_space<vmem>>, vector<1x16xf32>,
        %get3A_927 = arith.index_cast %scan3A_550 : i32 to index
        %get3A_928 = arith.constant 432 : index
        %get3A_929 = tpu.vector_load %arg9[%get3A_927, %get3A_928] {strides = array<i32>} : memref<16x768xf32, #tpu.memory_space<vmem>>, vector<1x16xf32>,
        %get3A_930 = vector.shape_cast %get3A_929 : vector<1x16xf32> to vector<16xf32>
        %get3A_931 = arith.index_cast %scan3A_550 : i32 to index
        %get3A_932 = arith.constant 432 : index
        %get3A_933 = tpu.vector_load %arg13[%get3A_931, %get3A_932] {strides = array<i32>} : memref<16x768xf32, #tpu.memory_space<vmem>>, vector<1x16xf32>,
        %get3A_934 = vector.shape_cast %get3A_933 : vector<1x16xf32> to vector<16xf32>
        %add3A_935 = arith.addf %get3A_930, %get3A_934 : vector<16xf32>
        %swap3A_936 = arith.index_cast %scan3A_550 : i32 to index
        %swap3A_937 = arith.constant 432 : index
        %swap3A_938 = tpu.vector_load %arg9[%swap3A_936, %swap3A_937] {strides = array<i32>} : memref<16x768xf32, #tpu.memory_space<vmem>>, vector<1x16xf32>,
        %swap3A_939 = vector.shape_cast %swap3A_938 : vector<1x16xf32> to vector<16xf32>
        %swap3A_940 = vector.shape_cast %add3A_935 : vector<16xf32> to vector<1x16xf32>
        tpu.vector_store %arg9[%swap3A_936, %swap3A_937], %swap3A_940 {strides = array<i32>} : memref<16x768xf32, #tpu.memory_space<vmem>>, vector<1x16xf32>,
        %get3A_941 = arith.index_cast %scan3A_550 : i32 to index
        %get3A_942 = arith.constant 448 : index
        %get3A_943 = tpu.vector_load %arg9[%get3A_941, %get3A_942] {strides = array<i32>} : memref<16x768xf32, #tpu.memory_space<vmem>>, vector<1x16xf32>,
        %get3A_944 = vector.shape_cast %get3A_943 : vector<1x16xf32> to vector<16xf32>
        %get3A_945 = arith.index_cast %scan3A_550 : i32 to index
        %get3A_946 = arith.constant 448 : index
        %get3A_947 = tpu.vector_load %arg13[%get3A_945, %get3A_946] {strides = array<i32>} : memref<16x768xf32, #tpu.memory_space<vmem>>, vector<1x16xf32>,
        %get3A_948 = vector.shape_cast %get3A_947 : vector<1x16xf32> to vector<16xf32>
        %add3A_949 = arith.addf %get3A_944, %get3A_948 : vector<16xf32>
        %swap3A_950 = arith.index_cast %scan3A_550 : i32 to index
        %swap3A_951 = arith.constant 448 : index
        %swap3A_952 = tpu.vector_load %arg9[%swap3A_950, %swap3A_951] {strides = array<i32>} : memref<16x768xf32, #tpu.memory_space<vmem>>, vector<1x16xf32>,
        %swap3A_953 = vector.shape_cast %swap3A_952 : vector<1x16xf32> to vector<16xf32>
        %swap3A_954 = vector.shape_cast %add3A_949 : vector<16xf32> to vector<1x16xf32>
        tpu.vector_store %arg9[%swap3A_950, %swap3A_951], %swap3A_954 {strides = array<i32>} : memref<16x768xf32, #tpu.memory_space<vmem>>, vector<1x16xf32>,
        %get3A_955 = arith.index_cast %scan3A_550 : i32 to index
        %get3A_956 = arith.constant 464 : index
        %get3A_957 = tpu.vector_load %arg9[%get3A_955, %get3A_956] {strides = array<i32>} : memref<16x768xf32, #tpu.memory_space<vmem>>, vector<1x16xf32>,
        %get3A_958 = vector.shape_cast %get3A_957 : vector<1x16xf32> to vector<16xf32>
        %get3A_959 = arith.index_cast %scan3A_550 : i32 to index
        %get3A_960 = arith.constant 464 : index
        %get3A_961 = tpu.vector_load %arg13[%get3A_959, %get3A_960] {strides = array<i32>} : memref<16x768xf32, #tpu.memory_space<vmem>>, vector<1x16xf32>,
        %get3A_962 = vector.shape_cast %get3A_961 : vector<1x16xf32> to vector<16xf32>
        %add3A_963 = arith.addf %get3A_958, %get3A_962 : vector<16xf32>
        %swap3A_964 = arith.index_cast %scan3A_550 : i32 to index
        %swap3A_965 = arith.constant 464 : index
        %swap3A_966 = tpu.vector_load %arg9[%swap3A_964, %swap3A_965] {strides = array<i32>} : memref<16x768xf32, #tpu.memory_space<vmem>>, vector<1x16xf32>,
        %swap3A_967 = vector.shape_cast %swap3A_966 : vector<1x16xf32> to vector<16xf32>
        %swap3A_968 = vector.shape_cast %add3A_963 : vector<16xf32> to vector<1x16xf32>
        tpu.vector_store %arg9[%swap3A_964, %swap3A_965], %swap3A_968 {strides = array<i32>} : memref<16x768xf32, #tpu.memory_space<vmem>>, vector<1x16xf32>,
        %get3A_969 = arith.index_cast %scan3A_550 : i32 to index
        %get3A_970 = arith.constant 480 : index
        %get3A_971 = tpu.vector_load %arg9[%get3A_969, %get3A_970] {strides = array<i32>} : memref<16x768xf32, #tpu.memory_space<vmem>>, vector<1x16xf32>,
        %get3A_972 = vector.shape_cast %get3A_971 : vector<1x16xf32> to vector<16xf32>
        %get3A_973 = arith.index_cast %scan3A_550 : i32 to index
        %get3A_974 = arith.constant 480 : index
        %get3A_975 = tpu.vector_load %arg13[%get3A_973, %get3A_974] {strides = array<i32>} : memref<16x768xf32, #tpu.memory_space<vmem>>, vector<1x16xf32>,
        %get3A_976 = vector.shape_cast %get3A_975 : vector<1x16xf32> to vector<16xf32>
        %add3A_977 = arith.addf %get3A_972, %get3A_976 : vector<16xf32>
        %swap3A_978 = arith.index_cast %scan3A_550 : i32 to index
        %swap3A_979 = arith.constant 480 : index
        %swap3A_980 = tpu.vector_load %arg9[%swap3A_978, %swap3A_979] {strides = array<i32>} : memref<16x768xf32, #tpu.memory_space<vmem>>, vector<1x16xf32>,
        %swap3A_981 = vector.shape_cast %swap3A_980 : vector<1x16xf32> to vector<16xf32>
        %swap3A_982 = vector.shape_cast %add3A_977 : vector<16xf32> to vector<1x16xf32>
        tpu.vector_store %arg9[%swap3A_978, %swap3A_979], %swap3A_982 {strides = array<i32>} : memref<16x768xf32, #tpu.memory_space<vmem>>, vector<1x16xf32>,
        %get3A_983 = arith.index_cast %scan3A_550 : i32 to index
        %get3A_984 = arith.constant 496 : index
        %get3A_985 = tpu.vector_load %arg9[%get3A_983, %get3A_984] {strides = array<i32>} : memref<16x768xf32, #tpu.memory_space<vmem>>, vector<1x16xf32>,
        %get3A_986 = vector.shape_cast %get3A_985 : vector<1x16xf32> to vector<16xf32>
        %get3A_987 = arith.index_cast %scan3A_550 : i32 to index
        %get3A_988 = arith.constant 496 : index
        %get3A_989 = tpu.vector_load %arg13[%get3A_987, %get3A_988] {strides = array<i32>} : memref<16x768xf32, #tpu.memory_space<vmem>>, vector<1x16xf32>,
        %get3A_990 = vector.shape_cast %get3A_989 : vector<1x16xf32> to vector<16xf32>
        %add3A_991 = arith.addf %get3A_986, %get3A_990 : vector<16xf32>
        %swap3A_992 = arith.index_cast %scan3A_550 : i32 to index
        %swap3A_993 = arith.constant 496 : index
        %swap3A_994 = tpu.vector_load %arg9[%swap3A_992, %swap3A_993] {strides = array<i32>} : memref<16x768xf32, #tpu.memory_space<vmem>>, vector<1x16xf32>,
        %swap3A_995 = vector.shape_cast %swap3A_994 : vector<1x16xf32> to vector<16xf32>
        %swap3A_996 = vector.shape_cast %add3A_991 : vector<16xf32> to vector<1x16xf32>
        tpu.vector_store %arg9[%swap3A_992, %swap3A_993], %swap3A_996 {strides = array<i32>} : memref<16x768xf32, #tpu.memory_space<vmem>>, vector<1x16xf32>,
        %get3A_997 = arith.index_cast %scan3A_550 : i32 to index
        %get3A_998 = arith.constant 512 : index
        %get3A_999 = tpu.vector_load %arg9[%get3A_997, %get3A_998] {strides = array<i32>} : memref<16x768xf32, #tpu.memory_space<vmem>>, vector<1x16xf32>,
        %get3A_1000 = vector.shape_cast %get3A_999 : vector<1x16xf32> to vector<16xf32>
        %get3A_1001 = arith.index_cast %scan3A_550 : i32 to index
        %get3A_1002 = arith.constant 512 : index
        %get3A_1003 = tpu.vector_load %arg13[%get3A_1001, %get3A_1002] {strides = array<i32>} : memref<16x768xf32, #tpu.memory_space<vmem>>, vector<1x16xf32>,
        %get3A_1004 = vector.shape_cast %get3A_1003 : vector<1x16xf32> to vector<16xf32>
        %add3A_1005 = arith.addf %get3A_1000, %get3A_1004 : vector<16xf32>
        %swap3A_1006 = arith.index_cast %scan3A_550 : i32 to index
        %swap3A_1007 = arith.constant 512 : index
        %swap3A_1008 = tpu.vector_load %arg9[%swap3A_1006, %swap3A_1007] {strides = array<i32>} : memref<16x768xf32, #tpu.memory_space<vmem>>, vector<1x16xf32>,
        %swap3A_1009 = vector.shape_cast %swap3A_1008 : vector<1x16xf32> to vector<16xf32>
        %swap3A_1010 = vector.shape_cast %add3A_1005 : vector<16xf32> to vector<1x16xf32>
        tpu.vector_store %arg9[%swap3A_1006, %swap3A_1007], %swap3A_1010 {strides = array<i32>} : memref<16x768xf32, #tpu.memory_space<vmem>>, vector<1x16xf32>,
        %get3A_1011 = arith.index_cast %scan3A_550 : i32 to index
        %get3A_1012 = arith.constant 528 : index
        %get3A_1013 = tpu.vector_load %arg9[%get3A_1011, %get3A_1012] {strides = array<i32>} : memref<16x768xf32, #tpu.memory_space<vmem>>, vector<1x16xf32>,
        %get3A_1014 = vector.shape_cast %get3A_1013 : vector<1x16xf32> to vector<16xf32>
        %get3A_1015 = arith.index_cast %scan3A_550 : i32 to index
        %get3A_1016 = arith.constant 528 : index
        %get3A_1017 = tpu.vector_load %arg13[%get3A_1015, %get3A_1016] {strides = array<i32>} : memref<16x768xf32, #tpu.memory_space<vmem>>, vector<1x16xf32>,
        %get3A_1018 = vector.shape_cast %get3A_1017 : vector<1x16xf32> to vector<16xf32>
        %add3A_1019 = arith.addf %get3A_1014, %get3A_1018 : vector<16xf32>
        %swap3A_1020 = arith.index_cast %scan3A_550 : i32 to index
        %swap3A_1021 = arith.constant 528 : index
        %swap3A_1022 = tpu.vector_load %arg9[%swap3A_1020, %swap3A_1021] {strides = array<i32>} : memref<16x768xf32, #tpu.memory_space<vmem>>, vector<1x16xf32>,
        %swap3A_1023 = vector.shape_cast %swap3A_1022 : vector<1x16xf32> to vector<16xf32>
        %swap3A_1024 = vector.shape_cast %add3A_1019 : vector<16xf32> to vector<1x16xf32>
        tpu.vector_store %arg9[%swap3A_1020, %swap3A_1021], %swap3A_1024 {strides = array<i32>} : memref<16x768xf32, #tpu.memory_space<vmem>>, vector<1x16xf32>,
        %get3A_1025 = arith.index_cast %scan3A_550 : i32 to index
        %get3A_1026 = arith.constant 544 : index
        %get3A_1027 = tpu.vector_load %arg9[%get3A_1025, %get3A_1026] {strides = array<i32>} : memref<16x768xf32, #tpu.memory_space<vmem>>, vector<1x16xf32>,
        %get3A_1028 = vector.shape_cast %get3A_1027 : vector<1x16xf32> to vector<16xf32>
        %get3A_1029 = arith.index_cast %scan3A_550 : i32 to index
        %get3A_1030 = arith.constant 544 : index
        %get3A_1031 = tpu.vector_load %arg13[%get3A_1029, %get3A_1030] {strides = array<i32>} : memref<16x768xf32, #tpu.memory_space<vmem>>, vector<1x16xf32>,
        %get3A_1032 = vector.shape_cast %get3A_1031 : vector<1x16xf32> to vector<16xf32>
        %add3A_1033 = arith.addf %get3A_1028, %get3A_1032 : vector<16xf32>
        %swap3A_1034 = arith.index_cast %scan3A_550 : i32 to index
        %swap3A_1035 = arith.constant 544 : index
        %swap3A_1036 = tpu.vector_load %arg9[%swap3A_1034, %swap3A_1035] {strides = array<i32>} : memref<16x768xf32, #tpu.memory_space<vmem>>, vector<1x16xf32>,
        %swap3A_1037 = vector.shape_cast %swap3A_1036 : vector<1x16xf32> to vector<16xf32>
        %swap3A_1038 = vector.shape_cast %add3A_1033 : vector<16xf32> to vector<1x16xf32>
        tpu.vector_store %arg9[%swap3A_1034, %swap3A_1035], %swap3A_1038 {strides = array<i32>} : memref<16x768xf32, #tpu.memory_space<vmem>>, vector<1x16xf32>,
        %get3A_1039 = arith.index_cast %scan3A_550 : i32 to index
        %get3A_1040 = arith.constant 560 : index
        %get3A_1041 = tpu.vector_load %arg9[%get3A_1039, %get3A_1040] {strides = array<i32>} : memref<16x768xf32, #tpu.memory_space<vmem>>, vector<1x16xf32>,
        %get3A_1042 = vector.shape_cast %get3A_1041 : vector<1x16xf32> to vector<16xf32>
        %get3A_1043 = arith.index_cast %scan3A_550 : i32 to index
        %get3A_1044 = arith.constant 560 : index
        %get3A_1045 = tpu.vector_load %arg13[%get3A_1043, %get3A_1044] {strides = array<i32>} : memref<16x768xf32, #tpu.memory_space<vmem>>, vector<1x16xf32>,
        %get3A_1046 = vector.shape_cast %get3A_1045 : vector<1x16xf32> to vector<16xf32>
        %add3A_1047 = arith.addf %get3A_1042, %get3A_1046 : vector<16xf32>
        %swap3A_1048 = arith.index_cast %scan3A_550 : i32 to index
        %swap3A_1049 = arith.constant 560 : index
        %swap3A_1050 = tpu.vector_load %arg9[%swap3A_1048, %swap3A_1049] {strides = array<i32>} : memref<16x768xf32, #tpu.memory_space<vmem>>, vector<1x16xf32>,
        %swap3A_1051 = vector.shape_cast %swap3A_1050 : vector<1x16xf32> to vector<16xf32>
        %swap3A_1052 = vector.shape_cast %add3A_1047 : vector<16xf32> to vector<1x16xf32>
        tpu.vector_store %arg9[%swap3A_1048, %swap3A_1049], %swap3A_1052 {strides = array<i32>} : memref<16x768xf32, #tpu.memory_space<vmem>>, vector<1x16xf32>,
        %get3A_1053 = arith.index_cast %scan3A_550 : i32 to index
        %get3A_1054 = arith.constant 576 : index
        %get3A_1055 = tpu.vector_load %arg9[%get3A_1053, %get3A_1054] {strides = array<i32>} : memref<16x768xf32, #tpu.memory_space<vmem>>, vector<1x16xf32>,
        %get3A_1056 = vector.shape_cast %get3A_1055 : vector<1x16xf32> to vector<16xf32>
        %get3A_1057 = arith.index_cast %scan3A_550 : i32 to index
        %get3A_1058 = arith.constant 576 : index
        %get3A_1059 = tpu.vector_load %arg13[%get3A_1057, %get3A_1058] {strides = array<i32>} : memref<16x768xf32, #tpu.memory_space<vmem>>, vector<1x16xf32>,
        %get3A_1060 = vector.shape_cast %get3A_1059 : vector<1x16xf32> to vector<16xf32>
        %add3A_1061 = arith.addf %get3A_1056, %get3A_1060 : vector<16xf32>
        %swap3A_1062 = arith.index_cast %scan3A_550 : i32 to index
        %swap3A_1063 = arith.constant 576 : index
        %swap3A_1064 = tpu.vector_load %arg9[%swap3A_1062, %swap3A_1063] {strides = array<i32>} : memref<16x768xf32, #tpu.memory_space<vmem>>, vector<1x16xf32>,
        %swap3A_1065 = vector.shape_cast %swap3A_1064 : vector<1x16xf32> to vector<16xf32>
        %swap3A_1066 = vector.shape_cast %add3A_1061 : vector<16xf32> to vector<1x16xf32>
        tpu.vector_store %arg9[%swap3A_1062, %swap3A_1063], %swap3A_1066 {strides = array<i32>} : memref<16x768xf32, #tpu.memory_space<vmem>>, vector<1x16xf32>,
        %get3A_1067 = arith.index_cast %scan3A_550 : i32 to index
        %get3A_1068 = arith.constant 592 : index
        %get3A_1069 = tpu.vector_load %arg9[%get3A_1067, %get3A_1068] {strides = array<i32>} : memref<16x768xf32, #tpu.memory_space<vmem>>, vector<1x16xf32>,
        %get3A_1070 = vector.shape_cast %get3A_1069 : vector<1x16xf32> to vector<16xf32>
        %get3A_1071 = arith.index_cast %scan3A_550 : i32 to index
        %get3A_1072 = arith.constant 592 : index
        %get3A_1073 = tpu.vector_load %arg13[%get3A_1071, %get3A_1072] {strides = array<i32>} : memref<16x768xf32, #tpu.memory_space<vmem>>, vector<1x16xf32>,
        %get3A_1074 = vector.shape_cast %get3A_1073 : vector<1x16xf32> to vector<16xf32>
        %add3A_1075 = arith.addf %get3A_1070, %get3A_1074 : vector<16xf32>
        %swap3A_1076 = arith.index_cast %scan3A_550 : i32 to index
        %swap3A_1077 = arith.constant 592 : index
        %swap3A_1078 = tpu.vector_load %arg9[%swap3A_1076, %swap3A_1077] {strides = array<i32>} : memref<16x768xf32, #tpu.memory_space<vmem>>, vector<1x16xf32>,
        %swap3A_1079 = vector.shape_cast %swap3A_1078 : vector<1x16xf32> to vector<16xf32>
        %swap3A_1080 = vector.shape_cast %add3A_1075 : vector<16xf32> to vector<1x16xf32>
        tpu.vector_store %arg9[%swap3A_1076, %swap3A_1077], %swap3A_1080 {strides = array<i32>} : memref<16x768xf32, #tpu.memory_space<vmem>>, vector<1x16xf32>,
        %get3A_1081 = arith.index_cast %scan3A_550 : i32 to index
        %get3A_1082 = arith.constant 608 : index
        %get3A_1083 = tpu.vector_load %arg9[%get3A_1081, %get3A_1082] {strides = array<i32>} : memref<16x768xf32, #tpu.memory_space<vmem>>, vector<1x16xf32>,
        %get3A_1084 = vector.shape_cast %get3A_1083 : vector<1x16xf32> to vector<16xf32>
        %get3A_1085 = arith.index_cast %scan3A_550 : i32 to index
        %get3A_1086 = arith.constant 608 : index
        %get3A_1087 = tpu.vector_load %arg13[%get3A_1085, %get3A_1086] {strides = array<i32>} : memref<16x768xf32, #tpu.memory_space<vmem>>, vector<1x16xf32>,
        %get3A_1088 = vector.shape_cast %get3A_1087 : vector<1x16xf32> to vector<16xf32>
        %add3A_1089 = arith.addf %get3A_1084, %get3A_1088 : vector<16xf32>
        %swap3A_1090 = arith.index_cast %scan3A_550 : i32 to index
        %swap3A_1091 = arith.constant 608 : index
        %swap3A_1092 = tpu.vector_load %arg9[%swap3A_1090, %swap3A_1091] {strides = array<i32>} : memref<16x768xf32, #tpu.memory_space<vmem>>, vector<1x16xf32>,
        %swap3A_1093 = vector.shape_cast %swap3A_1092 : vector<1x16xf32> to vector<16xf32>
        %swap3A_1094 = vector.shape_cast %add3A_1089 : vector<16xf32> to vector<1x16xf32>
        tpu.vector_store %arg9[%swap3A_1090, %swap3A_1091], %swap3A_1094 {strides = array<i32>} : memref<16x768xf32, #tpu.memory_space<vmem>>, vector<1x16xf32>,
        %get3A_1095 = arith.index_cast %scan3A_550 : i32 to index
        %get3A_1096 = arith.constant 624 : index
        %get3A_1097 = tpu.vector_load %arg9[%get3A_1095, %get3A_1096] {strides = array<i32>} : memref<16x768xf32, #tpu.memory_space<vmem>>, vector<1x16xf32>,
        %get3A_1098 = vector.shape_cast %get3A_1097 : vector<1x16xf32> to vector<16xf32>
        %get3A_1099 = arith.index_cast %scan3A_550 : i32 to index
        %get3A_1100 = arith.constant 624 : index
        %get3A_1101 = tpu.vector_load %arg13[%get3A_1099, %get3A_1100] {strides = array<i32>} : memref<16x768xf32, #tpu.memory_space<vmem>>, vector<1x16xf32>,
        %get3A_1102 = vector.shape_cast %get3A_1101 : vector<1x16xf32> to vector<16xf32>
        %add3A_1103 = arith.addf %get3A_1098, %get3A_1102 : vector<16xf32>
        %swap3A_1104 = arith.index_cast %scan3A_550 : i32 to index
        %swap3A_1105 = arith.constant 624 : index
        %swap3A_1106 = tpu.vector_load %arg9[%swap3A_1104, %swap3A_1105] {strides = array<i32>} : memref<16x768xf32, #tpu.memory_space<vmem>>, vector<1x16xf32>,
        %swap3A_1107 = vector.shape_cast %swap3A_1106 : vector<1x16xf32> to vector<16xf32>
        %swap3A_1108 = vector.shape_cast %add3A_1103 : vector<16xf32> to vector<1x16xf32>
        tpu.vector_store %arg9[%swap3A_1104, %swap3A_1105], %swap3A_1108 {strides = array<i32>} : memref<16x768xf32, #tpu.memory_space<vmem>>, vector<1x16xf32>,
        %get3A_1109 = arith.index_cast %scan3A_550 : i32 to index
        %get3A_1110 = arith.constant 640 : index
        %get3A_1111 = tpu.vector_load %arg9[%get3A_1109, %get3A_1110] {strides = array<i32>} : memref<16x768xf32, #tpu.memory_space<vmem>>, vector<1x16xf32>,
        %get3A_1112 = vector.shape_cast %get3A_1111 : vector<1x16xf32> to vector<16xf32>
        %get3A_1113 = arith.index_cast %scan3A_550 : i32 to index
        %get3A_1114 = arith.constant 640 : index
        %get3A_1115 = tpu.vector_load %arg13[%get3A_1113, %get3A_1114] {strides = array<i32>} : memref<16x768xf32, #tpu.memory_space<vmem>>, vector<1x16xf32>,
        %get3A_1116 = vector.shape_cast %get3A_1115 : vector<1x16xf32> to vector<16xf32>
        %add3A_1117 = arith.addf %get3A_1112, %get3A_1116 : vector<16xf32>
        %swap3A_1118 = arith.index_cast %scan3A_550 : i32 to index
        %swap3A_1119 = arith.constant 640 : index
        %swap3A_1120 = tpu.vector_load %arg9[%swap3A_1118, %swap3A_1119] {strides = array<i32>} : memref<16x768xf32, #tpu.memory_space<vmem>>, vector<1x16xf32>,
        %swap3A_1121 = vector.shape_cast %swap3A_1120 : vector<1x16xf32> to vector<16xf32>
        %swap3A_1122 = vector.shape_cast %add3A_1117 : vector<16xf32> to vector<1x16xf32>
        tpu.vector_store %arg9[%swap3A_1118, %swap3A_1119], %swap3A_1122 {strides = array<i32>} : memref<16x768xf32, #tpu.memory_space<vmem>>, vector<1x16xf32>,
        %get3A_1123 = arith.index_cast %scan3A_550 : i32 to index
        %get3A_1124 = arith.constant 656 : index
        %get3A_1125 = tpu.vector_load %arg9[%get3A_1123, %get3A_1124] {strides = array<i32>} : memref<16x768xf32, #tpu.memory_space<vmem>>, vector<1x16xf32>,
        %get3A_1126 = vector.shape_cast %get3A_1125 : vector<1x16xf32> to vector<16xf32>
        %get3A_1127 = arith.index_cast %scan3A_550 : i32 to index
        %get3A_1128 = arith.constant 656 : index
        %get3A_1129 = tpu.vector_load %arg13[%get3A_1127, %get3A_1128] {strides = array<i32>} : memref<16x768xf32, #tpu.memory_space<vmem>>, vector<1x16xf32>,
        %get3A_1130 = vector.shape_cast %get3A_1129 : vector<1x16xf32> to vector<16xf32>
        %add3A_1131 = arith.addf %get3A_1126, %get3A_1130 : vector<16xf32>
        %swap3A_1132 = arith.index_cast %scan3A_550 : i32 to index
        %swap3A_1133 = arith.constant 656 : index
        %swap3A_1134 = tpu.vector_load %arg9[%swap3A_1132, %swap3A_1133] {strides = array<i32>} : memref<16x768xf32, #tpu.memory_space<vmem>>, vector<1x16xf32>,
        %swap3A_1135 = vector.shape_cast %swap3A_1134 : vector<1x16xf32> to vector<16xf32>
        %swap3A_1136 = vector.shape_cast %add3A_1131 : vector<16xf32> to vector<1x16xf32>
        tpu.vector_store %arg9[%swap3A_1132, %swap3A_1133], %swap3A_1136 {strides = array<i32>} : memref<16x768xf32, #tpu.memory_space<vmem>>, vector<1x16xf32>,
        %get3A_1137 = arith.index_cast %scan3A_550 : i32 to index
        %get3A_1138 = arith.constant 672 : index
        %get3A_1139 = tpu.vector_load %arg9[%get3A_1137, %get3A_1138] {strides = array<i32>} : memref<16x768xf32, #tpu.memory_space<vmem>>, vector<1x16xf32>,
        %get3A_1140 = vector.shape_cast %get3A_1139 : vector<1x16xf32> to vector<16xf32>
        %get3A_1141 = arith.index_cast %scan3A_550 : i32 to index
        %get3A_1142 = arith.constant 672 : index
        %get3A_1143 = tpu.vector_load %arg13[%get3A_1141, %get3A_1142] {strides = array<i32>} : memref<16x768xf32, #tpu.memory_space<vmem>>, vector<1x16xf32>,
        %get3A_1144 = vector.shape_cast %get3A_1143 : vector<1x16xf32> to vector<16xf32>
        %add3A_1145 = arith.addf %get3A_1140, %get3A_1144 : vector<16xf32>
        %swap3A_1146 = arith.index_cast %scan3A_550 : i32 to index
        %swap3A_1147 = arith.constant 672 : index
        %swap3A_1148 = tpu.vector_load %arg9[%swap3A_1146, %swap3A_1147] {strides = array<i32>} : memref<16x768xf32, #tpu.memory_space<vmem>>, vector<1x16xf32>,
        %swap3A_1149 = vector.shape_cast %swap3A_1148 : vector<1x16xf32> to vector<16xf32>
        %swap3A_1150 = vector.shape_cast %add3A_1145 : vector<16xf32> to vector<1x16xf32>
        tpu.vector_store %arg9[%swap3A_1146, %swap3A_1147], %swap3A_1150 {strides = array<i32>} : memref<16x768xf32, #tpu.memory_space<vmem>>, vector<1x16xf32>,
        %get3A_1151 = arith.index_cast %scan3A_550 : i32 to index
        %get3A_1152 = arith.constant 688 : index
        %get3A_1153 = tpu.vector_load %arg9[%get3A_1151, %get3A_1152] {strides = array<i32>} : memref<16x768xf32, #tpu.memory_space<vmem>>, vector<1x16xf32>,
        %get3A_1154 = vector.shape_cast %get3A_1153 : vector<1x16xf32> to vector<16xf32>
        %get3A_1155 = arith.index_cast %scan3A_550 : i32 to index
        %get3A_1156 = arith.constant 688 : index
        %get3A_1157 = tpu.vector_load %arg13[%get3A_1155, %get3A_1156] {strides = array<i32>} : memref<16x768xf32, #tpu.memory_space<vmem>>, vector<1x16xf32>,
        %get3A_1158 = vector.shape_cast %get3A_1157 : vector<1x16xf32> to vector<16xf32>
        %add3A_1159 = arith.addf %get3A_1154, %get3A_1158 : vector<16xf32>
        %swap3A_1160 = arith.index_cast %scan3A_550 : i32 to index
        %swap3A_1161 = arith.constant 688 : index
        %swap3A_1162 = tpu.vector_load %arg9[%swap3A_1160, %swap3A_1161] {strides = array<i32>} : memref<16x768xf32, #tpu.memory_space<vmem>>, vector<1x16xf32>,
        %swap3A_1163 = vector.shape_cast %swap3A_1162 : vector<1x16xf32> to vector<16xf32>
        %swap3A_1164 = vector.shape_cast %add3A_1159 : vector<16xf32> to vector<1x16xf32>
        tpu.vector_store %arg9[%swap3A_1160, %swap3A_1161], %swap3A_1164 {strides = array<i32>} : memref<16x768xf32, #tpu.memory_space<vmem>>, vector<1x16xf32>,
        %get3A_1165 = arith.index_cast %scan3A_550 : i32 to index
        %get3A_1166 = arith.constant 704 : index
        %get3A_1167 = tpu.vector_load %arg9[%get3A_1165, %get3A_1166] {strides = array<i32>} : memref<16x768xf32, #tpu.memory_space<vmem>>, vector<1x16xf32>,
        %get3A_1168 = vector.shape_cast %get3A_1167 : vector<1x16xf32> to vector<16xf32>
        %get3A_1169 = arith.index_cast %scan3A_550 : i32 to index
        %get3A_1170 = arith.constant 704 : index
        %get3A_1171 = tpu.vector_load %arg13[%get3A_1169, %get3A_1170] {strides = array<i32>} : memref<16x768xf32, #tpu.memory_space<vmem>>, vector<1x16xf32>,
        %get3A_1172 = vector.shape_cast %get3A_1171 : vector<1x16xf32> to vector<16xf32>
        %add3A_1173 = arith.addf %get3A_1168, %get3A_1172 : vector<16xf32>
        %swap3A_1174 = arith.index_cast %scan3A_550 : i32 to index
        %swap3A_1175 = arith.constant 704 : index
        %swap3A_1176 = tpu.vector_load %arg9[%swap3A_1174, %swap3A_1175] {strides = array<i32>} : memref<16x768xf32, #tpu.memory_space<vmem>>, vector<1x16xf32>,
        %swap3A_1177 = vector.shape_cast %swap3A_1176 : vector<1x16xf32> to vector<16xf32>
        %swap3A_1178 = vector.shape_cast %add3A_1173 : vector<16xf32> to vector<1x16xf32>
        tpu.vector_store %arg9[%swap3A_1174, %swap3A_1175], %swap3A_1178 {strides = array<i32>} : memref<16x768xf32, #tpu.memory_space<vmem>>, vector<1x16xf32>,
        %get3A_1179 = arith.index_cast %scan3A_550 : i32 to index
        %get3A_1180 = arith.constant 720 : index
        %get3A_1181 = tpu.vector_load %arg9[%get3A_1179, %get3A_1180] {strides = array<i32>} : memref<16x768xf32, #tpu.memory_space<vmem>>, vector<1x16xf32>,
        %get3A_1182 = vector.shape_cast %get3A_1181 : vector<1x16xf32> to vector<16xf32>
        %get3A_1183 = arith.index_cast %scan3A_550 : i32 to index
        %get3A_1184 = arith.constant 720 : index
        %get3A_1185 = tpu.vector_load %arg13[%get3A_1183, %get3A_1184] {strides = array<i32>} : memref<16x768xf32, #tpu.memory_space<vmem>>, vector<1x16xf32>,
        %get3A_1186 = vector.shape_cast %get3A_1185 : vector<1x16xf32> to vector<16xf32>
        %add3A_1187 = arith.addf %get3A_1182, %get3A_1186 : vector<16xf32>
        %swap3A_1188 = arith.index_cast %scan3A_550 : i32 to index
        %swap3A_1189 = arith.constant 720 : index
        %swap3A_1190 = tpu.vector_load %arg9[%swap3A_1188, %swap3A_1189] {strides = array<i32>} : memref<16x768xf32, #tpu.memory_space<vmem>>, vector<1x16xf32>,
        %swap3A_1191 = vector.shape_cast %swap3A_1190 : vector<1x16xf32> to vector<16xf32>
        %swap3A_1192 = vector.shape_cast %add3A_1187 : vector<16xf32> to vector<1x16xf32>
        tpu.vector_store %arg9[%swap3A_1188, %swap3A_1189], %swap3A_1192 {strides = array<i32>} : memref<16x768xf32, #tpu.memory_space<vmem>>, vector<1x16xf32>,
        %get3A_1193 = arith.index_cast %scan3A_550 : i32 to index
        %get3A_1194 = arith.constant 736 : index
        %get3A_1195 = tpu.vector_load %arg9[%get3A_1193, %get3A_1194] {strides = array<i32>} : memref<16x768xf32, #tpu.memory_space<vmem>>, vector<1x16xf32>,
        %get3A_1196 = vector.shape_cast %get3A_1195 : vector<1x16xf32> to vector<16xf32>
        %get3A_1197 = arith.index_cast %scan3A_550 : i32 to index
        %get3A_1198 = arith.constant 736 : index
        %get3A_1199 = tpu.vector_load %arg13[%get3A_1197, %get3A_1198] {strides = array<i32>} : memref<16x768xf32, #tpu.memory_space<vmem>>, vector<1x16xf32>,
        %get3A_1200 = vector.shape_cast %get3A_1199 : vector<1x16xf32> to vector<16xf32>
        %add3A_1201 = arith.addf %get3A_1196, %get3A_1200 : vector<16xf32>
        %swap3A_1202 = arith.index_cast %scan3A_550 : i32 to index
        %swap3A_1203 = arith.constant 736 : index
        %swap3A_1204 = tpu.vector_load %arg9[%swap3A_1202, %swap3A_1203] {strides = array<i32>} : memref<16x768xf32, #tpu.memory_space<vmem>>, vector<1x16xf32>,
        %swap3A_1205 = vector.shape_cast %swap3A_1204 : vector<1x16xf32> to vector<16xf32>
        %swap3A_1206 = vector.shape_cast %add3A_1201 : vector<16xf32> to vector<1x16xf32>
        tpu.vector_store %arg9[%swap3A_1202, %swap3A_1203], %swap3A_1206 {strides = array<i32>} : memref<16x768xf32, #tpu.memory_space<vmem>>, vector<1x16xf32>,
        %get3A_1207 = arith.index_cast %scan3A_550 : i32 to index
        %get3A_1208 = arith.constant 752 : index
        %get3A_1209 = tpu.vector_load %arg9[%get3A_1207, %get3A_1208] {strides = array<i32>} : memref<16x768xf32, #tpu.memory_space<vmem>>, vector<1x16xf32>,
        %get3A_1210 = vector.shape_cast %get3A_1209 : vector<1x16xf32> to vector<16xf32>
        %get3A_1211 = arith.index_cast %scan3A_550 : i32 to index
        %get3A_1212 = arith.constant 752 : index
        %get3A_1213 = tpu.vector_load %arg13[%get3A_1211, %get3A_1212] {strides = array<i32>} : memref<16x768xf32, #tpu.memory_space<vmem>>, vector<1x16xf32>,
        %get3A_1214 = vector.shape_cast %get3A_1213 : vector<1x16xf32> to vector<16xf32>
        %add3A_1215 = arith.addf %get3A_1210, %get3A_1214 : vector<16xf32>
        %swap3A_1216 = arith.index_cast %scan3A_550 : i32 to index
        %swap3A_1217 = arith.constant 752 : index
        %swap3A_1218 = tpu.vector_load %arg9[%swap3A_1216, %swap3A_1217] {strides = array<i32>} : memref<16x768xf32, #tpu.memory_space<vmem>>, vector<1x16xf32>,
        %swap3A_1219 = vector.shape_cast %swap3A_1218 : vector<1x16xf32> to vector<16xf32>
        %swap3A_1220 = vector.shape_cast %add3A_1215 : vector<16xf32> to vector<1x16xf32>
        tpu.vector_store %arg9[%swap3A_1216, %swap3A_1217], %swap3A_1220 {strides = array<i32>} : memref<16x768xf32, #tpu.memory_space<vmem>>, vector<1x16xf32>,
      }
      %scan3A_262 = arith.constant 16 : i32
      %mul3A_263 = arith.constant 16 : i32
      %mul3A_264 = arith.muli %add3A_239, %mul3A_263 : i32
      %add3A_265 = arith.addi %mul3A_2, %mul3A_264 : i32
      %jit3A_266 = arith.constant 256 : i32
      %div3A_267 = arith.divsi %add3A_265, %jit3A_266 : i32
      %sign3A_268 = arith.constant 0 : i32
      %sign3A_269 = arith.cmpi sgt, %add3A_265, %sign3A_268 : i32
      %sign3A_270 = arith.extui %sign3A_269 : i1 to i32
      %sign3A_271 = arith.constant 0 : i32
      %sign3A_272 = arith.cmpi slt, %add3A_265, %sign3A_271 : i32
      %sign3A_273 = arith.extui %sign3A_272 : i1 to i32
      %sign3A_274 = arith.subi %sign3A_270, %sign3A_273 : i32
      %sign3A_275 = arith.constant 0 : i32
      %sign3A_276 = arith.cmpi sgt, %jit3A_266, %sign3A_275 : i32
      %sign3A_277 = arith.extui %sign3A_276 : i1 to i32
      %sign3A_278 = arith.constant 0 : i32
      %sign3A_279 = arith.cmpi slt, %jit3A_266, %sign3A_278 : i32
      %sign3A_280 = arith.extui %sign3A_279 : i1 to i32
      %sign3A_281 = arith.subi %sign3A_277, %sign3A_280 : i32
      %ne3A_282 = arith.cmpi ne, %sign3A_274, %sign3A_281 : i32
      %rem3A_283 = arith.remsi %add3A_265, %jit3A_266 : i32
      %ne3A_284 = arith.constant 0 : i32
      %ne3A_285 = arith.cmpi ne, %rem3A_283, %ne3A_284 : i32
      %and3A_286 = arith.andi %ne3A_282, %ne3A_285 : i1
      %sub3A_287 = arith.constant 1 : i32
      %sub3A_288 = arith.subi %div3A_267, %sub3A_287 : i32
      %select_n3A_289 = arith.select %and3A_286, %sub3A_288, %div3A_267 : i32
      %jit3A_290 = arith.constant 256 : i32
      %eq3A_291 = arith.constant 0 : i32
      %eq3A_292 = arith.cmpi eq, %jit3A_290, %eq3A_291 : i32
      %jit3A_293 = arith.constant 1 : i32
      %select_n3A_294 = arith.select %eq3A_292, %jit3A_293, %jit3A_290 : i32
      %rem3A_295 = arith.remsi %add3A_265, %select_n3A_294 : i32
      %ne3A_296 = arith.constant 0 : i32
      %ne3A_297 = arith.cmpi ne, %rem3A_295, %ne3A_296 : i32
      %lt3A_298 = arith.constant 0 : i32
      %lt3A_299 = arith.cmpi slt, %rem3A_295, %lt3A_298 : i32
      %lt3A_300 = arith.constant 0 : i32
      %lt3A_301 = arith.cmpi slt, %select_n3A_294, %lt3A_300 : i32
      %ne3A_302 = arith.xori %lt3A_299, %lt3A_301 : i1
      %and3A_303 = arith.andi %ne3A_302, %ne3A_297 : i1
      %add3A_304 = arith.addi %rem3A_295, %select_n3A_294 : i32
      %select_n3A_305 = arith.select %and3A_303, %add3A_304, %rem3A_295 : i32
      %multiple_of3A_306 = tpu.assume_multiple %select_n3A_305, 16 : i32
      %dma_start3A_307 = arith.constant 0 : i32
      %dma_start3A_308 = tpu.memref_slice %arg6[%select_n3A_289, %multiple_of3A_306, %dma_start3A_307] : memref<64x256x768xf32, #tpu.memory_space<hbm>> -> memref<1x16x768xf32, #tpu.memory_space<hbm>>
      %dma_start3A_309 = tpu.memref_squeeze %dma_start3A_308 : memref<1x16x768xf32, #tpu.memory_space<hbm>> -> memref<16x768xf32, #tpu.memory_space<hbm>>
      %dma_start3A_310 = arith.constant 0 : i32
      %dma_start3A_311 = tpu.memref_slice %arg6[%select_n3A_289, %multiple_of3A_306, %dma_start3A_310] : memref<64x256x768xf32, #tpu.memory_space<hbm>> -> memref<1x16x768xf32, #tpu.memory_space<hbm>>
      %dma_start3A_312 = tpu.memref_squeeze %dma_start3A_311 : memref<1x16x768xf32, #tpu.memory_space<hbm>> -> memref<16x768xf32, #tpu.memory_space<hbm>>
      tpu.enqueue_dma source(%arg9 : memref<16x768xf32, #tpu.memory_space<vmem>>) target(%dma_start3A_312 : memref<16x768xf32, #tpu.memory_space<hbm>>) target_semaphore(%arg21 : memref<!tpu.dma_semaphore, #tpu.memory_space<semaphore_mem>>)
      %mul3A_313 = arith.constant 4 : i32
      %mul3A_314 = arith.muli %scan3A_235, %mul3A_313 : i32
      %add3A_315 = arith.constant 1 : i32
      %add3A_316 = arith.addi %mul3A_314, %add3A_315 : i32
      %add3A_317 = arith.constant 3 : i32
      %add3A_318 = arith.addi %add3A_316, %add3A_317 : i32
      %lt3A_319 = arith.constant 32 : i32
      %lt3A_320 = arith.cmpi slt, %add3A_318, %lt3A_319 : i32
      %convert_element_type3A_321 = arith.extui %lt3A_320 : i1 to i32
      %cond3A_322 = arith.constant 0 : i32
      %cond3A_323 = arith.cmpi ne, %convert_element_type3A_321, %cond3A_322 : i32
      scf.if %cond3A_323 {
        %add3A_550 = arith.constant 3 : i32
        %add3A_551 = arith.addi %add3A_316, %add3A_550 : i32
        %ge3A = arith.constant 4 : i32
        %ge3A_552 = arith.cmpi sge, %add3A_551, %ge3A : i32
        %convert_element_type3A_553 = arith.extui %ge3A_552 : i1 to i32
        %cond3A_554 = arith.constant 0 : i32
        %cond3A_555 = arith.cmpi ne, %convert_element_type3A_553, %cond3A_554 : i32
        scf.if %cond3A_555 {
          %add3A_570 = arith.constant 3 : i32
          %add3A_571 = arith.addi %add3A_316, %add3A_570 : i32
          %sub3A_572 = arith.constant 4 : i32
          %sub3A_573 = arith.subi %add3A_571, %sub3A_572 : i32
          %mul3A_574 = arith.constant 16 : i32
          %mul3A_575 = arith.muli %sub3A_573, %mul3A_574 : i32
          %add3A_576 = arith.addi %mul3A_2, %mul3A_575 : i32
          %jit3A_577 = arith.constant 256 : i32
          %div3A_578 = arith.divsi %add3A_576, %jit3A_577 : i32
          %sign3A_579 = arith.constant 0 : i32
          %sign3A_580 = arith.cmpi sgt, %add3A_576, %sign3A_579 : i32
          %sign3A_581 = arith.extui %sign3A_580 : i1 to i32
          %sign3A_582 = arith.constant 0 : i32
          %sign3A_583 = arith.cmpi slt, %add3A_576, %sign3A_582 : i32
          %sign3A_584 = arith.extui %sign3A_583 : i1 to i32
          %sign3A_585 = arith.subi %sign3A_581, %sign3A_584 : i32
          %sign3A_586 = arith.constant 0 : i32
          %sign3A_587 = arith.cmpi sgt, %jit3A_577, %sign3A_586 : i32
          %sign3A_588 = arith.extui %sign3A_587 : i1 to i32
          %sign3A_589 = arith.constant 0 : i32
          %sign3A_590 = arith.cmpi slt, %jit3A_577, %sign3A_589 : i32
          %sign3A_591 = arith.extui %sign3A_590 : i1 to i32
          %sign3A_592 = arith.subi %sign3A_588, %sign3A_591 : i32
          %ne3A_593 = arith.cmpi ne, %sign3A_585, %sign3A_592 : i32
          %rem3A_594 = arith.remsi %add3A_576, %jit3A_577 : i32
          %ne3A_595 = arith.constant 0 : i32
          %ne3A_596 = arith.cmpi ne, %rem3A_594, %ne3A_595 : i32
          %and3A_597 = arith.andi %ne3A_593, %ne3A_596 : i1
          %sub3A_598 = arith.constant 1 : i32
          %sub3A_599 = arith.subi %div3A_578, %sub3A_598 : i32
          %select_n3A_600 = arith.select %and3A_597, %sub3A_599, %div3A_578 : i32
          %jit3A_601 = arith.constant 256 : i32
          %eq3A_602 = arith.constant 0 : i32
          %eq3A_603 = arith.cmpi eq, %jit3A_601, %eq3A_602 : i32
          %jit3A_604 = arith.constant 1 : i32
          %select_n3A_605 = arith.select %eq3A_603, %jit3A_604, %jit3A_601 : i32
          %rem3A_606 = arith.remsi %add3A_576, %select_n3A_605 : i32
          %ne3A_607 = arith.constant 0 : i32
          %ne3A_608 = arith.cmpi ne, %rem3A_606, %ne3A_607 : i32
          %lt3A_609 = arith.constant 0 : i32
          %lt3A_610 = arith.cmpi slt, %rem3A_606, %lt3A_609 : i32
          %lt3A_611 = arith.constant 0 : i32
          %lt3A_612 = arith.cmpi slt, %select_n3A_605, %lt3A_611 : i32
          %ne3A_613 = arith.xori %lt3A_610, %lt3A_612 : i1
          %and3A_614 = arith.andi %ne3A_613, %ne3A_608 : i1
          %add3A_615 = arith.addi %rem3A_606, %select_n3A_605 : i32
          %select_n3A_616 = arith.select %and3A_614, %add3A_615, %rem3A_606 : i32
          %multiple_of3A_617 = tpu.assume_multiple %select_n3A_616, 16 : i32
          %dma_wait3A_618 = arith.constant 0 : i32
          %dma_wait3A_619 = tpu.memref_slice %arg6[%select_n3A_600, %multiple_of3A_617, %dma_wait3A_618] : memref<64x256x768xf32, #tpu.memory_space<hbm>> -> memref<1x16x768xf32, #tpu.memory_space<hbm>>
          %dma_wait3A_620 = tpu.memref_squeeze %dma_wait3A_619 : memref<1x16x768xf32, #tpu.memory_space<hbm>> -> memref<16x768xf32, #tpu.memory_space<hbm>>
          %dma_wait3A_621 = arith.constant 0 : i32
          %dma_wait3A_622 = tpu.memref_slice %arg6[%select_n3A_600, %multiple_of3A_617, %dma_wait3A_621] : memref<64x256x768xf32, #tpu.memory_space<hbm>> -> memref<1x16x768xf32, #tpu.memory_space<hbm>>
          %dma_wait3A_623 = tpu.memref_squeeze %dma_wait3A_622 : memref<1x16x768xf32, #tpu.memory_space<hbm>> -> memref<16x768xf32, #tpu.memory_space<hbm>>
          tpu.wait_dma2 semaphore(%arg21 : memref<!tpu.dma_semaphore, #tpu.memory_space<semaphore_mem>>) src(%arg9 : memref<16x768xf32, #tpu.memory_space<vmem>>) dst(%dma_wait3A_623 : memref<16x768xf32, #tpu.memory_space<hbm>>)
        } else {
        }
        %add3A_556 = arith.constant 3 : i32
        %add3A_557 = arith.addi %add3A_316, %add3A_556 : i32
        %dma_start3A_558 = arith.constant 0 : i32
        %dma_start3A_559 = tpu.memref_slice %arg7[%add3A_557, %dma_start3A_558] : memref<32x16xi32, #tpu.memory_space<vmem>> -> memref<1x16xi32, #tpu.memory_space<vmem>>
        %dma_start3A_560 = tpu.memref_squeeze %dma_start3A_559 : memref<1x16xi32, #tpu.memory_space<vmem>> -> memref<16xi32, #tpu.memory_space<vmem>>
        %dma_start3A_561 = arith.constant 0 : i32
        %dma_start3A_562 = arith.constant 0 : i32
        %dma_start3A_563 = tpu.memref_slice %arg2[%dma_start3A_561, %dma_start3A_562] : memref<65536x768xf32, #tpu.memory_space<hbm>> -> memref<65536x768xf32, #tpu.memory_space<hbm>>
        tpu.enqueue_indirect_dma source(%dma_start3A_563 : memref<65536x768xf32, #tpu.memory_space<hbm>>) target(%arg9 : memref<16x768xf32, #tpu.memory_space<vmem>>) offsets(%dma_start3A_560 : memref<16xi32, #tpu.memory_space<vmem>>) semaphore(%arg17 : memref<!tpu.dma_semaphore, #tpu.memory_space<semaphore_mem>>)
        %dma_start3A_564 = arith.constant 0 : i32
        %dma_start3A_565 = tpu.memref_slice %arg8[%add3A_557, %dma_start3A_564] : memref<32x16xi32, #tpu.memory_space<vmem>> -> memref<1x16xi32, #tpu.memory_space<vmem>>
        %dma_start3A_566 = tpu.memref_squeeze %dma_start3A_565 : memref<1x16xi32, #tpu.memory_space<vmem>> -> memref<16xi32, #tpu.memory_space<vmem>>
        %dma_start3A_567 = arith.constant 0 : i32
        %dma_start3A_568 = arith.constant 0 : i32
        %dma_start3A_569 = tpu.memref_slice %arg3[%dma_start3A_567, %dma_start3A_568] : memref<1025x768xf32, #tpu.memory_space<hbm>> -> memref<1025x768xf32, #tpu.memory_space<hbm>>
        tpu.enqueue_indirect_dma source(%dma_start3A_569 : memref<1025x768xf32, #tpu.memory_space<hbm>>) target(%arg13 : memref<16x768xf32, #tpu.memory_space<vmem>>) offsets(%dma_start3A_566 : memref<16xi32, #tpu.memory_space<vmem>>) semaphore(%arg17 : memref<!tpu.dma_semaphore, #tpu.memory_space<semaphore_mem>>)
      } else {
      }
      %dma_wait3A_324 = arith.constant 0 : i32
      %dma_wait3A_325 = tpu.memref_slice %arg7[%add3A_316, %dma_wait3A_324] : memref<32x16xi32, #tpu.memory_space<vmem>> -> memref<1x16xi32, #tpu.memory_space<vmem>>
      %dma_wait3A_326 = tpu.memref_squeeze %dma_wait3A_325 : memref<1x16xi32, #tpu.memory_space<vmem>> -> memref<16xi32, #tpu.memory_space<vmem>>
      %dma_wait3A_327 = arith.constant 0 : i32
      %dma_wait3A_328 = arith.constant 0 : i32
      %dma_wait3A_329 = tpu.memref_slice %arg2[%dma_wait3A_327, %dma_wait3A_328] : memref<65536x768xf32, #tpu.memory_space<hbm>> -> memref<65536x768xf32, #tpu.memory_space<hbm>>
      tpu.wait_indirect_dma semaphore(%arg18 : memref<!tpu.dma_semaphore, #tpu.memory_space<semaphore_mem>>) src(%dma_wait3A_329 : memref<65536x768xf32, #tpu.memory_space<hbm>>) dst(%arg10 : memref<16x768xf32, #tpu.memory_space<vmem>>)
      %dma_wait3A_330 = arith.constant 0 : i32
      %dma_wait3A_331 = tpu.memref_slice %arg8[%add3A_316, %dma_wait3A_330] : memref<32x16xi32, #tpu.memory_space<vmem>> -> memref<1x16xi32, #tpu.memory_space<vmem>>
      %dma_wait3A_332 = tpu.memref_squeeze %dma_wait3A_331 : memref<1x16xi32, #tpu.memory_space<vmem>> -> memref<16xi32, #tpu.memory_space<vmem>>
      %dma_wait3A_333 = arith.constant 0 : i32
      %dma_wait3A_334 = arith.constant 0 : i32
      %dma_wait3A_335 = tpu.memref_slice %arg3[%dma_wait3A_333, %dma_wait3A_334] : memref<1025x768xf32, #tpu.memory_space<hbm>> -> memref<1025x768xf32, #tpu.memory_space<hbm>>
      tpu.wait_indirect_dma semaphore(%arg18 : memref<!tpu.dma_semaphore, #tpu.memory_space<semaphore_mem>>) src(%dma_wait3A_335 : memref<1025x768xf32, #tpu.memory_space<hbm>>) dst(%arg14 : memref<16x768xf32, #tpu.memory_space<vmem>>)
      %scan3A_336 = arith.constant 0 : i32
      %scan3A_337 = arith.constant 0 : i32
      %scan3A_338 = arith.constant 16 : i32
      %scan3A_339 = arith.addi %scan3A_337, %scan3A_338 : i32
      %scan3A_340 = arith.constant 1 : i32
      scf.for %scan3A_550 = %scan3A_337 to %scan3A_339 step %scan3A_340  : i32 {
        %get3A = arith.index_cast %scan3A_550 : i32 to index
        %get3A_551 = arith.constant 0 : index
        %get3A_552 = tpu.vector_load %arg10[%get3A, %get3A_551] {strides = array<i32>} : memref<16x768xf32, #tpu.memory_space<vmem>>, vector<1x16xf32>,
        %get3A_553 = vector.shape_cast %get3A_552 : vector<1x16xf32> to vector<16xf32>
        %get3A_554 = arith.index_cast %scan3A_550 : i32 to index
        %get3A_555 = arith.constant 0 : index
        %get3A_556 = tpu.vector_load %arg14[%get3A_554, %get3A_555] {strides = array<i32>} : memref<16x768xf32, #tpu.memory_space<vmem>>, vector<1x16xf32>,
        %get3A_557 = vector.shape_cast %get3A_556 : vector<1x16xf32> to vector<16xf32>
        %add3A_558 = arith.addf %get3A_553, %get3A_557 : vector<16xf32>
        %swap3A = arith.index_cast %scan3A_550 : i32 to index
        %swap3A_559 = arith.constant 0 : index
        %swap3A_560 = tpu.vector_load %arg10[%swap3A, %swap3A_559] {strides = array<i32>} : memref<16x768xf32, #tpu.memory_space<vmem>>, vector<1x16xf32>,
        %swap3A_561 = vector.shape_cast %swap3A_560 : vector<1x16xf32> to vector<16xf32>
        %swap3A_562 = vector.shape_cast %add3A_558 : vector<16xf32> to vector<1x16xf32>
        tpu.vector_store %arg10[%swap3A, %swap3A_559], %swap3A_562 {strides = array<i32>} : memref<16x768xf32, #tpu.memory_space<vmem>>, vector<1x16xf32>,
        %get3A_563 = arith.index_cast %scan3A_550 : i32 to index
        %get3A_564 = arith.constant 16 : index
        %get3A_565 = tpu.vector_load %arg10[%get3A_563, %get3A_564] {strides = array<i32>} : memref<16x768xf32, #tpu.memory_space<vmem>>, vector<1x16xf32>,
        %get3A_566 = vector.shape_cast %get3A_565 : vector<1x16xf32> to vector<16xf32>
        %get3A_567 = arith.index_cast %scan3A_550 : i32 to index
        %get3A_568 = arith.constant 16 : index
        %get3A_569 = tpu.vector_load %arg14[%get3A_567, %get3A_568] {strides = array<i32>} : memref<16x768xf32, #tpu.memory_space<vmem>>, vector<1x16xf32>,
        %get3A_570 = vector.shape_cast %get3A_569 : vector<1x16xf32> to vector<16xf32>
        %add3A_571 = arith.addf %get3A_566, %get3A_570 : vector<16xf32>
        %swap3A_572 = arith.index_cast %scan3A_550 : i32 to index
        %swap3A_573 = arith.constant 16 : index
        %swap3A_574 = tpu.vector_load %arg10[%swap3A_572, %swap3A_573] {strides = array<i32>} : memref<16x768xf32, #tpu.memory_space<vmem>>, vector<1x16xf32>,
        %swap3A_575 = vector.shape_cast %swap3A_574 : vector<1x16xf32> to vector<16xf32>
        %swap3A_576 = vector.shape_cast %add3A_571 : vector<16xf32> to vector<1x16xf32>
        tpu.vector_store %arg10[%swap3A_572, %swap3A_573], %swap3A_576 {strides = array<i32>} : memref<16x768xf32, #tpu.memory_space<vmem>>, vector<1x16xf32>,
        %get3A_577 = arith.index_cast %scan3A_550 : i32 to index
        %get3A_578 = arith.constant 32 : index
        %get3A_579 = tpu.vector_load %arg10[%get3A_577, %get3A_578] {strides = array<i32>} : memref<16x768xf32, #tpu.memory_space<vmem>>, vector<1x16xf32>,
        %get3A_580 = vector.shape_cast %get3A_579 : vector<1x16xf32> to vector<16xf32>
        %get3A_581 = arith.index_cast %scan3A_550 : i32 to index
        %get3A_582 = arith.constant 32 : index
        %get3A_583 = tpu.vector_load %arg14[%get3A_581, %get3A_582] {strides = array<i32>} : memref<16x768xf32, #tpu.memory_space<vmem>>, vector<1x16xf32>,
        %get3A_584 = vector.shape_cast %get3A_583 : vector<1x16xf32> to vector<16xf32>
        %add3A_585 = arith.addf %get3A_580, %get3A_584 : vector<16xf32>
        %swap3A_586 = arith.index_cast %scan3A_550 : i32 to index
        %swap3A_587 = arith.constant 32 : index
        %swap3A_588 = tpu.vector_load %arg10[%swap3A_586, %swap3A_587] {strides = array<i32>} : memref<16x768xf32, #tpu.memory_space<vmem>>, vector<1x16xf32>,
        %swap3A_589 = vector.shape_cast %swap3A_588 : vector<1x16xf32> to vector<16xf32>
        %swap3A_590 = vector.shape_cast %add3A_585 : vector<16xf32> to vector<1x16xf32>
        tpu.vector_store %arg10[%swap3A_586, %swap3A_587], %swap3A_590 {strides = array<i32>} : memref<16x768xf32, #tpu.memory_space<vmem>>, vector<1x16xf32>,
        %get3A_591 = arith.index_cast %scan3A_550 : i32 to index
        %get3A_592 = arith.constant 48 : index
        %get3A_593 = tpu.vector_load %arg10[%get3A_591, %get3A_592] {strides = array<i32>} : memref<16x768xf32, #tpu.memory_space<vmem>>, vector<1x16xf32>,
        %get3A_594 = vector.shape_cast %get3A_593 : vector<1x16xf32> to vector<16xf32>
        %get3A_595 = arith.index_cast %scan3A_550 : i32 to index
        %get3A_596 = arith.constant 48 : index
        %get3A_597 = tpu.vector_load %arg14[%get3A_595, %get3A_596] {strides = array<i32>} : memref<16x768xf32, #tpu.memory_space<vmem>>, vector<1x16xf32>,
        %get3A_598 = vector.shape_cast %get3A_597 : vector<1x16xf32> to vector<16xf32>
        %add3A_599 = arith.addf %get3A_594, %get3A_598 : vector<16xf32>
        %swap3A_600 = arith.index_cast %scan3A_550 : i32 to index
        %swap3A_601 = arith.constant 48 : index
        %swap3A_602 = tpu.vector_load %arg10[%swap3A_600, %swap3A_601] {strides = array<i32>} : memref<16x768xf32, #tpu.memory_space<vmem>>, vector<1x16xf32>,
        %swap3A_603 = vector.shape_cast %swap3A_602 : vector<1x16xf32> to vector<16xf32>
        %swap3A_604 = vector.shape_cast %add3A_599 : vector<16xf32> to vector<1x16xf32>
        tpu.vector_store %arg10[%swap3A_600, %swap3A_601], %swap3A_604 {strides = array<i32>} : memref<16x768xf32, #tpu.memory_space<vmem>>, vector<1x16xf32>,
        %get3A_605 = arith.index_cast %scan3A_550 : i32 to index
        %get3A_606 = arith.constant 64 : index
        %get3A_607 = tpu.vector_load %arg10[%get3A_605, %get3A_606] {strides = array<i32>} : memref<16x768xf32, #tpu.memory_space<vmem>>, vector<1x16xf32>,
        %get3A_608 = vector.shape_cast %get3A_607 : vector<1x16xf32> to vector<16xf32>
        %get3A_609 = arith.index_cast %scan3A_550 : i32 to index
        %get3A_610 = arith.constant 64 : index
        %get3A_611 = tpu.vector_load %arg14[%get3A_609, %get3A_610] {strides = array<i32>} : memref<16x768xf32, #tpu.memory_space<vmem>>, vector<1x16xf32>,
        %get3A_612 = vector.shape_cast %get3A_611 : vector<1x16xf32> to vector<16xf32>
        %add3A_613 = arith.addf %get3A_608, %get3A_612 : vector<16xf32>
        %swap3A_614 = arith.index_cast %scan3A_550 : i32 to index
        %swap3A_615 = arith.constant 64 : index
        %swap3A_616 = tpu.vector_load %arg10[%swap3A_614, %swap3A_615] {strides = array<i32>} : memref<16x768xf32, #tpu.memory_space<vmem>>, vector<1x16xf32>,
        %swap3A_617 = vector.shape_cast %swap3A_616 : vector<1x16xf32> to vector<16xf32>
        %swap3A_618 = vector.shape_cast %add3A_613 : vector<16xf32> to vector<1x16xf32>
        tpu.vector_store %arg10[%swap3A_614, %swap3A_615], %swap3A_618 {strides = array<i32>} : memref<16x768xf32, #tpu.memory_space<vmem>>, vector<1x16xf32>,
        %get3A_619 = arith.index_cast %scan3A_550 : i32 to index
        %get3A_620 = arith.constant 80 : index
        %get3A_621 = tpu.vector_load %arg10[%get3A_619, %get3A_620] {strides = array<i32>} : memref<16x768xf32, #tpu.memory_space<vmem>>, vector<1x16xf32>,
        %get3A_622 = vector.shape_cast %get3A_621 : vector<1x16xf32> to vector<16xf32>
        %get3A_623 = arith.index_cast %scan3A_550 : i32 to index
        %get3A_624 = arith.constant 80 : index
        %get3A_625 = tpu.vector_load %arg14[%get3A_623, %get3A_624] {strides = array<i32>} : memref<16x768xf32, #tpu.memory_space<vmem>>, vector<1x16xf32>,
        %get3A_626 = vector.shape_cast %get3A_625 : vector<1x16xf32> to vector<16xf32>
        %add3A_627 = arith.addf %get3A_622, %get3A_626 : vector<16xf32>
        %swap3A_628 = arith.index_cast %scan3A_550 : i32 to index
        %swap3A_629 = arith.constant 80 : index
        %swap3A_630 = tpu.vector_load %arg10[%swap3A_628, %swap3A_629] {strides = array<i32>} : memref<16x768xf32, #tpu.memory_space<vmem>>, vector<1x16xf32>,
        %swap3A_631 = vector.shape_cast %swap3A_630 : vector<1x16xf32> to vector<16xf32>
        %swap3A_632 = vector.shape_cast %add3A_627 : vector<16xf32> to vector<1x16xf32>
        tpu.vector_store %arg10[%swap3A_628, %swap3A_629], %swap3A_632 {strides = array<i32>} : memref<16x768xf32, #tpu.memory_space<vmem>>, vector<1x16xf32>,
        %get3A_633 = arith.index_cast %scan3A_550 : i32 to index
        %get3A_634 = arith.constant 96 : index
        %get3A_635 = tpu.vector_load %arg10[%get3A_633, %get3A_634] {strides = array<i32>} : memref<16x768xf32, #tpu.memory_space<vmem>>, vector<1x16xf32>,
        %get3A_636 = vector.shape_cast %get3A_635 : vector<1x16xf32> to vector<16xf32>
        %get3A_637 = arith.index_cast %scan3A_550 : i32 to index
        %get3A_638 = arith.constant 96 : index
        %get3A_639 = tpu.vector_load %arg14[%get3A_637, %get3A_638] {strides = array<i32>} : memref<16x768xf32, #tpu.memory_space<vmem>>, vector<1x16xf32>,
        %get3A_640 = vector.shape_cast %get3A_639 : vector<1x16xf32> to vector<16xf32>
        %add3A_641 = arith.addf %get3A_636, %get3A_640 : vector<16xf32>
        %swap3A_642 = arith.index_cast %scan3A_550 : i32 to index
        %swap3A_643 = arith.constant 96 : index
        %swap3A_644 = tpu.vector_load %arg10[%swap3A_642, %swap3A_643] {strides = array<i32>} : memref<16x768xf32, #tpu.memory_space<vmem>>, vector<1x16xf32>,
        %swap3A_645 = vector.shape_cast %swap3A_644 : vector<1x16xf32> to vector<16xf32>
        %swap3A_646 = vector.shape_cast %add3A_641 : vector<16xf32> to vector<1x16xf32>
        tpu.vector_store %arg10[%swap3A_642, %swap3A_643], %swap3A_646 {strides = array<i32>} : memref<16x768xf32, #tpu.memory_space<vmem>>, vector<1x16xf32>,
        %get3A_647 = arith.index_cast %scan3A_550 : i32 to index
        %get3A_648 = arith.constant 112 : index
        %get3A_649 = tpu.vector_load %arg10[%get3A_647, %get3A_648] {strides = array<i32>} : memref<16x768xf32, #tpu.memory_space<vmem>>, vector<1x16xf32>,
        %get3A_650 = vector.shape_cast %get3A_649 : vector<1x16xf32> to vector<16xf32>
        %get3A_651 = arith.index_cast %scan3A_550 : i32 to index
        %get3A_652 = arith.constant 112 : index
        %get3A_653 = tpu.vector_load %arg14[%get3A_651, %get3A_652] {strides = array<i32>} : memref<16x768xf32, #tpu.memory_space<vmem>>, vector<1x16xf32>,
        %get3A_654 = vector.shape_cast %get3A_653 : vector<1x16xf32> to vector<16xf32>
        %add3A_655 = arith.addf %get3A_650, %get3A_654 : vector<16xf32>
        %swap3A_656 = arith.index_cast %scan3A_550 : i32 to index
        %swap3A_657 = arith.constant 112 : index
        %swap3A_658 = tpu.vector_load %arg10[%swap3A_656, %swap3A_657] {strides = array<i32>} : memref<16x768xf32, #tpu.memory_space<vmem>>, vector<1x16xf32>,
        %swap3A_659 = vector.shape_cast %swap3A_658 : vector<1x16xf32> to vector<16xf32>
        %swap3A_660 = vector.shape_cast %add3A_655 : vector<16xf32> to vector<1x16xf32>
        tpu.vector_store %arg10[%swap3A_656, %swap3A_657], %swap3A_660 {strides = array<i32>} : memref<16x768xf32, #tpu.memory_space<vmem>>, vector<1x16xf32>,
        %get3A_661 = arith.index_cast %scan3A_550 : i32 to index
        %get3A_662 = arith.constant 128 : index
        %get3A_663 = tpu.vector_load %arg10[%get3A_661, %get3A_662] {strides = array<i32>} : memref<16x768xf32, #tpu.memory_space<vmem>>, vector<1x16xf32>,
        %get3A_664 = vector.shape_cast %get3A_663 : vector<1x16xf32> to vector<16xf32>
        %get3A_665 = arith.index_cast %scan3A_550 : i32 to index
        %get3A_666 = arith.constant 128 : index
        %get3A_667 = tpu.vector_load %arg14[%get3A_665, %get3A_666] {strides = array<i32>} : memref<16x768xf32, #tpu.memory_space<vmem>>, vector<1x16xf32>,
        %get3A_668 = vector.shape_cast %get3A_667 : vector<1x16xf32> to vector<16xf32>
        %add3A_669 = arith.addf %get3A_664, %get3A_668 : vector<16xf32>
        %swap3A_670 = arith.index_cast %scan3A_550 : i32 to index
        %swap3A_671 = arith.constant 128 : index
        %swap3A_672 = tpu.vector_load %arg10[%swap3A_670, %swap3A_671] {strides = array<i32>} : memref<16x768xf32, #tpu.memory_space<vmem>>, vector<1x16xf32>,
        %swap3A_673 = vector.shape_cast %swap3A_672 : vector<1x16xf32> to vector<16xf32>
        %swap3A_674 = vector.shape_cast %add3A_669 : vector<16xf32> to vector<1x16xf32>
        tpu.vector_store %arg10[%swap3A_670, %swap3A_671], %swap3A_674 {strides = array<i32>} : memref<16x768xf32, #tpu.memory_space<vmem>>, vector<1x16xf32>,
        %get3A_675 = arith.index_cast %scan3A_550 : i32 to index
        %get3A_676 = arith.constant 144 : index
        %get3A_677 = tpu.vector_load %arg10[%get3A_675, %get3A_676] {strides = array<i32>} : memref<16x768xf32, #tpu.memory_space<vmem>>, vector<1x16xf32>,
        %get3A_678 = vector.shape_cast %get3A_677 : vector<1x16xf32> to vector<16xf32>
        %get3A_679 = arith.index_cast %scan3A_550 : i32 to index
        %get3A_680 = arith.constant 144 : index
        %get3A_681 = tpu.vector_load %arg14[%get3A_679, %get3A_680] {strides = array<i32>} : memref<16x768xf32, #tpu.memory_space<vmem>>, vector<1x16xf32>,
        %get3A_682 = vector.shape_cast %get3A_681 : vector<1x16xf32> to vector<16xf32>
        %add3A_683 = arith.addf %get3A_678, %get3A_682 : vector<16xf32>
        %swap3A_684 = arith.index_cast %scan3A_550 : i32 to index
        %swap3A_685 = arith.constant 144 : index
        %swap3A_686 = tpu.vector_load %arg10[%swap3A_684, %swap3A_685] {strides = array<i32>} : memref<16x768xf32, #tpu.memory_space<vmem>>, vector<1x16xf32>,
        %swap3A_687 = vector.shape_cast %swap3A_686 : vector<1x16xf32> to vector<16xf32>
        %swap3A_688 = vector.shape_cast %add3A_683 : vector<16xf32> to vector<1x16xf32>
        tpu.vector_store %arg10[%swap3A_684, %swap3A_685], %swap3A_688 {strides = array<i32>} : memref<16x768xf32, #tpu.memory_space<vmem>>, vector<1x16xf32>,
        %get3A_689 = arith.index_cast %scan3A_550 : i32 to index
        %get3A_690 = arith.constant 160 : index
        %get3A_691 = tpu.vector_load %arg10[%get3A_689, %get3A_690] {strides = array<i32>} : memref<16x768xf32, #tpu.memory_space<vmem>>, vector<1x16xf32>,
        %get3A_692 = vector.shape_cast %get3A_691 : vector<1x16xf32> to vector<16xf32>
        %get3A_693 = arith.index_cast %scan3A_550 : i32 to index
        %get3A_694 = arith.constant 160 : index
        %get3A_695 = tpu.vector_load %arg14[%get3A_693, %get3A_694] {strides = array<i32>} : memref<16x768xf32, #tpu.memory_space<vmem>>, vector<1x16xf32>,
        %get3A_696 = vector.shape_cast %get3A_695 : vector<1x16xf32> to vector<16xf32>
        %add3A_697 = arith.addf %get3A_692, %get3A_696 : vector<16xf32>
        %swap3A_698 = arith.index_cast %scan3A_550 : i32 to index
        %swap3A_699 = arith.constant 160 : index
        %swap3A_700 = tpu.vector_load %arg10[%swap3A_698, %swap3A_699] {strides = array<i32>} : memref<16x768xf32, #tpu.memory_space<vmem>>, vector<1x16xf32>,
        %swap3A_701 = vector.shape_cast %swap3A_700 : vector<1x16xf32> to vector<16xf32>
        %swap3A_702 = vector.shape_cast %add3A_697 : vector<16xf32> to vector<1x16xf32>
        tpu.vector_store %arg10[%swap3A_698, %swap3A_699], %swap3A_702 {strides = array<i32>} : memref<16x768xf32, #tpu.memory_space<vmem>>, vector<1x16xf32>,
        %get3A_703 = arith.index_cast %scan3A_550 : i32 to index
        %get3A_704 = arith.constant 176 : index
        %get3A_705 = tpu.vector_load %arg10[%get3A_703, %get3A_704] {strides = array<i32>} : memref<16x768xf32, #tpu.memory_space<vmem>>, vector<1x16xf32>,
        %get3A_706 = vector.shape_cast %get3A_705 : vector<1x16xf32> to vector<16xf32>
        %get3A_707 = arith.index_cast %scan3A_550 : i32 to index
        %get3A_708 = arith.constant 176 : index
        %get3A_709 = tpu.vector_load %arg14[%get3A_707, %get3A_708] {strides = array<i32>} : memref<16x768xf32, #tpu.memory_space<vmem>>, vector<1x16xf32>,
        %get3A_710 = vector.shape_cast %get3A_709 : vector<1x16xf32> to vector<16xf32>
        %add3A_711 = arith.addf %get3A_706, %get3A_710 : vector<16xf32>
        %swap3A_712 = arith.index_cast %scan3A_550 : i32 to index
        %swap3A_713 = arith.constant 176 : index
        %swap3A_714 = tpu.vector_load %arg10[%swap3A_712, %swap3A_713] {strides = array<i32>} : memref<16x768xf32, #tpu.memory_space<vmem>>, vector<1x16xf32>,
        %swap3A_715 = vector.shape_cast %swap3A_714 : vector<1x16xf32> to vector<16xf32>
        %swap3A_716 = vector.shape_cast %add3A_711 : vector<16xf32> to vector<1x16xf32>
        tpu.vector_store %arg10[%swap3A_712, %swap3A_713], %swap3A_716 {strides = array<i32>} : memref<16x768xf32, #tpu.memory_space<vmem>>, vector<1x16xf32>,
        %get3A_717 = arith.index_cast %scan3A_550 : i32 to index
        %get3A_718 = arith.constant 192 : index
        %get3A_719 = tpu.vector_load %arg10[%get3A_717, %get3A_718] {strides = array<i32>} : memref<16x768xf32, #tpu.memory_space<vmem>>, vector<1x16xf32>,
        %get3A_720 = vector.shape_cast %get3A_719 : vector<1x16xf32> to vector<16xf32>
        %get3A_721 = arith.index_cast %scan3A_550 : i32 to index
        %get3A_722 = arith.constant 192 : index
        %get3A_723 = tpu.vector_load %arg14[%get3A_721, %get3A_722] {strides = array<i32>} : memref<16x768xf32, #tpu.memory_space<vmem>>, vector<1x16xf32>,
        %get3A_724 = vector.shape_cast %get3A_723 : vector<1x16xf32> to vector<16xf32>
        %add3A_725 = arith.addf %get3A_720, %get3A_724 : vector<16xf32>
        %swap3A_726 = arith.index_cast %scan3A_550 : i32 to index
        %swap3A_727 = arith.constant 192 : index
        %swap3A_728 = tpu.vector_load %arg10[%swap3A_726, %swap3A_727] {strides = array<i32>} : memref<16x768xf32, #tpu.memory_space<vmem>>, vector<1x16xf32>,
        %swap3A_729 = vector.shape_cast %swap3A_728 : vector<1x16xf32> to vector<16xf32>
        %swap3A_730 = vector.shape_cast %add3A_725 : vector<16xf32> to vector<1x16xf32>
        tpu.vector_store %arg10[%swap3A_726, %swap3A_727], %swap3A_730 {strides = array<i32>} : memref<16x768xf32, #tpu.memory_space<vmem>>, vector<1x16xf32>,
        %get3A_731 = arith.index_cast %scan3A_550 : i32 to index
        %get3A_732 = arith.constant 208 : index
        %get3A_733 = tpu.vector_load %arg10[%get3A_731, %get3A_732] {strides = array<i32>} : memref<16x768xf32, #tpu.memory_space<vmem>>, vector<1x16xf32>,
        %get3A_734 = vector.shape_cast %get3A_733 : vector<1x16xf32> to vector<16xf32>
        %get3A_735 = arith.index_cast %scan3A_550 : i32 to index
        %get3A_736 = arith.constant 208 : index
        %get3A_737 = tpu.vector_load %arg14[%get3A_735, %get3A_736] {strides = array<i32>} : memref<16x768xf32, #tpu.memory_space<vmem>>, vector<1x16xf32>,
        %get3A_738 = vector.shape_cast %get3A_737 : vector<1x16xf32> to vector<16xf32>
        %add3A_739 = arith.addf %get3A_734, %get3A_738 : vector<16xf32>
        %swap3A_740 = arith.index_cast %scan3A_550 : i32 to index
        %swap3A_741 = arith.constant 208 : index
        %swap3A_742 = tpu.vector_load %arg10[%swap3A_740, %swap3A_741] {strides = array<i32>} : memref<16x768xf32, #tpu.memory_space<vmem>>, vector<1x16xf32>,
        %swap3A_743 = vector.shape_cast %swap3A_742 : vector<1x16xf32> to vector<16xf32>
        %swap3A_744 = vector.shape_cast %add3A_739 : vector<16xf32> to vector<1x16xf32>
        tpu.vector_store %arg10[%swap3A_740, %swap3A_741], %swap3A_744 {strides = array<i32>} : memref<16x768xf32, #tpu.memory_space<vmem>>, vector<1x16xf32>,
        %get3A_745 = arith.index_cast %scan3A_550 : i32 to index
        %get3A_746 = arith.constant 224 : index
        %get3A_747 = tpu.vector_load %arg10[%get3A_745, %get3A_746] {strides = array<i32>} : memref<16x768xf32, #tpu.memory_space<vmem>>, vector<1x16xf32>,
        %get3A_748 = vector.shape_cast %get3A_747 : vector<1x16xf32> to vector<16xf32>
        %get3A_749 = arith.index_cast %scan3A_550 : i32 to index
        %get3A_750 = arith.constant 224 : index
        %get3A_751 = tpu.vector_load %arg14[%get3A_749, %get3A_750] {strides = array<i32>} : memref<16x768xf32, #tpu.memory_space<vmem>>, vector<1x16xf32>,
        %get3A_752 = vector.shape_cast %get3A_751 : vector<1x16xf32> to vector<16xf32>
        %add3A_753 = arith.addf %get3A_748, %get3A_752 : vector<16xf32>
        %swap3A_754 = arith.index_cast %scan3A_550 : i32 to index
        %swap3A_755 = arith.constant 224 : index
        %swap3A_756 = tpu.vector_load %arg10[%swap3A_754, %swap3A_755] {strides = array<i32>} : memref<16x768xf32, #tpu.memory_space<vmem>>, vector<1x16xf32>,
        %swap3A_757 = vector.shape_cast %swap3A_756 : vector<1x16xf32> to vector<16xf32>
        %swap3A_758 = vector.shape_cast %add3A_753 : vector<16xf32> to vector<1x16xf32>
        tpu.vector_store %arg10[%swap3A_754, %swap3A_755], %swap3A_758 {strides = array<i32>} : memref<16x768xf32, #tpu.memory_space<vmem>>, vector<1x16xf32>,
        %get3A_759 = arith.index_cast %scan3A_550 : i32 to index
        %get3A_760 = arith.constant 240 : index
        %get3A_761 = tpu.vector_load %arg10[%get3A_759, %get3A_760] {strides = array<i32>} : memref<16x768xf32, #tpu.memory_space<vmem>>, vector<1x16xf32>,
        %get3A_762 = vector.shape_cast %get3A_761 : vector<1x16xf32> to vector<16xf32>
        %get3A_763 = arith.index_cast %scan3A_550 : i32 to index
        %get3A_764 = arith.constant 240 : index
        %get3A_765 = tpu.vector_load %arg14[%get3A_763, %get3A_764] {strides = array<i32>} : memref<16x768xf32, #tpu.memory_space<vmem>>, vector<1x16xf32>,
        %get3A_766 = vector.shape_cast %get3A_765 : vector<1x16xf32> to vector<16xf32>
        %add3A_767 = arith.addf %get3A_762, %get3A_766 : vector<16xf32>
        %swap3A_768 = arith.index_cast %scan3A_550 : i32 to index
        %swap3A_769 = arith.constant 240 : index
        %swap3A_770 = tpu.vector_load %arg10[%swap3A_768, %swap3A_769] {strides = array<i32>} : memref<16x768xf32, #tpu.memory_space<vmem>>, vector<1x16xf32>,
        %swap3A_771 = vector.shape_cast %swap3A_770 : vector<1x16xf32> to vector<16xf32>
        %swap3A_772 = vector.shape_cast %add3A_767 : vector<16xf32> to vector<1x16xf32>
        tpu.vector_store %arg10[%swap3A_768, %swap3A_769], %swap3A_772 {strides = array<i32>} : memref<16x768xf32, #tpu.memory_space<vmem>>, vector<1x16xf32>,
        %get3A_773 = arith.index_cast %scan3A_550 : i32 to index
        %get3A_774 = arith.constant 256 : index
        %get3A_775 = tpu.vector_load %arg10[%get3A_773, %get3A_774] {strides = array<i32>} : memref<16x768xf32, #tpu.memory_space<vmem>>, vector<1x16xf32>,
        %get3A_776 = vector.shape_cast %get3A_775 : vector<1x16xf32> to vector<16xf32>
        %get3A_777 = arith.index_cast %scan3A_550 : i32 to index
        %get3A_778 = arith.constant 256 : index
        %get3A_779 = tpu.vector_load %arg14[%get3A_777, %get3A_778] {strides = array<i32>} : memref<16x768xf32, #tpu.memory_space<vmem>>, vector<1x16xf32>,
        %get3A_780 = vector.shape_cast %get3A_779 : vector<1x16xf32> to vector<16xf32>
        %add3A_781 = arith.addf %get3A_776, %get3A_780 : vector<16xf32>
        %swap3A_782 = arith.index_cast %scan3A_550 : i32 to index
        %swap3A_783 = arith.constant 256 : index
        %swap3A_784 = tpu.vector_load %arg10[%swap3A_782, %swap3A_783] {strides = array<i32>} : memref<16x768xf32, #tpu.memory_space<vmem>>, vector<1x16xf32>,
        %swap3A_785 = vector.shape_cast %swap3A_784 : vector<1x16xf32> to vector<16xf32>
        %swap3A_786 = vector.shape_cast %add3A_781 : vector<16xf32> to vector<1x16xf32>
        tpu.vector_store %arg10[%swap3A_782, %swap3A_783], %swap3A_786 {strides = array<i32>} : memref<16x768xf32, #tpu.memory_space<vmem>>, vector<1x16xf32>,
        %get3A_787 = arith.index_cast %scan3A_550 : i32 to index
        %get3A_788 = arith.constant 272 : index
        %get3A_789 = tpu.vector_load %arg10[%get3A_787, %get3A_788] {strides = array<i32>} : memref<16x768xf32, #tpu.memory_space<vmem>>, vector<1x16xf32>,
        %get3A_790 = vector.shape_cast %get3A_789 : vector<1x16xf32> to vector<16xf32>
        %get3A_791 = arith.index_cast %scan3A_550 : i32 to index
        %get3A_792 = arith.constant 272 : index
        %get3A_793 = tpu.vector_load %arg14[%get3A_791, %get3A_792] {strides = array<i32>} : memref<16x768xf32, #tpu.memory_space<vmem>>, vector<1x16xf32>,
        %get3A_794 = vector.shape_cast %get3A_793 : vector<1x16xf32> to vector<16xf32>
        %add3A_795 = arith.addf %get3A_790, %get3A_794 : vector<16xf32>
        %swap3A_796 = arith.index_cast %scan3A_550 : i32 to index
        %swap3A_797 = arith.constant 272 : index
        %swap3A_798 = tpu.vector_load %arg10[%swap3A_796, %swap3A_797] {strides = array<i32>} : memref<16x768xf32, #tpu.memory_space<vmem>>, vector<1x16xf32>,
        %swap3A_799 = vector.shape_cast %swap3A_798 : vector<1x16xf32> to vector<16xf32>
        %swap3A_800 = vector.shape_cast %add3A_795 : vector<16xf32> to vector<1x16xf32>
        tpu.vector_store %arg10[%swap3A_796, %swap3A_797], %swap3A_800 {strides = array<i32>} : memref<16x768xf32, #tpu.memory_space<vmem>>, vector<1x16xf32>,
        %get3A_801 = arith.index_cast %scan3A_550 : i32 to index
        %get3A_802 = arith.constant 288 : index
        %get3A_803 = tpu.vector_load %arg10[%get3A_801, %get3A_802] {strides = array<i32>} : memref<16x768xf32, #tpu.memory_space<vmem>>, vector<1x16xf32>,
        %get3A_804 = vector.shape_cast %get3A_803 : vector<1x16xf32> to vector<16xf32>
        %get3A_805 = arith.index_cast %scan3A_550 : i32 to index
        %get3A_806 = arith.constant 288 : index
        %get3A_807 = tpu.vector_load %arg14[%get3A_805, %get3A_806] {strides = array<i32>} : memref<16x768xf32, #tpu.memory_space<vmem>>, vector<1x16xf32>,
        %get3A_808 = vector.shape_cast %get3A_807 : vector<1x16xf32> to vector<16xf32>
        %add3A_809 = arith.addf %get3A_804, %get3A_808 : vector<16xf32>
        %swap3A_810 = arith.index_cast %scan3A_550 : i32 to index
        %swap3A_811 = arith.constant 288 : index
        %swap3A_812 = tpu.vector_load %arg10[%swap3A_810, %swap3A_811] {strides = array<i32>} : memref<16x768xf32, #tpu.memory_space<vmem>>, vector<1x16xf32>,
        %swap3A_813 = vector.shape_cast %swap3A_812 : vector<1x16xf32> to vector<16xf32>
        %swap3A_814 = vector.shape_cast %add3A_809 : vector<16xf32> to vector<1x16xf32>
        tpu.vector_store %arg10[%swap3A_810, %swap3A_811], %swap3A_814 {strides = array<i32>} : memref<16x768xf32, #tpu.memory_space<vmem>>, vector<1x16xf32>,
        %get3A_815 = arith.index_cast %scan3A_550 : i32 to index
        %get3A_816 = arith.constant 304 : index
        %get3A_817 = tpu.vector_load %arg10[%get3A_815, %get3A_816] {strides = array<i32>} : memref<16x768xf32, #tpu.memory_space<vmem>>, vector<1x16xf32>,
        %get3A_818 = vector.shape_cast %get3A_817 : vector<1x16xf32> to vector<16xf32>
        %get3A_819 = arith.index_cast %scan3A_550 : i32 to index
        %get3A_820 = arith.constant 304 : index
        %get3A_821 = tpu.vector_load %arg14[%get3A_819, %get3A_820] {strides = array<i32>} : memref<16x768xf32, #tpu.memory_space<vmem>>, vector<1x16xf32>,
        %get3A_822 = vector.shape_cast %get3A_821 : vector<1x16xf32> to vector<16xf32>
        %add3A_823 = arith.addf %get3A_818, %get3A_822 : vector<16xf32>
        %swap3A_824 = arith.index_cast %scan3A_550 : i32 to index
        %swap3A_825 = arith.constant 304 : index
        %swap3A_826 = tpu.vector_load %arg10[%swap3A_824, %swap3A_825] {strides = array<i32>} : memref<16x768xf32, #tpu.memory_space<vmem>>, vector<1x16xf32>,
        %swap3A_827 = vector.shape_cast %swap3A_826 : vector<1x16xf32> to vector<16xf32>
        %swap3A_828 = vector.shape_cast %add3A_823 : vector<16xf32> to vector<1x16xf32>
        tpu.vector_store %arg10[%swap3A_824, %swap3A_825], %swap3A_828 {strides = array<i32>} : memref<16x768xf32, #tpu.memory_space<vmem>>, vector<1x16xf32>,
        %get3A_829 = arith.index_cast %scan3A_550 : i32 to index
        %get3A_830 = arith.constant 320 : index
        %get3A_831 = tpu.vector_load %arg10[%get3A_829, %get3A_830] {strides = array<i32>} : memref<16x768xf32, #tpu.memory_space<vmem>>, vector<1x16xf32>,
        %get3A_832 = vector.shape_cast %get3A_831 : vector<1x16xf32> to vector<16xf32>
        %get3A_833 = arith.index_cast %scan3A_550 : i32 to index
        %get3A_834 = arith.constant 320 : index
        %get3A_835 = tpu.vector_load %arg14[%get3A_833, %get3A_834] {strides = array<i32>} : memref<16x768xf32, #tpu.memory_space<vmem>>, vector<1x16xf32>,
        %get3A_836 = vector.shape_cast %get3A_835 : vector<1x16xf32> to vector<16xf32>
        %add3A_837 = arith.addf %get3A_832, %get3A_836 : vector<16xf32>
        %swap3A_838 = arith.index_cast %scan3A_550 : i32 to index
        %swap3A_839 = arith.constant 320 : index
        %swap3A_840 = tpu.vector_load %arg10[%swap3A_838, %swap3A_839] {strides = array<i32>} : memref<16x768xf32, #tpu.memory_space<vmem>>, vector<1x16xf32>,
        %swap3A_841 = vector.shape_cast %swap3A_840 : vector<1x16xf32> to vector<16xf32>
        %swap3A_842 = vector.shape_cast %add3A_837 : vector<16xf32> to vector<1x16xf32>
        tpu.vector_store %arg10[%swap3A_838, %swap3A_839], %swap3A_842 {strides = array<i32>} : memref<16x768xf32, #tpu.memory_space<vmem>>, vector<1x16xf32>,
        %get3A_843 = arith.index_cast %scan3A_550 : i32 to index
        %get3A_844 = arith.constant 336 : index
        %get3A_845 = tpu.vector_load %arg10[%get3A_843, %get3A_844] {strides = array<i32>} : memref<16x768xf32, #tpu.memory_space<vmem>>, vector<1x16xf32>,
        %get3A_846 = vector.shape_cast %get3A_845 : vector<1x16xf32> to vector<16xf32>
        %get3A_847 = arith.index_cast %scan3A_550 : i32 to index
        %get3A_848 = arith.constant 336 : index
        %get3A_849 = tpu.vector_load %arg14[%get3A_847, %get3A_848] {strides = array<i32>} : memref<16x768xf32, #tpu.memory_space<vmem>>, vector<1x16xf32>,
        %get3A_850 = vector.shape_cast %get3A_849 : vector<1x16xf32> to vector<16xf32>
        %add3A_851 = arith.addf %get3A_846, %get3A_850 : vector<16xf32>
        %swap3A_852 = arith.index_cast %scan3A_550 : i32 to index
        %swap3A_853 = arith.constant 336 : index
        %swap3A_854 = tpu.vector_load %arg10[%swap3A_852, %swap3A_853] {strides = array<i32>} : memref<16x768xf32, #tpu.memory_space<vmem>>, vector<1x16xf32>,
        %swap3A_855 = vector.shape_cast %swap3A_854 : vector<1x16xf32> to vector<16xf32>
        %swap3A_856 = vector.shape_cast %add3A_851 : vector<16xf32> to vector<1x16xf32>
        tpu.vector_store %arg10[%swap3A_852, %swap3A_853], %swap3A_856 {strides = array<i32>} : memref<16x768xf32, #tpu.memory_space<vmem>>, vector<1x16xf32>,
        %get3A_857 = arith.index_cast %scan3A_550 : i32 to index
        %get3A_858 = arith.constant 352 : index
        %get3A_859 = tpu.vector_load %arg10[%get3A_857, %get3A_858] {strides = array<i32>} : memref<16x768xf32, #tpu.memory_space<vmem>>, vector<1x16xf32>,
        %get3A_860 = vector.shape_cast %get3A_859 : vector<1x16xf32> to vector<16xf32>
        %get3A_861 = arith.index_cast %scan3A_550 : i32 to index
        %get3A_862 = arith.constant 352 : index
        %get3A_863 = tpu.vector_load %arg14[%get3A_861, %get3A_862] {strides = array<i32>} : memref<16x768xf32, #tpu.memory_space<vmem>>, vector<1x16xf32>,
        %get3A_864 = vector.shape_cast %get3A_863 : vector<1x16xf32> to vector<16xf32>
        %add3A_865 = arith.addf %get3A_860, %get3A_864 : vector<16xf32>
        %swap3A_866 = arith.index_cast %scan3A_550 : i32 to index
        %swap3A_867 = arith.constant 352 : index
        %swap3A_868 = tpu.vector_load %arg10[%swap3A_866, %swap3A_867] {strides = array<i32>} : memref<16x768xf32, #tpu.memory_space<vmem>>, vector<1x16xf32>,
        %swap3A_869 = vector.shape_cast %swap3A_868 : vector<1x16xf32> to vector<16xf32>
        %swap3A_870 = vector.shape_cast %add3A_865 : vector<16xf32> to vector<1x16xf32>
        tpu.vector_store %arg10[%swap3A_866, %swap3A_867], %swap3A_870 {strides = array<i32>} : memref<16x768xf32, #tpu.memory_space<vmem>>, vector<1x16xf32>,
        %get3A_871 = arith.index_cast %scan3A_550 : i32 to index
        %get3A_872 = arith.constant 368 : index
        %get3A_873 = tpu.vector_load %arg10[%get3A_871, %get3A_872] {strides = array<i32>} : memref<16x768xf32, #tpu.memory_space<vmem>>, vector<1x16xf32>,
        %get3A_874 = vector.shape_cast %get3A_873 : vector<1x16xf32> to vector<16xf32>
        %get3A_875 = arith.index_cast %scan3A_550 : i32 to index
        %get3A_876 = arith.constant 368 : index
        %get3A_877 = tpu.vector_load %arg14[%get3A_875, %get3A_876] {strides = array<i32>} : memref<16x768xf32, #tpu.memory_space<vmem>>, vector<1x16xf32>,
        %get3A_878 = vector.shape_cast %get3A_877 : vector<1x16xf32> to vector<16xf32>
        %add3A_879 = arith.addf %get3A_874, %get3A_878 : vector<16xf32>
        %swap3A_880 = arith.index_cast %scan3A_550 : i32 to index
        %swap3A_881 = arith.constant 368 : index
        %swap3A_882 = tpu.vector_load %arg10[%swap3A_880, %swap3A_881] {strides = array<i32>} : memref<16x768xf32, #tpu.memory_space<vmem>>, vector<1x16xf32>,
        %swap3A_883 = vector.shape_cast %swap3A_882 : vector<1x16xf32> to vector<16xf32>
        %swap3A_884 = vector.shape_cast %add3A_879 : vector<16xf32> to vector<1x16xf32>
        tpu.vector_store %arg10[%swap3A_880, %swap3A_881], %swap3A_884 {strides = array<i32>} : memref<16x768xf32, #tpu.memory_space<vmem>>, vector<1x16xf32>,
        %get3A_885 = arith.index_cast %scan3A_550 : i32 to index
        %get3A_886 = arith.constant 384 : index
        %get3A_887 = tpu.vector_load %arg10[%get3A_885, %get3A_886] {strides = array<i32>} : memref<16x768xf32, #tpu.memory_space<vmem>>, vector<1x16xf32>,
        %get3A_888 = vector.shape_cast %get3A_887 : vector<1x16xf32> to vector<16xf32>
        %get3A_889 = arith.index_cast %scan3A_550 : i32 to index
        %get3A_890 = arith.constant 384 : index
        %get3A_891 = tpu.vector_load %arg14[%get3A_889, %get3A_890] {strides = array<i32>} : memref<16x768xf32, #tpu.memory_space<vmem>>, vector<1x16xf32>,
        %get3A_892 = vector.shape_cast %get3A_891 : vector<1x16xf32> to vector<16xf32>
        %add3A_893 = arith.addf %get3A_888, %get3A_892 : vector<16xf32>
        %swap3A_894 = arith.index_cast %scan3A_550 : i32 to index
        %swap3A_895 = arith.constant 384 : index
        %swap3A_896 = tpu.vector_load %arg10[%swap3A_894, %swap3A_895] {strides = array<i32>} : memref<16x768xf32, #tpu.memory_space<vmem>>, vector<1x16xf32>,
        %swap3A_897 = vector.shape_cast %swap3A_896 : vector<1x16xf32> to vector<16xf32>
        %swap3A_898 = vector.shape_cast %add3A_893 : vector<16xf32> to vector<1x16xf32>
        tpu.vector_store %arg10[%swap3A_894, %swap3A_895], %swap3A_898 {strides = array<i32>} : memref<16x768xf32, #tpu.memory_space<vmem>>, vector<1x16xf32>,
        %get3A_899 = arith.index_cast %scan3A_550 : i32 to index
        %get3A_900 = arith.constant 400 : index
        %get3A_901 = tpu.vector_load %arg10[%get3A_899, %get3A_900] {strides = array<i32>} : memref<16x768xf32, #tpu.memory_space<vmem>>, vector<1x16xf32>,
        %get3A_902 = vector.shape_cast %get3A_901 : vector<1x16xf32> to vector<16xf32>
        %get3A_903 = arith.index_cast %scan3A_550 : i32 to index
        %get3A_904 = arith.constant 400 : index
        %get3A_905 = tpu.vector_load %arg14[%get3A_903, %get3A_904] {strides = array<i32>} : memref<16x768xf32, #tpu.memory_space<vmem>>, vector<1x16xf32>,
        %get3A_906 = vector.shape_cast %get3A_905 : vector<1x16xf32> to vector<16xf32>
        %add3A_907 = arith.addf %get3A_902, %get3A_906 : vector<16xf32>
        %swap3A_908 = arith.index_cast %scan3A_550 : i32 to index
        %swap3A_909 = arith.constant 400 : index
        %swap3A_910 = tpu.vector_load %arg10[%swap3A_908, %swap3A_909] {strides = array<i32>} : memref<16x768xf32, #tpu.memory_space<vmem>>, vector<1x16xf32>,
        %swap3A_911 = vector.shape_cast %swap3A_910 : vector<1x16xf32> to vector<16xf32>
        %swap3A_912 = vector.shape_cast %add3A_907 : vector<16xf32> to vector<1x16xf32>
        tpu.vector_store %arg10[%swap3A_908, %swap3A_909], %swap3A_912 {strides = array<i32>} : memref<16x768xf32, #tpu.memory_space<vmem>>, vector<1x16xf32>,
        %get3A_913 = arith.index_cast %scan3A_550 : i32 to index
        %get3A_914 = arith.constant 416 : index
        %get3A_915 = tpu.vector_load %arg10[%get3A_913, %get3A_914] {strides = array<i32>} : memref<16x768xf32, #tpu.memory_space<vmem>>, vector<1x16xf32>,
        %get3A_916 = vector.shape_cast %get3A_915 : vector<1x16xf32> to vector<16xf32>
        %get3A_917 = arith.index_cast %scan3A_550 : i32 to index
        %get3A_918 = arith.constant 416 : index
        %get3A_919 = tpu.vector_load %arg14[%get3A_917, %get3A_918] {strides = array<i32>} : memref<16x768xf32, #tpu.memory_space<vmem>>, vector<1x16xf32>,
        %get3A_920 = vector.shape_cast %get3A_919 : vector<1x16xf32> to vector<16xf32>
        %add3A_921 = arith.addf %get3A_916, %get3A_920 : vector<16xf32>
        %swap3A_922 = arith.index_cast %scan3A_550 : i32 to index
        %swap3A_923 = arith.constant 416 : index
        %swap3A_924 = tpu.vector_load %arg10[%swap3A_922, %swap3A_923] {strides = array<i32>} : memref<16x768xf32, #tpu.memory_space<vmem>>, vector<1x16xf32>,
        %swap3A_925 = vector.shape_cast %swap3A_924 : vector<1x16xf32> to vector<16xf32>
        %swap3A_926 = vector.shape_cast %add3A_921 : vector<16xf32> to vector<1x16xf32>
        tpu.vector_store %arg10[%swap3A_922, %swap3A_923], %swap3A_926 {strides = array<i32>} : memref<16x768xf32, #tpu.memory_space<vmem>>, vector<1x16xf32>,
        %get3A_927 = arith.index_cast %scan3A_550 : i32 to index
        %get3A_928 = arith.constant 432 : index
        %get3A_929 = tpu.vector_load %arg10[%get3A_927, %get3A_928] {strides = array<i32>} : memref<16x768xf32, #tpu.memory_space<vmem>>, vector<1x16xf32>,
        %get3A_930 = vector.shape_cast %get3A_929 : vector<1x16xf32> to vector<16xf32>
        %get3A_931 = arith.index_cast %scan3A_550 : i32 to index
        %get3A_932 = arith.constant 432 : index
        %get3A_933 = tpu.vector_load %arg14[%get3A_931, %get3A_932] {strides = array<i32>} : memref<16x768xf32, #tpu.memory_space<vmem>>, vector<1x16xf32>,
        %get3A_934 = vector.shape_cast %get3A_933 : vector<1x16xf32> to vector<16xf32>
        %add3A_935 = arith.addf %get3A_930, %get3A_934 : vector<16xf32>
        %swap3A_936 = arith.index_cast %scan3A_550 : i32 to index
        %swap3A_937 = arith.constant 432 : index
        %swap3A_938 = tpu.vector_load %arg10[%swap3A_936, %swap3A_937] {strides = array<i32>} : memref<16x768xf32, #tpu.memory_space<vmem>>, vector<1x16xf32>,
        %swap3A_939 = vector.shape_cast %swap3A_938 : vector<1x16xf32> to vector<16xf32>
        %swap3A_940 = vector.shape_cast %add3A_935 : vector<16xf32> to vector<1x16xf32>
        tpu.vector_store %arg10[%swap3A_936, %swap3A_937], %swap3A_940 {strides = array<i32>} : memref<16x768xf32, #tpu.memory_space<vmem>>, vector<1x16xf32>,
        %get3A_941 = arith.index_cast %scan3A_550 : i32 to index
        %get3A_942 = arith.constant 448 : index
        %get3A_943 = tpu.vector_load %arg10[%get3A_941, %get3A_942] {strides = array<i32>} : memref<16x768xf32, #tpu.memory_space<vmem>>, vector<1x16xf32>,
        %get3A_944 = vector.shape_cast %get3A_943 : vector<1x16xf32> to vector<16xf32>
        %get3A_945 = arith.index_cast %scan3A_550 : i32 to index
        %get3A_946 = arith.constant 448 : index
        %get3A_947 = tpu.vector_load %arg14[%get3A_945, %get3A_946] {strides = array<i32>} : memref<16x768xf32, #tpu.memory_space<vmem>>, vector<1x16xf32>,
        %get3A_948 = vector.shape_cast %get3A_947 : vector<1x16xf32> to vector<16xf32>
        %add3A_949 = arith.addf %get3A_944, %get3A_948 : vector<16xf32>
        %swap3A_950 = arith.index_cast %scan3A_550 : i32 to index
        %swap3A_951 = arith.constant 448 : index
        %swap3A_952 = tpu.vector_load %arg10[%swap3A_950, %swap3A_951] {strides = array<i32>} : memref<16x768xf32, #tpu.memory_space<vmem>>, vector<1x16xf32>,
        %swap3A_953 = vector.shape_cast %swap3A_952 : vector<1x16xf32> to vector<16xf32>
        %swap3A_954 = vector.shape_cast %add3A_949 : vector<16xf32> to vector<1x16xf32>
        tpu.vector_store %arg10[%swap3A_950, %swap3A_951], %swap3A_954 {strides = array<i32>} : memref<16x768xf32, #tpu.memory_space<vmem>>, vector<1x16xf32>,
        %get3A_955 = arith.index_cast %scan3A_550 : i32 to index
        %get3A_956 = arith.constant 464 : index
        %get3A_957 = tpu.vector_load %arg10[%get3A_955, %get3A_956] {strides = array<i32>} : memref<16x768xf32, #tpu.memory_space<vmem>>, vector<1x16xf32>,
        %get3A_958 = vector.shape_cast %get3A_957 : vector<1x16xf32> to vector<16xf32>
        %get3A_959 = arith.index_cast %scan3A_550 : i32 to index
        %get3A_960 = arith.constant 464 : index
        %get3A_961 = tpu.vector_load %arg14[%get3A_959, %get3A_960] {strides = array<i32>} : memref<16x768xf32, #tpu.memory_space<vmem>>, vector<1x16xf32>,
        %get3A_962 = vector.shape_cast %get3A_961 : vector<1x16xf32> to vector<16xf32>
        %add3A_963 = arith.addf %get3A_958, %get3A_962 : vector<16xf32>
        %swap3A_964 = arith.index_cast %scan3A_550 : i32 to index
        %swap3A_965 = arith.constant 464 : index
        %swap3A_966 = tpu.vector_load %arg10[%swap3A_964, %swap3A_965] {strides = array<i32>} : memref<16x768xf32, #tpu.memory_space<vmem>>, vector<1x16xf32>,
        %swap3A_967 = vector.shape_cast %swap3A_966 : vector<1x16xf32> to vector<16xf32>
        %swap3A_968 = vector.shape_cast %add3A_963 : vector<16xf32> to vector<1x16xf32>
        tpu.vector_store %arg10[%swap3A_964, %swap3A_965], %swap3A_968 {strides = array<i32>} : memref<16x768xf32, #tpu.memory_space<vmem>>, vector<1x16xf32>,
        %get3A_969 = arith.index_cast %scan3A_550 : i32 to index
        %get3A_970 = arith.constant 480 : index
        %get3A_971 = tpu.vector_load %arg10[%get3A_969, %get3A_970] {strides = array<i32>} : memref<16x768xf32, #tpu.memory_space<vmem>>, vector<1x16xf32>,
        %get3A_972 = vector.shape_cast %get3A_971 : vector<1x16xf32> to vector<16xf32>
        %get3A_973 = arith.index_cast %scan3A_550 : i32 to index
        %get3A_974 = arith.constant 480 : index
        %get3A_975 = tpu.vector_load %arg14[%get3A_973, %get3A_974] {strides = array<i32>} : memref<16x768xf32, #tpu.memory_space<vmem>>, vector<1x16xf32>,
        %get3A_976 = vector.shape_cast %get3A_975 : vector<1x16xf32> to vector<16xf32>
        %add3A_977 = arith.addf %get3A_972, %get3A_976 : vector<16xf32>
        %swap3A_978 = arith.index_cast %scan3A_550 : i32 to index
        %swap3A_979 = arith.constant 480 : index
        %swap3A_980 = tpu.vector_load %arg10[%swap3A_978, %swap3A_979] {strides = array<i32>} : memref<16x768xf32, #tpu.memory_space<vmem>>, vector<1x16xf32>,
        %swap3A_981 = vector.shape_cast %swap3A_980 : vector<1x16xf32> to vector<16xf32>
        %swap3A_982 = vector.shape_cast %add3A_977 : vector<16xf32> to vector<1x16xf32>
        tpu.vector_store %arg10[%swap3A_978, %swap3A_979], %swap3A_982 {strides = array<i32>} : memref<16x768xf32, #tpu.memory_space<vmem>>, vector<1x16xf32>,
        %get3A_983 = arith.index_cast %scan3A_550 : i32 to index
        %get3A_984 = arith.constant 496 : index
        %get3A_985 = tpu.vector_load %arg10[%get3A_983, %get3A_984] {strides = array<i32>} : memref<16x768xf32, #tpu.memory_space<vmem>>, vector<1x16xf32>,
        %get3A_986 = vector.shape_cast %get3A_985 : vector<1x16xf32> to vector<16xf32>
        %get3A_987 = arith.index_cast %scan3A_550 : i32 to index
        %get3A_988 = arith.constant 496 : index
        %get3A_989 = tpu.vector_load %arg14[%get3A_987, %get3A_988] {strides = array<i32>} : memref<16x768xf32, #tpu.memory_space<vmem>>, vector<1x16xf32>,
        %get3A_990 = vector.shape_cast %get3A_989 : vector<1x16xf32> to vector<16xf32>
        %add3A_991 = arith.addf %get3A_986, %get3A_990 : vector<16xf32>
        %swap3A_992 = arith.index_cast %scan3A_550 : i32 to index
        %swap3A_993 = arith.constant 496 : index
        %swap3A_994 = tpu.vector_load %arg10[%swap3A_992, %swap3A_993] {strides = array<i32>} : memref<16x768xf32, #tpu.memory_space<vmem>>, vector<1x16xf32>,
        %swap3A_995 = vector.shape_cast %swap3A_994 : vector<1x16xf32> to vector<16xf32>
        %swap3A_996 = vector.shape_cast %add3A_991 : vector<16xf32> to vector<1x16xf32>
        tpu.vector_store %arg10[%swap3A_992, %swap3A_993], %swap3A_996 {strides = array<i32>} : memref<16x768xf32, #tpu.memory_space<vmem>>, vector<1x16xf32>,
        %get3A_997 = arith.index_cast %scan3A_550 : i32 to index
        %get3A_998 = arith.constant 512 : index
        %get3A_999 = tpu.vector_load %arg10[%get3A_997, %get3A_998] {strides = array<i32>} : memref<16x768xf32, #tpu.memory_space<vmem>>, vector<1x16xf32>,
        %get3A_1000 = vector.shape_cast %get3A_999 : vector<1x16xf32> to vector<16xf32>
        %get3A_1001 = arith.index_cast %scan3A_550 : i32 to index
        %get3A_1002 = arith.constant 512 : index
        %get3A_1003 = tpu.vector_load %arg14[%get3A_1001, %get3A_1002] {strides = array<i32>} : memref<16x768xf32, #tpu.memory_space<vmem>>, vector<1x16xf32>,
        %get3A_1004 = vector.shape_cast %get3A_1003 : vector<1x16xf32> to vector<16xf32>
        %add3A_1005 = arith.addf %get3A_1000, %get3A_1004 : vector<16xf32>
        %swap3A_1006 = arith.index_cast %scan3A_550 : i32 to index
        %swap3A_1007 = arith.constant 512 : index
        %swap3A_1008 = tpu.vector_load %arg10[%swap3A_1006, %swap3A_1007] {strides = array<i32>} : memref<16x768xf32, #tpu.memory_space<vmem>>, vector<1x16xf32>,
        %swap3A_1009 = vector.shape_cast %swap3A_1008 : vector<1x16xf32> to vector<16xf32>
        %swap3A_1010 = vector.shape_cast %add3A_1005 : vector<16xf32> to vector<1x16xf32>
        tpu.vector_store %arg10[%swap3A_1006, %swap3A_1007], %swap3A_1010 {strides = array<i32>} : memref<16x768xf32, #tpu.memory_space<vmem>>, vector<1x16xf32>,
        %get3A_1011 = arith.index_cast %scan3A_550 : i32 to index
        %get3A_1012 = arith.constant 528 : index
        %get3A_1013 = tpu.vector_load %arg10[%get3A_1011, %get3A_1012] {strides = array<i32>} : memref<16x768xf32, #tpu.memory_space<vmem>>, vector<1x16xf32>,
        %get3A_1014 = vector.shape_cast %get3A_1013 : vector<1x16xf32> to vector<16xf32>
        %get3A_1015 = arith.index_cast %scan3A_550 : i32 to index
        %get3A_1016 = arith.constant 528 : index
        %get3A_1017 = tpu.vector_load %arg14[%get3A_1015, %get3A_1016] {strides = array<i32>} : memref<16x768xf32, #tpu.memory_space<vmem>>, vector<1x16xf32>,
        %get3A_1018 = vector.shape_cast %get3A_1017 : vector<1x16xf32> to vector<16xf32>
        %add3A_1019 = arith.addf %get3A_1014, %get3A_1018 : vector<16xf32>
        %swap3A_1020 = arith.index_cast %scan3A_550 : i32 to index
        %swap3A_1021 = arith.constant 528 : index
        %swap3A_1022 = tpu.vector_load %arg10[%swap3A_1020, %swap3A_1021] {strides = array<i32>} : memref<16x768xf32, #tpu.memory_space<vmem>>, vector<1x16xf32>,
        %swap3A_1023 = vector.shape_cast %swap3A_1022 : vector<1x16xf32> to vector<16xf32>
        %swap3A_1024 = vector.shape_cast %add3A_1019 : vector<16xf32> to vector<1x16xf32>
        tpu.vector_store %arg10[%swap3A_1020, %swap3A_1021], %swap3A_1024 {strides = array<i32>} : memref<16x768xf32, #tpu.memory_space<vmem>>, vector<1x16xf32>,
        %get3A_1025 = arith.index_cast %scan3A_550 : i32 to index
        %get3A_1026 = arith.constant 544 : index
        %get3A_1027 = tpu.vector_load %arg10[%get3A_1025, %get3A_1026] {strides = array<i32>} : memref<16x768xf32, #tpu.memory_space<vmem>>, vector<1x16xf32>,
        %get3A_1028 = vector.shape_cast %get3A_1027 : vector<1x16xf32> to vector<16xf32>
        %get3A_1029 = arith.index_cast %scan3A_550 : i32 to index
        %get3A_1030 = arith.constant 544 : index
        %get3A_1031 = tpu.vector_load %arg14[%get3A_1029, %get3A_1030] {strides = array<i32>} : memref<16x768xf32, #tpu.memory_space<vmem>>, vector<1x16xf32>,
        %get3A_1032 = vector.shape_cast %get3A_1031 : vector<1x16xf32> to vector<16xf32>
        %add3A_1033 = arith.addf %get3A_1028, %get3A_1032 : vector<16xf32>
        %swap3A_1034 = arith.index_cast %scan3A_550 : i32 to index
        %swap3A_1035 = arith.constant 544 : index
        %swap3A_1036 = tpu.vector_load %arg10[%swap3A_1034, %swap3A_1035] {strides = array<i32>} : memref<16x768xf32, #tpu.memory_space<vmem>>, vector<1x16xf32>,
        %swap3A_1037 = vector.shape_cast %swap3A_1036 : vector<1x16xf32> to vector<16xf32>
        %swap3A_1038 = vector.shape_cast %add3A_1033 : vector<16xf32> to vector<1x16xf32>
        tpu.vector_store %arg10[%swap3A_1034, %swap3A_1035], %swap3A_1038 {strides = array<i32>} : memref<16x768xf32, #tpu.memory_space<vmem>>, vector<1x16xf32>,
        %get3A_1039 = arith.index_cast %scan3A_550 : i32 to index
        %get3A_1040 = arith.constant 560 : index
        %get3A_1041 = tpu.vector_load %arg10[%get3A_1039, %get3A_1040] {strides = array<i32>} : memref<16x768xf32, #tpu.memory_space<vmem>>, vector<1x16xf32>,
        %get3A_1042 = vector.shape_cast %get3A_1041 : vector<1x16xf32> to vector<16xf32>
        %get3A_1043 = arith.index_cast %scan3A_550 : i32 to index
        %get3A_1044 = arith.constant 560 : index
        %get3A_1045 = tpu.vector_load %arg14[%get3A_1043, %get3A_1044] {strides = array<i32>} : memref<16x768xf32, #tpu.memory_space<vmem>>, vector<1x16xf32>,
        %get3A_1046 = vector.shape_cast %get3A_1045 : vector<1x16xf32> to vector<16xf32>
        %add3A_1047 = arith.addf %get3A_1042, %get3A_1046 : vector<16xf32>
        %swap3A_1048 = arith.index_cast %scan3A_550 : i32 to index
        %swap3A_1049 = arith.constant 560 : index
        %swap3A_1050 = tpu.vector_load %arg10[%swap3A_1048, %swap3A_1049] {strides = array<i32>} : memref<16x768xf32, #tpu.memory_space<vmem>>, vector<1x16xf32>,
        %swap3A_1051 = vector.shape_cast %swap3A_1050 : vector<1x16xf32> to vector<16xf32>
        %swap3A_1052 = vector.shape_cast %add3A_1047 : vector<16xf32> to vector<1x16xf32>
        tpu.vector_store %arg10[%swap3A_1048, %swap3A_1049], %swap3A_1052 {strides = array<i32>} : memref<16x768xf32, #tpu.memory_space<vmem>>, vector<1x16xf32>,
        %get3A_1053 = arith.index_cast %scan3A_550 : i32 to index
        %get3A_1054 = arith.constant 576 : index
        %get3A_1055 = tpu.vector_load %arg10[%get3A_1053, %get3A_1054] {strides = array<i32>} : memref<16x768xf32, #tpu.memory_space<vmem>>, vector<1x16xf32>,
        %get3A_1056 = vector.shape_cast %get3A_1055 : vector<1x16xf32> to vector<16xf32>
        %get3A_1057 = arith.index_cast %scan3A_550 : i32 to index
        %get3A_1058 = arith.constant 576 : index
        %get3A_1059 = tpu.vector_load %arg14[%get3A_1057, %get3A_1058] {strides = array<i32>} : memref<16x768xf32, #tpu.memory_space<vmem>>, vector<1x16xf32>,
        %get3A_1060 = vector.shape_cast %get3A_1059 : vector<1x16xf32> to vector<16xf32>
        %add3A_1061 = arith.addf %get3A_1056, %get3A_1060 : vector<16xf32>
        %swap3A_1062 = arith.index_cast %scan3A_550 : i32 to index
        %swap3A_1063 = arith.constant 576 : index
        %swap3A_1064 = tpu.vector_load %arg10[%swap3A_1062, %swap3A_1063] {strides = array<i32>} : memref<16x768xf32, #tpu.memory_space<vmem>>, vector<1x16xf32>,
        %swap3A_1065 = vector.shape_cast %swap3A_1064 : vector<1x16xf32> to vector<16xf32>
        %swap3A_1066 = vector.shape_cast %add3A_1061 : vector<16xf32> to vector<1x16xf32>
        tpu.vector_store %arg10[%swap3A_1062, %swap3A_1063], %swap3A_1066 {strides = array<i32>} : memref<16x768xf32, #tpu.memory_space<vmem>>, vector<1x16xf32>,
        %get3A_1067 = arith.index_cast %scan3A_550 : i32 to index
        %get3A_1068 = arith.constant 592 : index
        %get3A_1069 = tpu.vector_load %arg10[%get3A_1067, %get3A_1068] {strides = array<i32>} : memref<16x768xf32, #tpu.memory_space<vmem>>, vector<1x16xf32>,
        %get3A_1070 = vector.shape_cast %get3A_1069 : vector<1x16xf32> to vector<16xf32>
        %get3A_1071 = arith.index_cast %scan3A_550 : i32 to index
        %get3A_1072 = arith.constant 592 : index
        %get3A_1073 = tpu.vector_load %arg14[%get3A_1071, %get3A_1072] {strides = array<i32>} : memref<16x768xf32, #tpu.memory_space<vmem>>, vector<1x16xf32>,
        %get3A_1074 = vector.shape_cast %get3A_1073 : vector<1x16xf32> to vector<16xf32>
        %add3A_1075 = arith.addf %get3A_1070, %get3A_1074 : vector<16xf32>
        %swap3A_1076 = arith.index_cast %scan3A_550 : i32 to index
        %swap3A_1077 = arith.constant 592 : index
        %swap3A_1078 = tpu.vector_load %arg10[%swap3A_1076, %swap3A_1077] {strides = array<i32>} : memref<16x768xf32, #tpu.memory_space<vmem>>, vector<1x16xf32>,
        %swap3A_1079 = vector.shape_cast %swap3A_1078 : vector<1x16xf32> to vector<16xf32>
        %swap3A_1080 = vector.shape_cast %add3A_1075 : vector<16xf32> to vector<1x16xf32>
        tpu.vector_store %arg10[%swap3A_1076, %swap3A_1077], %swap3A_1080 {strides = array<i32>} : memref<16x768xf32, #tpu.memory_space<vmem>>, vector<1x16xf32>,
        %get3A_1081 = arith.index_cast %scan3A_550 : i32 to index
        %get3A_1082 = arith.constant 608 : index
        %get3A_1083 = tpu.vector_load %arg10[%get3A_1081, %get3A_1082] {strides = array<i32>} : memref<16x768xf32, #tpu.memory_space<vmem>>, vector<1x16xf32>,
        %get3A_1084 = vector.shape_cast %get3A_1083 : vector<1x16xf32> to vector<16xf32>
        %get3A_1085 = arith.index_cast %scan3A_550 : i32 to index
        %get3A_1086 = arith.constant 608 : index
        %get3A_1087 = tpu.vector_load %arg14[%get3A_1085, %get3A_1086] {strides = array<i32>} : memref<16x768xf32, #tpu.memory_space<vmem>>, vector<1x16xf32>,
        %get3A_1088 = vector.shape_cast %get3A_1087 : vector<1x16xf32> to vector<16xf32>
        %add3A_1089 = arith.addf %get3A_1084, %get3A_1088 : vector<16xf32>
        %swap3A_1090 = arith.index_cast %scan3A_550 : i32 to index
        %swap3A_1091 = arith.constant 608 : index
        %swap3A_1092 = tpu.vector_load %arg10[%swap3A_1090, %swap3A_1091] {strides = array<i32>} : memref<16x768xf32, #tpu.memory_space<vmem>>, vector<1x16xf32>,
        %swap3A_1093 = vector.shape_cast %swap3A_1092 : vector<1x16xf32> to vector<16xf32>
        %swap3A_1094 = vector.shape_cast %add3A_1089 : vector<16xf32> to vector<1x16xf32>
        tpu.vector_store %arg10[%swap3A_1090, %swap3A_1091], %swap3A_1094 {strides = array<i32>} : memref<16x768xf32, #tpu.memory_space<vmem>>, vector<1x16xf32>,
        %get3A_1095 = arith.index_cast %scan3A_550 : i32 to index
        %get3A_1096 = arith.constant 624 : index
        %get3A_1097 = tpu.vector_load %arg10[%get3A_1095, %get3A_1096] {strides = array<i32>} : memref<16x768xf32, #tpu.memory_space<vmem>>, vector<1x16xf32>,
        %get3A_1098 = vector.shape_cast %get3A_1097 : vector<1x16xf32> to vector<16xf32>
        %get3A_1099 = arith.index_cast %scan3A_550 : i32 to index
        %get3A_1100 = arith.constant 624 : index
        %get3A_1101 = tpu.vector_load %arg14[%get3A_1099, %get3A_1100] {strides = array<i32>} : memref<16x768xf32, #tpu.memory_space<vmem>>, vector<1x16xf32>,
        %get3A_1102 = vector.shape_cast %get3A_1101 : vector<1x16xf32> to vector<16xf32>
        %add3A_1103 = arith.addf %get3A_1098, %get3A_1102 : vector<16xf32>
        %swap3A_1104 = arith.index_cast %scan3A_550 : i32 to index
        %swap3A_1105 = arith.constant 624 : index
        %swap3A_1106 = tpu.vector_load %arg10[%swap3A_1104, %swap3A_1105] {strides = array<i32>} : memref<16x768xf32, #tpu.memory_space<vmem>>, vector<1x16xf32>,
        %swap3A_1107 = vector.shape_cast %swap3A_1106 : vector<1x16xf32> to vector<16xf32>
        %swap3A_1108 = vector.shape_cast %add3A_1103 : vector<16xf32> to vector<1x16xf32>
        tpu.vector_store %arg10[%swap3A_1104, %swap3A_1105], %swap3A_1108 {strides = array<i32>} : memref<16x768xf32, #tpu.memory_space<vmem>>, vector<1x16xf32>,
        %get3A_1109 = arith.index_cast %scan3A_550 : i32 to index
        %get3A_1110 = arith.constant 640 : index
        %get3A_1111 = tpu.vector_load %arg10[%get3A_1109, %get3A_1110] {strides = array<i32>} : memref<16x768xf32, #tpu.memory_space<vmem>>, vector<1x16xf32>,
        %get3A_1112 = vector.shape_cast %get3A_1111 : vector<1x16xf32> to vector<16xf32>
        %get3A_1113 = arith.index_cast %scan3A_550 : i32 to index
        %get3A_1114 = arith.constant 640 : index
        %get3A_1115 = tpu.vector_load %arg14[%get3A_1113, %get3A_1114] {strides = array<i32>} : memref<16x768xf32, #tpu.memory_space<vmem>>, vector<1x16xf32>,
        %get3A_1116 = vector.shape_cast %get3A_1115 : vector<1x16xf32> to vector<16xf32>
        %add3A_1117 = arith.addf %get3A_1112, %get3A_1116 : vector<16xf32>
        %swap3A_1118 = arith.index_cast %scan3A_550 : i32 to index
        %swap3A_1119 = arith.constant 640 : index
        %swap3A_1120 = tpu.vector_load %arg10[%swap3A_1118, %swap3A_1119] {strides = array<i32>} : memref<16x768xf32, #tpu.memory_space<vmem>>, vector<1x16xf32>,
        %swap3A_1121 = vector.shape_cast %swap3A_1120 : vector<1x16xf32> to vector<16xf32>
        %swap3A_1122 = vector.shape_cast %add3A_1117 : vector<16xf32> to vector<1x16xf32>
        tpu.vector_store %arg10[%swap3A_1118, %swap3A_1119], %swap3A_1122 {strides = array<i32>} : memref<16x768xf32, #tpu.memory_space<vmem>>, vector<1x16xf32>,
        %get3A_1123 = arith.index_cast %scan3A_550 : i32 to index
        %get3A_1124 = arith.constant 656 : index
        %get3A_1125 = tpu.vector_load %arg10[%get3A_1123, %get3A_1124] {strides = array<i32>} : memref<16x768xf32, #tpu.memory_space<vmem>>, vector<1x16xf32>,
        %get3A_1126 = vector.shape_cast %get3A_1125 : vector<1x16xf32> to vector<16xf32>
        %get3A_1127 = arith.index_cast %scan3A_550 : i32 to index
        %get3A_1128 = arith.constant 656 : index
        %get3A_1129 = tpu.vector_load %arg14[%get3A_1127, %get3A_1128] {strides = array<i32>} : memref<16x768xf32, #tpu.memory_space<vmem>>, vector<1x16xf32>,
        %get3A_1130 = vector.shape_cast %get3A_1129 : vector<1x16xf32> to vector<16xf32>
        %add3A_1131 = arith.addf %get3A_1126, %get3A_1130 : vector<16xf32>
        %swap3A_1132 = arith.index_cast %scan3A_550 : i32 to index
        %swap3A_1133 = arith.constant 656 : index
        %swap3A_1134 = tpu.vector_load %arg10[%swap3A_1132, %swap3A_1133] {strides = array<i32>} : memref<16x768xf32, #tpu.memory_space<vmem>>, vector<1x16xf32>,
        %swap3A_1135 = vector.shape_cast %swap3A_1134 : vector<1x16xf32> to vector<16xf32>
        %swap3A_1136 = vector.shape_cast %add3A_1131 : vector<16xf32> to vector<1x16xf32>
        tpu.vector_store %arg10[%swap3A_1132, %swap3A_1133], %swap3A_1136 {strides = array<i32>} : memref<16x768xf32, #tpu.memory_space<vmem>>, vector<1x16xf32>,
        %get3A_1137 = arith.index_cast %scan3A_550 : i32 to index
        %get3A_1138 = arith.constant 672 : index
        %get3A_1139 = tpu.vector_load %arg10[%get3A_1137, %get3A_1138] {strides = array<i32>} : memref<16x768xf32, #tpu.memory_space<vmem>>, vector<1x16xf32>,
        %get3A_1140 = vector.shape_cast %get3A_1139 : vector<1x16xf32> to vector<16xf32>
        %get3A_1141 = arith.index_cast %scan3A_550 : i32 to index
        %get3A_1142 = arith.constant 672 : index
        %get3A_1143 = tpu.vector_load %arg14[%get3A_1141, %get3A_1142] {strides = array<i32>} : memref<16x768xf32, #tpu.memory_space<vmem>>, vector<1x16xf32>,
        %get3A_1144 = vector.shape_cast %get3A_1143 : vector<1x16xf32> to vector<16xf32>
        %add3A_1145 = arith.addf %get3A_1140, %get3A_1144 : vector<16xf32>
        %swap3A_1146 = arith.index_cast %scan3A_550 : i32 to index
        %swap3A_1147 = arith.constant 672 : index
        %swap3A_1148 = tpu.vector_load %arg10[%swap3A_1146, %swap3A_1147] {strides = array<i32>} : memref<16x768xf32, #tpu.memory_space<vmem>>, vector<1x16xf32>,
        %swap3A_1149 = vector.shape_cast %swap3A_1148 : vector<1x16xf32> to vector<16xf32>
        %swap3A_1150 = vector.shape_cast %add3A_1145 : vector<16xf32> to vector<1x16xf32>
        tpu.vector_store %arg10[%swap3A_1146, %swap3A_1147], %swap3A_1150 {strides = array<i32>} : memref<16x768xf32, #tpu.memory_space<vmem>>, vector<1x16xf32>,
        %get3A_1151 = arith.index_cast %scan3A_550 : i32 to index
        %get3A_1152 = arith.constant 688 : index
        %get3A_1153 = tpu.vector_load %arg10[%get3A_1151, %get3A_1152] {strides = array<i32>} : memref<16x768xf32, #tpu.memory_space<vmem>>, vector<1x16xf32>,
        %get3A_1154 = vector.shape_cast %get3A_1153 : vector<1x16xf32> to vector<16xf32>
        %get3A_1155 = arith.index_cast %scan3A_550 : i32 to index
        %get3A_1156 = arith.constant 688 : index
        %get3A_1157 = tpu.vector_load %arg14[%get3A_1155, %get3A_1156] {strides = array<i32>} : memref<16x768xf32, #tpu.memory_space<vmem>>, vector<1x16xf32>,
        %get3A_1158 = vector.shape_cast %get3A_1157 : vector<1x16xf32> to vector<16xf32>
        %add3A_1159 = arith.addf %get3A_1154, %get3A_1158 : vector<16xf32>
        %swap3A_1160 = arith.index_cast %scan3A_550 : i32 to index
        %swap3A_1161 = arith.constant 688 : index
        %swap3A_1162 = tpu.vector_load %arg10[%swap3A_1160, %swap3A_1161] {strides = array<i32>} : memref<16x768xf32, #tpu.memory_space<vmem>>, vector<1x16xf32>,
        %swap3A_1163 = vector.shape_cast %swap3A_1162 : vector<1x16xf32> to vector<16xf32>
        %swap3A_1164 = vector.shape_cast %add3A_1159 : vector<16xf32> to vector<1x16xf32>
        tpu.vector_store %arg10[%swap3A_1160, %swap3A_1161], %swap3A_1164 {strides = array<i32>} : memref<16x768xf32, #tpu.memory_space<vmem>>, vector<1x16xf32>,
        %get3A_1165 = arith.index_cast %scan3A_550 : i32 to index
        %get3A_1166 = arith.constant 704 : index
        %get3A_1167 = tpu.vector_load %arg10[%get3A_1165, %get3A_1166] {strides = array<i32>} : memref<16x768xf32, #tpu.memory_space<vmem>>, vector<1x16xf32>,
        %get3A_1168 = vector.shape_cast %get3A_1167 : vector<1x16xf32> to vector<16xf32>
        %get3A_1169 = arith.index_cast %scan3A_550 : i32 to index
        %get3A_1170 = arith.constant 704 : index
        %get3A_1171 = tpu.vector_load %arg14[%get3A_1169, %get3A_1170] {strides = array<i32>} : memref<16x768xf32, #tpu.memory_space<vmem>>, vector<1x16xf32>,
        %get3A_1172 = vector.shape_cast %get3A_1171 : vector<1x16xf32> to vector<16xf32>
        %add3A_1173 = arith.addf %get3A_1168, %get3A_1172 : vector<16xf32>
        %swap3A_1174 = arith.index_cast %scan3A_550 : i32 to index
        %swap3A_1175 = arith.constant 704 : index
        %swap3A_1176 = tpu.vector_load %arg10[%swap3A_1174, %swap3A_1175] {strides = array<i32>} : memref<16x768xf32, #tpu.memory_space<vmem>>, vector<1x16xf32>,
        %swap3A_1177 = vector.shape_cast %swap3A_1176 : vector<1x16xf32> to vector<16xf32>
        %swap3A_1178 = vector.shape_cast %add3A_1173 : vector<16xf32> to vector<1x16xf32>
        tpu.vector_store %arg10[%swap3A_1174, %swap3A_1175], %swap3A_1178 {strides = array<i32>} : memref<16x768xf32, #tpu.memory_space<vmem>>, vector<1x16xf32>,
        %get3A_1179 = arith.index_cast %scan3A_550 : i32 to index
        %get3A_1180 = arith.constant 720 : index
        %get3A_1181 = tpu.vector_load %arg10[%get3A_1179, %get3A_1180] {strides = array<i32>} : memref<16x768xf32, #tpu.memory_space<vmem>>, vector<1x16xf32>,
        %get3A_1182 = vector.shape_cast %get3A_1181 : vector<1x16xf32> to vector<16xf32>
        %get3A_1183 = arith.index_cast %scan3A_550 : i32 to index
        %get3A_1184 = arith.constant 720 : index
        %get3A_1185 = tpu.vector_load %arg14[%get3A_1183, %get3A_1184] {strides = array<i32>} : memref<16x768xf32, #tpu.memory_space<vmem>>, vector<1x16xf32>,
        %get3A_1186 = vector.shape_cast %get3A_1185 : vector<1x16xf32> to vector<16xf32>
        %add3A_1187 = arith.addf %get3A_1182, %get3A_1186 : vector<16xf32>
        %swap3A_1188 = arith.index_cast %scan3A_550 : i32 to index
        %swap3A_1189 = arith.constant 720 : index
        %swap3A_1190 = tpu.vector_load %arg10[%swap3A_1188, %swap3A_1189] {strides = array<i32>} : memref<16x768xf32, #tpu.memory_space<vmem>>, vector<1x16xf32>,
        %swap3A_1191 = vector.shape_cast %swap3A_1190 : vector<1x16xf32> to vector<16xf32>
        %swap3A_1192 = vector.shape_cast %add3A_1187 : vector<16xf32> to vector<1x16xf32>
        tpu.vector_store %arg10[%swap3A_1188, %swap3A_1189], %swap3A_1192 {strides = array<i32>} : memref<16x768xf32, #tpu.memory_space<vmem>>, vector<1x16xf32>,
        %get3A_1193 = arith.index_cast %scan3A_550 : i32 to index
        %get3A_1194 = arith.constant 736 : index
        %get3A_1195 = tpu.vector_load %arg10[%get3A_1193, %get3A_1194] {strides = array<i32>} : memref<16x768xf32, #tpu.memory_space<vmem>>, vector<1x16xf32>,
        %get3A_1196 = vector.shape_cast %get3A_1195 : vector<1x16xf32> to vector<16xf32>
        %get3A_1197 = arith.index_cast %scan3A_550 : i32 to index
        %get3A_1198 = arith.constant 736 : index
        %get3A_1199 = tpu.vector_load %arg14[%get3A_1197, %get3A_1198] {strides = array<i32>} : memref<16x768xf32, #tpu.memory_space<vmem>>, vector<1x16xf32>,
        %get3A_1200 = vector.shape_cast %get3A_1199 : vector<1x16xf32> to vector<16xf32>
        %add3A_1201 = arith.addf %get3A_1196, %get3A_1200 : vector<16xf32>
        %swap3A_1202 = arith.index_cast %scan3A_550 : i32 to index
        %swap3A_1203 = arith.constant 736 : index
        %swap3A_1204 = tpu.vector_load %arg10[%swap3A_1202, %swap3A_1203] {strides = array<i32>} : memref<16x768xf32, #tpu.memory_space<vmem>>, vector<1x16xf32>,
        %swap3A_1205 = vector.shape_cast %swap3A_1204 : vector<1x16xf32> to vector<16xf32>
        %swap3A_1206 = vector.shape_cast %add3A_1201 : vector<16xf32> to vector<1x16xf32>
        tpu.vector_store %arg10[%swap3A_1202, %swap3A_1203], %swap3A_1206 {strides = array<i32>} : memref<16x768xf32, #tpu.memory_space<vmem>>, vector<1x16xf32>,
        %get3A_1207 = arith.index_cast %scan3A_550 : i32 to index
        %get3A_1208 = arith.constant 752 : index
        %get3A_1209 = tpu.vector_load %arg10[%get3A_1207, %get3A_1208] {strides = array<i32>} : memref<16x768xf32, #tpu.memory_space<vmem>>, vector<1x16xf32>,
        %get3A_1210 = vector.shape_cast %get3A_1209 : vector<1x16xf32> to vector<16xf32>
        %get3A_1211 = arith.index_cast %scan3A_550 : i32 to index
        %get3A_1212 = arith.constant 752 : index
        %get3A_1213 = tpu.vector_load %arg14[%get3A_1211, %get3A_1212] {strides = array<i32>} : memref<16x768xf32, #tpu.memory_space<vmem>>, vector<1x16xf32>,
        %get3A_1214 = vector.shape_cast %get3A_1213 : vector<1x16xf32> to vector<16xf32>
        %add3A_1215 = arith.addf %get3A_1210, %get3A_1214 : vector<16xf32>
        %swap3A_1216 = arith.index_cast %scan3A_550 : i32 to index
        %swap3A_1217 = arith.constant 752 : index
        %swap3A_1218 = tpu.vector_load %arg10[%swap3A_1216, %swap3A_1217] {strides = array<i32>} : memref<16x768xf32, #tpu.memory_space<vmem>>, vector<1x16xf32>,
        %swap3A_1219 = vector.shape_cast %swap3A_1218 : vector<1x16xf32> to vector<16xf32>
        %swap3A_1220 = vector.shape_cast %add3A_1215 : vector<16xf32> to vector<1x16xf32>
        tpu.vector_store %arg10[%swap3A_1216, %swap3A_1217], %swap3A_1220 {strides = array<i32>} : memref<16x768xf32, #tpu.memory_space<vmem>>, vector<1x16xf32>,
      }
      %scan3A_341 = arith.constant 16 : i32
      %mul3A_342 = arith.constant 16 : i32
      %mul3A_343 = arith.muli %add3A_316, %mul3A_342 : i32
      %add3A_344 = arith.addi %mul3A_2, %mul3A_343 : i32
      %jit3A_345 = arith.constant 256 : i32
      %div3A_346 = arith.divsi %add3A_344, %jit3A_345 : i32
      %sign3A_347 = arith.constant 0 : i32
      %sign3A_348 = arith.cmpi sgt, %add3A_344, %sign3A_347 : i32
      %sign3A_349 = arith.extui %sign3A_348 : i1 to i32
      %sign3A_350 = arith.constant 0 : i32
      %sign3A_351 = arith.cmpi slt, %add3A_344, %sign3A_350 : i32
      %sign3A_352 = arith.extui %sign3A_351 : i1 to i32
      %sign3A_353 = arith.subi %sign3A_349, %sign3A_352 : i32
      %sign3A_354 = arith.constant 0 : i32
      %sign3A_355 = arith.cmpi sgt, %jit3A_345, %sign3A_354 : i32
      %sign3A_356 = arith.extui %sign3A_355 : i1 to i32
      %sign3A_357 = arith.constant 0 : i32
      %sign3A_358 = arith.cmpi slt, %jit3A_345, %sign3A_357 : i32
      %sign3A_359 = arith.extui %sign3A_358 : i1 to i32
      %sign3A_360 = arith.subi %sign3A_356, %sign3A_359 : i32
      %ne3A_361 = arith.cmpi ne, %sign3A_353, %sign3A_360 : i32
      %rem3A_362 = arith.remsi %add3A_344, %jit3A_345 : i32
      %ne3A_363 = arith.constant 0 : i32
      %ne3A_364 = arith.cmpi ne, %rem3A_362, %ne3A_363 : i32
      %and3A_365 = arith.andi %ne3A_361, %ne3A_364 : i1
      %sub3A_366 = arith.constant 1 : i32
      %sub3A_367 = arith.subi %div3A_346, %sub3A_366 : i32
      %select_n3A_368 = arith.select %and3A_365, %sub3A_367, %div3A_346 : i32
      %jit3A_369 = arith.constant 256 : i32
      %eq3A_370 = arith.constant 0 : i32
      %eq3A_371 = arith.cmpi eq, %jit3A_369, %eq3A_370 : i32
      %jit3A_372 = arith.constant 1 : i32
      %select_n3A_373 = arith.select %eq3A_371, %jit3A_372, %jit3A_369 : i32
      %rem3A_374 = arith.remsi %add3A_344, %select_n3A_373 : i32
      %ne3A_375 = arith.constant 0 : i32
      %ne3A_376 = arith.cmpi ne, %rem3A_374, %ne3A_375 : i32
      %lt3A_377 = arith.constant 0 : i32
      %lt3A_378 = arith.cmpi slt, %rem3A_374, %lt3A_377 : i32
      %lt3A_379 = arith.constant 0 : i32
      %lt3A_380 = arith.cmpi slt, %select_n3A_373, %lt3A_379 : i32
      %ne3A_381 = arith.xori %lt3A_378, %lt3A_380 : i1
      %and3A_382 = arith.andi %ne3A_381, %ne3A_376 : i1
      %add3A_383 = arith.addi %rem3A_374, %select_n3A_373 : i32
      %select_n3A_384 = arith.select %and3A_382, %add3A_383, %rem3A_374 : i32
      %multiple_of3A_385 = tpu.assume_multiple %select_n3A_384, 16 : i32
      %dma_start3A_386 = arith.constant 0 : i32
      %dma_start3A_387 = tpu.memref_slice %arg6[%select_n3A_368, %multiple_of3A_385, %dma_start3A_386] : memref<64x256x768xf32, #tpu.memory_space<hbm>> -> memref<1x16x768xf32, #tpu.memory_space<hbm>>
      %dma_start3A_388 = tpu.memref_squeeze %dma_start3A_387 : memref<1x16x768xf32, #tpu.memory_space<hbm>> -> memref<16x768xf32, #tpu.memory_space<hbm>>
      %dma_start3A_389 = arith.constant 0 : i32
      %dma_start3A_390 = tpu.memref_slice %arg6[%select_n3A_368, %multiple_of3A_385, %dma_start3A_389] : memref<64x256x768xf32, #tpu.memory_space<hbm>> -> memref<1x16x768xf32, #tpu.memory_space<hbm>>
      %dma_start3A_391 = tpu.memref_squeeze %dma_start3A_390 : memref<1x16x768xf32, #tpu.memory_space<hbm>> -> memref<16x768xf32, #tpu.memory_space<hbm>>
      tpu.enqueue_dma source(%arg10 : memref<16x768xf32, #tpu.memory_space<vmem>>) target(%dma_start3A_391 : memref<16x768xf32, #tpu.memory_space<hbm>>) target_semaphore(%arg22 : memref<!tpu.dma_semaphore, #tpu.memory_space<semaphore_mem>>)
      %mul3A_392 = arith.constant 4 : i32
      %mul3A_393 = arith.muli %scan3A_235, %mul3A_392 : i32
      %add3A_394 = arith.constant 2 : i32
      %add3A_395 = arith.addi %mul3A_393, %add3A_394 : i32
      %add3A_396 = arith.constant 3 : i32
      %add3A_397 = arith.addi %add3A_395, %add3A_396 : i32
      %lt3A_398 = arith.constant 32 : i32
      %lt3A_399 = arith.cmpi slt, %add3A_397, %lt3A_398 : i32
      %convert_element_type3A_400 = arith.extui %lt3A_399 : i1 to i32
      %cond3A_401 = arith.constant 0 : i32
      %cond3A_402 = arith.cmpi ne, %convert_element_type3A_400, %cond3A_401 : i32
      scf.if %cond3A_402 {
        %add3A_550 = arith.constant 3 : i32
        %add3A_551 = arith.addi %add3A_395, %add3A_550 : i32
        %ge3A = arith.constant 4 : i32
        %ge3A_552 = arith.cmpi sge, %add3A_551, %ge3A : i32
        %convert_element_type3A_553 = arith.extui %ge3A_552 : i1 to i32
        %cond3A_554 = arith.constant 0 : i32
        %cond3A_555 = arith.cmpi ne, %convert_element_type3A_553, %cond3A_554 : i32
        scf.if %cond3A_555 {
          %add3A_570 = arith.constant 3 : i32
          %add3A_571 = arith.addi %add3A_395, %add3A_570 : i32
          %sub3A_572 = arith.constant 4 : i32
          %sub3A_573 = arith.subi %add3A_571, %sub3A_572 : i32
          %mul3A_574 = arith.constant 16 : i32
          %mul3A_575 = arith.muli %sub3A_573, %mul3A_574 : i32
          %add3A_576 = arith.addi %mul3A_2, %mul3A_575 : i32
          %jit3A_577 = arith.constant 256 : i32
          %div3A_578 = arith.divsi %add3A_576, %jit3A_577 : i32
          %sign3A_579 = arith.constant 0 : i32
          %sign3A_580 = arith.cmpi sgt, %add3A_576, %sign3A_579 : i32
          %sign3A_581 = arith.extui %sign3A_580 : i1 to i32
          %sign3A_582 = arith.constant 0 : i32
          %sign3A_583 = arith.cmpi slt, %add3A_576, %sign3A_582 : i32
          %sign3A_584 = arith.extui %sign3A_583 : i1 to i32
          %sign3A_585 = arith.subi %sign3A_581, %sign3A_584 : i32
          %sign3A_586 = arith.constant 0 : i32
          %sign3A_587 = arith.cmpi sgt, %jit3A_577, %sign3A_586 : i32
          %sign3A_588 = arith.extui %sign3A_587 : i1 to i32
          %sign3A_589 = arith.constant 0 : i32
          %sign3A_590 = arith.cmpi slt, %jit3A_577, %sign3A_589 : i32
          %sign3A_591 = arith.extui %sign3A_590 : i1 to i32
          %sign3A_592 = arith.subi %sign3A_588, %sign3A_591 : i32
          %ne3A_593 = arith.cmpi ne, %sign3A_585, %sign3A_592 : i32
          %rem3A_594 = arith.remsi %add3A_576, %jit3A_577 : i32
          %ne3A_595 = arith.constant 0 : i32
          %ne3A_596 = arith.cmpi ne, %rem3A_594, %ne3A_595 : i32
          %and3A_597 = arith.andi %ne3A_593, %ne3A_596 : i1
          %sub3A_598 = arith.constant 1 : i32
          %sub3A_599 = arith.subi %div3A_578, %sub3A_598 : i32
          %select_n3A_600 = arith.select %and3A_597, %sub3A_599, %div3A_578 : i32
          %jit3A_601 = arith.constant 256 : i32
          %eq3A_602 = arith.constant 0 : i32
          %eq3A_603 = arith.cmpi eq, %jit3A_601, %eq3A_602 : i32
          %jit3A_604 = arith.constant 1 : i32
          %select_n3A_605 = arith.select %eq3A_603, %jit3A_604, %jit3A_601 : i32
          %rem3A_606 = arith.remsi %add3A_576, %select_n3A_605 : i32
          %ne3A_607 = arith.constant 0 : i32
          %ne3A_608 = arith.cmpi ne, %rem3A_606, %ne3A_607 : i32
          %lt3A_609 = arith.constant 0 : i32
          %lt3A_610 = arith.cmpi slt, %rem3A_606, %lt3A_609 : i32
          %lt3A_611 = arith.constant 0 : i32
          %lt3A_612 = arith.cmpi slt, %select_n3A_605, %lt3A_611 : i32
          %ne3A_613 = arith.xori %lt3A_610, %lt3A_612 : i1
          %and3A_614 = arith.andi %ne3A_613, %ne3A_608 : i1
          %add3A_615 = arith.addi %rem3A_606, %select_n3A_605 : i32
          %select_n3A_616 = arith.select %and3A_614, %add3A_615, %rem3A_606 : i32
          %multiple_of3A_617 = tpu.assume_multiple %select_n3A_616, 16 : i32
          %dma_wait3A_618 = arith.constant 0 : i32
          %dma_wait3A_619 = tpu.memref_slice %arg6[%select_n3A_600, %multiple_of3A_617, %dma_wait3A_618] : memref<64x256x768xf32, #tpu.memory_space<hbm>> -> memref<1x16x768xf32, #tpu.memory_space<hbm>>
          %dma_wait3A_620 = tpu.memref_squeeze %dma_wait3A_619 : memref<1x16x768xf32, #tpu.memory_space<hbm>> -> memref<16x768xf32, #tpu.memory_space<hbm>>
          %dma_wait3A_621 = arith.constant 0 : i32
          %dma_wait3A_622 = tpu.memref_slice %arg6[%select_n3A_600, %multiple_of3A_617, %dma_wait3A_621] : memref<64x256x768xf32, #tpu.memory_space<hbm>> -> memref<1x16x768xf32, #tpu.memory_space<hbm>>
          %dma_wait3A_623 = tpu.memref_squeeze %dma_wait3A_622 : memref<1x16x768xf32, #tpu.memory_space<hbm>> -> memref<16x768xf32, #tpu.memory_space<hbm>>
          tpu.wait_dma2 semaphore(%arg22 : memref<!tpu.dma_semaphore, #tpu.memory_space<semaphore_mem>>) src(%arg10 : memref<16x768xf32, #tpu.memory_space<vmem>>) dst(%dma_wait3A_623 : memref<16x768xf32, #tpu.memory_space<hbm>>)
        } else {
        }
        %add3A_556 = arith.constant 3 : i32
        %add3A_557 = arith.addi %add3A_395, %add3A_556 : i32
        %dma_start3A_558 = arith.constant 0 : i32
        %dma_start3A_559 = tpu.memref_slice %arg7[%add3A_557, %dma_start3A_558] : memref<32x16xi32, #tpu.memory_space<vmem>> -> memref<1x16xi32, #tpu.memory_space<vmem>>
        %dma_start3A_560 = tpu.memref_squeeze %dma_start3A_559 : memref<1x16xi32, #tpu.memory_space<vmem>> -> memref<16xi32, #tpu.memory_space<vmem>>
        %dma_start3A_561 = arith.constant 0 : i32
        %dma_start3A_562 = arith.constant 0 : i32
        %dma_start3A_563 = tpu.memref_slice %arg2[%dma_start3A_561, %dma_start3A_562] : memref<65536x768xf32, #tpu.memory_space<hbm>> -> memref<65536x768xf32, #tpu.memory_space<hbm>>
        tpu.enqueue_indirect_dma source(%dma_start3A_563 : memref<65536x768xf32, #tpu.memory_space<hbm>>) target(%arg10 : memref<16x768xf32, #tpu.memory_space<vmem>>) offsets(%dma_start3A_560 : memref<16xi32, #tpu.memory_space<vmem>>) semaphore(%arg18 : memref<!tpu.dma_semaphore, #tpu.memory_space<semaphore_mem>>)
        %dma_start3A_564 = arith.constant 0 : i32
        %dma_start3A_565 = tpu.memref_slice %arg8[%add3A_557, %dma_start3A_564] : memref<32x16xi32, #tpu.memory_space<vmem>> -> memref<1x16xi32, #tpu.memory_space<vmem>>
        %dma_start3A_566 = tpu.memref_squeeze %dma_start3A_565 : memref<1x16xi32, #tpu.memory_space<vmem>> -> memref<16xi32, #tpu.memory_space<vmem>>
        %dma_start3A_567 = arith.constant 0 : i32
        %dma_start3A_568 = arith.constant 0 : i32
        %dma_start3A_569 = tpu.memref_slice %arg3[%dma_start3A_567, %dma_start3A_568] : memref<1025x768xf32, #tpu.memory_space<hbm>> -> memref<1025x768xf32, #tpu.memory_space<hbm>>
        tpu.enqueue_indirect_dma source(%dma_start3A_569 : memref<1025x768xf32, #tpu.memory_space<hbm>>) target(%arg14 : memref<16x768xf32, #tpu.memory_space<vmem>>) offsets(%dma_start3A_566 : memref<16xi32, #tpu.memory_space<vmem>>) semaphore(%arg18 : memref<!tpu.dma_semaphore, #tpu.memory_space<semaphore_mem>>)
      } else {
      }
      %dma_wait3A_403 = arith.constant 0 : i32
      %dma_wait3A_404 = tpu.memref_slice %arg7[%add3A_395, %dma_wait3A_403] : memref<32x16xi32, #tpu.memory_space<vmem>> -> memref<1x16xi32, #tpu.memory_space<vmem>>
      %dma_wait3A_405 = tpu.memref_squeeze %dma_wait3A_404 : memref<1x16xi32, #tpu.memory_space<vmem>> -> memref<16xi32, #tpu.memory_space<vmem>>
      %dma_wait3A_406 = arith.constant 0 : i32
      %dma_wait3A_407 = arith.constant 0 : i32
      %dma_wait3A_408 = tpu.memref_slice %arg2[%dma_wait3A_406, %dma_wait3A_407] : memref<65536x768xf32, #tpu.memory_space<hbm>> -> memref<65536x768xf32, #tpu.memory_space<hbm>>
      tpu.wait_indirect_dma semaphore(%arg19 : memref<!tpu.dma_semaphore, #tpu.memory_space<semaphore_mem>>) src(%dma_wait3A_408 : memref<65536x768xf32, #tpu.memory_space<hbm>>) dst(%arg11 : memref<16x768xf32, #tpu.memory_space<vmem>>)
      %dma_wait3A_409 = arith.constant 0 : i32
      %dma_wait3A_410 = tpu.memref_slice %arg8[%add3A_395, %dma_wait3A_409] : memref<32x16xi32, #tpu.memory_space<vmem>> -> memref<1x16xi32, #tpu.memory_space<vmem>>
      %dma_wait3A_411 = tpu.memref_squeeze %dma_wait3A_410 : memref<1x16xi32, #tpu.memory_space<vmem>> -> memref<16xi32, #tpu.memory_space<vmem>>
      %dma_wait3A_412 = arith.constant 0 : i32
      %dma_wait3A_413 = arith.constant 0 : i32
      %dma_wait3A_414 = tpu.memref_slice %arg3[%dma_wait3A_412, %dma_wait3A_413] : memref<1025x768xf32, #tpu.memory_space<hbm>> -> memref<1025x768xf32, #tpu.memory_space<hbm>>
      tpu.wait_indirect_dma semaphore(%arg19 : memref<!tpu.dma_semaphore, #tpu.memory_space<semaphore_mem>>) src(%dma_wait3A_414 : memref<1025x768xf32, #tpu.memory_space<hbm>>) dst(%arg15 : memref<16x768xf32, #tpu.memory_space<vmem>>)
      %scan3A_415 = arith.constant 0 : i32
      %scan3A_416 = arith.constant 0 : i32
      %scan3A_417 = arith.constant 16 : i32
      %scan3A_418 = arith.addi %scan3A_416, %scan3A_417 : i32
      %scan3A_419 = arith.constant 1 : i32
      scf.for %scan3A_550 = %scan3A_416 to %scan3A_418 step %scan3A_419  : i32 {
        %get3A = arith.index_cast %scan3A_550 : i32 to index
        %get3A_551 = arith.constant 0 : index
        %get3A_552 = tpu.vector_load %arg11[%get3A, %get3A_551] {strides = array<i32>} : memref<16x768xf32, #tpu.memory_space<vmem>>, vector<1x16xf32>,
        %get3A_553 = vector.shape_cast %get3A_552 : vector<1x16xf32> to vector<16xf32>
        %get3A_554 = arith.index_cast %scan3A_550 : i32 to index
        %get3A_555 = arith.constant 0 : index
        %get3A_556 = tpu.vector_load %arg15[%get3A_554, %get3A_555] {strides = array<i32>} : memref<16x768xf32, #tpu.memory_space<vmem>>, vector<1x16xf32>,
        %get3A_557 = vector.shape_cast %get3A_556 : vector<1x16xf32> to vector<16xf32>
        %add3A_558 = arith.addf %get3A_553, %get3A_557 : vector<16xf32>
        %swap3A = arith.index_cast %scan3A_550 : i32 to index
        %swap3A_559 = arith.constant 0 : index
        %swap3A_560 = tpu.vector_load %arg11[%swap3A, %swap3A_559] {strides = array<i32>} : memref<16x768xf32, #tpu.memory_space<vmem>>, vector<1x16xf32>,
        %swap3A_561 = vector.shape_cast %swap3A_560 : vector<1x16xf32> to vector<16xf32>
        %swap3A_562 = vector.shape_cast %add3A_558 : vector<16xf32> to vector<1x16xf32>
        tpu.vector_store %arg11[%swap3A, %swap3A_559], %swap3A_562 {strides = array<i32>} : memref<16x768xf32, #tpu.memory_space<vmem>>, vector<1x16xf32>,
        %get3A_563 = arith.index_cast %scan3A_550 : i32 to index
        %get3A_564 = arith.constant 16 : index
        %get3A_565 = tpu.vector_load %arg11[%get3A_563, %get3A_564] {strides = array<i32>} : memref<16x768xf32, #tpu.memory_space<vmem>>, vector<1x16xf32>,
        %get3A_566 = vector.shape_cast %get3A_565 : vector<1x16xf32> to vector<16xf32>
        %get3A_567 = arith.index_cast %scan3A_550 : i32 to index
        %get3A_568 = arith.constant 16 : index
        %get3A_569 = tpu.vector_load %arg15[%get3A_567, %get3A_568] {strides = array<i32>} : memref<16x768xf32, #tpu.memory_space<vmem>>, vector<1x16xf32>,
        %get3A_570 = vector.shape_cast %get3A_569 : vector<1x16xf32> to vector<16xf32>
        %add3A_571 = arith.addf %get3A_566, %get3A_570 : vector<16xf32>
        %swap3A_572 = arith.index_cast %scan3A_550 : i32 to index
        %swap3A_573 = arith.constant 16 : index
        %swap3A_574 = tpu.vector_load %arg11[%swap3A_572, %swap3A_573] {strides = array<i32>} : memref<16x768xf32, #tpu.memory_space<vmem>>, vector<1x16xf32>,
        %swap3A_575 = vector.shape_cast %swap3A_574 : vector<1x16xf32> to vector<16xf32>
        %swap3A_576 = vector.shape_cast %add3A_571 : vector<16xf32> to vector<1x16xf32>
        tpu.vector_store %arg11[%swap3A_572, %swap3A_573], %swap3A_576 {strides = array<i32>} : memref<16x768xf32, #tpu.memory_space<vmem>>, vector<1x16xf32>,
        %get3A_577 = arith.index_cast %scan3A_550 : i32 to index
        %get3A_578 = arith.constant 32 : index
        %get3A_579 = tpu.vector_load %arg11[%get3A_577, %get3A_578] {strides = array<i32>} : memref<16x768xf32, #tpu.memory_space<vmem>>, vector<1x16xf32>,
        %get3A_580 = vector.shape_cast %get3A_579 : vector<1x16xf32> to vector<16xf32>
        %get3A_581 = arith.index_cast %scan3A_550 : i32 to index
        %get3A_582 = arith.constant 32 : index
        %get3A_583 = tpu.vector_load %arg15[%get3A_581, %get3A_582] {strides = array<i32>} : memref<16x768xf32, #tpu.memory_space<vmem>>, vector<1x16xf32>,
        %get3A_584 = vector.shape_cast %get3A_583 : vector<1x16xf32> to vector<16xf32>
        %add3A_585 = arith.addf %get3A_580, %get3A_584 : vector<16xf32>
        %swap3A_586 = arith.index_cast %scan3A_550 : i32 to index
        %swap3A_587 = arith.constant 32 : index
        %swap3A_588 = tpu.vector_load %arg11[%swap3A_586, %swap3A_587] {strides = array<i32>} : memref<16x768xf32, #tpu.memory_space<vmem>>, vector<1x16xf32>,
        %swap3A_589 = vector.shape_cast %swap3A_588 : vector<1x16xf32> to vector<16xf32>
        %swap3A_590 = vector.shape_cast %add3A_585 : vector<16xf32> to vector<1x16xf32>
        tpu.vector_store %arg11[%swap3A_586, %swap3A_587], %swap3A_590 {strides = array<i32>} : memref<16x768xf32, #tpu.memory_space<vmem>>, vector<1x16xf32>,
        %get3A_591 = arith.index_cast %scan3A_550 : i32 to index
        %get3A_592 = arith.constant 48 : index
        %get3A_593 = tpu.vector_load %arg11[%get3A_591, %get3A_592] {strides = array<i32>} : memref<16x768xf32, #tpu.memory_space<vmem>>, vector<1x16xf32>,
        %get3A_594 = vector.shape_cast %get3A_593 : vector<1x16xf32> to vector<16xf32>
        %get3A_595 = arith.index_cast %scan3A_550 : i32 to index
        %get3A_596 = arith.constant 48 : index
        %get3A_597 = tpu.vector_load %arg15[%get3A_595, %get3A_596] {strides = array<i32>} : memref<16x768xf32, #tpu.memory_space<vmem>>, vector<1x16xf32>,
        %get3A_598 = vector.shape_cast %get3A_597 : vector<1x16xf32> to vector<16xf32>
        %add3A_599 = arith.addf %get3A_594, %get3A_598 : vector<16xf32>
        %swap3A_600 = arith.index_cast %scan3A_550 : i32 to index
        %swap3A_601 = arith.constant 48 : index
        %swap3A_602 = tpu.vector_load %arg11[%swap3A_600, %swap3A_601] {strides = array<i32>} : memref<16x768xf32, #tpu.memory_space<vmem>>, vector<1x16xf32>,
        %swap3A_603 = vector.shape_cast %swap3A_602 : vector<1x16xf32> to vector<16xf32>
        %swap3A_604 = vector.shape_cast %add3A_599 : vector<16xf32> to vector<1x16xf32>
        tpu.vector_store %arg11[%swap3A_600, %swap3A_601], %swap3A_604 {strides = array<i32>} : memref<16x768xf32, #tpu.memory_space<vmem>>, vector<1x16xf32>,
        %get3A_605 = arith.index_cast %scan3A_550 : i32 to index
        %get3A_606 = arith.constant 64 : index
        %get3A_607 = tpu.vector_load %arg11[%get3A_605, %get3A_606] {strides = array<i32>} : memref<16x768xf32, #tpu.memory_space<vmem>>, vector<1x16xf32>,
        %get3A_608 = vector.shape_cast %get3A_607 : vector<1x16xf32> to vector<16xf32>
        %get3A_609 = arith.index_cast %scan3A_550 : i32 to index
        %get3A_610 = arith.constant 64 : index
        %get3A_611 = tpu.vector_load %arg15[%get3A_609, %get3A_610] {strides = array<i32>} : memref<16x768xf32, #tpu.memory_space<vmem>>, vector<1x16xf32>,
        %get3A_612 = vector.shape_cast %get3A_611 : vector<1x16xf32> to vector<16xf32>
        %add3A_613 = arith.addf %get3A_608, %get3A_612 : vector<16xf32>
        %swap3A_614 = arith.index_cast %scan3A_550 : i32 to index
        %swap3A_615 = arith.constant 64 : index
        %swap3A_616 = tpu.vector_load %arg11[%swap3A_614, %swap3A_615] {strides = array<i32>} : memref<16x768xf32, #tpu.memory_space<vmem>>, vector<1x16xf32>,
        %swap3A_617 = vector.shape_cast %swap3A_616 : vector<1x16xf32> to vector<16xf32>
        %swap3A_618 = vector.shape_cast %add3A_613 : vector<16xf32> to vector<1x16xf32>
        tpu.vector_store %arg11[%swap3A_614, %swap3A_615], %swap3A_618 {strides = array<i32>} : memref<16x768xf32, #tpu.memory_space<vmem>>, vector<1x16xf32>,
        %get3A_619 = arith.index_cast %scan3A_550 : i32 to index
        %get3A_620 = arith.constant 80 : index
        %get3A_621 = tpu.vector_load %arg11[%get3A_619, %get3A_620] {strides = array<i32>} : memref<16x768xf32, #tpu.memory_space<vmem>>, vector<1x16xf32>,
        %get3A_622 = vector.shape_cast %get3A_621 : vector<1x16xf32> to vector<16xf32>
        %get3A_623 = arith.index_cast %scan3A_550 : i32 to index
        %get3A_624 = arith.constant 80 : index
        %get3A_625 = tpu.vector_load %arg15[%get3A_623, %get3A_624] {strides = array<i32>} : memref<16x768xf32, #tpu.memory_space<vmem>>, vector<1x16xf32>,
        %get3A_626 = vector.shape_cast %get3A_625 : vector<1x16xf32> to vector<16xf32>
        %add3A_627 = arith.addf %get3A_622, %get3A_626 : vector<16xf32>
        %swap3A_628 = arith.index_cast %scan3A_550 : i32 to index
        %swap3A_629 = arith.constant 80 : index
        %swap3A_630 = tpu.vector_load %arg11[%swap3A_628, %swap3A_629] {strides = array<i32>} : memref<16x768xf32, #tpu.memory_space<vmem>>, vector<1x16xf32>,
        %swap3A_631 = vector.shape_cast %swap3A_630 : vector<1x16xf32> to vector<16xf32>
        %swap3A_632 = vector.shape_cast %add3A_627 : vector<16xf32> to vector<1x16xf32>
        tpu.vector_store %arg11[%swap3A_628, %swap3A_629], %swap3A_632 {strides = array<i32>} : memref<16x768xf32, #tpu.memory_space<vmem>>, vector<1x16xf32>,
        %get3A_633 = arith.index_cast %scan3A_550 : i32 to index
        %get3A_634 = arith.constant 96 : index
        %get3A_635 = tpu.vector_load %arg11[%get3A_633, %get3A_634] {strides = array<i32>} : memref<16x768xf32, #tpu.memory_space<vmem>>, vector<1x16xf32>,
        %get3A_636 = vector.shape_cast %get3A_635 : vector<1x16xf32> to vector<16xf32>
        %get3A_637 = arith.index_cast %scan3A_550 : i32 to index
        %get3A_638 = arith.constant 96 : index
        %get3A_639 = tpu.vector_load %arg15[%get3A_637, %get3A_638] {strides = array<i32>} : memref<16x768xf32, #tpu.memory_space<vmem>>, vector<1x16xf32>,
        %get3A_640 = vector.shape_cast %get3A_639 : vector<1x16xf32> to vector<16xf32>
        %add3A_641 = arith.addf %get3A_636, %get3A_640 : vector<16xf32>
        %swap3A_642 = arith.index_cast %scan3A_550 : i32 to index
        %swap3A_643 = arith.constant 96 : index
        %swap3A_644 = tpu.vector_load %arg11[%swap3A_642, %swap3A_643] {strides = array<i32>} : memref<16x768xf32, #tpu.memory_space<vmem>>, vector<1x16xf32>,
        %swap3A_645 = vector.shape_cast %swap3A_644 : vector<1x16xf32> to vector<16xf32>
        %swap3A_646 = vector.shape_cast %add3A_641 : vector<16xf32> to vector<1x16xf32>
        tpu.vector_store %arg11[%swap3A_642, %swap3A_643], %swap3A_646 {strides = array<i32>} : memref<16x768xf32, #tpu.memory_space<vmem>>, vector<1x16xf32>,
        %get3A_647 = arith.index_cast %scan3A_550 : i32 to index
        %get3A_648 = arith.constant 112 : index
        %get3A_649 = tpu.vector_load %arg11[%get3A_647, %get3A_648] {strides = array<i32>} : memref<16x768xf32, #tpu.memory_space<vmem>>, vector<1x16xf32>,
        %get3A_650 = vector.shape_cast %get3A_649 : vector<1x16xf32> to vector<16xf32>
        %get3A_651 = arith.index_cast %scan3A_550 : i32 to index
        %get3A_652 = arith.constant 112 : index
        %get3A_653 = tpu.vector_load %arg15[%get3A_651, %get3A_652] {strides = array<i32>} : memref<16x768xf32, #tpu.memory_space<vmem>>, vector<1x16xf32>,
        %get3A_654 = vector.shape_cast %get3A_653 : vector<1x16xf32> to vector<16xf32>
        %add3A_655 = arith.addf %get3A_650, %get3A_654 : vector<16xf32>
        %swap3A_656 = arith.index_cast %scan3A_550 : i32 to index
        %swap3A_657 = arith.constant 112 : index
        %swap3A_658 = tpu.vector_load %arg11[%swap3A_656, %swap3A_657] {strides = array<i32>} : memref<16x768xf32, #tpu.memory_space<vmem>>, vector<1x16xf32>,
        %swap3A_659 = vector.shape_cast %swap3A_658 : vector<1x16xf32> to vector<16xf32>
        %swap3A_660 = vector.shape_cast %add3A_655 : vector<16xf32> to vector<1x16xf32>
        tpu.vector_store %arg11[%swap3A_656, %swap3A_657], %swap3A_660 {strides = array<i32>} : memref<16x768xf32, #tpu.memory_space<vmem>>, vector<1x16xf32>,
        %get3A_661 = arith.index_cast %scan3A_550 : i32 to index
        %get3A_662 = arith.constant 128 : index
        %get3A_663 = tpu.vector_load %arg11[%get3A_661, %get3A_662] {strides = array<i32>} : memref<16x768xf32, #tpu.memory_space<vmem>>, vector<1x16xf32>,
        %get3A_664 = vector.shape_cast %get3A_663 : vector<1x16xf32> to vector<16xf32>
        %get3A_665 = arith.index_cast %scan3A_550 : i32 to index
        %get3A_666 = arith.constant 128 : index
        %get3A_667 = tpu.vector_load %arg15[%get3A_665, %get3A_666] {strides = array<i32>} : memref<16x768xf32, #tpu.memory_space<vmem>>, vector<1x16xf32>,
        %get3A_668 = vector.shape_cast %get3A_667 : vector<1x16xf32> to vector<16xf32>
        %add3A_669 = arith.addf %get3A_664, %get3A_668 : vector<16xf32>
        %swap3A_670 = arith.index_cast %scan3A_550 : i32 to index
        %swap3A_671 = arith.constant 128 : index
        %swap3A_672 = tpu.vector_load %arg11[%swap3A_670, %swap3A_671] {strides = array<i32>} : memref<16x768xf32, #tpu.memory_space<vmem>>, vector<1x16xf32>,
        %swap3A_673 = vector.shape_cast %swap3A_672 : vector<1x16xf32> to vector<16xf32>
        %swap3A_674 = vector.shape_cast %add3A_669 : vector<16xf32> to vector<1x16xf32>
        tpu.vector_store %arg11[%swap3A_670, %swap3A_671], %swap3A_674 {strides = array<i32>} : memref<16x768xf32, #tpu.memory_space<vmem>>, vector<1x16xf32>,
        %get3A_675 = arith.index_cast %scan3A_550 : i32 to index
        %get3A_676 = arith.constant 144 : index
        %get3A_677 = tpu.vector_load %arg11[%get3A_675, %get3A_676] {strides = array<i32>} : memref<16x768xf32, #tpu.memory_space<vmem>>, vector<1x16xf32>,
        %get3A_678 = vector.shape_cast %get3A_677 : vector<1x16xf32> to vector<16xf32>
        %get3A_679 = arith.index_cast %scan3A_550 : i32 to index
        %get3A_680 = arith.constant 144 : index
        %get3A_681 = tpu.vector_load %arg15[%get3A_679, %get3A_680] {strides = array<i32>} : memref<16x768xf32, #tpu.memory_space<vmem>>, vector<1x16xf32>,
        %get3A_682 = vector.shape_cast %get3A_681 : vector<1x16xf32> to vector<16xf32>
        %add3A_683 = arith.addf %get3A_678, %get3A_682 : vector<16xf32>
        %swap3A_684 = arith.index_cast %scan3A_550 : i32 to index
        %swap3A_685 = arith.constant 144 : index
        %swap3A_686 = tpu.vector_load %arg11[%swap3A_684, %swap3A_685] {strides = array<i32>} : memref<16x768xf32, #tpu.memory_space<vmem>>, vector<1x16xf32>,
        %swap3A_687 = vector.shape_cast %swap3A_686 : vector<1x16xf32> to vector<16xf32>
        %swap3A_688 = vector.shape_cast %add3A_683 : vector<16xf32> to vector<1x16xf32>
        tpu.vector_store %arg11[%swap3A_684, %swap3A_685], %swap3A_688 {strides = array<i32>} : memref<16x768xf32, #tpu.memory_space<vmem>>, vector<1x16xf32>,
        %get3A_689 = arith.index_cast %scan3A_550 : i32 to index
        %get3A_690 = arith.constant 160 : index
        %get3A_691 = tpu.vector_load %arg11[%get3A_689, %get3A_690] {strides = array<i32>} : memref<16x768xf32, #tpu.memory_space<vmem>>, vector<1x16xf32>,
        %get3A_692 = vector.shape_cast %get3A_691 : vector<1x16xf32> to vector<16xf32>
        %get3A_693 = arith.index_cast %scan3A_550 : i32 to index
        %get3A_694 = arith.constant 160 : index
        %get3A_695 = tpu.vector_load %arg15[%get3A_693, %get3A_694] {strides = array<i32>} : memref<16x768xf32, #tpu.memory_space<vmem>>, vector<1x16xf32>,
        %get3A_696 = vector.shape_cast %get3A_695 : vector<1x16xf32> to vector<16xf32>
        %add3A_697 = arith.addf %get3A_692, %get3A_696 : vector<16xf32>
        %swap3A_698 = arith.index_cast %scan3A_550 : i32 to index
        %swap3A_699 = arith.constant 160 : index
        %swap3A_700 = tpu.vector_load %arg11[%swap3A_698, %swap3A_699] {strides = array<i32>} : memref<16x768xf32, #tpu.memory_space<vmem>>, vector<1x16xf32>,
        %swap3A_701 = vector.shape_cast %swap3A_700 : vector<1x16xf32> to vector<16xf32>
        %swap3A_702 = vector.shape_cast %add3A_697 : vector<16xf32> to vector<1x16xf32>
        tpu.vector_store %arg11[%swap3A_698, %swap3A_699], %swap3A_702 {strides = array<i32>} : memref<16x768xf32, #tpu.memory_space<vmem>>, vector<1x16xf32>,
        %get3A_703 = arith.index_cast %scan3A_550 : i32 to index
        %get3A_704 = arith.constant 176 : index
        %get3A_705 = tpu.vector_load %arg11[%get3A_703, %get3A_704] {strides = array<i32>} : memref<16x768xf32, #tpu.memory_space<vmem>>, vector<1x16xf32>,
        %get3A_706 = vector.shape_cast %get3A_705 : vector<1x16xf32> to vector<16xf32>
        %get3A_707 = arith.index_cast %scan3A_550 : i32 to index
        %get3A_708 = arith.constant 176 : index
        %get3A_709 = tpu.vector_load %arg15[%get3A_707, %get3A_708] {strides = array<i32>} : memref<16x768xf32, #tpu.memory_space<vmem>>, vector<1x16xf32>,
        %get3A_710 = vector.shape_cast %get3A_709 : vector<1x16xf32> to vector<16xf32>
        %add3A_711 = arith.addf %get3A_706, %get3A_710 : vector<16xf32>
        %swap3A_712 = arith.index_cast %scan3A_550 : i32 to index
        %swap3A_713 = arith.constant 176 : index
        %swap3A_714 = tpu.vector_load %arg11[%swap3A_712, %swap3A_713] {strides = array<i32>} : memref<16x768xf32, #tpu.memory_space<vmem>>, vector<1x16xf32>,
        %swap3A_715 = vector.shape_cast %swap3A_714 : vector<1x16xf32> to vector<16xf32>
        %swap3A_716 = vector.shape_cast %add3A_711 : vector<16xf32> to vector<1x16xf32>
        tpu.vector_store %arg11[%swap3A_712, %swap3A_713], %swap3A_716 {strides = array<i32>} : memref<16x768xf32, #tpu.memory_space<vmem>>, vector<1x16xf32>,
        %get3A_717 = arith.index_cast %scan3A_550 : i32 to index
        %get3A_718 = arith.constant 192 : index
        %get3A_719 = tpu.vector_load %arg11[%get3A_717, %get3A_718] {strides = array<i32>} : memref<16x768xf32, #tpu.memory_space<vmem>>, vector<1x16xf32>,
        %get3A_720 = vector.shape_cast %get3A_719 : vector<1x16xf32> to vector<16xf32>
        %get3A_721 = arith.index_cast %scan3A_550 : i32 to index
        %get3A_722 = arith.constant 192 : index
        %get3A_723 = tpu.vector_load %arg15[%get3A_721, %get3A_722] {strides = array<i32>} : memref<16x768xf32, #tpu.memory_space<vmem>>, vector<1x16xf32>,
        %get3A_724 = vector.shape_cast %get3A_723 : vector<1x16xf32> to vector<16xf32>
        %add3A_725 = arith.addf %get3A_720, %get3A_724 : vector<16xf32>
        %swap3A_726 = arith.index_cast %scan3A_550 : i32 to index
        %swap3A_727 = arith.constant 192 : index
        %swap3A_728 = tpu.vector_load %arg11[%swap3A_726, %swap3A_727] {strides = array<i32>} : memref<16x768xf32, #tpu.memory_space<vmem>>, vector<1x16xf32>,
        %swap3A_729 = vector.shape_cast %swap3A_728 : vector<1x16xf32> to vector<16xf32>
        %swap3A_730 = vector.shape_cast %add3A_725 : vector<16xf32> to vector<1x16xf32>
        tpu.vector_store %arg11[%swap3A_726, %swap3A_727], %swap3A_730 {strides = array<i32>} : memref<16x768xf32, #tpu.memory_space<vmem>>, vector<1x16xf32>,
        %get3A_731 = arith.index_cast %scan3A_550 : i32 to index
        %get3A_732 = arith.constant 208 : index
        %get3A_733 = tpu.vector_load %arg11[%get3A_731, %get3A_732] {strides = array<i32>} : memref<16x768xf32, #tpu.memory_space<vmem>>, vector<1x16xf32>,
        %get3A_734 = vector.shape_cast %get3A_733 : vector<1x16xf32> to vector<16xf32>
        %get3A_735 = arith.index_cast %scan3A_550 : i32 to index
        %get3A_736 = arith.constant 208 : index
        %get3A_737 = tpu.vector_load %arg15[%get3A_735, %get3A_736] {strides = array<i32>} : memref<16x768xf32, #tpu.memory_space<vmem>>, vector<1x16xf32>,
        %get3A_738 = vector.shape_cast %get3A_737 : vector<1x16xf32> to vector<16xf32>
        %add3A_739 = arith.addf %get3A_734, %get3A_738 : vector<16xf32>
        %swap3A_740 = arith.index_cast %scan3A_550 : i32 to index
        %swap3A_741 = arith.constant 208 : index
        %swap3A_742 = tpu.vector_load %arg11[%swap3A_740, %swap3A_741] {strides = array<i32>} : memref<16x768xf32, #tpu.memory_space<vmem>>, vector<1x16xf32>,
        %swap3A_743 = vector.shape_cast %swap3A_742 : vector<1x16xf32> to vector<16xf32>
        %swap3A_744 = vector.shape_cast %add3A_739 : vector<16xf32> to vector<1x16xf32>
        tpu.vector_store %arg11[%swap3A_740, %swap3A_741], %swap3A_744 {strides = array<i32>} : memref<16x768xf32, #tpu.memory_space<vmem>>, vector<1x16xf32>,
        %get3A_745 = arith.index_cast %scan3A_550 : i32 to index
        %get3A_746 = arith.constant 224 : index
        %get3A_747 = tpu.vector_load %arg11[%get3A_745, %get3A_746] {strides = array<i32>} : memref<16x768xf32, #tpu.memory_space<vmem>>, vector<1x16xf32>,
        %get3A_748 = vector.shape_cast %get3A_747 : vector<1x16xf32> to vector<16xf32>
        %get3A_749 = arith.index_cast %scan3A_550 : i32 to index
        %get3A_750 = arith.constant 224 : index
        %get3A_751 = tpu.vector_load %arg15[%get3A_749, %get3A_750] {strides = array<i32>} : memref<16x768xf32, #tpu.memory_space<vmem>>, vector<1x16xf32>,
        %get3A_752 = vector.shape_cast %get3A_751 : vector<1x16xf32> to vector<16xf32>
        %add3A_753 = arith.addf %get3A_748, %get3A_752 : vector<16xf32>
        %swap3A_754 = arith.index_cast %scan3A_550 : i32 to index
        %swap3A_755 = arith.constant 224 : index
        %swap3A_756 = tpu.vector_load %arg11[%swap3A_754, %swap3A_755] {strides = array<i32>} : memref<16x768xf32, #tpu.memory_space<vmem>>, vector<1x16xf32>,
        %swap3A_757 = vector.shape_cast %swap3A_756 : vector<1x16xf32> to vector<16xf32>
        %swap3A_758 = vector.shape_cast %add3A_753 : vector<16xf32> to vector<1x16xf32>
        tpu.vector_store %arg11[%swap3A_754, %swap3A_755], %swap3A_758 {strides = array<i32>} : memref<16x768xf32, #tpu.memory_space<vmem>>, vector<1x16xf32>,
        %get3A_759 = arith.index_cast %scan3A_550 : i32 to index
        %get3A_760 = arith.constant 240 : index
        %get3A_761 = tpu.vector_load %arg11[%get3A_759, %get3A_760] {strides = array<i32>} : memref<16x768xf32, #tpu.memory_space<vmem>>, vector<1x16xf32>,
        %get3A_762 = vector.shape_cast %get3A_761 : vector<1x16xf32> to vector<16xf32>
        %get3A_763 = arith.index_cast %scan3A_550 : i32 to index
        %get3A_764 = arith.constant 240 : index
        %get3A_765 = tpu.vector_load %arg15[%get3A_763, %get3A_764] {strides = array<i32>} : memref<16x768xf32, #tpu.memory_space<vmem>>, vector<1x16xf32>,
        %get3A_766 = vector.shape_cast %get3A_765 : vector<1x16xf32> to vector<16xf32>
        %add3A_767 = arith.addf %get3A_762, %get3A_766 : vector<16xf32>
        %swap3A_768 = arith.index_cast %scan3A_550 : i32 to index
        %swap3A_769 = arith.constant 240 : index
        %swap3A_770 = tpu.vector_load %arg11[%swap3A_768, %swap3A_769] {strides = array<i32>} : memref<16x768xf32, #tpu.memory_space<vmem>>, vector<1x16xf32>,
        %swap3A_771 = vector.shape_cast %swap3A_770 : vector<1x16xf32> to vector<16xf32>
        %swap3A_772 = vector.shape_cast %add3A_767 : vector<16xf32> to vector<1x16xf32>
        tpu.vector_store %arg11[%swap3A_768, %swap3A_769], %swap3A_772 {strides = array<i32>} : memref<16x768xf32, #tpu.memory_space<vmem>>, vector<1x16xf32>,
        %get3A_773 = arith.index_cast %scan3A_550 : i32 to index
        %get3A_774 = arith.constant 256 : index
        %get3A_775 = tpu.vector_load %arg11[%get3A_773, %get3A_774] {strides = array<i32>} : memref<16x768xf32, #tpu.memory_space<vmem>>, vector<1x16xf32>,
        %get3A_776 = vector.shape_cast %get3A_775 : vector<1x16xf32> to vector<16xf32>
        %get3A_777 = arith.index_cast %scan3A_550 : i32 to index
        %get3A_778 = arith.constant 256 : index
        %get3A_779 = tpu.vector_load %arg15[%get3A_777, %get3A_778] {strides = array<i32>} : memref<16x768xf32, #tpu.memory_space<vmem>>, vector<1x16xf32>,
        %get3A_780 = vector.shape_cast %get3A_779 : vector<1x16xf32> to vector<16xf32>
        %add3A_781 = arith.addf %get3A_776, %get3A_780 : vector<16xf32>
        %swap3A_782 = arith.index_cast %scan3A_550 : i32 to index
        %swap3A_783 = arith.constant 256 : index
        %swap3A_784 = tpu.vector_load %arg11[%swap3A_782, %swap3A_783] {strides = array<i32>} : memref<16x768xf32, #tpu.memory_space<vmem>>, vector<1x16xf32>,
        %swap3A_785 = vector.shape_cast %swap3A_784 : vector<1x16xf32> to vector<16xf32>
        %swap3A_786 = vector.shape_cast %add3A_781 : vector<16xf32> to vector<1x16xf32>
        tpu.vector_store %arg11[%swap3A_782, %swap3A_783], %swap3A_786 {strides = array<i32>} : memref<16x768xf32, #tpu.memory_space<vmem>>, vector<1x16xf32>,
        %get3A_787 = arith.index_cast %scan3A_550 : i32 to index
        %get3A_788 = arith.constant 272 : index
        %get3A_789 = tpu.vector_load %arg11[%get3A_787, %get3A_788] {strides = array<i32>} : memref<16x768xf32, #tpu.memory_space<vmem>>, vector<1x16xf32>,
        %get3A_790 = vector.shape_cast %get3A_789 : vector<1x16xf32> to vector<16xf32>
        %get3A_791 = arith.index_cast %scan3A_550 : i32 to index
        %get3A_792 = arith.constant 272 : index
        %get3A_793 = tpu.vector_load %arg15[%get3A_791, %get3A_792] {strides = array<i32>} : memref<16x768xf32, #tpu.memory_space<vmem>>, vector<1x16xf32>,
        %get3A_794 = vector.shape_cast %get3A_793 : vector<1x16xf32> to vector<16xf32>
        %add3A_795 = arith.addf %get3A_790, %get3A_794 : vector<16xf32>
        %swap3A_796 = arith.index_cast %scan3A_550 : i32 to index
        %swap3A_797 = arith.constant 272 : index
        %swap3A_798 = tpu.vector_load %arg11[%swap3A_796, %swap3A_797] {strides = array<i32>} : memref<16x768xf32, #tpu.memory_space<vmem>>, vector<1x16xf32>,
        %swap3A_799 = vector.shape_cast %swap3A_798 : vector<1x16xf32> to vector<16xf32>
        %swap3A_800 = vector.shape_cast %add3A_795 : vector<16xf32> to vector<1x16xf32>
        tpu.vector_store %arg11[%swap3A_796, %swap3A_797], %swap3A_800 {strides = array<i32>} : memref<16x768xf32, #tpu.memory_space<vmem>>, vector<1x16xf32>,
        %get3A_801 = arith.index_cast %scan3A_550 : i32 to index
        %get3A_802 = arith.constant 288 : index
        %get3A_803 = tpu.vector_load %arg11[%get3A_801, %get3A_802] {strides = array<i32>} : memref<16x768xf32, #tpu.memory_space<vmem>>, vector<1x16xf32>,
        %get3A_804 = vector.shape_cast %get3A_803 : vector<1x16xf32> to vector<16xf32>
        %get3A_805 = arith.index_cast %scan3A_550 : i32 to index
        %get3A_806 = arith.constant 288 : index
        %get3A_807 = tpu.vector_load %arg15[%get3A_805, %get3A_806] {strides = array<i32>} : memref<16x768xf32, #tpu.memory_space<vmem>>, vector<1x16xf32>,
        %get3A_808 = vector.shape_cast %get3A_807 : vector<1x16xf32> to vector<16xf32>
        %add3A_809 = arith.addf %get3A_804, %get3A_808 : vector<16xf32>
        %swap3A_810 = arith.index_cast %scan3A_550 : i32 to index
        %swap3A_811 = arith.constant 288 : index
        %swap3A_812 = tpu.vector_load %arg11[%swap3A_810, %swap3A_811] {strides = array<i32>} : memref<16x768xf32, #tpu.memory_space<vmem>>, vector<1x16xf32>,
        %swap3A_813 = vector.shape_cast %swap3A_812 : vector<1x16xf32> to vector<16xf32>
        %swap3A_814 = vector.shape_cast %add3A_809 : vector<16xf32> to vector<1x16xf32>
        tpu.vector_store %arg11[%swap3A_810, %swap3A_811], %swap3A_814 {strides = array<i32>} : memref<16x768xf32, #tpu.memory_space<vmem>>, vector<1x16xf32>,
        %get3A_815 = arith.index_cast %scan3A_550 : i32 to index
        %get3A_816 = arith.constant 304 : index
        %get3A_817 = tpu.vector_load %arg11[%get3A_815, %get3A_816] {strides = array<i32>} : memref<16x768xf32, #tpu.memory_space<vmem>>, vector<1x16xf32>,
        %get3A_818 = vector.shape_cast %get3A_817 : vector<1x16xf32> to vector<16xf32>
        %get3A_819 = arith.index_cast %scan3A_550 : i32 to index
        %get3A_820 = arith.constant 304 : index
        %get3A_821 = tpu.vector_load %arg15[%get3A_819, %get3A_820] {strides = array<i32>} : memref<16x768xf32, #tpu.memory_space<vmem>>, vector<1x16xf32>,
        %get3A_822 = vector.shape_cast %get3A_821 : vector<1x16xf32> to vector<16xf32>
        %add3A_823 = arith.addf %get3A_818, %get3A_822 : vector<16xf32>
        %swap3A_824 = arith.index_cast %scan3A_550 : i32 to index
        %swap3A_825 = arith.constant 304 : index
        %swap3A_826 = tpu.vector_load %arg11[%swap3A_824, %swap3A_825] {strides = array<i32>} : memref<16x768xf32, #tpu.memory_space<vmem>>, vector<1x16xf32>,
        %swap3A_827 = vector.shape_cast %swap3A_826 : vector<1x16xf32> to vector<16xf32>
        %swap3A_828 = vector.shape_cast %add3A_823 : vector<16xf32> to vector<1x16xf32>
        tpu.vector_store %arg11[%swap3A_824, %swap3A_825], %swap3A_828 {strides = array<i32>} : memref<16x768xf32, #tpu.memory_space<vmem>>, vector<1x16xf32>,
        %get3A_829 = arith.index_cast %scan3A_550 : i32 to index
        %get3A_830 = arith.constant 320 : index
        %get3A_831 = tpu.vector_load %arg11[%get3A_829, %get3A_830] {strides = array<i32>} : memref<16x768xf32, #tpu.memory_space<vmem>>, vector<1x16xf32>,
        %get3A_832 = vector.shape_cast %get3A_831 : vector<1x16xf32> to vector<16xf32>
        %get3A_833 = arith.index_cast %scan3A_550 : i32 to index
        %get3A_834 = arith.constant 320 : index
        %get3A_835 = tpu.vector_load %arg15[%get3A_833, %get3A_834] {strides = array<i32>} : memref<16x768xf32, #tpu.memory_space<vmem>>, vector<1x16xf32>,
        %get3A_836 = vector.shape_cast %get3A_835 : vector<1x16xf32> to vector<16xf32>
        %add3A_837 = arith.addf %get3A_832, %get3A_836 : vector<16xf32>
        %swap3A_838 = arith.index_cast %scan3A_550 : i32 to index
        %swap3A_839 = arith.constant 320 : index
        %swap3A_840 = tpu.vector_load %arg11[%swap3A_838, %swap3A_839] {strides = array<i32>} : memref<16x768xf32, #tpu.memory_space<vmem>>, vector<1x16xf32>,
        %swap3A_841 = vector.shape_cast %swap3A_840 : vector<1x16xf32> to vector<16xf32>
        %swap3A_842 = vector.shape_cast %add3A_837 : vector<16xf32> to vector<1x16xf32>
        tpu.vector_store %arg11[%swap3A_838, %swap3A_839], %swap3A_842 {strides = array<i32>} : memref<16x768xf32, #tpu.memory_space<vmem>>, vector<1x16xf32>,
        %get3A_843 = arith.index_cast %scan3A_550 : i32 to index
        %get3A_844 = arith.constant 336 : index
        %get3A_845 = tpu.vector_load %arg11[%get3A_843, %get3A_844] {strides = array<i32>} : memref<16x768xf32, #tpu.memory_space<vmem>>, vector<1x16xf32>,
        %get3A_846 = vector.shape_cast %get3A_845 : vector<1x16xf32> to vector<16xf32>
        %get3A_847 = arith.index_cast %scan3A_550 : i32 to index
        %get3A_848 = arith.constant 336 : index
        %get3A_849 = tpu.vector_load %arg15[%get3A_847, %get3A_848] {strides = array<i32>} : memref<16x768xf32, #tpu.memory_space<vmem>>, vector<1x16xf32>,
        %get3A_850 = vector.shape_cast %get3A_849 : vector<1x16xf32> to vector<16xf32>
        %add3A_851 = arith.addf %get3A_846, %get3A_850 : vector<16xf32>
        %swap3A_852 = arith.index_cast %scan3A_550 : i32 to index
        %swap3A_853 = arith.constant 336 : index
        %swap3A_854 = tpu.vector_load %arg11[%swap3A_852, %swap3A_853] {strides = array<i32>} : memref<16x768xf32, #tpu.memory_space<vmem>>, vector<1x16xf32>,
        %swap3A_855 = vector.shape_cast %swap3A_854 : vector<1x16xf32> to vector<16xf32>
        %swap3A_856 = vector.shape_cast %add3A_851 : vector<16xf32> to vector<1x16xf32>
        tpu.vector_store %arg11[%swap3A_852, %swap3A_853], %swap3A_856 {strides = array<i32>} : memref<16x768xf32, #tpu.memory_space<vmem>>, vector<1x16xf32>,
        %get3A_857 = arith.index_cast %scan3A_550 : i32 to index
        %get3A_858 = arith.constant 352 : index
        %get3A_859 = tpu.vector_load %arg11[%get3A_857, %get3A_858] {strides = array<i32>} : memref<16x768xf32, #tpu.memory_space<vmem>>, vector<1x16xf32>,
        %get3A_860 = vector.shape_cast %get3A_859 : vector<1x16xf32> to vector<16xf32>
        %get3A_861 = arith.index_cast %scan3A_550 : i32 to index
        %get3A_862 = arith.constant 352 : index
        %get3A_863 = tpu.vector_load %arg15[%get3A_861, %get3A_862] {strides = array<i32>} : memref<16x768xf32, #tpu.memory_space<vmem>>, vector<1x16xf32>,
        %get3A_864 = vector.shape_cast %get3A_863 : vector<1x16xf32> to vector<16xf32>
        %add3A_865 = arith.addf %get3A_860, %get3A_864 : vector<16xf32>
        %swap3A_866 = arith.index_cast %scan3A_550 : i32 to index
        %swap3A_867 = arith.constant 352 : index
        %swap3A_868 = tpu.vector_load %arg11[%swap3A_866, %swap3A_867] {strides = array<i32>} : memref<16x768xf32, #tpu.memory_space<vmem>>, vector<1x16xf32>,
        %swap3A_869 = vector.shape_cast %swap3A_868 : vector<1x16xf32> to vector<16xf32>
        %swap3A_870 = vector.shape_cast %add3A_865 : vector<16xf32> to vector<1x16xf32>
        tpu.vector_store %arg11[%swap3A_866, %swap3A_867], %swap3A_870 {strides = array<i32>} : memref<16x768xf32, #tpu.memory_space<vmem>>, vector<1x16xf32>,
        %get3A_871 = arith.index_cast %scan3A_550 : i32 to index
        %get3A_872 = arith.constant 368 : index
        %get3A_873 = tpu.vector_load %arg11[%get3A_871, %get3A_872] {strides = array<i32>} : memref<16x768xf32, #tpu.memory_space<vmem>>, vector<1x16xf32>,
        %get3A_874 = vector.shape_cast %get3A_873 : vector<1x16xf32> to vector<16xf32>
        %get3A_875 = arith.index_cast %scan3A_550 : i32 to index
        %get3A_876 = arith.constant 368 : index
        %get3A_877 = tpu.vector_load %arg15[%get3A_875, %get3A_876] {strides = array<i32>} : memref<16x768xf32, #tpu.memory_space<vmem>>, vector<1x16xf32>,
        %get3A_878 = vector.shape_cast %get3A_877 : vector<1x16xf32> to vector<16xf32>
        %add3A_879 = arith.addf %get3A_874, %get3A_878 : vector<16xf32>
        %swap3A_880 = arith.index_cast %scan3A_550 : i32 to index
        %swap3A_881 = arith.constant 368 : index
        %swap3A_882 = tpu.vector_load %arg11[%swap3A_880, %swap3A_881] {strides = array<i32>} : memref<16x768xf32, #tpu.memory_space<vmem>>, vector<1x16xf32>,
        %swap3A_883 = vector.shape_cast %swap3A_882 : vector<1x16xf32> to vector<16xf32>
        %swap3A_884 = vector.shape_cast %add3A_879 : vector<16xf32> to vector<1x16xf32>
        tpu.vector_store %arg11[%swap3A_880, %swap3A_881], %swap3A_884 {strides = array<i32>} : memref<16x768xf32, #tpu.memory_space<vmem>>, vector<1x16xf32>,
        %get3A_885 = arith.index_cast %scan3A_550 : i32 to index
        %get3A_886 = arith.constant 384 : index
        %get3A_887 = tpu.vector_load %arg11[%get3A_885, %get3A_886] {strides = array<i32>} : memref<16x768xf32, #tpu.memory_space<vmem>>, vector<1x16xf32>,
        %get3A_888 = vector.shape_cast %get3A_887 : vector<1x16xf32> to vector<16xf32>
        %get3A_889 = arith.index_cast %scan3A_550 : i32 to index
        %get3A_890 = arith.constant 384 : index
        %get3A_891 = tpu.vector_load %arg15[%get3A_889, %get3A_890] {strides = array<i32>} : memref<16x768xf32, #tpu.memory_space<vmem>>, vector<1x16xf32>,
        %get3A_892 = vector.shape_cast %get3A_891 : vector<1x16xf32> to vector<16xf32>
        %add3A_893 = arith.addf %get3A_888, %get3A_892 : vector<16xf32>
        %swap3A_894 = arith.index_cast %scan3A_550 : i32 to index
        %swap3A_895 = arith.constant 384 : index
        %swap3A_896 = tpu.vector_load %arg11[%swap3A_894, %swap3A_895] {strides = array<i32>} : memref<16x768xf32, #tpu.memory_space<vmem>>, vector<1x16xf32>,
        %swap3A_897 = vector.shape_cast %swap3A_896 : vector<1x16xf32> to vector<16xf32>
        %swap3A_898 = vector.shape_cast %add3A_893 : vector<16xf32> to vector<1x16xf32>
        tpu.vector_store %arg11[%swap3A_894, %swap3A_895], %swap3A_898 {strides = array<i32>} : memref<16x768xf32, #tpu.memory_space<vmem>>, vector<1x16xf32>,
        %get3A_899 = arith.index_cast %scan3A_550 : i32 to index
        %get3A_900 = arith.constant 400 : index
        %get3A_901 = tpu.vector_load %arg11[%get3A_899, %get3A_900] {strides = array<i32>} : memref<16x768xf32, #tpu.memory_space<vmem>>, vector<1x16xf32>,
        %get3A_902 = vector.shape_cast %get3A_901 : vector<1x16xf32> to vector<16xf32>
        %get3A_903 = arith.index_cast %scan3A_550 : i32 to index
        %get3A_904 = arith.constant 400 : index
        %get3A_905 = tpu.vector_load %arg15[%get3A_903, %get3A_904] {strides = array<i32>} : memref<16x768xf32, #tpu.memory_space<vmem>>, vector<1x16xf32>,
        %get3A_906 = vector.shape_cast %get3A_905 : vector<1x16xf32> to vector<16xf32>
        %add3A_907 = arith.addf %get3A_902, %get3A_906 : vector<16xf32>
        %swap3A_908 = arith.index_cast %scan3A_550 : i32 to index
        %swap3A_909 = arith.constant 400 : index
        %swap3A_910 = tpu.vector_load %arg11[%swap3A_908, %swap3A_909] {strides = array<i32>} : memref<16x768xf32, #tpu.memory_space<vmem>>, vector<1x16xf32>,
        %swap3A_911 = vector.shape_cast %swap3A_910 : vector<1x16xf32> to vector<16xf32>
        %swap3A_912 = vector.shape_cast %add3A_907 : vector<16xf32> to vector<1x16xf32>
        tpu.vector_store %arg11[%swap3A_908, %swap3A_909], %swap3A_912 {strides = array<i32>} : memref<16x768xf32, #tpu.memory_space<vmem>>, vector<1x16xf32>,
        %get3A_913 = arith.index_cast %scan3A_550 : i32 to index
        %get3A_914 = arith.constant 416 : index
        %get3A_915 = tpu.vector_load %arg11[%get3A_913, %get3A_914] {strides = array<i32>} : memref<16x768xf32, #tpu.memory_space<vmem>>, vector<1x16xf32>,
        %get3A_916 = vector.shape_cast %get3A_915 : vector<1x16xf32> to vector<16xf32>
        %get3A_917 = arith.index_cast %scan3A_550 : i32 to index
        %get3A_918 = arith.constant 416 : index
        %get3A_919 = tpu.vector_load %arg15[%get3A_917, %get3A_918] {strides = array<i32>} : memref<16x768xf32, #tpu.memory_space<vmem>>, vector<1x16xf32>,
        %get3A_920 = vector.shape_cast %get3A_919 : vector<1x16xf32> to vector<16xf32>
        %add3A_921 = arith.addf %get3A_916, %get3A_920 : vector<16xf32>
        %swap3A_922 = arith.index_cast %scan3A_550 : i32 to index
        %swap3A_923 = arith.constant 416 : index
        %swap3A_924 = tpu.vector_load %arg11[%swap3A_922, %swap3A_923] {strides = array<i32>} : memref<16x768xf32, #tpu.memory_space<vmem>>, vector<1x16xf32>,
        %swap3A_925 = vector.shape_cast %swap3A_924 : vector<1x16xf32> to vector<16xf32>
        %swap3A_926 = vector.shape_cast %add3A_921 : vector<16xf32> to vector<1x16xf32>
        tpu.vector_store %arg11[%swap3A_922, %swap3A_923], %swap3A_926 {strides = array<i32>} : memref<16x768xf32, #tpu.memory_space<vmem>>, vector<1x16xf32>,
        %get3A_927 = arith.index_cast %scan3A_550 : i32 to index
        %get3A_928 = arith.constant 432 : index
        %get3A_929 = tpu.vector_load %arg11[%get3A_927, %get3A_928] {strides = array<i32>} : memref<16x768xf32, #tpu.memory_space<vmem>>, vector<1x16xf32>,
        %get3A_930 = vector.shape_cast %get3A_929 : vector<1x16xf32> to vector<16xf32>
        %get3A_931 = arith.index_cast %scan3A_550 : i32 to index
        %get3A_932 = arith.constant 432 : index
        %get3A_933 = tpu.vector_load %arg15[%get3A_931, %get3A_932] {strides = array<i32>} : memref<16x768xf32, #tpu.memory_space<vmem>>, vector<1x16xf32>,
        %get3A_934 = vector.shape_cast %get3A_933 : vector<1x16xf32> to vector<16xf32>
        %add3A_935 = arith.addf %get3A_930, %get3A_934 : vector<16xf32>
        %swap3A_936 = arith.index_cast %scan3A_550 : i32 to index
        %swap3A_937 = arith.constant 432 : index
        %swap3A_938 = tpu.vector_load %arg11[%swap3A_936, %swap3A_937] {strides = array<i32>} : memref<16x768xf32, #tpu.memory_space<vmem>>, vector<1x16xf32>,
        %swap3A_939 = vector.shape_cast %swap3A_938 : vector<1x16xf32> to vector<16xf32>
        %swap3A_940 = vector.shape_cast %add3A_935 : vector<16xf32> to vector<1x16xf32>
        tpu.vector_store %arg11[%swap3A_936, %swap3A_937], %swap3A_940 {strides = array<i32>} : memref<16x768xf32, #tpu.memory_space<vmem>>, vector<1x16xf32>,
        %get3A_941 = arith.index_cast %scan3A_550 : i32 to index
        %get3A_942 = arith.constant 448 : index
        %get3A_943 = tpu.vector_load %arg11[%get3A_941, %get3A_942] {strides = array<i32>} : memref<16x768xf32, #tpu.memory_space<vmem>>, vector<1x16xf32>,
        %get3A_944 = vector.shape_cast %get3A_943 : vector<1x16xf32> to vector<16xf32>
        %get3A_945 = arith.index_cast %scan3A_550 : i32 to index
        %get3A_946 = arith.constant 448 : index
        %get3A_947 = tpu.vector_load %arg15[%get3A_945, %get3A_946] {strides = array<i32>} : memref<16x768xf32, #tpu.memory_space<vmem>>, vector<1x16xf32>,
        %get3A_948 = vector.shape_cast %get3A_947 : vector<1x16xf32> to vector<16xf32>
        %add3A_949 = arith.addf %get3A_944, %get3A_948 : vector<16xf32>
        %swap3A_950 = arith.index_cast %scan3A_550 : i32 to index
        %swap3A_951 = arith.constant 448 : index
        %swap3A_952 = tpu.vector_load %arg11[%swap3A_950, %swap3A_951] {strides = array<i32>} : memref<16x768xf32, #tpu.memory_space<vmem>>, vector<1x16xf32>,
        %swap3A_953 = vector.shape_cast %swap3A_952 : vector<1x16xf32> to vector<16xf32>
        %swap3A_954 = vector.shape_cast %add3A_949 : vector<16xf32> to vector<1x16xf32>
        tpu.vector_store %arg11[%swap3A_950, %swap3A_951], %swap3A_954 {strides = array<i32>} : memref<16x768xf32, #tpu.memory_space<vmem>>, vector<1x16xf32>,
        %get3A_955 = arith.index_cast %scan3A_550 : i32 to index
        %get3A_956 = arith.constant 464 : index
        %get3A_957 = tpu.vector_load %arg11[%get3A_955, %get3A_956] {strides = array<i32>} : memref<16x768xf32, #tpu.memory_space<vmem>>, vector<1x16xf32>,
        %get3A_958 = vector.shape_cast %get3A_957 : vector<1x16xf32> to vector<16xf32>
        %get3A_959 = arith.index_cast %scan3A_550 : i32 to index
        %get3A_960 = arith.constant 464 : index
        %get3A_961 = tpu.vector_load %arg15[%get3A_959, %get3A_960] {strides = array<i32>} : memref<16x768xf32, #tpu.memory_space<vmem>>, vector<1x16xf32>,
        %get3A_962 = vector.shape_cast %get3A_961 : vector<1x16xf32> to vector<16xf32>
        %add3A_963 = arith.addf %get3A_958, %get3A_962 : vector<16xf32>
        %swap3A_964 = arith.index_cast %scan3A_550 : i32 to index
        %swap3A_965 = arith.constant 464 : index
        %swap3A_966 = tpu.vector_load %arg11[%swap3A_964, %swap3A_965] {strides = array<i32>} : memref<16x768xf32, #tpu.memory_space<vmem>>, vector<1x16xf32>,
        %swap3A_967 = vector.shape_cast %swap3A_966 : vector<1x16xf32> to vector<16xf32>
        %swap3A_968 = vector.shape_cast %add3A_963 : vector<16xf32> to vector<1x16xf32>
        tpu.vector_store %arg11[%swap3A_964, %swap3A_965], %swap3A_968 {strides = array<i32>} : memref<16x768xf32, #tpu.memory_space<vmem>>, vector<1x16xf32>,
        %get3A_969 = arith.index_cast %scan3A_550 : i32 to index
        %get3A_970 = arith.constant 480 : index
        %get3A_971 = tpu.vector_load %arg11[%get3A_969, %get3A_970] {strides = array<i32>} : memref<16x768xf32, #tpu.memory_space<vmem>>, vector<1x16xf32>,
        %get3A_972 = vector.shape_cast %get3A_971 : vector<1x16xf32> to vector<16xf32>
        %get3A_973 = arith.index_cast %scan3A_550 : i32 to index
        %get3A_974 = arith.constant 480 : index
        %get3A_975 = tpu.vector_load %arg15[%get3A_973, %get3A_974] {strides = array<i32>} : memref<16x768xf32, #tpu.memory_space<vmem>>, vector<1x16xf32>,
        %get3A_976 = vector.shape_cast %get3A_975 : vector<1x16xf32> to vector<16xf32>
        %add3A_977 = arith.addf %get3A_972, %get3A_976 : vector<16xf32>
        %swap3A_978 = arith.index_cast %scan3A_550 : i32 to index
        %swap3A_979 = arith.constant 480 : index
        %swap3A_980 = tpu.vector_load %arg11[%swap3A_978, %swap3A_979] {strides = array<i32>} : memref<16x768xf32, #tpu.memory_space<vmem>>, vector<1x16xf32>,
        %swap3A_981 = vector.shape_cast %swap3A_980 : vector<1x16xf32> to vector<16xf32>
        %swap3A_982 = vector.shape_cast %add3A_977 : vector<16xf32> to vector<1x16xf32>
        tpu.vector_store %arg11[%swap3A_978, %swap3A_979], %swap3A_982 {strides = array<i32>} : memref<16x768xf32, #tpu.memory_space<vmem>>, vector<1x16xf32>,
        %get3A_983 = arith.index_cast %scan3A_550 : i32 to index
        %get3A_984 = arith.constant 496 : index
        %get3A_985 = tpu.vector_load %arg11[%get3A_983, %get3A_984] {strides = array<i32>} : memref<16x768xf32, #tpu.memory_space<vmem>>, vector<1x16xf32>,
        %get3A_986 = vector.shape_cast %get3A_985 : vector<1x16xf32> to vector<16xf32>
        %get3A_987 = arith.index_cast %scan3A_550 : i32 to index
        %get3A_988 = arith.constant 496 : index
        %get3A_989 = tpu.vector_load %arg15[%get3A_987, %get3A_988] {strides = array<i32>} : memref<16x768xf32, #tpu.memory_space<vmem>>, vector<1x16xf32>,
        %get3A_990 = vector.shape_cast %get3A_989 : vector<1x16xf32> to vector<16xf32>
        %add3A_991 = arith.addf %get3A_986, %get3A_990 : vector<16xf32>
        %swap3A_992 = arith.index_cast %scan3A_550 : i32 to index
        %swap3A_993 = arith.constant 496 : index
        %swap3A_994 = tpu.vector_load %arg11[%swap3A_992, %swap3A_993] {strides = array<i32>} : memref<16x768xf32, #tpu.memory_space<vmem>>, vector<1x16xf32>,
        %swap3A_995 = vector.shape_cast %swap3A_994 : vector<1x16xf32> to vector<16xf32>
        %swap3A_996 = vector.shape_cast %add3A_991 : vector<16xf32> to vector<1x16xf32>
        tpu.vector_store %arg11[%swap3A_992, %swap3A_993], %swap3A_996 {strides = array<i32>} : memref<16x768xf32, #tpu.memory_space<vmem>>, vector<1x16xf32>,
        %get3A_997 = arith.index_cast %scan3A_550 : i32 to index
        %get3A_998 = arith.constant 512 : index
        %get3A_999 = tpu.vector_load %arg11[%get3A_997, %get3A_998] {strides = array<i32>} : memref<16x768xf32, #tpu.memory_space<vmem>>, vector<1x16xf32>,
        %get3A_1000 = vector.shape_cast %get3A_999 : vector<1x16xf32> to vector<16xf32>
        %get3A_1001 = arith.index_cast %scan3A_550 : i32 to index
        %get3A_1002 = arith.constant 512 : index
        %get3A_1003 = tpu.vector_load %arg15[%get3A_1001, %get3A_1002] {strides = array<i32>} : memref<16x768xf32, #tpu.memory_space<vmem>>, vector<1x16xf32>,
        %get3A_1004 = vector.shape_cast %get3A_1003 : vector<1x16xf32> to vector<16xf32>
        %add3A_1005 = arith.addf %get3A_1000, %get3A_1004 : vector<16xf32>
        %swap3A_1006 = arith.index_cast %scan3A_550 : i32 to index
        %swap3A_1007 = arith.constant 512 : index
        %swap3A_1008 = tpu.vector_load %arg11[%swap3A_1006, %swap3A_1007] {strides = array<i32>} : memref<16x768xf32, #tpu.memory_space<vmem>>, vector<1x16xf32>,
        %swap3A_1009 = vector.shape_cast %swap3A_1008 : vector<1x16xf32> to vector<16xf32>
        %swap3A_1010 = vector.shape_cast %add3A_1005 : vector<16xf32> to vector<1x16xf32>
        tpu.vector_store %arg11[%swap3A_1006, %swap3A_1007], %swap3A_1010 {strides = array<i32>} : memref<16x768xf32, #tpu.memory_space<vmem>>, vector<1x16xf32>,
        %get3A_1011 = arith.index_cast %scan3A_550 : i32 to index
        %get3A_1012 = arith.constant 528 : index
        %get3A_1013 = tpu.vector_load %arg11[%get3A_1011, %get3A_1012] {strides = array<i32>} : memref<16x768xf32, #tpu.memory_space<vmem>>, vector<1x16xf32>,
        %get3A_1014 = vector.shape_cast %get3A_1013 : vector<1x16xf32> to vector<16xf32>
        %get3A_1015 = arith.index_cast %scan3A_550 : i32 to index
        %get3A_1016 = arith.constant 528 : index
        %get3A_1017 = tpu.vector_load %arg15[%get3A_1015, %get3A_1016] {strides = array<i32>} : memref<16x768xf32, #tpu.memory_space<vmem>>, vector<1x16xf32>,
        %get3A_1018 = vector.shape_cast %get3A_1017 : vector<1x16xf32> to vector<16xf32>
        %add3A_1019 = arith.addf %get3A_1014, %get3A_1018 : vector<16xf32>
        %swap3A_1020 = arith.index_cast %scan3A_550 : i32 to index
        %swap3A_1021 = arith.constant 528 : index
        %swap3A_1022 = tpu.vector_load %arg11[%swap3A_1020, %swap3A_1021] {strides = array<i32>} : memref<16x768xf32, #tpu.memory_space<vmem>>, vector<1x16xf32>,
        %swap3A_1023 = vector.shape_cast %swap3A_1022 : vector<1x16xf32> to vector<16xf32>
        %swap3A_1024 = vector.shape_cast %add3A_1019 : vector<16xf32> to vector<1x16xf32>
        tpu.vector_store %arg11[%swap3A_1020, %swap3A_1021], %swap3A_1024 {strides = array<i32>} : memref<16x768xf32, #tpu.memory_space<vmem>>, vector<1x16xf32>,
        %get3A_1025 = arith.index_cast %scan3A_550 : i32 to index
        %get3A_1026 = arith.constant 544 : index
        %get3A_1027 = tpu.vector_load %arg11[%get3A_1025, %get3A_1026] {strides = array<i32>} : memref<16x768xf32, #tpu.memory_space<vmem>>, vector<1x16xf32>,
        %get3A_1028 = vector.shape_cast %get3A_1027 : vector<1x16xf32> to vector<16xf32>
        %get3A_1029 = arith.index_cast %scan3A_550 : i32 to index
        %get3A_1030 = arith.constant 544 : index
        %get3A_1031 = tpu.vector_load %arg15[%get3A_1029, %get3A_1030] {strides = array<i32>} : memref<16x768xf32, #tpu.memory_space<vmem>>, vector<1x16xf32>,
        %get3A_1032 = vector.shape_cast %get3A_1031 : vector<1x16xf32> to vector<16xf32>
        %add3A_1033 = arith.addf %get3A_1028, %get3A_1032 : vector<16xf32>
        %swap3A_1034 = arith.index_cast %scan3A_550 : i32 to index
        %swap3A_1035 = arith.constant 544 : index
        %swap3A_1036 = tpu.vector_load %arg11[%swap3A_1034, %swap3A_1035] {strides = array<i32>} : memref<16x768xf32, #tpu.memory_space<vmem>>, vector<1x16xf32>,
        %swap3A_1037 = vector.shape_cast %swap3A_1036 : vector<1x16xf32> to vector<16xf32>
        %swap3A_1038 = vector.shape_cast %add3A_1033 : vector<16xf32> to vector<1x16xf32>
        tpu.vector_store %arg11[%swap3A_1034, %swap3A_1035], %swap3A_1038 {strides = array<i32>} : memref<16x768xf32, #tpu.memory_space<vmem>>, vector<1x16xf32>,
        %get3A_1039 = arith.index_cast %scan3A_550 : i32 to index
        %get3A_1040 = arith.constant 560 : index
        %get3A_1041 = tpu.vector_load %arg11[%get3A_1039, %get3A_1040] {strides = array<i32>} : memref<16x768xf32, #tpu.memory_space<vmem>>, vector<1x16xf32>,
        %get3A_1042 = vector.shape_cast %get3A_1041 : vector<1x16xf32> to vector<16xf32>
        %get3A_1043 = arith.index_cast %scan3A_550 : i32 to index
        %get3A_1044 = arith.constant 560 : index
        %get3A_1045 = tpu.vector_load %arg15[%get3A_1043, %get3A_1044] {strides = array<i32>} : memref<16x768xf32, #tpu.memory_space<vmem>>, vector<1x16xf32>,
        %get3A_1046 = vector.shape_cast %get3A_1045 : vector<1x16xf32> to vector<16xf32>
        %add3A_1047 = arith.addf %get3A_1042, %get3A_1046 : vector<16xf32>
        %swap3A_1048 = arith.index_cast %scan3A_550 : i32 to index
        %swap3A_1049 = arith.constant 560 : index
        %swap3A_1050 = tpu.vector_load %arg11[%swap3A_1048, %swap3A_1049] {strides = array<i32>} : memref<16x768xf32, #tpu.memory_space<vmem>>, vector<1x16xf32>,
        %swap3A_1051 = vector.shape_cast %swap3A_1050 : vector<1x16xf32> to vector<16xf32>
        %swap3A_1052 = vector.shape_cast %add3A_1047 : vector<16xf32> to vector<1x16xf32>
        tpu.vector_store %arg11[%swap3A_1048, %swap3A_1049], %swap3A_1052 {strides = array<i32>} : memref<16x768xf32, #tpu.memory_space<vmem>>, vector<1x16xf32>,
        %get3A_1053 = arith.index_cast %scan3A_550 : i32 to index
        %get3A_1054 = arith.constant 576 : index
        %get3A_1055 = tpu.vector_load %arg11[%get3A_1053, %get3A_1054] {strides = array<i32>} : memref<16x768xf32, #tpu.memory_space<vmem>>, vector<1x16xf32>,
        %get3A_1056 = vector.shape_cast %get3A_1055 : vector<1x16xf32> to vector<16xf32>
        %get3A_1057 = arith.index_cast %scan3A_550 : i32 to index
        %get3A_1058 = arith.constant 576 : index
        %get3A_1059 = tpu.vector_load %arg15[%get3A_1057, %get3A_1058] {strides = array<i32>} : memref<16x768xf32, #tpu.memory_space<vmem>>, vector<1x16xf32>,
        %get3A_1060 = vector.shape_cast %get3A_1059 : vector<1x16xf32> to vector<16xf32>
        %add3A_1061 = arith.addf %get3A_1056, %get3A_1060 : vector<16xf32>
        %swap3A_1062 = arith.index_cast %scan3A_550 : i32 to index
        %swap3A_1063 = arith.constant 576 : index
        %swap3A_1064 = tpu.vector_load %arg11[%swap3A_1062, %swap3A_1063] {strides = array<i32>} : memref<16x768xf32, #tpu.memory_space<vmem>>, vector<1x16xf32>,
        %swap3A_1065 = vector.shape_cast %swap3A_1064 : vector<1x16xf32> to vector<16xf32>
        %swap3A_1066 = vector.shape_cast %add3A_1061 : vector<16xf32> to vector<1x16xf32>
        tpu.vector_store %arg11[%swap3A_1062, %swap3A_1063], %swap3A_1066 {strides = array<i32>} : memref<16x768xf32, #tpu.memory_space<vmem>>, vector<1x16xf32>,
        %get3A_1067 = arith.index_cast %scan3A_550 : i32 to index
        %get3A_1068 = arith.constant 592 : index
        %get3A_1069 = tpu.vector_load %arg11[%get3A_1067, %get3A_1068] {strides = array<i32>} : memref<16x768xf32, #tpu.memory_space<vmem>>, vector<1x16xf32>,
        %get3A_1070 = vector.shape_cast %get3A_1069 : vector<1x16xf32> to vector<16xf32>
        %get3A_1071 = arith.index_cast %scan3A_550 : i32 to index
        %get3A_1072 = arith.constant 592 : index
        %get3A_1073 = tpu.vector_load %arg15[%get3A_1071, %get3A_1072] {strides = array<i32>} : memref<16x768xf32, #tpu.memory_space<vmem>>, vector<1x16xf32>,
        %get3A_1074 = vector.shape_cast %get3A_1073 : vector<1x16xf32> to vector<16xf32>
        %add3A_1075 = arith.addf %get3A_1070, %get3A_1074 : vector<16xf32>
        %swap3A_1076 = arith.index_cast %scan3A_550 : i32 to index
        %swap3A_1077 = arith.constant 592 : index
        %swap3A_1078 = tpu.vector_load %arg11[%swap3A_1076, %swap3A_1077] {strides = array<i32>} : memref<16x768xf32, #tpu.memory_space<vmem>>, vector<1x16xf32>,
        %swap3A_1079 = vector.shape_cast %swap3A_1078 : vector<1x16xf32> to vector<16xf32>
        %swap3A_1080 = vector.shape_cast %add3A_1075 : vector<16xf32> to vector<1x16xf32>
        tpu.vector_store %arg11[%swap3A_1076, %swap3A_1077], %swap3A_1080 {strides = array<i32>} : memref<16x768xf32, #tpu.memory_space<vmem>>, vector<1x16xf32>,
        %get3A_1081 = arith.index_cast %scan3A_550 : i32 to index
        %get3A_1082 = arith.constant 608 : index
        %get3A_1083 = tpu.vector_load %arg11[%get3A_1081, %get3A_1082] {strides = array<i32>} : memref<16x768xf32, #tpu.memory_space<vmem>>, vector<1x16xf32>,
        %get3A_1084 = vector.shape_cast %get3A_1083 : vector<1x16xf32> to vector<16xf32>
        %get3A_1085 = arith.index_cast %scan3A_550 : i32 to index
        %get3A_1086 = arith.constant 608 : index
        %get3A_1087 = tpu.vector_load %arg15[%get3A_1085, %get3A_1086] {strides = array<i32>} : memref<16x768xf32, #tpu.memory_space<vmem>>, vector<1x16xf32>,
        %get3A_1088 = vector.shape_cast %get3A_1087 : vector<1x16xf32> to vector<16xf32>
        %add3A_1089 = arith.addf %get3A_1084, %get3A_1088 : vector<16xf32>
        %swap3A_1090 = arith.index_cast %scan3A_550 : i32 to index
        %swap3A_1091 = arith.constant 608 : index
        %swap3A_1092 = tpu.vector_load %arg11[%swap3A_1090, %swap3A_1091] {strides = array<i32>} : memref<16x768xf32, #tpu.memory_space<vmem>>, vector<1x16xf32>,
        %swap3A_1093 = vector.shape_cast %swap3A_1092 : vector<1x16xf32> to vector<16xf32>
        %swap3A_1094 = vector.shape_cast %add3A_1089 : vector<16xf32> to vector<1x16xf32>
        tpu.vector_store %arg11[%swap3A_1090, %swap3A_1091], %swap3A_1094 {strides = array<i32>} : memref<16x768xf32, #tpu.memory_space<vmem>>, vector<1x16xf32>,
        %get3A_1095 = arith.index_cast %scan3A_550 : i32 to index
        %get3A_1096 = arith.constant 624 : index
        %get3A_1097 = tpu.vector_load %arg11[%get3A_1095, %get3A_1096] {strides = array<i32>} : memref<16x768xf32, #tpu.memory_space<vmem>>, vector<1x16xf32>,
        %get3A_1098 = vector.shape_cast %get3A_1097 : vector<1x16xf32> to vector<16xf32>
        %get3A_1099 = arith.index_cast %scan3A_550 : i32 to index
        %get3A_1100 = arith.constant 624 : index
        %get3A_1101 = tpu.vector_load %arg15[%get3A_1099, %get3A_1100] {strides = array<i32>} : memref<16x768xf32, #tpu.memory_space<vmem>>, vector<1x16xf32>,
        %get3A_1102 = vector.shape_cast %get3A_1101 : vector<1x16xf32> to vector<16xf32>
        %add3A_1103 = arith.addf %get3A_1098, %get3A_1102 : vector<16xf32>
        %swap3A_1104 = arith.index_cast %scan3A_550 : i32 to index
        %swap3A_1105 = arith.constant 624 : index
        %swap3A_1106 = tpu.vector_load %arg11[%swap3A_1104, %swap3A_1105] {strides = array<i32>} : memref<16x768xf32, #tpu.memory_space<vmem>>, vector<1x16xf32>,
        %swap3A_1107 = vector.shape_cast %swap3A_1106 : vector<1x16xf32> to vector<16xf32>
        %swap3A_1108 = vector.shape_cast %add3A_1103 : vector<16xf32> to vector<1x16xf32>
        tpu.vector_store %arg11[%swap3A_1104, %swap3A_1105], %swap3A_1108 {strides = array<i32>} : memref<16x768xf32, #tpu.memory_space<vmem>>, vector<1x16xf32>,
        %get3A_1109 = arith.index_cast %scan3A_550 : i32 to index
        %get3A_1110 = arith.constant 640 : index
        %get3A_1111 = tpu.vector_load %arg11[%get3A_1109, %get3A_1110] {strides = array<i32>} : memref<16x768xf32, #tpu.memory_space<vmem>>, vector<1x16xf32>,
        %get3A_1112 = vector.shape_cast %get3A_1111 : vector<1x16xf32> to vector<16xf32>
        %get3A_1113 = arith.index_cast %scan3A_550 : i32 to index
        %get3A_1114 = arith.constant 640 : index
        %get3A_1115 = tpu.vector_load %arg15[%get3A_1113, %get3A_1114] {strides = array<i32>} : memref<16x768xf32, #tpu.memory_space<vmem>>, vector<1x16xf32>,
        %get3A_1116 = vector.shape_cast %get3A_1115 : vector<1x16xf32> to vector<16xf32>
        %add3A_1117 = arith.addf %get3A_1112, %get3A_1116 : vector<16xf32>
        %swap3A_1118 = arith.index_cast %scan3A_550 : i32 to index
        %swap3A_1119 = arith.constant 640 : index
        %swap3A_1120 = tpu.vector_load %arg11[%swap3A_1118, %swap3A_1119] {strides = array<i32>} : memref<16x768xf32, #tpu.memory_space<vmem>>, vector<1x16xf32>,
        %swap3A_1121 = vector.shape_cast %swap3A_1120 : vector<1x16xf32> to vector<16xf32>
        %swap3A_1122 = vector.shape_cast %add3A_1117 : vector<16xf32> to vector<1x16xf32>
        tpu.vector_store %arg11[%swap3A_1118, %swap3A_1119], %swap3A_1122 {strides = array<i32>} : memref<16x768xf32, #tpu.memory_space<vmem>>, vector<1x16xf32>,
        %get3A_1123 = arith.index_cast %scan3A_550 : i32 to index
        %get3A_1124 = arith.constant 656 : index
        %get3A_1125 = tpu.vector_load %arg11[%get3A_1123, %get3A_1124] {strides = array<i32>} : memref<16x768xf32, #tpu.memory_space<vmem>>, vector<1x16xf32>,
        %get3A_1126 = vector.shape_cast %get3A_1125 : vector<1x16xf32> to vector<16xf32>
        %get3A_1127 = arith.index_cast %scan3A_550 : i32 to index
        %get3A_1128 = arith.constant 656 : index
        %get3A_1129 = tpu.vector_load %arg15[%get3A_1127, %get3A_1128] {strides = array<i32>} : memref<16x768xf32, #tpu.memory_space<vmem>>, vector<1x16xf32>,
        %get3A_1130 = vector.shape_cast %get3A_1129 : vector<1x16xf32> to vector<16xf32>
        %add3A_1131 = arith.addf %get3A_1126, %get3A_1130 : vector<16xf32>
        %swap3A_1132 = arith.index_cast %scan3A_550 : i32 to index
        %swap3A_1133 = arith.constant 656 : index
        %swap3A_1134 = tpu.vector_load %arg11[%swap3A_1132, %swap3A_1133] {strides = array<i32>} : memref<16x768xf32, #tpu.memory_space<vmem>>, vector<1x16xf32>,
        %swap3A_1135 = vector.shape_cast %swap3A_1134 : vector<1x16xf32> to vector<16xf32>
        %swap3A_1136 = vector.shape_cast %add3A_1131 : vector<16xf32> to vector<1x16xf32>
        tpu.vector_store %arg11[%swap3A_1132, %swap3A_1133], %swap3A_1136 {strides = array<i32>} : memref<16x768xf32, #tpu.memory_space<vmem>>, vector<1x16xf32>,
        %get3A_1137 = arith.index_cast %scan3A_550 : i32 to index
        %get3A_1138 = arith.constant 672 : index
        %get3A_1139 = tpu.vector_load %arg11[%get3A_1137, %get3A_1138] {strides = array<i32>} : memref<16x768xf32, #tpu.memory_space<vmem>>, vector<1x16xf32>,
        %get3A_1140 = vector.shape_cast %get3A_1139 : vector<1x16xf32> to vector<16xf32>
        %get3A_1141 = arith.index_cast %scan3A_550 : i32 to index
        %get3A_1142 = arith.constant 672 : index
        %get3A_1143 = tpu.vector_load %arg15[%get3A_1141, %get3A_1142] {strides = array<i32>} : memref<16x768xf32, #tpu.memory_space<vmem>>, vector<1x16xf32>,
        %get3A_1144 = vector.shape_cast %get3A_1143 : vector<1x16xf32> to vector<16xf32>
        %add3A_1145 = arith.addf %get3A_1140, %get3A_1144 : vector<16xf32>
        %swap3A_1146 = arith.index_cast %scan3A_550 : i32 to index
        %swap3A_1147 = arith.constant 672 : index
        %swap3A_1148 = tpu.vector_load %arg11[%swap3A_1146, %swap3A_1147] {strides = array<i32>} : memref<16x768xf32, #tpu.memory_space<vmem>>, vector<1x16xf32>,
        %swap3A_1149 = vector.shape_cast %swap3A_1148 : vector<1x16xf32> to vector<16xf32>
        %swap3A_1150 = vector.shape_cast %add3A_1145 : vector<16xf32> to vector<1x16xf32>
        tpu.vector_store %arg11[%swap3A_1146, %swap3A_1147], %swap3A_1150 {strides = array<i32>} : memref<16x768xf32, #tpu.memory_space<vmem>>, vector<1x16xf32>,
        %get3A_1151 = arith.index_cast %scan3A_550 : i32 to index
        %get3A_1152 = arith.constant 688 : index
        %get3A_1153 = tpu.vector_load %arg11[%get3A_1151, %get3A_1152] {strides = array<i32>} : memref<16x768xf32, #tpu.memory_space<vmem>>, vector<1x16xf32>,
        %get3A_1154 = vector.shape_cast %get3A_1153 : vector<1x16xf32> to vector<16xf32>
        %get3A_1155 = arith.index_cast %scan3A_550 : i32 to index
        %get3A_1156 = arith.constant 688 : index
        %get3A_1157 = tpu.vector_load %arg15[%get3A_1155, %get3A_1156] {strides = array<i32>} : memref<16x768xf32, #tpu.memory_space<vmem>>, vector<1x16xf32>,
        %get3A_1158 = vector.shape_cast %get3A_1157 : vector<1x16xf32> to vector<16xf32>
        %add3A_1159 = arith.addf %get3A_1154, %get3A_1158 : vector<16xf32>
        %swap3A_1160 = arith.index_cast %scan3A_550 : i32 to index
        %swap3A_1161 = arith.constant 688 : index
        %swap3A_1162 = tpu.vector_load %arg11[%swap3A_1160, %swap3A_1161] {strides = array<i32>} : memref<16x768xf32, #tpu.memory_space<vmem>>, vector<1x16xf32>,
        %swap3A_1163 = vector.shape_cast %swap3A_1162 : vector<1x16xf32> to vector<16xf32>
        %swap3A_1164 = vector.shape_cast %add3A_1159 : vector<16xf32> to vector<1x16xf32>
        tpu.vector_store %arg11[%swap3A_1160, %swap3A_1161], %swap3A_1164 {strides = array<i32>} : memref<16x768xf32, #tpu.memory_space<vmem>>, vector<1x16xf32>,
        %get3A_1165 = arith.index_cast %scan3A_550 : i32 to index
        %get3A_1166 = arith.constant 704 : index
        %get3A_1167 = tpu.vector_load %arg11[%get3A_1165, %get3A_1166] {strides = array<i32>} : memref<16x768xf32, #tpu.memory_space<vmem>>, vector<1x16xf32>,
        %get3A_1168 = vector.shape_cast %get3A_1167 : vector<1x16xf32> to vector<16xf32>
        %get3A_1169 = arith.index_cast %scan3A_550 : i32 to index
        %get3A_1170 = arith.constant 704 : index
        %get3A_1171 = tpu.vector_load %arg15[%get3A_1169, %get3A_1170] {strides = array<i32>} : memref<16x768xf32, #tpu.memory_space<vmem>>, vector<1x16xf32>,
        %get3A_1172 = vector.shape_cast %get3A_1171 : vector<1x16xf32> to vector<16xf32>
        %add3A_1173 = arith.addf %get3A_1168, %get3A_1172 : vector<16xf32>
        %swap3A_1174 = arith.index_cast %scan3A_550 : i32 to index
        %swap3A_1175 = arith.constant 704 : index
        %swap3A_1176 = tpu.vector_load %arg11[%swap3A_1174, %swap3A_1175] {strides = array<i32>} : memref<16x768xf32, #tpu.memory_space<vmem>>, vector<1x16xf32>,
        %swap3A_1177 = vector.shape_cast %swap3A_1176 : vector<1x16xf32> to vector<16xf32>
        %swap3A_1178 = vector.shape_cast %add3A_1173 : vector<16xf32> to vector<1x16xf32>
        tpu.vector_store %arg11[%swap3A_1174, %swap3A_1175], %swap3A_1178 {strides = array<i32>} : memref<16x768xf32, #tpu.memory_space<vmem>>, vector<1x16xf32>,
        %get3A_1179 = arith.index_cast %scan3A_550 : i32 to index
        %get3A_1180 = arith.constant 720 : index
        %get3A_1181 = tpu.vector_load %arg11[%get3A_1179, %get3A_1180] {strides = array<i32>} : memref<16x768xf32, #tpu.memory_space<vmem>>, vector<1x16xf32>,
        %get3A_1182 = vector.shape_cast %get3A_1181 : vector<1x16xf32> to vector<16xf32>
        %get3A_1183 = arith.index_cast %scan3A_550 : i32 to index
        %get3A_1184 = arith.constant 720 : index
        %get3A_1185 = tpu.vector_load %arg15[%get3A_1183, %get3A_1184] {strides = array<i32>} : memref<16x768xf32, #tpu.memory_space<vmem>>, vector<1x16xf32>,
        %get3A_1186 = vector.shape_cast %get3A_1185 : vector<1x16xf32> to vector<16xf32>
        %add3A_1187 = arith.addf %get3A_1182, %get3A_1186 : vector<16xf32>
        %swap3A_1188 = arith.index_cast %scan3A_550 : i32 to index
        %swap3A_1189 = arith.constant 720 : index
        %swap3A_1190 = tpu.vector_load %arg11[%swap3A_1188, %swap3A_1189] {strides = array<i32>} : memref<16x768xf32, #tpu.memory_space<vmem>>, vector<1x16xf32>,
        %swap3A_1191 = vector.shape_cast %swap3A_1190 : vector<1x16xf32> to vector<16xf32>
        %swap3A_1192 = vector.shape_cast %add3A_1187 : vector<16xf32> to vector<1x16xf32>
        tpu.vector_store %arg11[%swap3A_1188, %swap3A_1189], %swap3A_1192 {strides = array<i32>} : memref<16x768xf32, #tpu.memory_space<vmem>>, vector<1x16xf32>,
        %get3A_1193 = arith.index_cast %scan3A_550 : i32 to index
        %get3A_1194 = arith.constant 736 : index
        %get3A_1195 = tpu.vector_load %arg11[%get3A_1193, %get3A_1194] {strides = array<i32>} : memref<16x768xf32, #tpu.memory_space<vmem>>, vector<1x16xf32>,
        %get3A_1196 = vector.shape_cast %get3A_1195 : vector<1x16xf32> to vector<16xf32>
        %get3A_1197 = arith.index_cast %scan3A_550 : i32 to index
        %get3A_1198 = arith.constant 736 : index
        %get3A_1199 = tpu.vector_load %arg15[%get3A_1197, %get3A_1198] {strides = array<i32>} : memref<16x768xf32, #tpu.memory_space<vmem>>, vector<1x16xf32>,
        %get3A_1200 = vector.shape_cast %get3A_1199 : vector<1x16xf32> to vector<16xf32>
        %add3A_1201 = arith.addf %get3A_1196, %get3A_1200 : vector<16xf32>
        %swap3A_1202 = arith.index_cast %scan3A_550 : i32 to index
        %swap3A_1203 = arith.constant 736 : index
        %swap3A_1204 = tpu.vector_load %arg11[%swap3A_1202, %swap3A_1203] {strides = array<i32>} : memref<16x768xf32, #tpu.memory_space<vmem>>, vector<1x16xf32>,
        %swap3A_1205 = vector.shape_cast %swap3A_1204 : vector<1x16xf32> to vector<16xf32>
        %swap3A_1206 = vector.shape_cast %add3A_1201 : vector<16xf32> to vector<1x16xf32>
        tpu.vector_store %arg11[%swap3A_1202, %swap3A_1203], %swap3A_1206 {strides = array<i32>} : memref<16x768xf32, #tpu.memory_space<vmem>>, vector<1x16xf32>,
        %get3A_1207 = arith.index_cast %scan3A_550 : i32 to index
        %get3A_1208 = arith.constant 752 : index
        %get3A_1209 = tpu.vector_load %arg11[%get3A_1207, %get3A_1208] {strides = array<i32>} : memref<16x768xf32, #tpu.memory_space<vmem>>, vector<1x16xf32>,
        %get3A_1210 = vector.shape_cast %get3A_1209 : vector<1x16xf32> to vector<16xf32>
        %get3A_1211 = arith.index_cast %scan3A_550 : i32 to index
        %get3A_1212 = arith.constant 752 : index
        %get3A_1213 = tpu.vector_load %arg15[%get3A_1211, %get3A_1212] {strides = array<i32>} : memref<16x768xf32, #tpu.memory_space<vmem>>, vector<1x16xf32>,
        %get3A_1214 = vector.shape_cast %get3A_1213 : vector<1x16xf32> to vector<16xf32>
        %add3A_1215 = arith.addf %get3A_1210, %get3A_1214 : vector<16xf32>
        %swap3A_1216 = arith.index_cast %scan3A_550 : i32 to index
        %swap3A_1217 = arith.constant 752 : index
        %swap3A_1218 = tpu.vector_load %arg11[%swap3A_1216, %swap3A_1217] {strides = array<i32>} : memref<16x768xf32, #tpu.memory_space<vmem>>, vector<1x16xf32>,
        %swap3A_1219 = vector.shape_cast %swap3A_1218 : vector<1x16xf32> to vector<16xf32>
        %swap3A_1220 = vector.shape_cast %add3A_1215 : vector<16xf32> to vector<1x16xf32>
        tpu.vector_store %arg11[%swap3A_1216, %swap3A_1217], %swap3A_1220 {strides = array<i32>} : memref<16x768xf32, #tpu.memory_space<vmem>>, vector<1x16xf32>,
      }
      %scan3A_420 = arith.constant 16 : i32
      %mul3A_421 = arith.constant 16 : i32
      %mul3A_422 = arith.muli %add3A_395, %mul3A_421 : i32
      %add3A_423 = arith.addi %mul3A_2, %mul3A_422 : i32
      %jit3A_424 = arith.constant 256 : i32
      %div3A_425 = arith.divsi %add3A_423, %jit3A_424 : i32
      %sign3A_426 = arith.constant 0 : i32
      %sign3A_427 = arith.cmpi sgt, %add3A_423, %sign3A_426 : i32
      %sign3A_428 = arith.extui %sign3A_427 : i1 to i32
      %sign3A_429 = arith.constant 0 : i32
      %sign3A_430 = arith.cmpi slt, %add3A_423, %sign3A_429 : i32
      %sign3A_431 = arith.extui %sign3A_430 : i1 to i32
      %sign3A_432 = arith.subi %sign3A_428, %sign3A_431 : i32
      %sign3A_433 = arith.constant 0 : i32
      %sign3A_434 = arith.cmpi sgt, %jit3A_424, %sign3A_433 : i32
      %sign3A_435 = arith.extui %sign3A_434 : i1 to i32
      %sign3A_436 = arith.constant 0 : i32
      %sign3A_437 = arith.cmpi slt, %jit3A_424, %sign3A_436 : i32
      %sign3A_438 = arith.extui %sign3A_437 : i1 to i32
      %sign3A_439 = arith.subi %sign3A_435, %sign3A_438 : i32
      %ne3A_440 = arith.cmpi ne, %sign3A_432, %sign3A_439 : i32
      %rem3A_441 = arith.remsi %add3A_423, %jit3A_424 : i32
      %ne3A_442 = arith.constant 0 : i32
      %ne3A_443 = arith.cmpi ne, %rem3A_441, %ne3A_442 : i32
      %and3A_444 = arith.andi %ne3A_440, %ne3A_443 : i1
      %sub3A_445 = arith.constant 1 : i32
      %sub3A_446 = arith.subi %div3A_425, %sub3A_445 : i32
      %select_n3A_447 = arith.select %and3A_444, %sub3A_446, %div3A_425 : i32
      %jit3A_448 = arith.constant 256 : i32
      %eq3A_449 = arith.constant 0 : i32
      %eq3A_450 = arith.cmpi eq, %jit3A_448, %eq3A_449 : i32
      %jit3A_451 = arith.constant 1 : i32
      %select_n3A_452 = arith.select %eq3A_450, %jit3A_451, %jit3A_448 : i32
      %rem3A_453 = arith.remsi %add3A_423, %select_n3A_452 : i32
      %ne3A_454 = arith.constant 0 : i32
      %ne3A_455 = arith.cmpi ne, %rem3A_453, %ne3A_454 : i32
      %lt3A_456 = arith.constant 0 : i32
      %lt3A_457 = arith.cmpi slt, %rem3A_453, %lt3A_456 : i32
      %lt3A_458 = arith.constant 0 : i32
      %lt3A_459 = arith.cmpi slt, %select_n3A_452, %lt3A_458 : i32
      %ne3A_460 = arith.xori %lt3A_457, %lt3A_459 : i1
      %and3A_461 = arith.andi %ne3A_460, %ne3A_455 : i1
      %add3A_462 = arith.addi %rem3A_453, %select_n3A_452 : i32
      %select_n3A_463 = arith.select %and3A_461, %add3A_462, %rem3A_453 : i32
      %multiple_of3A_464 = tpu.assume_multiple %select_n3A_463, 16 : i32
      %dma_start3A_465 = arith.constant 0 : i32
      %dma_start3A_466 = tpu.memref_slice %arg6[%select_n3A_447, %multiple_of3A_464, %dma_start3A_465] : memref<64x256x768xf32, #tpu.memory_space<hbm>> -> memref<1x16x768xf32, #tpu.memory_space<hbm>>
      %dma_start3A_467 = tpu.memref_squeeze %dma_start3A_466 : memref<1x16x768xf32, #tpu.memory_space<hbm>> -> memref<16x768xf32, #tpu.memory_space<hbm>>
      %dma_start3A_468 = arith.constant 0 : i32
      %dma_start3A_469 = tpu.memref_slice %arg6[%select_n3A_447, %multiple_of3A_464, %dma_start3A_468] : memref<64x256x768xf32, #tpu.memory_space<hbm>> -> memref<1x16x768xf32, #tpu.memory_space<hbm>>
      %dma_start3A_470 = tpu.memref_squeeze %dma_start3A_469 : memref<1x16x768xf32, #tpu.memory_space<hbm>> -> memref<16x768xf32, #tpu.memory_space<hbm>>
      tpu.enqueue_dma source(%arg11 : memref<16x768xf32, #tpu.memory_space<vmem>>) target(%dma_start3A_470 : memref<16x768xf32, #tpu.memory_space<hbm>>) target_semaphore(%arg23 : memref<!tpu.dma_semaphore, #tpu.memory_space<semaphore_mem>>)
      %mul3A_471 = arith.constant 4 : i32
      %mul3A_472 = arith.muli %scan3A_235, %mul3A_471 : i32
      %add3A_473 = arith.constant 3 : i32
      %add3A_474 = arith.addi %mul3A_472, %add3A_473 : i32
      %add3A_475 = arith.constant 3 : i32
      %add3A_476 = arith.addi %add3A_474, %add3A_475 : i32
      %lt3A_477 = arith.constant 32 : i32
      %lt3A_478 = arith.cmpi slt, %add3A_476, %lt3A_477 : i32
      %convert_element_type3A_479 = arith.extui %lt3A_478 : i1 to i32
      %cond3A_480 = arith.constant 0 : i32
      %cond3A_481 = arith.cmpi ne, %convert_element_type3A_479, %cond3A_480 : i32
      scf.if %cond3A_481 {
        %add3A_550 = arith.constant 3 : i32
        %add3A_551 = arith.addi %add3A_474, %add3A_550 : i32
        %ge3A = arith.constant 4 : i32
        %ge3A_552 = arith.cmpi sge, %add3A_551, %ge3A : i32
        %convert_element_type3A_553 = arith.extui %ge3A_552 : i1 to i32
        %cond3A_554 = arith.constant 0 : i32
        %cond3A_555 = arith.cmpi ne, %convert_element_type3A_553, %cond3A_554 : i32
        scf.if %cond3A_555 {
          %add3A_570 = arith.constant 3 : i32
          %add3A_571 = arith.addi %add3A_474, %add3A_570 : i32
          %sub3A_572 = arith.constant 4 : i32
          %sub3A_573 = arith.subi %add3A_571, %sub3A_572 : i32
          %mul3A_574 = arith.constant 16 : i32
          %mul3A_575 = arith.muli %sub3A_573, %mul3A_574 : i32
          %add3A_576 = arith.addi %mul3A_2, %mul3A_575 : i32
          %jit3A_577 = arith.constant 256 : i32
          %div3A_578 = arith.divsi %add3A_576, %jit3A_577 : i32
          %sign3A_579 = arith.constant 0 : i32
          %sign3A_580 = arith.cmpi sgt, %add3A_576, %sign3A_579 : i32
          %sign3A_581 = arith.extui %sign3A_580 : i1 to i32
          %sign3A_582 = arith.constant 0 : i32
          %sign3A_583 = arith.cmpi slt, %add3A_576, %sign3A_582 : i32
          %sign3A_584 = arith.extui %sign3A_583 : i1 to i32
          %sign3A_585 = arith.subi %sign3A_581, %sign3A_584 : i32
          %sign3A_586 = arith.constant 0 : i32
          %sign3A_587 = arith.cmpi sgt, %jit3A_577, %sign3A_586 : i32
          %sign3A_588 = arith.extui %sign3A_587 : i1 to i32
          %sign3A_589 = arith.constant 0 : i32
          %sign3A_590 = arith.cmpi slt, %jit3A_577, %sign3A_589 : i32
          %sign3A_591 = arith.extui %sign3A_590 : i1 to i32
          %sign3A_592 = arith.subi %sign3A_588, %sign3A_591 : i32
          %ne3A_593 = arith.cmpi ne, %sign3A_585, %sign3A_592 : i32
          %rem3A_594 = arith.remsi %add3A_576, %jit3A_577 : i32
          %ne3A_595 = arith.constant 0 : i32
          %ne3A_596 = arith.cmpi ne, %rem3A_594, %ne3A_595 : i32
          %and3A_597 = arith.andi %ne3A_593, %ne3A_596 : i1
          %sub3A_598 = arith.constant 1 : i32
          %sub3A_599 = arith.subi %div3A_578, %sub3A_598 : i32
          %select_n3A_600 = arith.select %and3A_597, %sub3A_599, %div3A_578 : i32
          %jit3A_601 = arith.constant 256 : i32
          %eq3A_602 = arith.constant 0 : i32
          %eq3A_603 = arith.cmpi eq, %jit3A_601, %eq3A_602 : i32
          %jit3A_604 = arith.constant 1 : i32
          %select_n3A_605 = arith.select %eq3A_603, %jit3A_604, %jit3A_601 : i32
          %rem3A_606 = arith.remsi %add3A_576, %select_n3A_605 : i32
          %ne3A_607 = arith.constant 0 : i32
          %ne3A_608 = arith.cmpi ne, %rem3A_606, %ne3A_607 : i32
          %lt3A_609 = arith.constant 0 : i32
          %lt3A_610 = arith.cmpi slt, %rem3A_606, %lt3A_609 : i32
          %lt3A_611 = arith.constant 0 : i32
          %lt3A_612 = arith.cmpi slt, %select_n3A_605, %lt3A_611 : i32
          %ne3A_613 = arith.xori %lt3A_610, %lt3A_612 : i1
          %and3A_614 = arith.andi %ne3A_613, %ne3A_608 : i1
          %add3A_615 = arith.addi %rem3A_606, %select_n3A_605 : i32
          %select_n3A_616 = arith.select %and3A_614, %add3A_615, %rem3A_606 : i32
          %multiple_of3A_617 = tpu.assume_multiple %select_n3A_616, 16 : i32
          %dma_wait3A_618 = arith.constant 0 : i32
          %dma_wait3A_619 = tpu.memref_slice %arg6[%select_n3A_600, %multiple_of3A_617, %dma_wait3A_618] : memref<64x256x768xf32, #tpu.memory_space<hbm>> -> memref<1x16x768xf32, #tpu.memory_space<hbm>>
          %dma_wait3A_620 = tpu.memref_squeeze %dma_wait3A_619 : memref<1x16x768xf32, #tpu.memory_space<hbm>> -> memref<16x768xf32, #tpu.memory_space<hbm>>
          %dma_wait3A_621 = arith.constant 0 : i32
          %dma_wait3A_622 = tpu.memref_slice %arg6[%select_n3A_600, %multiple_of3A_617, %dma_wait3A_621] : memref<64x256x768xf32, #tpu.memory_space<hbm>> -> memref<1x16x768xf32, #tpu.memory_space<hbm>>
          %dma_wait3A_623 = tpu.memref_squeeze %dma_wait3A_622 : memref<1x16x768xf32, #tpu.memory_space<hbm>> -> memref<16x768xf32, #tpu.memory_space<hbm>>
          tpu.wait_dma2 semaphore(%arg23 : memref<!tpu.dma_semaphore, #tpu.memory_space<semaphore_mem>>) src(%arg11 : memref<16x768xf32, #tpu.memory_space<vmem>>) dst(%dma_wait3A_623 : memref<16x768xf32, #tpu.memory_space<hbm>>)
        } else {
        }
        %add3A_556 = arith.constant 3 : i32
        %add3A_557 = arith.addi %add3A_474, %add3A_556 : i32
        %dma_start3A_558 = arith.constant 0 : i32
        %dma_start3A_559 = tpu.memref_slice %arg7[%add3A_557, %dma_start3A_558] : memref<32x16xi32, #tpu.memory_space<vmem>> -> memref<1x16xi32, #tpu.memory_space<vmem>>
        %dma_start3A_560 = tpu.memref_squeeze %dma_start3A_559 : memref<1x16xi32, #tpu.memory_space<vmem>> -> memref<16xi32, #tpu.memory_space<vmem>>
        %dma_start3A_561 = arith.constant 0 : i32
        %dma_start3A_562 = arith.constant 0 : i32
        %dma_start3A_563 = tpu.memref_slice %arg2[%dma_start3A_561, %dma_start3A_562] : memref<65536x768xf32, #tpu.memory_space<hbm>> -> memref<65536x768xf32, #tpu.memory_space<hbm>>
        tpu.enqueue_indirect_dma source(%dma_start3A_563 : memref<65536x768xf32, #tpu.memory_space<hbm>>) target(%arg11 : memref<16x768xf32, #tpu.memory_space<vmem>>) offsets(%dma_start3A_560 : memref<16xi32, #tpu.memory_space<vmem>>) semaphore(%arg19 : memref<!tpu.dma_semaphore, #tpu.memory_space<semaphore_mem>>)
        %dma_start3A_564 = arith.constant 0 : i32
        %dma_start3A_565 = tpu.memref_slice %arg8[%add3A_557, %dma_start3A_564] : memref<32x16xi32, #tpu.memory_space<vmem>> -> memref<1x16xi32, #tpu.memory_space<vmem>>
        %dma_start3A_566 = tpu.memref_squeeze %dma_start3A_565 : memref<1x16xi32, #tpu.memory_space<vmem>> -> memref<16xi32, #tpu.memory_space<vmem>>
        %dma_start3A_567 = arith.constant 0 : i32
        %dma_start3A_568 = arith.constant 0 : i32
        %dma_start3A_569 = tpu.memref_slice %arg3[%dma_start3A_567, %dma_start3A_568] : memref<1025x768xf32, #tpu.memory_space<hbm>> -> memref<1025x768xf32, #tpu.memory_space<hbm>>
        tpu.enqueue_indirect_dma source(%dma_start3A_569 : memref<1025x768xf32, #tpu.memory_space<hbm>>) target(%arg15 : memref<16x768xf32, #tpu.memory_space<vmem>>) offsets(%dma_start3A_566 : memref<16xi32, #tpu.memory_space<vmem>>) semaphore(%arg19 : memref<!tpu.dma_semaphore, #tpu.memory_space<semaphore_mem>>)
      } else {
      }
      %dma_wait3A_482 = arith.constant 0 : i32
      %dma_wait3A_483 = tpu.memref_slice %arg7[%add3A_474, %dma_wait3A_482] : memref<32x16xi32, #tpu.memory_space<vmem>> -> memref<1x16xi32, #tpu.memory_space<vmem>>
      %dma_wait3A_484 = tpu.memref_squeeze %dma_wait3A_483 : memref<1x16xi32, #tpu.memory_space<vmem>> -> memref<16xi32, #tpu.memory_space<vmem>>
      %dma_wait3A_485 = arith.constant 0 : i32
      %dma_wait3A_486 = arith.constant 0 : i32
      %dma_wait3A_487 = tpu.memref_slice %arg2[%dma_wait3A_485, %dma_wait3A_486] : memref<65536x768xf32, #tpu.memory_space<hbm>> -> memref<65536x768xf32, #tpu.memory_space<hbm>>
      tpu.wait_indirect_dma semaphore(%arg20 : memref<!tpu.dma_semaphore, #tpu.memory_space<semaphore_mem>>) src(%dma_wait3A_487 : memref<65536x768xf32, #tpu.memory_space<hbm>>) dst(%arg12 : memref<16x768xf32, #tpu.memory_space<vmem>>)
      %dma_wait3A_488 = arith.constant 0 : i32
      %dma_wait3A_489 = tpu.memref_slice %arg8[%add3A_474, %dma_wait3A_488] : memref<32x16xi32, #tpu.memory_space<vmem>> -> memref<1x16xi32, #tpu.memory_space<vmem>>
      %dma_wait3A_490 = tpu.memref_squeeze %dma_wait3A_489 : memref<1x16xi32, #tpu.memory_space<vmem>> -> memref<16xi32, #tpu.memory_space<vmem>>
      %dma_wait3A_491 = arith.constant 0 : i32
      %dma_wait3A_492 = arith.constant 0 : i32
      %dma_wait3A_493 = tpu.memref_slice %arg3[%dma_wait3A_491, %dma_wait3A_492] : memref<1025x768xf32, #tpu.memory_space<hbm>> -> memref<1025x768xf32, #tpu.memory_space<hbm>>
      tpu.wait_indirect_dma semaphore(%arg20 : memref<!tpu.dma_semaphore, #tpu.memory_space<semaphore_mem>>) src(%dma_wait3A_493 : memref<1025x768xf32, #tpu.memory_space<hbm>>) dst(%arg16 : memref<16x768xf32, #tpu.memory_space<vmem>>)
      %scan3A_494 = arith.constant 0 : i32
      %scan3A_495 = arith.constant 0 : i32
      %scan3A_496 = arith.constant 16 : i32
      %scan3A_497 = arith.addi %scan3A_495, %scan3A_496 : i32
      %scan3A_498 = arith.constant 1 : i32
      scf.for %scan3A_550 = %scan3A_495 to %scan3A_497 step %scan3A_498  : i32 {
        %get3A = arith.index_cast %scan3A_550 : i32 to index
        %get3A_551 = arith.constant 0 : index
        %get3A_552 = tpu.vector_load %arg12[%get3A, %get3A_551] {strides = array<i32>} : memref<16x768xf32, #tpu.memory_space<vmem>>, vector<1x16xf32>,
        %get3A_553 = vector.shape_cast %get3A_552 : vector<1x16xf32> to vector<16xf32>
        %get3A_554 = arith.index_cast %scan3A_550 : i32 to index
        %get3A_555 = arith.constant 0 : index
        %get3A_556 = tpu.vector_load %arg16[%get3A_554, %get3A_555] {strides = array<i32>} : memref<16x768xf32, #tpu.memory_space<vmem>>, vector<1x16xf32>,
        %get3A_557 = vector.shape_cast %get3A_556 : vector<1x16xf32> to vector<16xf32>
        %add3A_558 = arith.addf %get3A_553, %get3A_557 : vector<16xf32>
        %swap3A = arith.index_cast %scan3A_550 : i32 to index
        %swap3A_559 = arith.constant 0 : index
        %swap3A_560 = tpu.vector_load %arg12[%swap3A, %swap3A_559] {strides = array<i32>} : memref<16x768xf32, #tpu.memory_space<vmem>>, vector<1x16xf32>,
        %swap3A_561 = vector.shape_cast %swap3A_560 : vector<1x16xf32> to vector<16xf32>
        %swap3A_562 = vector.shape_cast %add3A_558 : vector<16xf32> to vector<1x16xf32>
        tpu.vector_store %arg12[%swap3A, %swap3A_559], %swap3A_562 {strides = array<i32>} : memref<16x768xf32, #tpu.memory_space<vmem>>, vector<1x16xf32>,
        %get3A_563 = arith.index_cast %scan3A_550 : i32 to index
        %get3A_564 = arith.constant 16 : index
        %get3A_565 = tpu.vector_load %arg12[%get3A_563, %get3A_564] {strides = array<i32>} : memref<16x768xf32, #tpu.memory_space<vmem>>, vector<1x16xf32>,
        %get3A_566 = vector.shape_cast %get3A_565 : vector<1x16xf32> to vector<16xf32>
        %get3A_567 = arith.index_cast %scan3A_550 : i32 to index
        %get3A_568 = arith.constant 16 : index
        %get3A_569 = tpu.vector_load %arg16[%get3A_567, %get3A_568] {strides = array<i32>} : memref<16x768xf32, #tpu.memory_space<vmem>>, vector<1x16xf32>,
        %get3A_570 = vector.shape_cast %get3A_569 : vector<1x16xf32> to vector<16xf32>
        %add3A_571 = arith.addf %get3A_566, %get3A_570 : vector<16xf32>
        %swap3A_572 = arith.index_cast %scan3A_550 : i32 to index
        %swap3A_573 = arith.constant 16 : index
        %swap3A_574 = tpu.vector_load %arg12[%swap3A_572, %swap3A_573] {strides = array<i32>} : memref<16x768xf32, #tpu.memory_space<vmem>>, vector<1x16xf32>,
        %swap3A_575 = vector.shape_cast %swap3A_574 : vector<1x16xf32> to vector<16xf32>
        %swap3A_576 = vector.shape_cast %add3A_571 : vector<16xf32> to vector<1x16xf32>
        tpu.vector_store %arg12[%swap3A_572, %swap3A_573], %swap3A_576 {strides = array<i32>} : memref<16x768xf32, #tpu.memory_space<vmem>>, vector<1x16xf32>,
        %get3A_577 = arith.index_cast %scan3A_550 : i32 to index
        %get3A_578 = arith.constant 32 : index
        %get3A_579 = tpu.vector_load %arg12[%get3A_577, %get3A_578] {strides = array<i32>} : memref<16x768xf32, #tpu.memory_space<vmem>>, vector<1x16xf32>,
        %get3A_580 = vector.shape_cast %get3A_579 : vector<1x16xf32> to vector<16xf32>
        %get3A_581 = arith.index_cast %scan3A_550 : i32 to index
        %get3A_582 = arith.constant 32 : index
        %get3A_583 = tpu.vector_load %arg16[%get3A_581, %get3A_582] {strides = array<i32>} : memref<16x768xf32, #tpu.memory_space<vmem>>, vector<1x16xf32>,
        %get3A_584 = vector.shape_cast %get3A_583 : vector<1x16xf32> to vector<16xf32>
        %add3A_585 = arith.addf %get3A_580, %get3A_584 : vector<16xf32>
        %swap3A_586 = arith.index_cast %scan3A_550 : i32 to index
        %swap3A_587 = arith.constant 32 : index
        %swap3A_588 = tpu.vector_load %arg12[%swap3A_586, %swap3A_587] {strides = array<i32>} : memref<16x768xf32, #tpu.memory_space<vmem>>, vector<1x16xf32>,
        %swap3A_589 = vector.shape_cast %swap3A_588 : vector<1x16xf32> to vector<16xf32>
        %swap3A_590 = vector.shape_cast %add3A_585 : vector<16xf32> to vector<1x16xf32>
        tpu.vector_store %arg12[%swap3A_586, %swap3A_587], %swap3A_590 {strides = array<i32>} : memref<16x768xf32, #tpu.memory_space<vmem>>, vector<1x16xf32>,
        %get3A_591 = arith.index_cast %scan3A_550 : i32 to index
        %get3A_592 = arith.constant 48 : index
        %get3A_593 = tpu.vector_load %arg12[%get3A_591, %get3A_592] {strides = array<i32>} : memref<16x768xf32, #tpu.memory_space<vmem>>, vector<1x16xf32>,
        %get3A_594 = vector.shape_cast %get3A_593 : vector<1x16xf32> to vector<16xf32>
        %get3A_595 = arith.index_cast %scan3A_550 : i32 to index
        %get3A_596 = arith.constant 48 : index
        %get3A_597 = tpu.vector_load %arg16[%get3A_595, %get3A_596] {strides = array<i32>} : memref<16x768xf32, #tpu.memory_space<vmem>>, vector<1x16xf32>,
        %get3A_598 = vector.shape_cast %get3A_597 : vector<1x16xf32> to vector<16xf32>
        %add3A_599 = arith.addf %get3A_594, %get3A_598 : vector<16xf32>
        %swap3A_600 = arith.index_cast %scan3A_550 : i32 to index
        %swap3A_601 = arith.constant 48 : index
        %swap3A_602 = tpu.vector_load %arg12[%swap3A_600, %swap3A_601] {strides = array<i32>} : memref<16x768xf32, #tpu.memory_space<vmem>>, vector<1x16xf32>,
        %swap3A_603 = vector.shape_cast %swap3A_602 : vector<1x16xf32> to vector<16xf32>
        %swap3A_604 = vector.shape_cast %add3A_599 : vector<16xf32> to vector<1x16xf32>
        tpu.vector_store %arg12[%swap3A_600, %swap3A_601], %swap3A_604 {strides = array<i32>} : memref<16x768xf32, #tpu.memory_space<vmem>>, vector<1x16xf32>,
        %get3A_605 = arith.index_cast %scan3A_550 : i32 to index
        %get3A_606 = arith.constant 64 : index
        %get3A_607 = tpu.vector_load %arg12[%get3A_605, %get3A_606] {strides = array<i32>} : memref<16x768xf32, #tpu.memory_space<vmem>>, vector<1x16xf32>,
        %get3A_608 = vector.shape_cast %get3A_607 : vector<1x16xf32> to vector<16xf32>
        %get3A_609 = arith.index_cast %scan3A_550 : i32 to index
        %get3A_610 = arith.constant 64 : index
        %get3A_611 = tpu.vector_load %arg16[%get3A_609, %get3A_610] {strides = array<i32>} : memref<16x768xf32, #tpu.memory_space<vmem>>, vector<1x16xf32>,
        %get3A_612 = vector.shape_cast %get3A_611 : vector<1x16xf32> to vector<16xf32>
        %add3A_613 = arith.addf %get3A_608, %get3A_612 : vector<16xf32>
        %swap3A_614 = arith.index_cast %scan3A_550 : i32 to index
        %swap3A_615 = arith.constant 64 : index
        %swap3A_616 = tpu.vector_load %arg12[%swap3A_614, %swap3A_615] {strides = array<i32>} : memref<16x768xf32, #tpu.memory_space<vmem>>, vector<1x16xf32>,
        %swap3A_617 = vector.shape_cast %swap3A_616 : vector<1x16xf32> to vector<16xf32>
        %swap3A_618 = vector.shape_cast %add3A_613 : vector<16xf32> to vector<1x16xf32>
        tpu.vector_store %arg12[%swap3A_614, %swap3A_615], %swap3A_618 {strides = array<i32>} : memref<16x768xf32, #tpu.memory_space<vmem>>, vector<1x16xf32>,
        %get3A_619 = arith.index_cast %scan3A_550 : i32 to index
        %get3A_620 = arith.constant 80 : index
        %get3A_621 = tpu.vector_load %arg12[%get3A_619, %get3A_620] {strides = array<i32>} : memref<16x768xf32, #tpu.memory_space<vmem>>, vector<1x16xf32>,
        %get3A_622 = vector.shape_cast %get3A_621 : vector<1x16xf32> to vector<16xf32>
        %get3A_623 = arith.index_cast %scan3A_550 : i32 to index
        %get3A_624 = arith.constant 80 : index
        %get3A_625 = tpu.vector_load %arg16[%get3A_623, %get3A_624] {strides = array<i32>} : memref<16x768xf32, #tpu.memory_space<vmem>>, vector<1x16xf32>,
        %get3A_626 = vector.shape_cast %get3A_625 : vector<1x16xf32> to vector<16xf32>
        %add3A_627 = arith.addf %get3A_622, %get3A_626 : vector<16xf32>
        %swap3A_628 = arith.index_cast %scan3A_550 : i32 to index
        %swap3A_629 = arith.constant 80 : index
        %swap3A_630 = tpu.vector_load %arg12[%swap3A_628, %swap3A_629] {strides = array<i32>} : memref<16x768xf32, #tpu.memory_space<vmem>>, vector<1x16xf32>,
        %swap3A_631 = vector.shape_cast %swap3A_630 : vector<1x16xf32> to vector<16xf32>
        %swap3A_632 = vector.shape_cast %add3A_627 : vector<16xf32> to vector<1x16xf32>
        tpu.vector_store %arg12[%swap3A_628, %swap3A_629], %swap3A_632 {strides = array<i32>} : memref<16x768xf32, #tpu.memory_space<vmem>>, vector<1x16xf32>,
        %get3A_633 = arith.index_cast %scan3A_550 : i32 to index
        %get3A_634 = arith.constant 96 : index
        %get3A_635 = tpu.vector_load %arg12[%get3A_633, %get3A_634] {strides = array<i32>} : memref<16x768xf32, #tpu.memory_space<vmem>>, vector<1x16xf32>,
        %get3A_636 = vector.shape_cast %get3A_635 : vector<1x16xf32> to vector<16xf32>
        %get3A_637 = arith.index_cast %scan3A_550 : i32 to index
        %get3A_638 = arith.constant 96 : index
        %get3A_639 = tpu.vector_load %arg16[%get3A_637, %get3A_638] {strides = array<i32>} : memref<16x768xf32, #tpu.memory_space<vmem>>, vector<1x16xf32>,
        %get3A_640 = vector.shape_cast %get3A_639 : vector<1x16xf32> to vector<16xf32>
        %add3A_641 = arith.addf %get3A_636, %get3A_640 : vector<16xf32>
        %swap3A_642 = arith.index_cast %scan3A_550 : i32 to index
        %swap3A_643 = arith.constant 96 : index
        %swap3A_644 = tpu.vector_load %arg12[%swap3A_642, %swap3A_643] {strides = array<i32>} : memref<16x768xf32, #tpu.memory_space<vmem>>, vector<1x16xf32>,
        %swap3A_645 = vector.shape_cast %swap3A_644 : vector<1x16xf32> to vector<16xf32>
        %swap3A_646 = vector.shape_cast %add3A_641 : vector<16xf32> to vector<1x16xf32>
        tpu.vector_store %arg12[%swap3A_642, %swap3A_643], %swap3A_646 {strides = array<i32>} : memref<16x768xf32, #tpu.memory_space<vmem>>, vector<1x16xf32>,
        %get3A_647 = arith.index_cast %scan3A_550 : i32 to index
        %get3A_648 = arith.constant 112 : index
        %get3A_649 = tpu.vector_load %arg12[%get3A_647, %get3A_648] {strides = array<i32>} : memref<16x768xf32, #tpu.memory_space<vmem>>, vector<1x16xf32>,
        %get3A_650 = vector.shape_cast %get3A_649 : vector<1x16xf32> to vector<16xf32>
        %get3A_651 = arith.index_cast %scan3A_550 : i32 to index
        %get3A_652 = arith.constant 112 : index
        %get3A_653 = tpu.vector_load %arg16[%get3A_651, %get3A_652] {strides = array<i32>} : memref<16x768xf32, #tpu.memory_space<vmem>>, vector<1x16xf32>,
        %get3A_654 = vector.shape_cast %get3A_653 : vector<1x16xf32> to vector<16xf32>
        %add3A_655 = arith.addf %get3A_650, %get3A_654 : vector<16xf32>
        %swap3A_656 = arith.index_cast %scan3A_550 : i32 to index
        %swap3A_657 = arith.constant 112 : index
        %swap3A_658 = tpu.vector_load %arg12[%swap3A_656, %swap3A_657] {strides = array<i32>} : memref<16x768xf32, #tpu.memory_space<vmem>>, vector<1x16xf32>,
        %swap3A_659 = vector.shape_cast %swap3A_658 : vector<1x16xf32> to vector<16xf32>
        %swap3A_660 = vector.shape_cast %add3A_655 : vector<16xf32> to vector<1x16xf32>
        tpu.vector_store %arg12[%swap3A_656, %swap3A_657], %swap3A_660 {strides = array<i32>} : memref<16x768xf32, #tpu.memory_space<vmem>>, vector<1x16xf32>,
        %get3A_661 = arith.index_cast %scan3A_550 : i32 to index
        %get3A_662 = arith.constant 128 : index
        %get3A_663 = tpu.vector_load %arg12[%get3A_661, %get3A_662] {strides = array<i32>} : memref<16x768xf32, #tpu.memory_space<vmem>>, vector<1x16xf32>,
        %get3A_664 = vector.shape_cast %get3A_663 : vector<1x16xf32> to vector<16xf32>
        %get3A_665 = arith.index_cast %scan3A_550 : i32 to index
        %get3A_666 = arith.constant 128 : index
        %get3A_667 = tpu.vector_load %arg16[%get3A_665, %get3A_666] {strides = array<i32>} : memref<16x768xf32, #tpu.memory_space<vmem>>, vector<1x16xf32>,
        %get3A_668 = vector.shape_cast %get3A_667 : vector<1x16xf32> to vector<16xf32>
        %add3A_669 = arith.addf %get3A_664, %get3A_668 : vector<16xf32>
        %swap3A_670 = arith.index_cast %scan3A_550 : i32 to index
        %swap3A_671 = arith.constant 128 : index
        %swap3A_672 = tpu.vector_load %arg12[%swap3A_670, %swap3A_671] {strides = array<i32>} : memref<16x768xf32, #tpu.memory_space<vmem>>, vector<1x16xf32>,
        %swap3A_673 = vector.shape_cast %swap3A_672 : vector<1x16xf32> to vector<16xf32>
        %swap3A_674 = vector.shape_cast %add3A_669 : vector<16xf32> to vector<1x16xf32>
        tpu.vector_store %arg12[%swap3A_670, %swap3A_671], %swap3A_674 {strides = array<i32>} : memref<16x768xf32, #tpu.memory_space<vmem>>, vector<1x16xf32>,
        %get3A_675 = arith.index_cast %scan3A_550 : i32 to index
        %get3A_676 = arith.constant 144 : index
        %get3A_677 = tpu.vector_load %arg12[%get3A_675, %get3A_676] {strides = array<i32>} : memref<16x768xf32, #tpu.memory_space<vmem>>, vector<1x16xf32>,
        %get3A_678 = vector.shape_cast %get3A_677 : vector<1x16xf32> to vector<16xf32>
        %get3A_679 = arith.index_cast %scan3A_550 : i32 to index
        %get3A_680 = arith.constant 144 : index
        %get3A_681 = tpu.vector_load %arg16[%get3A_679, %get3A_680] {strides = array<i32>} : memref<16x768xf32, #tpu.memory_space<vmem>>, vector<1x16xf32>,
        %get3A_682 = vector.shape_cast %get3A_681 : vector<1x16xf32> to vector<16xf32>
        %add3A_683 = arith.addf %get3A_678, %get3A_682 : vector<16xf32>
        %swap3A_684 = arith.index_cast %scan3A_550 : i32 to index
        %swap3A_685 = arith.constant 144 : index
        %swap3A_686 = tpu.vector_load %arg12[%swap3A_684, %swap3A_685] {strides = array<i32>} : memref<16x768xf32, #tpu.memory_space<vmem>>, vector<1x16xf32>,
        %swap3A_687 = vector.shape_cast %swap3A_686 : vector<1x16xf32> to vector<16xf32>
        %swap3A_688 = vector.shape_cast %add3A_683 : vector<16xf32> to vector<1x16xf32>
        tpu.vector_store %arg12[%swap3A_684, %swap3A_685], %swap3A_688 {strides = array<i32>} : memref<16x768xf32, #tpu.memory_space<vmem>>, vector<1x16xf32>,
        %get3A_689 = arith.index_cast %scan3A_550 : i32 to index
        %get3A_690 = arith.constant 160 : index
        %get3A_691 = tpu.vector_load %arg12[%get3A_689, %get3A_690] {strides = array<i32>} : memref<16x768xf32, #tpu.memory_space<vmem>>, vector<1x16xf32>,
        %get3A_692 = vector.shape_cast %get3A_691 : vector<1x16xf32> to vector<16xf32>
        %get3A_693 = arith.index_cast %scan3A_550 : i32 to index
        %get3A_694 = arith.constant 160 : index
        %get3A_695 = tpu.vector_load %arg16[%get3A_693, %get3A_694] {strides = array<i32>} : memref<16x768xf32, #tpu.memory_space<vmem>>, vector<1x16xf32>,
        %get3A_696 = vector.shape_cast %get3A_695 : vector<1x16xf32> to vector<16xf32>
        %add3A_697 = arith.addf %get3A_692, %get3A_696 : vector<16xf32>
        %swap3A_698 = arith.index_cast %scan3A_550 : i32 to index
        %swap3A_699 = arith.constant 160 : index
        %swap3A_700 = tpu.vector_load %arg12[%swap3A_698, %swap3A_699] {strides = array<i32>} : memref<16x768xf32, #tpu.memory_space<vmem>>, vector<1x16xf32>,
        %swap3A_701 = vector.shape_cast %swap3A_700 : vector<1x16xf32> to vector<16xf32>
        %swap3A_702 = vector.shape_cast %add3A_697 : vector<16xf32> to vector<1x16xf32>
        tpu.vector_store %arg12[%swap3A_698, %swap3A_699], %swap3A_702 {strides = array<i32>} : memref<16x768xf32, #tpu.memory_space<vmem>>, vector<1x16xf32>,
        %get3A_703 = arith.index_cast %scan3A_550 : i32 to index
        %get3A_704 = arith.constant 176 : index
        %get3A_705 = tpu.vector_load %arg12[%get3A_703, %get3A_704] {strides = array<i32>} : memref<16x768xf32, #tpu.memory_space<vmem>>, vector<1x16xf32>,
        %get3A_706 = vector.shape_cast %get3A_705 : vector<1x16xf32> to vector<16xf32>
        %get3A_707 = arith.index_cast %scan3A_550 : i32 to index
        %get3A_708 = arith.constant 176 : index
        %get3A_709 = tpu.vector_load %arg16[%get3A_707, %get3A_708] {strides = array<i32>} : memref<16x768xf32, #tpu.memory_space<vmem>>, vector<1x16xf32>,
        %get3A_710 = vector.shape_cast %get3A_709 : vector<1x16xf32> to vector<16xf32>
        %add3A_711 = arith.addf %get3A_706, %get3A_710 : vector<16xf32>
        %swap3A_712 = arith.index_cast %scan3A_550 : i32 to index
        %swap3A_713 = arith.constant 176 : index
        %swap3A_714 = tpu.vector_load %arg12[%swap3A_712, %swap3A_713] {strides = array<i32>} : memref<16x768xf32, #tpu.memory_space<vmem>>, vector<1x16xf32>,
        %swap3A_715 = vector.shape_cast %swap3A_714 : vector<1x16xf32> to vector<16xf32>
        %swap3A_716 = vector.shape_cast %add3A_711 : vector<16xf32> to vector<1x16xf32>
        tpu.vector_store %arg12[%swap3A_712, %swap3A_713], %swap3A_716 {strides = array<i32>} : memref<16x768xf32, #tpu.memory_space<vmem>>, vector<1x16xf32>,
        %get3A_717 = arith.index_cast %scan3A_550 : i32 to index
        %get3A_718 = arith.constant 192 : index
        %get3A_719 = tpu.vector_load %arg12[%get3A_717, %get3A_718] {strides = array<i32>} : memref<16x768xf32, #tpu.memory_space<vmem>>, vector<1x16xf32>,
        %get3A_720 = vector.shape_cast %get3A_719 : vector<1x16xf32> to vector<16xf32>
        %get3A_721 = arith.index_cast %scan3A_550 : i32 to index
        %get3A_722 = arith.constant 192 : index
        %get3A_723 = tpu.vector_load %arg16[%get3A_721, %get3A_722] {strides = array<i32>} : memref<16x768xf32, #tpu.memory_space<vmem>>, vector<1x16xf32>,
        %get3A_724 = vector.shape_cast %get3A_723 : vector<1x16xf32> to vector<16xf32>
        %add3A_725 = arith.addf %get3A_720, %get3A_724 : vector<16xf32>
        %swap3A_726 = arith.index_cast %scan3A_550 : i32 to index
        %swap3A_727 = arith.constant 192 : index
        %swap3A_728 = tpu.vector_load %arg12[%swap3A_726, %swap3A_727] {strides = array<i32>} : memref<16x768xf32, #tpu.memory_space<vmem>>, vector<1x16xf32>,
        %swap3A_729 = vector.shape_cast %swap3A_728 : vector<1x16xf32> to vector<16xf32>
        %swap3A_730 = vector.shape_cast %add3A_725 : vector<16xf32> to vector<1x16xf32>
        tpu.vector_store %arg12[%swap3A_726, %swap3A_727], %swap3A_730 {strides = array<i32>} : memref<16x768xf32, #tpu.memory_space<vmem>>, vector<1x16xf32>,
        %get3A_731 = arith.index_cast %scan3A_550 : i32 to index
        %get3A_732 = arith.constant 208 : index
        %get3A_733 = tpu.vector_load %arg12[%get3A_731, %get3A_732] {strides = array<i32>} : memref<16x768xf32, #tpu.memory_space<vmem>>, vector<1x16xf32>,
        %get3A_734 = vector.shape_cast %get3A_733 : vector<1x16xf32> to vector<16xf32>
        %get3A_735 = arith.index_cast %scan3A_550 : i32 to index
        %get3A_736 = arith.constant 208 : index
        %get3A_737 = tpu.vector_load %arg16[%get3A_735, %get3A_736] {strides = array<i32>} : memref<16x768xf32, #tpu.memory_space<vmem>>, vector<1x16xf32>,
        %get3A_738 = vector.shape_cast %get3A_737 : vector<1x16xf32> to vector<16xf32>
        %add3A_739 = arith.addf %get3A_734, %get3A_738 : vector<16xf32>
        %swap3A_740 = arith.index_cast %scan3A_550 : i32 to index
        %swap3A_741 = arith.constant 208 : index
        %swap3A_742 = tpu.vector_load %arg12[%swap3A_740, %swap3A_741] {strides = array<i32>} : memref<16x768xf32, #tpu.memory_space<vmem>>, vector<1x16xf32>,
        %swap3A_743 = vector.shape_cast %swap3A_742 : vector<1x16xf32> to vector<16xf32>
        %swap3A_744 = vector.shape_cast %add3A_739 : vector<16xf32> to vector<1x16xf32>
        tpu.vector_store %arg12[%swap3A_740, %swap3A_741], %swap3A_744 {strides = array<i32>} : memref<16x768xf32, #tpu.memory_space<vmem>>, vector<1x16xf32>,
        %get3A_745 = arith.index_cast %scan3A_550 : i32 to index
        %get3A_746 = arith.constant 224 : index
        %get3A_747 = tpu.vector_load %arg12[%get3A_745, %get3A_746] {strides = array<i32>} : memref<16x768xf32, #tpu.memory_space<vmem>>, vector<1x16xf32>,
        %get3A_748 = vector.shape_cast %get3A_747 : vector<1x16xf32> to vector<16xf32>
        %get3A_749 = arith.index_cast %scan3A_550 : i32 to index
        %get3A_750 = arith.constant 224 : index
        %get3A_751 = tpu.vector_load %arg16[%get3A_749, %get3A_750] {strides = array<i32>} : memref<16x768xf32, #tpu.memory_space<vmem>>, vector<1x16xf32>,
        %get3A_752 = vector.shape_cast %get3A_751 : vector<1x16xf32> to vector<16xf32>
        %add3A_753 = arith.addf %get3A_748, %get3A_752 : vector<16xf32>
        %swap3A_754 = arith.index_cast %scan3A_550 : i32 to index
        %swap3A_755 = arith.constant 224 : index
        %swap3A_756 = tpu.vector_load %arg12[%swap3A_754, %swap3A_755] {strides = array<i32>} : memref<16x768xf32, #tpu.memory_space<vmem>>, vector<1x16xf32>,
        %swap3A_757 = vector.shape_cast %swap3A_756 : vector<1x16xf32> to vector<16xf32>
        %swap3A_758 = vector.shape_cast %add3A_753 : vector<16xf32> to vector<1x16xf32>
        tpu.vector_store %arg12[%swap3A_754, %swap3A_755], %swap3A_758 {strides = array<i32>} : memref<16x768xf32, #tpu.memory_space<vmem>>, vector<1x16xf32>,
        %get3A_759 = arith.index_cast %scan3A_550 : i32 to index
        %get3A_760 = arith.constant 240 : index
        %get3A_761 = tpu.vector_load %arg12[%get3A_759, %get3A_760] {strides = array<i32>} : memref<16x768xf32, #tpu.memory_space<vmem>>, vector<1x16xf32>,
        %get3A_762 = vector.shape_cast %get3A_761 : vector<1x16xf32> to vector<16xf32>
        %get3A_763 = arith.index_cast %scan3A_550 : i32 to index
        %get3A_764 = arith.constant 240 : index
        %get3A_765 = tpu.vector_load %arg16[%get3A_763, %get3A_764] {strides = array<i32>} : memref<16x768xf32, #tpu.memory_space<vmem>>, vector<1x16xf32>,
        %get3A_766 = vector.shape_cast %get3A_765 : vector<1x16xf32> to vector<16xf32>
        %add3A_767 = arith.addf %get3A_762, %get3A_766 : vector<16xf32>
        %swap3A_768 = arith.index_cast %scan3A_550 : i32 to index
        %swap3A_769 = arith.constant 240 : index
        %swap3A_770 = tpu.vector_load %arg12[%swap3A_768, %swap3A_769] {strides = array<i32>} : memref<16x768xf32, #tpu.memory_space<vmem>>, vector<1x16xf32>,
        %swap3A_771 = vector.shape_cast %swap3A_770 : vector<1x16xf32> to vector<16xf32>
        %swap3A_772 = vector.shape_cast %add3A_767 : vector<16xf32> to vector<1x16xf32>
        tpu.vector_store %arg12[%swap3A_768, %swap3A_769], %swap3A_772 {strides = array<i32>} : memref<16x768xf32, #tpu.memory_space<vmem>>, vector<1x16xf32>,
        %get3A_773 = arith.index_cast %scan3A_550 : i32 to index
        %get3A_774 = arith.constant 256 : index
        %get3A_775 = tpu.vector_load %arg12[%get3A_773, %get3A_774] {strides = array<i32>} : memref<16x768xf32, #tpu.memory_space<vmem>>, vector<1x16xf32>,
        %get3A_776 = vector.shape_cast %get3A_775 : vector<1x16xf32> to vector<16xf32>
        %get3A_777 = arith.index_cast %scan3A_550 : i32 to index
        %get3A_778 = arith.constant 256 : index
        %get3A_779 = tpu.vector_load %arg16[%get3A_777, %get3A_778] {strides = array<i32>} : memref<16x768xf32, #tpu.memory_space<vmem>>, vector<1x16xf32>,
        %get3A_780 = vector.shape_cast %get3A_779 : vector<1x16xf32> to vector<16xf32>
        %add3A_781 = arith.addf %get3A_776, %get3A_780 : vector<16xf32>
        %swap3A_782 = arith.index_cast %scan3A_550 : i32 to index
        %swap3A_783 = arith.constant 256 : index
        %swap3A_784 = tpu.vector_load %arg12[%swap3A_782, %swap3A_783] {strides = array<i32>} : memref<16x768xf32, #tpu.memory_space<vmem>>, vector<1x16xf32>,
        %swap3A_785 = vector.shape_cast %swap3A_784 : vector<1x16xf32> to vector<16xf32>
        %swap3A_786 = vector.shape_cast %add3A_781 : vector<16xf32> to vector<1x16xf32>
        tpu.vector_store %arg12[%swap3A_782, %swap3A_783], %swap3A_786 {strides = array<i32>} : memref<16x768xf32, #tpu.memory_space<vmem>>, vector<1x16xf32>,
        %get3A_787 = arith.index_cast %scan3A_550 : i32 to index
        %get3A_788 = arith.constant 272 : index
        %get3A_789 = tpu.vector_load %arg12[%get3A_787, %get3A_788] {strides = array<i32>} : memref<16x768xf32, #tpu.memory_space<vmem>>, vector<1x16xf32>,
        %get3A_790 = vector.shape_cast %get3A_789 : vector<1x16xf32> to vector<16xf32>
        %get3A_791 = arith.index_cast %scan3A_550 : i32 to index
        %get3A_792 = arith.constant 272 : index
        %get3A_793 = tpu.vector_load %arg16[%get3A_791, %get3A_792] {strides = array<i32>} : memref<16x768xf32, #tpu.memory_space<vmem>>, vector<1x16xf32>,
        %get3A_794 = vector.shape_cast %get3A_793 : vector<1x16xf32> to vector<16xf32>
        %add3A_795 = arith.addf %get3A_790, %get3A_794 : vector<16xf32>
        %swap3A_796 = arith.index_cast %scan3A_550 : i32 to index
        %swap3A_797 = arith.constant 272 : index
        %swap3A_798 = tpu.vector_load %arg12[%swap3A_796, %swap3A_797] {strides = array<i32>} : memref<16x768xf32, #tpu.memory_space<vmem>>, vector<1x16xf32>,
        %swap3A_799 = vector.shape_cast %swap3A_798 : vector<1x16xf32> to vector<16xf32>
        %swap3A_800 = vector.shape_cast %add3A_795 : vector<16xf32> to vector<1x16xf32>
        tpu.vector_store %arg12[%swap3A_796, %swap3A_797], %swap3A_800 {strides = array<i32>} : memref<16x768xf32, #tpu.memory_space<vmem>>, vector<1x16xf32>,
        %get3A_801 = arith.index_cast %scan3A_550 : i32 to index
        %get3A_802 = arith.constant 288 : index
        %get3A_803 = tpu.vector_load %arg12[%get3A_801, %get3A_802] {strides = array<i32>} : memref<16x768xf32, #tpu.memory_space<vmem>>, vector<1x16xf32>,
        %get3A_804 = vector.shape_cast %get3A_803 : vector<1x16xf32> to vector<16xf32>
        %get3A_805 = arith.index_cast %scan3A_550 : i32 to index
        %get3A_806 = arith.constant 288 : index
        %get3A_807 = tpu.vector_load %arg16[%get3A_805, %get3A_806] {strides = array<i32>} : memref<16x768xf32, #tpu.memory_space<vmem>>, vector<1x16xf32>,
        %get3A_808 = vector.shape_cast %get3A_807 : vector<1x16xf32> to vector<16xf32>
        %add3A_809 = arith.addf %get3A_804, %get3A_808 : vector<16xf32>
        %swap3A_810 = arith.index_cast %scan3A_550 : i32 to index
        %swap3A_811 = arith.constant 288 : index
        %swap3A_812 = tpu.vector_load %arg12[%swap3A_810, %swap3A_811] {strides = array<i32>} : memref<16x768xf32, #tpu.memory_space<vmem>>, vector<1x16xf32>,
        %swap3A_813 = vector.shape_cast %swap3A_812 : vector<1x16xf32> to vector<16xf32>
        %swap3A_814 = vector.shape_cast %add3A_809 : vector<16xf32> to vector<1x16xf32>
        tpu.vector_store %arg12[%swap3A_810, %swap3A_811], %swap3A_814 {strides = array<i32>} : memref<16x768xf32, #tpu.memory_space<vmem>>, vector<1x16xf32>,
        %get3A_815 = arith.index_cast %scan3A_550 : i32 to index
        %get3A_816 = arith.constant 304 : index
        %get3A_817 = tpu.vector_load %arg12[%get3A_815, %get3A_816] {strides = array<i32>} : memref<16x768xf32, #tpu.memory_space<vmem>>, vector<1x16xf32>,
        %get3A_818 = vector.shape_cast %get3A_817 : vector<1x16xf32> to vector<16xf32>
        %get3A_819 = arith.index_cast %scan3A_550 : i32 to index
        %get3A_820 = arith.constant 304 : index
        %get3A_821 = tpu.vector_load %arg16[%get3A_819, %get3A_820] {strides = array<i32>} : memref<16x768xf32, #tpu.memory_space<vmem>>, vector<1x16xf32>,
        %get3A_822 = vector.shape_cast %get3A_821 : vector<1x16xf32> to vector<16xf32>
        %add3A_823 = arith.addf %get3A_818, %get3A_822 : vector<16xf32>
        %swap3A_824 = arith.index_cast %scan3A_550 : i32 to index
        %swap3A_825 = arith.constant 304 : index
        %swap3A_826 = tpu.vector_load %arg12[%swap3A_824, %swap3A_825] {strides = array<i32>} : memref<16x768xf32, #tpu.memory_space<vmem>>, vector<1x16xf32>,
        %swap3A_827 = vector.shape_cast %swap3A_826 : vector<1x16xf32> to vector<16xf32>
        %swap3A_828 = vector.shape_cast %add3A_823 : vector<16xf32> to vector<1x16xf32>
        tpu.vector_store %arg12[%swap3A_824, %swap3A_825], %swap3A_828 {strides = array<i32>} : memref<16x768xf32, #tpu.memory_space<vmem>>, vector<1x16xf32>,
        %get3A_829 = arith.index_cast %scan3A_550 : i32 to index
        %get3A_830 = arith.constant 320 : index
        %get3A_831 = tpu.vector_load %arg12[%get3A_829, %get3A_830] {strides = array<i32>} : memref<16x768xf32, #tpu.memory_space<vmem>>, vector<1x16xf32>,
        %get3A_832 = vector.shape_cast %get3A_831 : vector<1x16xf32> to vector<16xf32>
        %get3A_833 = arith.index_cast %scan3A_550 : i32 to index
        %get3A_834 = arith.constant 320 : index
        %get3A_835 = tpu.vector_load %arg16[%get3A_833, %get3A_834] {strides = array<i32>} : memref<16x768xf32, #tpu.memory_space<vmem>>, vector<1x16xf32>,
        %get3A_836 = vector.shape_cast %get3A_835 : vector<1x16xf32> to vector<16xf32>
        %add3A_837 = arith.addf %get3A_832, %get3A_836 : vector<16xf32>
        %swap3A_838 = arith.index_cast %scan3A_550 : i32 to index
        %swap3A_839 = arith.constant 320 : index
        %swap3A_840 = tpu.vector_load %arg12[%swap3A_838, %swap3A_839] {strides = array<i32>} : memref<16x768xf32, #tpu.memory_space<vmem>>, vector<1x16xf32>,
        %swap3A_841 = vector.shape_cast %swap3A_840 : vector<1x16xf32> to vector<16xf32>
        %swap3A_842 = vector.shape_cast %add3A_837 : vector<16xf32> to vector<1x16xf32>
        tpu.vector_store %arg12[%swap3A_838, %swap3A_839], %swap3A_842 {strides = array<i32>} : memref<16x768xf32, #tpu.memory_space<vmem>>, vector<1x16xf32>,
        %get3A_843 = arith.index_cast %scan3A_550 : i32 to index
        %get3A_844 = arith.constant 336 : index
        %get3A_845 = tpu.vector_load %arg12[%get3A_843, %get3A_844] {strides = array<i32>} : memref<16x768xf32, #tpu.memory_space<vmem>>, vector<1x16xf32>,
        %get3A_846 = vector.shape_cast %get3A_845 : vector<1x16xf32> to vector<16xf32>
        %get3A_847 = arith.index_cast %scan3A_550 : i32 to index
        %get3A_848 = arith.constant 336 : index
        %get3A_849 = tpu.vector_load %arg16[%get3A_847, %get3A_848] {strides = array<i32>} : memref<16x768xf32, #tpu.memory_space<vmem>>, vector<1x16xf32>,
        %get3A_850 = vector.shape_cast %get3A_849 : vector<1x16xf32> to vector<16xf32>
        %add3A_851 = arith.addf %get3A_846, %get3A_850 : vector<16xf32>
        %swap3A_852 = arith.index_cast %scan3A_550 : i32 to index
        %swap3A_853 = arith.constant 336 : index
        %swap3A_854 = tpu.vector_load %arg12[%swap3A_852, %swap3A_853] {strides = array<i32>} : memref<16x768xf32, #tpu.memory_space<vmem>>, vector<1x16xf32>,
        %swap3A_855 = vector.shape_cast %swap3A_854 : vector<1x16xf32> to vector<16xf32>
        %swap3A_856 = vector.shape_cast %add3A_851 : vector<16xf32> to vector<1x16xf32>
        tpu.vector_store %arg12[%swap3A_852, %swap3A_853], %swap3A_856 {strides = array<i32>} : memref<16x768xf32, #tpu.memory_space<vmem>>, vector<1x16xf32>,
        %get3A_857 = arith.index_cast %scan3A_550 : i32 to index
        %get3A_858 = arith.constant 352 : index
        %get3A_859 = tpu.vector_load %arg12[%get3A_857, %get3A_858] {strides = array<i32>} : memref<16x768xf32, #tpu.memory_space<vmem>>, vector<1x16xf32>,
        %get3A_860 = vector.shape_cast %get3A_859 : vector<1x16xf32> to vector<16xf32>
        %get3A_861 = arith.index_cast %scan3A_550 : i32 to index
        %get3A_862 = arith.constant 352 : index
        %get3A_863 = tpu.vector_load %arg16[%get3A_861, %get3A_862] {strides = array<i32>} : memref<16x768xf32, #tpu.memory_space<vmem>>, vector<1x16xf32>,
        %get3A_864 = vector.shape_cast %get3A_863 : vector<1x16xf32> to vector<16xf32>
        %add3A_865 = arith.addf %get3A_860, %get3A_864 : vector<16xf32>
        %swap3A_866 = arith.index_cast %scan3A_550 : i32 to index
        %swap3A_867 = arith.constant 352 : index
        %swap3A_868 = tpu.vector_load %arg12[%swap3A_866, %swap3A_867] {strides = array<i32>} : memref<16x768xf32, #tpu.memory_space<vmem>>, vector<1x16xf32>,
        %swap3A_869 = vector.shape_cast %swap3A_868 : vector<1x16xf32> to vector<16xf32>
        %swap3A_870 = vector.shape_cast %add3A_865 : vector<16xf32> to vector<1x16xf32>
        tpu.vector_store %arg12[%swap3A_866, %swap3A_867], %swap3A_870 {strides = array<i32>} : memref<16x768xf32, #tpu.memory_space<vmem>>, vector<1x16xf32>,
        %get3A_871 = arith.index_cast %scan3A_550 : i32 to index
        %get3A_872 = arith.constant 368 : index
        %get3A_873 = tpu.vector_load %arg12[%get3A_871, %get3A_872] {strides = array<i32>} : memref<16x768xf32, #tpu.memory_space<vmem>>, vector<1x16xf32>,
        %get3A_874 = vector.shape_cast %get3A_873 : vector<1x16xf32> to vector<16xf32>
        %get3A_875 = arith.index_cast %scan3A_550 : i32 to index
        %get3A_876 = arith.constant 368 : index
        %get3A_877 = tpu.vector_load %arg16[%get3A_875, %get3A_876] {strides = array<i32>} : memref<16x768xf32, #tpu.memory_space<vmem>>, vector<1x16xf32>,
        %get3A_878 = vector.shape_cast %get3A_877 : vector<1x16xf32> to vector<16xf32>
        %add3A_879 = arith.addf %get3A_874, %get3A_878 : vector<16xf32>
        %swap3A_880 = arith.index_cast %scan3A_550 : i32 to index
        %swap3A_881 = arith.constant 368 : index
        %swap3A_882 = tpu.vector_load %arg12[%swap3A_880, %swap3A_881] {strides = array<i32>} : memref<16x768xf32, #tpu.memory_space<vmem>>, vector<1x16xf32>,
        %swap3A_883 = vector.shape_cast %swap3A_882 : vector<1x16xf32> to vector<16xf32>
        %swap3A_884 = vector.shape_cast %add3A_879 : vector<16xf32> to vector<1x16xf32>
        tpu.vector_store %arg12[%swap3A_880, %swap3A_881], %swap3A_884 {strides = array<i32>} : memref<16x768xf32, #tpu.memory_space<vmem>>, vector<1x16xf32>,
        %get3A_885 = arith.index_cast %scan3A_550 : i32 to index
        %get3A_886 = arith.constant 384 : index
        %get3A_887 = tpu.vector_load %arg12[%get3A_885, %get3A_886] {strides = array<i32>} : memref<16x768xf32, #tpu.memory_space<vmem>>, vector<1x16xf32>,
        %get3A_888 = vector.shape_cast %get3A_887 : vector<1x16xf32> to vector<16xf32>
        %get3A_889 = arith.index_cast %scan3A_550 : i32 to index
        %get3A_890 = arith.constant 384 : index
        %get3A_891 = tpu.vector_load %arg16[%get3A_889, %get3A_890] {strides = array<i32>} : memref<16x768xf32, #tpu.memory_space<vmem>>, vector<1x16xf32>,
        %get3A_892 = vector.shape_cast %get3A_891 : vector<1x16xf32> to vector<16xf32>
        %add3A_893 = arith.addf %get3A_888, %get3A_892 : vector<16xf32>
        %swap3A_894 = arith.index_cast %scan3A_550 : i32 to index
        %swap3A_895 = arith.constant 384 : index
        %swap3A_896 = tpu.vector_load %arg12[%swap3A_894, %swap3A_895] {strides = array<i32>} : memref<16x768xf32, #tpu.memory_space<vmem>>, vector<1x16xf32>,
        %swap3A_897 = vector.shape_cast %swap3A_896 : vector<1x16xf32> to vector<16xf32>
        %swap3A_898 = vector.shape_cast %add3A_893 : vector<16xf32> to vector<1x16xf32>
        tpu.vector_store %arg12[%swap3A_894, %swap3A_895], %swap3A_898 {strides = array<i32>} : memref<16x768xf32, #tpu.memory_space<vmem>>, vector<1x16xf32>,
        %get3A_899 = arith.index_cast %scan3A_550 : i32 to index
        %get3A_900 = arith.constant 400 : index
        %get3A_901 = tpu.vector_load %arg12[%get3A_899, %get3A_900] {strides = array<i32>} : memref<16x768xf32, #tpu.memory_space<vmem>>, vector<1x16xf32>,
        %get3A_902 = vector.shape_cast %get3A_901 : vector<1x16xf32> to vector<16xf32>
        %get3A_903 = arith.index_cast %scan3A_550 : i32 to index
        %get3A_904 = arith.constant 400 : index
        %get3A_905 = tpu.vector_load %arg16[%get3A_903, %get3A_904] {strides = array<i32>} : memref<16x768xf32, #tpu.memory_space<vmem>>, vector<1x16xf32>,
        %get3A_906 = vector.shape_cast %get3A_905 : vector<1x16xf32> to vector<16xf32>
        %add3A_907 = arith.addf %get3A_902, %get3A_906 : vector<16xf32>
        %swap3A_908 = arith.index_cast %scan3A_550 : i32 to index
        %swap3A_909 = arith.constant 400 : index
        %swap3A_910 = tpu.vector_load %arg12[%swap3A_908, %swap3A_909] {strides = array<i32>} : memref<16x768xf32, #tpu.memory_space<vmem>>, vector<1x16xf32>,
        %swap3A_911 = vector.shape_cast %swap3A_910 : vector<1x16xf32> to vector<16xf32>
        %swap3A_912 = vector.shape_cast %add3A_907 : vector<16xf32> to vector<1x16xf32>
        tpu.vector_store %arg12[%swap3A_908, %swap3A_909], %swap3A_912 {strides = array<i32>} : memref<16x768xf32, #tpu.memory_space<vmem>>, vector<1x16xf32>,
        %get3A_913 = arith.index_cast %scan3A_550 : i32 to index
        %get3A_914 = arith.constant 416 : index
        %get3A_915 = tpu.vector_load %arg12[%get3A_913, %get3A_914] {strides = array<i32>} : memref<16x768xf32, #tpu.memory_space<vmem>>, vector<1x16xf32>,
        %get3A_916 = vector.shape_cast %get3A_915 : vector<1x16xf32> to vector<16xf32>
        %get3A_917 = arith.index_cast %scan3A_550 : i32 to index
        %get3A_918 = arith.constant 416 : index
        %get3A_919 = tpu.vector_load %arg16[%get3A_917, %get3A_918] {strides = array<i32>} : memref<16x768xf32, #tpu.memory_space<vmem>>, vector<1x16xf32>,
        %get3A_920 = vector.shape_cast %get3A_919 : vector<1x16xf32> to vector<16xf32>
        %add3A_921 = arith.addf %get3A_916, %get3A_920 : vector<16xf32>
        %swap3A_922 = arith.index_cast %scan3A_550 : i32 to index
        %swap3A_923 = arith.constant 416 : index
        %swap3A_924 = tpu.vector_load %arg12[%swap3A_922, %swap3A_923] {strides = array<i32>} : memref<16x768xf32, #tpu.memory_space<vmem>>, vector<1x16xf32>,
        %swap3A_925 = vector.shape_cast %swap3A_924 : vector<1x16xf32> to vector<16xf32>
        %swap3A_926 = vector.shape_cast %add3A_921 : vector<16xf32> to vector<1x16xf32>
        tpu.vector_store %arg12[%swap3A_922, %swap3A_923], %swap3A_926 {strides = array<i32>} : memref<16x768xf32, #tpu.memory_space<vmem>>, vector<1x16xf32>,
        %get3A_927 = arith.index_cast %scan3A_550 : i32 to index
        %get3A_928 = arith.constant 432 : index
        %get3A_929 = tpu.vector_load %arg12[%get3A_927, %get3A_928] {strides = array<i32>} : memref<16x768xf32, #tpu.memory_space<vmem>>, vector<1x16xf32>,
        %get3A_930 = vector.shape_cast %get3A_929 : vector<1x16xf32> to vector<16xf32>
        %get3A_931 = arith.index_cast %scan3A_550 : i32 to index
        %get3A_932 = arith.constant 432 : index
        %get3A_933 = tpu.vector_load %arg16[%get3A_931, %get3A_932] {strides = array<i32>} : memref<16x768xf32, #tpu.memory_space<vmem>>, vector<1x16xf32>,
        %get3A_934 = vector.shape_cast %get3A_933 : vector<1x16xf32> to vector<16xf32>
        %add3A_935 = arith.addf %get3A_930, %get3A_934 : vector<16xf32>
        %swap3A_936 = arith.index_cast %scan3A_550 : i32 to index
        %swap3A_937 = arith.constant 432 : index
        %swap3A_938 = tpu.vector_load %arg12[%swap3A_936, %swap3A_937] {strides = array<i32>} : memref<16x768xf32, #tpu.memory_space<vmem>>, vector<1x16xf32>,
        %swap3A_939 = vector.shape_cast %swap3A_938 : vector<1x16xf32> to vector<16xf32>
        %swap3A_940 = vector.shape_cast %add3A_935 : vector<16xf32> to vector<1x16xf32>
        tpu.vector_store %arg12[%swap3A_936, %swap3A_937], %swap3A_940 {strides = array<i32>} : memref<16x768xf32, #tpu.memory_space<vmem>>, vector<1x16xf32>,
        %get3A_941 = arith.index_cast %scan3A_550 : i32 to index
        %get3A_942 = arith.constant 448 : index
        %get3A_943 = tpu.vector_load %arg12[%get3A_941, %get3A_942] {strides = array<i32>} : memref<16x768xf32, #tpu.memory_space<vmem>>, vector<1x16xf32>,
        %get3A_944 = vector.shape_cast %get3A_943 : vector<1x16xf32> to vector<16xf32>
        %get3A_945 = arith.index_cast %scan3A_550 : i32 to index
        %get3A_946 = arith.constant 448 : index
        %get3A_947 = tpu.vector_load %arg16[%get3A_945, %get3A_946] {strides = array<i32>} : memref<16x768xf32, #tpu.memory_space<vmem>>, vector<1x16xf32>,
        %get3A_948 = vector.shape_cast %get3A_947 : vector<1x16xf32> to vector<16xf32>
        %add3A_949 = arith.addf %get3A_944, %get3A_948 : vector<16xf32>
        %swap3A_950 = arith.index_cast %scan3A_550 : i32 to index
        %swap3A_951 = arith.constant 448 : index
        %swap3A_952 = tpu.vector_load %arg12[%swap3A_950, %swap3A_951] {strides = array<i32>} : memref<16x768xf32, #tpu.memory_space<vmem>>, vector<1x16xf32>,
        %swap3A_953 = vector.shape_cast %swap3A_952 : vector<1x16xf32> to vector<16xf32>
        %swap3A_954 = vector.shape_cast %add3A_949 : vector<16xf32> to vector<1x16xf32>
        tpu.vector_store %arg12[%swap3A_950, %swap3A_951], %swap3A_954 {strides = array<i32>} : memref<16x768xf32, #tpu.memory_space<vmem>>, vector<1x16xf32>,
        %get3A_955 = arith.index_cast %scan3A_550 : i32 to index
        %get3A_956 = arith.constant 464 : index
        %get3A_957 = tpu.vector_load %arg12[%get3A_955, %get3A_956] {strides = array<i32>} : memref<16x768xf32, #tpu.memory_space<vmem>>, vector<1x16xf32>,
        %get3A_958 = vector.shape_cast %get3A_957 : vector<1x16xf32> to vector<16xf32>
        %get3A_959 = arith.index_cast %scan3A_550 : i32 to index
        %get3A_960 = arith.constant 464 : index
        %get3A_961 = tpu.vector_load %arg16[%get3A_959, %get3A_960] {strides = array<i32>} : memref<16x768xf32, #tpu.memory_space<vmem>>, vector<1x16xf32>,
        %get3A_962 = vector.shape_cast %get3A_961 : vector<1x16xf32> to vector<16xf32>
        %add3A_963 = arith.addf %get3A_958, %get3A_962 : vector<16xf32>
        %swap3A_964 = arith.index_cast %scan3A_550 : i32 to index
        %swap3A_965 = arith.constant 464 : index
        %swap3A_966 = tpu.vector_load %arg12[%swap3A_964, %swap3A_965] {strides = array<i32>} : memref<16x768xf32, #tpu.memory_space<vmem>>, vector<1x16xf32>,
        %swap3A_967 = vector.shape_cast %swap3A_966 : vector<1x16xf32> to vector<16xf32>
        %swap3A_968 = vector.shape_cast %add3A_963 : vector<16xf32> to vector<1x16xf32>
        tpu.vector_store %arg12[%swap3A_964, %swap3A_965], %swap3A_968 {strides = array<i32>} : memref<16x768xf32, #tpu.memory_space<vmem>>, vector<1x16xf32>,
        %get3A_969 = arith.index_cast %scan3A_550 : i32 to index
        %get3A_970 = arith.constant 480 : index
        %get3A_971 = tpu.vector_load %arg12[%get3A_969, %get3A_970] {strides = array<i32>} : memref<16x768xf32, #tpu.memory_space<vmem>>, vector<1x16xf32>,
        %get3A_972 = vector.shape_cast %get3A_971 : vector<1x16xf32> to vector<16xf32>
        %get3A_973 = arith.index_cast %scan3A_550 : i32 to index
        %get3A_974 = arith.constant 480 : index
        %get3A_975 = tpu.vector_load %arg16[%get3A_973, %get3A_974] {strides = array<i32>} : memref<16x768xf32, #tpu.memory_space<vmem>>, vector<1x16xf32>,
        %get3A_976 = vector.shape_cast %get3A_975 : vector<1x16xf32> to vector<16xf32>
        %add3A_977 = arith.addf %get3A_972, %get3A_976 : vector<16xf32>
        %swap3A_978 = arith.index_cast %scan3A_550 : i32 to index
        %swap3A_979 = arith.constant 480 : index
        %swap3A_980 = tpu.vector_load %arg12[%swap3A_978, %swap3A_979] {strides = array<i32>} : memref<16x768xf32, #tpu.memory_space<vmem>>, vector<1x16xf32>,
        %swap3A_981 = vector.shape_cast %swap3A_980 : vector<1x16xf32> to vector<16xf32>
        %swap3A_982 = vector.shape_cast %add3A_977 : vector<16xf32> to vector<1x16xf32>
        tpu.vector_store %arg12[%swap3A_978, %swap3A_979], %swap3A_982 {strides = array<i32>} : memref<16x768xf32, #tpu.memory_space<vmem>>, vector<1x16xf32>,
        %get3A_983 = arith.index_cast %scan3A_550 : i32 to index
        %get3A_984 = arith.constant 496 : index
        %get3A_985 = tpu.vector_load %arg12[%get3A_983, %get3A_984] {strides = array<i32>} : memref<16x768xf32, #tpu.memory_space<vmem>>, vector<1x16xf32>,
        %get3A_986 = vector.shape_cast %get3A_985 : vector<1x16xf32> to vector<16xf32>
        %get3A_987 = arith.index_cast %scan3A_550 : i32 to index
        %get3A_988 = arith.constant 496 : index
        %get3A_989 = tpu.vector_load %arg16[%get3A_987, %get3A_988] {strides = array<i32>} : memref<16x768xf32, #tpu.memory_space<vmem>>, vector<1x16xf32>,
        %get3A_990 = vector.shape_cast %get3A_989 : vector<1x16xf32> to vector<16xf32>
        %add3A_991 = arith.addf %get3A_986, %get3A_990 : vector<16xf32>
        %swap3A_992 = arith.index_cast %scan3A_550 : i32 to index
        %swap3A_993 = arith.constant 496 : index
        %swap3A_994 = tpu.vector_load %arg12[%swap3A_992, %swap3A_993] {strides = array<i32>} : memref<16x768xf32, #tpu.memory_space<vmem>>, vector<1x16xf32>,
        %swap3A_995 = vector.shape_cast %swap3A_994 : vector<1x16xf32> to vector<16xf32>
        %swap3A_996 = vector.shape_cast %add3A_991 : vector<16xf32> to vector<1x16xf32>
        tpu.vector_store %arg12[%swap3A_992, %swap3A_993], %swap3A_996 {strides = array<i32>} : memref<16x768xf32, #tpu.memory_space<vmem>>, vector<1x16xf32>,
        %get3A_997 = arith.index_cast %scan3A_550 : i32 to index
        %get3A_998 = arith.constant 512 : index
        %get3A_999 = tpu.vector_load %arg12[%get3A_997, %get3A_998] {strides = array<i32>} : memref<16x768xf32, #tpu.memory_space<vmem>>, vector<1x16xf32>,
        %get3A_1000 = vector.shape_cast %get3A_999 : vector<1x16xf32> to vector<16xf32>
        %get3A_1001 = arith.index_cast %scan3A_550 : i32 to index
        %get3A_1002 = arith.constant 512 : index
        %get3A_1003 = tpu.vector_load %arg16[%get3A_1001, %get3A_1002] {strides = array<i32>} : memref<16x768xf32, #tpu.memory_space<vmem>>, vector<1x16xf32>,
        %get3A_1004 = vector.shape_cast %get3A_1003 : vector<1x16xf32> to vector<16xf32>
        %add3A_1005 = arith.addf %get3A_1000, %get3A_1004 : vector<16xf32>
        %swap3A_1006 = arith.index_cast %scan3A_550 : i32 to index
        %swap3A_1007 = arith.constant 512 : index
        %swap3A_1008 = tpu.vector_load %arg12[%swap3A_1006, %swap3A_1007] {strides = array<i32>} : memref<16x768xf32, #tpu.memory_space<vmem>>, vector<1x16xf32>,
        %swap3A_1009 = vector.shape_cast %swap3A_1008 : vector<1x16xf32> to vector<16xf32>
        %swap3A_1010 = vector.shape_cast %add3A_1005 : vector<16xf32> to vector<1x16xf32>
        tpu.vector_store %arg12[%swap3A_1006, %swap3A_1007], %swap3A_1010 {strides = array<i32>} : memref<16x768xf32, #tpu.memory_space<vmem>>, vector<1x16xf32>,
        %get3A_1011 = arith.index_cast %scan3A_550 : i32 to index
        %get3A_1012 = arith.constant 528 : index
        %get3A_1013 = tpu.vector_load %arg12[%get3A_1011, %get3A_1012] {strides = array<i32>} : memref<16x768xf32, #tpu.memory_space<vmem>>, vector<1x16xf32>,
        %get3A_1014 = vector.shape_cast %get3A_1013 : vector<1x16xf32> to vector<16xf32>
        %get3A_1015 = arith.index_cast %scan3A_550 : i32 to index
        %get3A_1016 = arith.constant 528 : index
        %get3A_1017 = tpu.vector_load %arg16[%get3A_1015, %get3A_1016] {strides = array<i32>} : memref<16x768xf32, #tpu.memory_space<vmem>>, vector<1x16xf32>,
        %get3A_1018 = vector.shape_cast %get3A_1017 : vector<1x16xf32> to vector<16xf32>
        %add3A_1019 = arith.addf %get3A_1014, %get3A_1018 : vector<16xf32>
        %swap3A_1020 = arith.index_cast %scan3A_550 : i32 to index
        %swap3A_1021 = arith.constant 528 : index
        %swap3A_1022 = tpu.vector_load %arg12[%swap3A_1020, %swap3A_1021] {strides = array<i32>} : memref<16x768xf32, #tpu.memory_space<vmem>>, vector<1x16xf32>,
        %swap3A_1023 = vector.shape_cast %swap3A_1022 : vector<1x16xf32> to vector<16xf32>
        %swap3A_1024 = vector.shape_cast %add3A_1019 : vector<16xf32> to vector<1x16xf32>
        tpu.vector_store %arg12[%swap3A_1020, %swap3A_1021], %swap3A_1024 {strides = array<i32>} : memref<16x768xf32, #tpu.memory_space<vmem>>, vector<1x16xf32>,
        %get3A_1025 = arith.index_cast %scan3A_550 : i32 to index
        %get3A_1026 = arith.constant 544 : index
        %get3A_1027 = tpu.vector_load %arg12[%get3A_1025, %get3A_1026] {strides = array<i32>} : memref<16x768xf32, #tpu.memory_space<vmem>>, vector<1x16xf32>,
        %get3A_1028 = vector.shape_cast %get3A_1027 : vector<1x16xf32> to vector<16xf32>
        %get3A_1029 = arith.index_cast %scan3A_550 : i32 to index
        %get3A_1030 = arith.constant 544 : index
        %get3A_1031 = tpu.vector_load %arg16[%get3A_1029, %get3A_1030] {strides = array<i32>} : memref<16x768xf32, #tpu.memory_space<vmem>>, vector<1x16xf32>,
        %get3A_1032 = vector.shape_cast %get3A_1031 : vector<1x16xf32> to vector<16xf32>
        %add3A_1033 = arith.addf %get3A_1028, %get3A_1032 : vector<16xf32>
        %swap3A_1034 = arith.index_cast %scan3A_550 : i32 to index
        %swap3A_1035 = arith.constant 544 : index
        %swap3A_1036 = tpu.vector_load %arg12[%swap3A_1034, %swap3A_1035] {strides = array<i32>} : memref<16x768xf32, #tpu.memory_space<vmem>>, vector<1x16xf32>,
        %swap3A_1037 = vector.shape_cast %swap3A_1036 : vector<1x16xf32> to vector<16xf32>
        %swap3A_1038 = vector.shape_cast %add3A_1033 : vector<16xf32> to vector<1x16xf32>
        tpu.vector_store %arg12[%swap3A_1034, %swap3A_1035], %swap3A_1038 {strides = array<i32>} : memref<16x768xf32, #tpu.memory_space<vmem>>, vector<1x16xf32>,
        %get3A_1039 = arith.index_cast %scan3A_550 : i32 to index
        %get3A_1040 = arith.constant 560 : index
        %get3A_1041 = tpu.vector_load %arg12[%get3A_1039, %get3A_1040] {strides = array<i32>} : memref<16x768xf32, #tpu.memory_space<vmem>>, vector<1x16xf32>,
        %get3A_1042 = vector.shape_cast %get3A_1041 : vector<1x16xf32> to vector<16xf32>
        %get3A_1043 = arith.index_cast %scan3A_550 : i32 to index
        %get3A_1044 = arith.constant 560 : index
        %get3A_1045 = tpu.vector_load %arg16[%get3A_1043, %get3A_1044] {strides = array<i32>} : memref<16x768xf32, #tpu.memory_space<vmem>>, vector<1x16xf32>,
        %get3A_1046 = vector.shape_cast %get3A_1045 : vector<1x16xf32> to vector<16xf32>
        %add3A_1047 = arith.addf %get3A_1042, %get3A_1046 : vector<16xf32>
        %swap3A_1048 = arith.index_cast %scan3A_550 : i32 to index
        %swap3A_1049 = arith.constant 560 : index
        %swap3A_1050 = tpu.vector_load %arg12[%swap3A_1048, %swap3A_1049] {strides = array<i32>} : memref<16x768xf32, #tpu.memory_space<vmem>>, vector<1x16xf32>,
        %swap3A_1051 = vector.shape_cast %swap3A_1050 : vector<1x16xf32> to vector<16xf32>
        %swap3A_1052 = vector.shape_cast %add3A_1047 : vector<16xf32> to vector<1x16xf32>
        tpu.vector_store %arg12[%swap3A_1048, %swap3A_1049], %swap3A_1052 {strides = array<i32>} : memref<16x768xf32, #tpu.memory_space<vmem>>, vector<1x16xf32>,
        %get3A_1053 = arith.index_cast %scan3A_550 : i32 to index
        %get3A_1054 = arith.constant 576 : index
        %get3A_1055 = tpu.vector_load %arg12[%get3A_1053, %get3A_1054] {strides = array<i32>} : memref<16x768xf32, #tpu.memory_space<vmem>>, vector<1x16xf32>,
        %get3A_1056 = vector.shape_cast %get3A_1055 : vector<1x16xf32> to vector<16xf32>
        %get3A_1057 = arith.index_cast %scan3A_550 : i32 to index
        %get3A_1058 = arith.constant 576 : index
        %get3A_1059 = tpu.vector_load %arg16[%get3A_1057, %get3A_1058] {strides = array<i32>} : memref<16x768xf32, #tpu.memory_space<vmem>>, vector<1x16xf32>,
        %get3A_1060 = vector.shape_cast %get3A_1059 : vector<1x16xf32> to vector<16xf32>
        %add3A_1061 = arith.addf %get3A_1056, %get3A_1060 : vector<16xf32>
        %swap3A_1062 = arith.index_cast %scan3A_550 : i32 to index
        %swap3A_1063 = arith.constant 576 : index
        %swap3A_1064 = tpu.vector_load %arg12[%swap3A_1062, %swap3A_1063] {strides = array<i32>} : memref<16x768xf32, #tpu.memory_space<vmem>>, vector<1x16xf32>,
        %swap3A_1065 = vector.shape_cast %swap3A_1064 : vector<1x16xf32> to vector<16xf32>
        %swap3A_1066 = vector.shape_cast %add3A_1061 : vector<16xf32> to vector<1x16xf32>
        tpu.vector_store %arg12[%swap3A_1062, %swap3A_1063], %swap3A_1066 {strides = array<i32>} : memref<16x768xf32, #tpu.memory_space<vmem>>, vector<1x16xf32>,
        %get3A_1067 = arith.index_cast %scan3A_550 : i32 to index
        %get3A_1068 = arith.constant 592 : index
        %get3A_1069 = tpu.vector_load %arg12[%get3A_1067, %get3A_1068] {strides = array<i32>} : memref<16x768xf32, #tpu.memory_space<vmem>>, vector<1x16xf32>,
        %get3A_1070 = vector.shape_cast %get3A_1069 : vector<1x16xf32> to vector<16xf32>
        %get3A_1071 = arith.index_cast %scan3A_550 : i32 to index
        %get3A_1072 = arith.constant 592 : index
        %get3A_1073 = tpu.vector_load %arg16[%get3A_1071, %get3A_1072] {strides = array<i32>} : memref<16x768xf32, #tpu.memory_space<vmem>>, vector<1x16xf32>,
        %get3A_1074 = vector.shape_cast %get3A_1073 : vector<1x16xf32> to vector<16xf32>
        %add3A_1075 = arith.addf %get3A_1070, %get3A_1074 : vector<16xf32>
        %swap3A_1076 = arith.index_cast %scan3A_550 : i32 to index
        %swap3A_1077 = arith.constant 592 : index
        %swap3A_1078 = tpu.vector_load %arg12[%swap3A_1076, %swap3A_1077] {strides = array<i32>} : memref<16x768xf32, #tpu.memory_space<vmem>>, vector<1x16xf32>,
        %swap3A_1079 = vector.shape_cast %swap3A_1078 : vector<1x16xf32> to vector<16xf32>
        %swap3A_1080 = vector.shape_cast %add3A_1075 : vector<16xf32> to vector<1x16xf32>
        tpu.vector_store %arg12[%swap3A_1076, %swap3A_1077], %swap3A_1080 {strides = array<i32>} : memref<16x768xf32, #tpu.memory_space<vmem>>, vector<1x16xf32>,
        %get3A_1081 = arith.index_cast %scan3A_550 : i32 to index
        %get3A_1082 = arith.constant 608 : index
        %get3A_1083 = tpu.vector_load %arg12[%get3A_1081, %get3A_1082] {strides = array<i32>} : memref<16x768xf32, #tpu.memory_space<vmem>>, vector<1x16xf32>,
        %get3A_1084 = vector.shape_cast %get3A_1083 : vector<1x16xf32> to vector<16xf32>
        %get3A_1085 = arith.index_cast %scan3A_550 : i32 to index
        %get3A_1086 = arith.constant 608 : index
        %get3A_1087 = tpu.vector_load %arg16[%get3A_1085, %get3A_1086] {strides = array<i32>} : memref<16x768xf32, #tpu.memory_space<vmem>>, vector<1x16xf32>,
        %get3A_1088 = vector.shape_cast %get3A_1087 : vector<1x16xf32> to vector<16xf32>
        %add3A_1089 = arith.addf %get3A_1084, %get3A_1088 : vector<16xf32>
        %swap3A_1090 = arith.index_cast %scan3A_550 : i32 to index
        %swap3A_1091 = arith.constant 608 : index
        %swap3A_1092 = tpu.vector_load %arg12[%swap3A_1090, %swap3A_1091] {strides = array<i32>} : memref<16x768xf32, #tpu.memory_space<vmem>>, vector<1x16xf32>,
        %swap3A_1093 = vector.shape_cast %swap3A_1092 : vector<1x16xf32> to vector<16xf32>
        %swap3A_1094 = vector.shape_cast %add3A_1089 : vector<16xf32> to vector<1x16xf32>
        tpu.vector_store %arg12[%swap3A_1090, %swap3A_1091], %swap3A_1094 {strides = array<i32>} : memref<16x768xf32, #tpu.memory_space<vmem>>, vector<1x16xf32>,
        %get3A_1095 = arith.index_cast %scan3A_550 : i32 to index
        %get3A_1096 = arith.constant 624 : index
        %get3A_1097 = tpu.vector_load %arg12[%get3A_1095, %get3A_1096] {strides = array<i32>} : memref<16x768xf32, #tpu.memory_space<vmem>>, vector<1x16xf32>,
        %get3A_1098 = vector.shape_cast %get3A_1097 : vector<1x16xf32> to vector<16xf32>
        %get3A_1099 = arith.index_cast %scan3A_550 : i32 to index
        %get3A_1100 = arith.constant 624 : index
        %get3A_1101 = tpu.vector_load %arg16[%get3A_1099, %get3A_1100] {strides = array<i32>} : memref<16x768xf32, #tpu.memory_space<vmem>>, vector<1x16xf32>,
        %get3A_1102 = vector.shape_cast %get3A_1101 : vector<1x16xf32> to vector<16xf32>
        %add3A_1103 = arith.addf %get3A_1098, %get3A_1102 : vector<16xf32>
        %swap3A_1104 = arith.index_cast %scan3A_550 : i32 to index
        %swap3A_1105 = arith.constant 624 : index
        %swap3A_1106 = tpu.vector_load %arg12[%swap3A_1104, %swap3A_1105] {strides = array<i32>} : memref<16x768xf32, #tpu.memory_space<vmem>>, vector<1x16xf32>,
        %swap3A_1107 = vector.shape_cast %swap3A_1106 : vector<1x16xf32> to vector<16xf32>
        %swap3A_1108 = vector.shape_cast %add3A_1103 : vector<16xf32> to vector<1x16xf32>
        tpu.vector_store %arg12[%swap3A_1104, %swap3A_1105], %swap3A_1108 {strides = array<i32>} : memref<16x768xf32, #tpu.memory_space<vmem>>, vector<1x16xf32>,
        %get3A_1109 = arith.index_cast %scan3A_550 : i32 to index
        %get3A_1110 = arith.constant 640 : index
        %get3A_1111 = tpu.vector_load %arg12[%get3A_1109, %get3A_1110] {strides = array<i32>} : memref<16x768xf32, #tpu.memory_space<vmem>>, vector<1x16xf32>,
        %get3A_1112 = vector.shape_cast %get3A_1111 : vector<1x16xf32> to vector<16xf32>
        %get3A_1113 = arith.index_cast %scan3A_550 : i32 to index
        %get3A_1114 = arith.constant 640 : index
        %get3A_1115 = tpu.vector_load %arg16[%get3A_1113, %get3A_1114] {strides = array<i32>} : memref<16x768xf32, #tpu.memory_space<vmem>>, vector<1x16xf32>,
        %get3A_1116 = vector.shape_cast %get3A_1115 : vector<1x16xf32> to vector<16xf32>
        %add3A_1117 = arith.addf %get3A_1112, %get3A_1116 : vector<16xf32>
        %swap3A_1118 = arith.index_cast %scan3A_550 : i32 to index
        %swap3A_1119 = arith.constant 640 : index
        %swap3A_1120 = tpu.vector_load %arg12[%swap3A_1118, %swap3A_1119] {strides = array<i32>} : memref<16x768xf32, #tpu.memory_space<vmem>>, vector<1x16xf32>,
        %swap3A_1121 = vector.shape_cast %swap3A_1120 : vector<1x16xf32> to vector<16xf32>
        %swap3A_1122 = vector.shape_cast %add3A_1117 : vector<16xf32> to vector<1x16xf32>
        tpu.vector_store %arg12[%swap3A_1118, %swap3A_1119], %swap3A_1122 {strides = array<i32>} : memref<16x768xf32, #tpu.memory_space<vmem>>, vector<1x16xf32>,
        %get3A_1123 = arith.index_cast %scan3A_550 : i32 to index
        %get3A_1124 = arith.constant 656 : index
        %get3A_1125 = tpu.vector_load %arg12[%get3A_1123, %get3A_1124] {strides = array<i32>} : memref<16x768xf32, #tpu.memory_space<vmem>>, vector<1x16xf32>,
        %get3A_1126 = vector.shape_cast %get3A_1125 : vector<1x16xf32> to vector<16xf32>
        %get3A_1127 = arith.index_cast %scan3A_550 : i32 to index
        %get3A_1128 = arith.constant 656 : index
        %get3A_1129 = tpu.vector_load %arg16[%get3A_1127, %get3A_1128] {strides = array<i32>} : memref<16x768xf32, #tpu.memory_space<vmem>>, vector<1x16xf32>,
        %get3A_1130 = vector.shape_cast %get3A_1129 : vector<1x16xf32> to vector<16xf32>
        %add3A_1131 = arith.addf %get3A_1126, %get3A_1130 : vector<16xf32>
        %swap3A_1132 = arith.index_cast %scan3A_550 : i32 to index
        %swap3A_1133 = arith.constant 656 : index
        %swap3A_1134 = tpu.vector_load %arg12[%swap3A_1132, %swap3A_1133] {strides = array<i32>} : memref<16x768xf32, #tpu.memory_space<vmem>>, vector<1x16xf32>,
        %swap3A_1135 = vector.shape_cast %swap3A_1134 : vector<1x16xf32> to vector<16xf32>
        %swap3A_1136 = vector.shape_cast %add3A_1131 : vector<16xf32> to vector<1x16xf32>
        tpu.vector_store %arg12[%swap3A_1132, %swap3A_1133], %swap3A_1136 {strides = array<i32>} : memref<16x768xf32, #tpu.memory_space<vmem>>, vector<1x16xf32>,
        %get3A_1137 = arith.index_cast %scan3A_550 : i32 to index
        %get3A_1138 = arith.constant 672 : index
        %get3A_1139 = tpu.vector_load %arg12[%get3A_1137, %get3A_1138] {strides = array<i32>} : memref<16x768xf32, #tpu.memory_space<vmem>>, vector<1x16xf32>,
        %get3A_1140 = vector.shape_cast %get3A_1139 : vector<1x16xf32> to vector<16xf32>
        %get3A_1141 = arith.index_cast %scan3A_550 : i32 to index
        %get3A_1142 = arith.constant 672 : index
        %get3A_1143 = tpu.vector_load %arg16[%get3A_1141, %get3A_1142] {strides = array<i32>} : memref<16x768xf32, #tpu.memory_space<vmem>>, vector<1x16xf32>,
        %get3A_1144 = vector.shape_cast %get3A_1143 : vector<1x16xf32> to vector<16xf32>
        %add3A_1145 = arith.addf %get3A_1140, %get3A_1144 : vector<16xf32>
        %swap3A_1146 = arith.index_cast %scan3A_550 : i32 to index
        %swap3A_1147 = arith.constant 672 : index
        %swap3A_1148 = tpu.vector_load %arg12[%swap3A_1146, %swap3A_1147] {strides = array<i32>} : memref<16x768xf32, #tpu.memory_space<vmem>>, vector<1x16xf32>,
        %swap3A_1149 = vector.shape_cast %swap3A_1148 : vector<1x16xf32> to vector<16xf32>
        %swap3A_1150 = vector.shape_cast %add3A_1145 : vector<16xf32> to vector<1x16xf32>
        tpu.vector_store %arg12[%swap3A_1146, %swap3A_1147], %swap3A_1150 {strides = array<i32>} : memref<16x768xf32, #tpu.memory_space<vmem>>, vector<1x16xf32>,
        %get3A_1151 = arith.index_cast %scan3A_550 : i32 to index
        %get3A_1152 = arith.constant 688 : index
        %get3A_1153 = tpu.vector_load %arg12[%get3A_1151, %get3A_1152] {strides = array<i32>} : memref<16x768xf32, #tpu.memory_space<vmem>>, vector<1x16xf32>,
        %get3A_1154 = vector.shape_cast %get3A_1153 : vector<1x16xf32> to vector<16xf32>
        %get3A_1155 = arith.index_cast %scan3A_550 : i32 to index
        %get3A_1156 = arith.constant 688 : index
        %get3A_1157 = tpu.vector_load %arg16[%get3A_1155, %get3A_1156] {strides = array<i32>} : memref<16x768xf32, #tpu.memory_space<vmem>>, vector<1x16xf32>,
        %get3A_1158 = vector.shape_cast %get3A_1157 : vector<1x16xf32> to vector<16xf32>
        %add3A_1159 = arith.addf %get3A_1154, %get3A_1158 : vector<16xf32>
        %swap3A_1160 = arith.index_cast %scan3A_550 : i32 to index
        %swap3A_1161 = arith.constant 688 : index
        %swap3A_1162 = tpu.vector_load %arg12[%swap3A_1160, %swap3A_1161] {strides = array<i32>} : memref<16x768xf32, #tpu.memory_space<vmem>>, vector<1x16xf32>,
        %swap3A_1163 = vector.shape_cast %swap3A_1162 : vector<1x16xf32> to vector<16xf32>
        %swap3A_1164 = vector.shape_cast %add3A_1159 : vector<16xf32> to vector<1x16xf32>
        tpu.vector_store %arg12[%swap3A_1160, %swap3A_1161], %swap3A_1164 {strides = array<i32>} : memref<16x768xf32, #tpu.memory_space<vmem>>, vector<1x16xf32>,
        %get3A_1165 = arith.index_cast %scan3A_550 : i32 to index
        %get3A_1166 = arith.constant 704 : index
        %get3A_1167 = tpu.vector_load %arg12[%get3A_1165, %get3A_1166] {strides = array<i32>} : memref<16x768xf32, #tpu.memory_space<vmem>>, vector<1x16xf32>,
        %get3A_1168 = vector.shape_cast %get3A_1167 : vector<1x16xf32> to vector<16xf32>
        %get3A_1169 = arith.index_cast %scan3A_550 : i32 to index
        %get3A_1170 = arith.constant 704 : index
        %get3A_1171 = tpu.vector_load %arg16[%get3A_1169, %get3A_1170] {strides = array<i32>} : memref<16x768xf32, #tpu.memory_space<vmem>>, vector<1x16xf32>,
        %get3A_1172 = vector.shape_cast %get3A_1171 : vector<1x16xf32> to vector<16xf32>
        %add3A_1173 = arith.addf %get3A_1168, %get3A_1172 : vector<16xf32>
        %swap3A_1174 = arith.index_cast %scan3A_550 : i32 to index
        %swap3A_1175 = arith.constant 704 : index
        %swap3A_1176 = tpu.vector_load %arg12[%swap3A_1174, %swap3A_1175] {strides = array<i32>} : memref<16x768xf32, #tpu.memory_space<vmem>>, vector<1x16xf32>,
        %swap3A_1177 = vector.shape_cast %swap3A_1176 : vector<1x16xf32> to vector<16xf32>
        %swap3A_1178 = vector.shape_cast %add3A_1173 : vector<16xf32> to vector<1x16xf32>
        tpu.vector_store %arg12[%swap3A_1174, %swap3A_1175], %swap3A_1178 {strides = array<i32>} : memref<16x768xf32, #tpu.memory_space<vmem>>, vector<1x16xf32>,
        %get3A_1179 = arith.index_cast %scan3A_550 : i32 to index
        %get3A_1180 = arith.constant 720 : index
        %get3A_1181 = tpu.vector_load %arg12[%get3A_1179, %get3A_1180] {strides = array<i32>} : memref<16x768xf32, #tpu.memory_space<vmem>>, vector<1x16xf32>,
        %get3A_1182 = vector.shape_cast %get3A_1181 : vector<1x16xf32> to vector<16xf32>
        %get3A_1183 = arith.index_cast %scan3A_550 : i32 to index
        %get3A_1184 = arith.constant 720 : index
        %get3A_1185 = tpu.vector_load %arg16[%get3A_1183, %get3A_1184] {strides = array<i32>} : memref<16x768xf32, #tpu.memory_space<vmem>>, vector<1x16xf32>,
        %get3A_1186 = vector.shape_cast %get3A_1185 : vector<1x16xf32> to vector<16xf32>
        %add3A_1187 = arith.addf %get3A_1182, %get3A_1186 : vector<16xf32>
        %swap3A_1188 = arith.index_cast %scan3A_550 : i32 to index
        %swap3A_1189 = arith.constant 720 : index
        %swap3A_1190 = tpu.vector_load %arg12[%swap3A_1188, %swap3A_1189] {strides = array<i32>} : memref<16x768xf32, #tpu.memory_space<vmem>>, vector<1x16xf32>,
        %swap3A_1191 = vector.shape_cast %swap3A_1190 : vector<1x16xf32> to vector<16xf32>
        %swap3A_1192 = vector.shape_cast %add3A_1187 : vector<16xf32> to vector<1x16xf32>
        tpu.vector_store %arg12[%swap3A_1188, %swap3A_1189], %swap3A_1192 {strides = array<i32>} : memref<16x768xf32, #tpu.memory_space<vmem>>, vector<1x16xf32>,
        %get3A_1193 = arith.index_cast %scan3A_550 : i32 to index
        %get3A_1194 = arith.constant 736 : index
        %get3A_1195 = tpu.vector_load %arg12[%get3A_1193, %get3A_1194] {strides = array<i32>} : memref<16x768xf32, #tpu.memory_space<vmem>>, vector<1x16xf32>,
        %get3A_1196 = vector.shape_cast %get3A_1195 : vector<1x16xf32> to vector<16xf32>
        %get3A_1197 = arith.index_cast %scan3A_550 : i32 to index
        %get3A_1198 = arith.constant 736 : index
        %get3A_1199 = tpu.vector_load %arg16[%get3A_1197, %get3A_1198] {strides = array<i32>} : memref<16x768xf32, #tpu.memory_space<vmem>>, vector<1x16xf32>,
        %get3A_1200 = vector.shape_cast %get3A_1199 : vector<1x16xf32> to vector<16xf32>
        %add3A_1201 = arith.addf %get3A_1196, %get3A_1200 : vector<16xf32>
        %swap3A_1202 = arith.index_cast %scan3A_550 : i32 to index
        %swap3A_1203 = arith.constant 736 : index
        %swap3A_1204 = tpu.vector_load %arg12[%swap3A_1202, %swap3A_1203] {strides = array<i32>} : memref<16x768xf32, #tpu.memory_space<vmem>>, vector<1x16xf32>,
        %swap3A_1205 = vector.shape_cast %swap3A_1204 : vector<1x16xf32> to vector<16xf32>
        %swap3A_1206 = vector.shape_cast %add3A_1201 : vector<16xf32> to vector<1x16xf32>
        tpu.vector_store %arg12[%swap3A_1202, %swap3A_1203], %swap3A_1206 {strides = array<i32>} : memref<16x768xf32, #tpu.memory_space<vmem>>, vector<1x16xf32>,
        %get3A_1207 = arith.index_cast %scan3A_550 : i32 to index
        %get3A_1208 = arith.constant 752 : index
        %get3A_1209 = tpu.vector_load %arg12[%get3A_1207, %get3A_1208] {strides = array<i32>} : memref<16x768xf32, #tpu.memory_space<vmem>>, vector<1x16xf32>,
        %get3A_1210 = vector.shape_cast %get3A_1209 : vector<1x16xf32> to vector<16xf32>
        %get3A_1211 = arith.index_cast %scan3A_550 : i32 to index
        %get3A_1212 = arith.constant 752 : index
        %get3A_1213 = tpu.vector_load %arg16[%get3A_1211, %get3A_1212] {strides = array<i32>} : memref<16x768xf32, #tpu.memory_space<vmem>>, vector<1x16xf32>,
        %get3A_1214 = vector.shape_cast %get3A_1213 : vector<1x16xf32> to vector<16xf32>
        %add3A_1215 = arith.addf %get3A_1210, %get3A_1214 : vector<16xf32>
        %swap3A_1216 = arith.index_cast %scan3A_550 : i32 to index
        %swap3A_1217 = arith.constant 752 : index
        %swap3A_1218 = tpu.vector_load %arg12[%swap3A_1216, %swap3A_1217] {strides = array<i32>} : memref<16x768xf32, #tpu.memory_space<vmem>>, vector<1x16xf32>,
        %swap3A_1219 = vector.shape_cast %swap3A_1218 : vector<1x16xf32> to vector<16xf32>
        %swap3A_1220 = vector.shape_cast %add3A_1215 : vector<16xf32> to vector<1x16xf32>
        tpu.vector_store %arg12[%swap3A_1216, %swap3A_1217], %swap3A_1220 {strides = array<i32>} : memref<16x768xf32, #tpu.memory_space<vmem>>, vector<1x16xf32>,
      }
      %scan3A_499 = arith.constant 16 : i32
      %mul3A_500 = arith.constant 16 : i32
      %mul3A_501 = arith.muli %add3A_474, %mul3A_500 : i32
      %add3A_502 = arith.addi %mul3A_2, %mul3A_501 : i32
      %jit3A_503 = arith.constant 256 : i32
      %div3A_504 = arith.divsi %add3A_502, %jit3A_503 : i32
      %sign3A_505 = arith.constant 0 : i32
      %sign3A_506 = arith.cmpi sgt, %add3A_502, %sign3A_505 : i32
      %sign3A_507 = arith.extui %sign3A_506 : i1 to i32
      %sign3A_508 = arith.constant 0 : i32
      %sign3A_509 = arith.cmpi slt, %add3A_502, %sign3A_508 : i32
      %sign3A_510 = arith.extui %sign3A_509 : i1 to i32
      %sign3A_511 = arith.subi %sign3A_507, %sign3A_510 : i32
      %sign3A_512 = arith.constant 0 : i32
      %sign3A_513 = arith.cmpi sgt, %jit3A_503, %sign3A_512 : i32
      %sign3A_514 = arith.extui %sign3A_513 : i1 to i32
      %sign3A_515 = arith.constant 0 : i32
      %sign3A_516 = arith.cmpi slt, %jit3A_503, %sign3A_515 : i32
      %sign3A_517 = arith.extui %sign3A_516 : i1 to i32
      %sign3A_518 = arith.subi %sign3A_514, %sign3A_517 : i32
      %ne3A_519 = arith.cmpi ne, %sign3A_511, %sign3A_518 : i32
      %rem3A_520 = arith.remsi %add3A_502, %jit3A_503 : i32
      %ne3A_521 = arith.constant 0 : i32
      %ne3A_522 = arith.cmpi ne, %rem3A_520, %ne3A_521 : i32
      %and3A_523 = arith.andi %ne3A_519, %ne3A_522 : i1
      %sub3A_524 = arith.constant 1 : i32
      %sub3A_525 = arith.subi %div3A_504, %sub3A_524 : i32
      %select_n3A_526 = arith.select %and3A_523, %sub3A_525, %div3A_504 : i32
      %jit3A_527 = arith.constant 256 : i32
      %eq3A_528 = arith.constant 0 : i32
      %eq3A_529 = arith.cmpi eq, %jit3A_527, %eq3A_528 : i32
      %jit3A_530 = arith.constant 1 : i32
      %select_n3A_531 = arith.select %eq3A_529, %jit3A_530, %jit3A_527 : i32
      %rem3A_532 = arith.remsi %add3A_502, %select_n3A_531 : i32
      %ne3A_533 = arith.constant 0 : i32
      %ne3A_534 = arith.cmpi ne, %rem3A_532, %ne3A_533 : i32
      %lt3A_535 = arith.constant 0 : i32
      %lt3A_536 = arith.cmpi slt, %rem3A_532, %lt3A_535 : i32
      %lt3A_537 = arith.constant 0 : i32
      %lt3A_538 = arith.cmpi slt, %select_n3A_531, %lt3A_537 : i32
      %ne3A_539 = arith.xori %lt3A_536, %lt3A_538 : i1
      %and3A_540 = arith.andi %ne3A_539, %ne3A_534 : i1
      %add3A_541 = arith.addi %rem3A_532, %select_n3A_531 : i32
      %select_n3A_542 = arith.select %and3A_540, %add3A_541, %rem3A_532 : i32
      %multiple_of3A_543 = tpu.assume_multiple %select_n3A_542, 16 : i32
      %dma_start3A_544 = arith.constant 0 : i32
      %dma_start3A_545 = tpu.memref_slice %arg6[%select_n3A_526, %multiple_of3A_543, %dma_start3A_544] : memref<64x256x768xf32, #tpu.memory_space<hbm>> -> memref<1x16x768xf32, #tpu.memory_space<hbm>>
      %dma_start3A_546 = tpu.memref_squeeze %dma_start3A_545 : memref<1x16x768xf32, #tpu.memory_space<hbm>> -> memref<16x768xf32, #tpu.memory_space<hbm>>
      %dma_start3A_547 = arith.constant 0 : i32
      %dma_start3A_548 = tpu.memref_slice %arg6[%select_n3A_526, %multiple_of3A_543, %dma_start3A_547] : memref<64x256x768xf32, #tpu.memory_space<hbm>> -> memref<1x16x768xf32, #tpu.memory_space<hbm>>
      %dma_start3A_549 = tpu.memref_squeeze %dma_start3A_548 : memref<1x16x768xf32, #tpu.memory_space<hbm>> -> memref<16x768xf32, #tpu.memory_space<hbm>>
      tpu.enqueue_dma source(%arg12 : memref<16x768xf32, #tpu.memory_space<vmem>>) target(%dma_start3A_549 : memref<16x768xf32, #tpu.memory_space<hbm>>) target_semaphore(%arg24 : memref<!tpu.dma_semaphore, #tpu.memory_space<semaphore_mem>>)
    }
    %scan3A_50 = arith.constant 8 : i32
    %add3A_51 = arith.constant 448 : i32
    %add3A_52 = arith.addi %mul3A_2, %add3A_51 : i32
    %jit3A = arith.constant 256 : i32
    %div3A = arith.divsi %add3A_52, %jit3A : i32
    %sign3A = arith.constant 0 : i32
    %sign3A_53 = arith.cmpi sgt, %add3A_52, %sign3A : i32
    %sign3A_54 = arith.extui %sign3A_53 : i1 to i32
    %sign3A_55 = arith.constant 0 : i32
    %sign3A_56 = arith.cmpi slt, %add3A_52, %sign3A_55 : i32
    %sign3A_57 = arith.extui %sign3A_56 : i1 to i32
    %sign3A_58 = arith.subi %sign3A_54, %sign3A_57 : i32
    %sign3A_59 = arith.constant 0 : i32
    %sign3A_60 = arith.cmpi sgt, %jit3A, %sign3A_59 : i32
    %sign3A_61 = arith.extui %sign3A_60 : i1 to i32
    %sign3A_62 = arith.constant 0 : i32
    %sign3A_63 = arith.cmpi slt, %jit3A, %sign3A_62 : i32
    %sign3A_64 = arith.extui %sign3A_63 : i1 to i32
    %sign3A_65 = arith.subi %sign3A_61, %sign3A_64 : i32
    %ne3A = arith.cmpi ne, %sign3A_58, %sign3A_65 : i32
    %rem3A = arith.remsi %add3A_52, %jit3A : i32
    %ne3A_66 = arith.constant 0 : i32
    %ne3A_67 = arith.cmpi ne, %rem3A, %ne3A_66 : i32
    %and3A = arith.andi %ne3A, %ne3A_67 : i1
    %sub3A = arith.constant 1 : i32
    %sub3A_68 = arith.subi %div3A, %sub3A : i32
    %select_n3A = arith.select %and3A, %sub3A_68, %div3A : i32
    %jit3A_69 = arith.constant 256 : i32
    %eq3A = arith.constant 0 : i32
    %eq3A_70 = arith.cmpi eq, %jit3A_69, %eq3A : i32
    %jit3A_71 = arith.constant 1 : i32
    %select_n3A_72 = arith.select %eq3A_70, %jit3A_71, %jit3A_69 : i32
    %rem3A_73 = arith.remsi %add3A_52, %select_n3A_72 : i32
    %ne3A_74 = arith.constant 0 : i32
    %ne3A_75 = arith.cmpi ne, %rem3A_73, %ne3A_74 : i32
    %lt3A = arith.constant 0 : i32
    %lt3A_76 = arith.cmpi slt, %rem3A_73, %lt3A : i32
    %lt3A_77 = arith.constant 0 : i32
    %lt3A_78 = arith.cmpi slt, %select_n3A_72, %lt3A_77 : i32
    %ne3A_79 = arith.xori %lt3A_76, %lt3A_78 : i1
    %and3A_80 = arith.andi %ne3A_79, %ne3A_75 : i1
    %add3A_81 = arith.addi %rem3A_73, %select_n3A_72 : i32
    %select_n3A_82 = arith.select %and3A_80, %add3A_81, %rem3A_73 : i32
    %multiple_of3A = tpu.assume_multiple %select_n3A_82, 16 : i32
    %dma_wait3A = arith.constant 0 : i32
    %dma_wait3A_83 = tpu.memref_slice %arg6[%select_n3A, %multiple_of3A, %dma_wait3A] : memref<64x256x768xf32, #tpu.memory_space<hbm>> -> memref<1x16x768xf32, #tpu.memory_space<hbm>>
    %dma_wait3A_84 = tpu.memref_squeeze %dma_wait3A_83 : memref<1x16x768xf32, #tpu.memory_space<hbm>> -> memref<16x768xf32, #tpu.memory_space<hbm>>
    %dma_wait3A_85 = arith.constant 0 : i32
    %dma_wait3A_86 = tpu.memref_slice %arg6[%select_n3A, %multiple_of3A, %dma_wait3A_85] : memref<64x256x768xf32, #tpu.memory_space<hbm>> -> memref<1x16x768xf32, #tpu.memory_space<hbm>>
    %dma_wait3A_87 = tpu.memref_squeeze %dma_wait3A_86 : memref<1x16x768xf32, #tpu.memory_space<hbm>> -> memref<16x768xf32, #tpu.memory_space<hbm>>
    tpu.wait_dma2 semaphore(%arg21 : memref<!tpu.dma_semaphore, #tpu.memory_space<semaphore_mem>>) src(%arg9 : memref<16x768xf32, #tpu.memory_space<vmem>>) dst(%dma_wait3A_87 : memref<16x768xf32, #tpu.memory_space<hbm>>)
    %add3A_88 = arith.constant 464 : i32
    %add3A_89 = arith.addi %mul3A_2, %add3A_88 : i32
    %jit3A_90 = arith.constant 256 : i32
    %div3A_91 = arith.divsi %add3A_89, %jit3A_90 : i32
    %sign3A_92 = arith.constant 0 : i32
    %sign3A_93 = arith.cmpi sgt, %add3A_89, %sign3A_92 : i32
    %sign3A_94 = arith.extui %sign3A_93 : i1 to i32
    %sign3A_95 = arith.constant 0 : i32
    %sign3A_96 = arith.cmpi slt, %add3A_89, %sign3A_95 : i32
    %sign3A_97 = arith.extui %sign3A_96 : i1 to i32
    %sign3A_98 = arith.subi %sign3A_94, %sign3A_97 : i32
    %sign3A_99 = arith.constant 0 : i32
    %sign3A_100 = arith.cmpi sgt, %jit3A_90, %sign3A_99 : i32
    %sign3A_101 = arith.extui %sign3A_100 : i1 to i32
    %sign3A_102 = arith.constant 0 : i32
    %sign3A_103 = arith.cmpi slt, %jit3A_90, %sign3A_102 : i32
    %sign3A_104 = arith.extui %sign3A_103 : i1 to i32
    %sign3A_105 = arith.subi %sign3A_101, %sign3A_104 : i32
    %ne3A_106 = arith.cmpi ne, %sign3A_98, %sign3A_105 : i32
    %rem3A_107 = arith.remsi %add3A_89, %jit3A_90 : i32
    %ne3A_108 = arith.constant 0 : i32
    %ne3A_109 = arith.cmpi ne, %rem3A_107, %ne3A_108 : i32
    %and3A_110 = arith.andi %ne3A_106, %ne3A_109 : i1
    %sub3A_111 = arith.constant 1 : i32
    %sub3A_112 = arith.subi %div3A_91, %sub3A_111 : i32
    %select_n3A_113 = arith.select %and3A_110, %sub3A_112, %div3A_91 : i32
    %jit3A_114 = arith.constant 256 : i32
    %eq3A_115 = arith.constant 0 : i32
    %eq3A_116 = arith.cmpi eq, %jit3A_114, %eq3A_115 : i32
    %jit3A_117 = arith.constant 1 : i32
    %select_n3A_118 = arith.select %eq3A_116, %jit3A_117, %jit3A_114 : i32
    %rem3A_119 = arith.remsi %add3A_89, %select_n3A_118 : i32
    %ne3A_120 = arith.constant 0 : i32
    %ne3A_121 = arith.cmpi ne, %rem3A_119, %ne3A_120 : i32
    %lt3A_122 = arith.constant 0 : i32
    %lt3A_123 = arith.cmpi slt, %rem3A_119, %lt3A_122 : i32
    %lt3A_124 = arith.constant 0 : i32
    %lt3A_125 = arith.cmpi slt, %select_n3A_118, %lt3A_124 : i32
    %ne3A_126 = arith.xori %lt3A_123, %lt3A_125 : i1
    %and3A_127 = arith.andi %ne3A_126, %ne3A_121 : i1
    %add3A_128 = arith.addi %rem3A_119, %select_n3A_118 : i32
    %select_n3A_129 = arith.select %and3A_127, %add3A_128, %rem3A_119 : i32
    %multiple_of3A_130 = tpu.assume_multiple %select_n3A_129, 16 : i32
    %dma_wait3A_131 = arith.constant 0 : i32
    %dma_wait3A_132 = tpu.memref_slice %arg6[%select_n3A_113, %multiple_of3A_130, %dma_wait3A_131] : memref<64x256x768xf32, #tpu.memory_space<hbm>> -> memref<1x16x768xf32, #tpu.memory_space<hbm>>
    %dma_wait3A_133 = tpu.memref_squeeze %dma_wait3A_132 : memref<1x16x768xf32, #tpu.memory_space<hbm>> -> memref<16x768xf32, #tpu.memory_space<hbm>>
    %dma_wait3A_134 = arith.constant 0 : i32
    %dma_wait3A_135 = tpu.memref_slice %arg6[%select_n3A_113, %multiple_of3A_130, %dma_wait3A_134] : memref<64x256x768xf32, #tpu.memory_space<hbm>> -> memref<1x16x768xf32, #tpu.memory_space<hbm>>
    %dma_wait3A_136 = tpu.memref_squeeze %dma_wait3A_135 : memref<1x16x768xf32, #tpu.memory_space<hbm>> -> memref<16x768xf32, #tpu.memory_space<hbm>>
    tpu.wait_dma2 semaphore(%arg22 : memref<!tpu.dma_semaphore, #tpu.memory_space<semaphore_mem>>) src(%arg10 : memref<16x768xf32, #tpu.memory_space<vmem>>) dst(%dma_wait3A_136 : memref<16x768xf32, #tpu.memory_space<hbm>>)
    %add3A_137 = arith.constant 480 : i32
    %add3A_138 = arith.addi %mul3A_2, %add3A_137 : i32
    %jit3A_139 = arith.constant 256 : i32
    %div3A_140 = arith.divsi %add3A_138, %jit3A_139 : i32
    %sign3A_141 = arith.constant 0 : i32
    %sign3A_142 = arith.cmpi sgt, %add3A_138, %sign3A_141 : i32
    %sign3A_143 = arith.extui %sign3A_142 : i1 to i32
    %sign3A_144 = arith.constant 0 : i32
    %sign3A_145 = arith.cmpi slt, %add3A_138, %sign3A_144 : i32
    %sign3A_146 = arith.extui %sign3A_145 : i1 to i32
    %sign3A_147 = arith.subi %sign3A_143, %sign3A_146 : i32
    %sign3A_148 = arith.constant 0 : i32
    %sign3A_149 = arith.cmpi sgt, %jit3A_139, %sign3A_148 : i32
    %sign3A_150 = arith.extui %sign3A_149 : i1 to i32
    %sign3A_151 = arith.constant 0 : i32
    %sign3A_152 = arith.cmpi slt, %jit3A_139, %sign3A_151 : i32
    %sign3A_153 = arith.extui %sign3A_152 : i1 to i32
    %sign3A_154 = arith.subi %sign3A_150, %sign3A_153 : i32
    %ne3A_155 = arith.cmpi ne, %sign3A_147, %sign3A_154 : i32
    %rem3A_156 = arith.remsi %add3A_138, %jit3A_139 : i32
    %ne3A_157 = arith.constant 0 : i32
    %ne3A_158 = arith.cmpi ne, %rem3A_156, %ne3A_157 : i32
    %and3A_159 = arith.andi %ne3A_155, %ne3A_158 : i1
    %sub3A_160 = arith.constant 1 : i32
    %sub3A_161 = arith.subi %div3A_140, %sub3A_160 : i32
    %select_n3A_162 = arith.select %and3A_159, %sub3A_161, %div3A_140 : i32
    %jit3A_163 = arith.constant 256 : i32
    %eq3A_164 = arith.constant 0 : i32
    %eq3A_165 = arith.cmpi eq, %jit3A_163, %eq3A_164 : i32
    %jit3A_166 = arith.constant 1 : i32
    %select_n3A_167 = arith.select %eq3A_165, %jit3A_166, %jit3A_163 : i32
    %rem3A_168 = arith.remsi %add3A_138, %select_n3A_167 : i32
    %ne3A_169 = arith.constant 0 : i32
    %ne3A_170 = arith.cmpi ne, %rem3A_168, %ne3A_169 : i32
    %lt3A_171 = arith.constant 0 : i32
    %lt3A_172 = arith.cmpi slt, %rem3A_168, %lt3A_171 : i32
    %lt3A_173 = arith.constant 0 : i32
    %lt3A_174 = arith.cmpi slt, %select_n3A_167, %lt3A_173 : i32
    %ne3A_175 = arith.xori %lt3A_172, %lt3A_174 : i1
    %and3A_176 = arith.andi %ne3A_175, %ne3A_170 : i1
    %add3A_177 = arith.addi %rem3A_168, %select_n3A_167 : i32
    %select_n3A_178 = arith.select %and3A_176, %add3A_177, %rem3A_168 : i32
    %multiple_of3A_179 = tpu.assume_multiple %select_n3A_178, 16 : i32
    %dma_wait3A_180 = arith.constant 0 : i32
    %dma_wait3A_181 = tpu.memref_slice %arg6[%select_n3A_162, %multiple_of3A_179, %dma_wait3A_180] : memref<64x256x768xf32, #tpu.memory_space<hbm>> -> memref<1x16x768xf32, #tpu.memory_space<hbm>>
    %dma_wait3A_182 = tpu.memref_squeeze %dma_wait3A_181 : memref<1x16x768xf32, #tpu.memory_space<hbm>> -> memref<16x768xf32, #tpu.memory_space<hbm>>
    %dma_wait3A_183 = arith.constant 0 : i32
    %dma_wait3A_184 = tpu.memref_slice %arg6[%select_n3A_162, %multiple_of3A_179, %dma_wait3A_183] : memref<64x256x768xf32, #tpu.memory_space<hbm>> -> memref<1x16x768xf32, #tpu.memory_space<hbm>>
    %dma_wait3A_185 = tpu.memref_squeeze %dma_wait3A_184 : memref<1x16x768xf32, #tpu.memory_space<hbm>> -> memref<16x768xf32, #tpu.memory_space<hbm>>
    tpu.wait_dma2 semaphore(%arg23 : memref<!tpu.dma_semaphore, #tpu.memory_space<semaphore_mem>>) src(%arg11 : memref<16x768xf32, #tpu.memory_space<vmem>>) dst(%dma_wait3A_185 : memref<16x768xf32, #tpu.memory_space<hbm>>)
    %add3A_186 = arith.constant 496 : i32
    %add3A_187 = arith.addi %mul3A_2, %add3A_186 : i32
    %jit3A_188 = arith.constant 256 : i32
    %div3A_189 = arith.divsi %add3A_187, %jit3A_188 : i32
    %sign3A_190 = arith.constant 0 : i32
    %sign3A_191 = arith.cmpi sgt, %add3A_187, %sign3A_190 : i32
    %sign3A_192 = arith.extui %sign3A_191 : i1 to i32
    %sign3A_193 = arith.constant 0 : i32
    %sign3A_194 = arith.cmpi slt, %add3A_187, %sign3A_193 : i32
    %sign3A_195 = arith.extui %sign3A_194 : i1 to i32
    %sign3A_196 = arith.subi %sign3A_192, %sign3A_195 : i32
    %sign3A_197 = arith.constant 0 : i32
    %sign3A_198 = arith.cmpi sgt, %jit3A_188, %sign3A_197 : i32
    %sign3A_199 = arith.extui %sign3A_198 : i1 to i32
    %sign3A_200 = arith.constant 0 : i32
    %sign3A_201 = arith.cmpi slt, %jit3A_188, %sign3A_200 : i32
    %sign3A_202 = arith.extui %sign3A_201 : i1 to i32
    %sign3A_203 = arith.subi %sign3A_199, %sign3A_202 : i32
    %ne3A_204 = arith.cmpi ne, %sign3A_196, %sign3A_203 : i32
    %rem3A_205 = arith.remsi %add3A_187, %jit3A_188 : i32
    %ne3A_206 = arith.constant 0 : i32
    %ne3A_207 = arith.cmpi ne, %rem3A_205, %ne3A_206 : i32
    %and3A_208 = arith.andi %ne3A_204, %ne3A_207 : i1
    %sub3A_209 = arith.constant 1 : i32
    %sub3A_210 = arith.subi %div3A_189, %sub3A_209 : i32
    %select_n3A_211 = arith.select %and3A_208, %sub3A_210, %div3A_189 : i32
    %jit3A_212 = arith.constant 256 : i32
    %eq3A_213 = arith.constant 0 : i32
    %eq3A_214 = arith.cmpi eq, %jit3A_212, %eq3A_213 : i32
    %jit3A_215 = arith.constant 1 : i32
    %select_n3A_216 = arith.select %eq3A_214, %jit3A_215, %jit3A_212 : i32
    %rem3A_217 = arith.remsi %add3A_187, %select_n3A_216 : i32
    %ne3A_218 = arith.constant 0 : i32
    %ne3A_219 = arith.cmpi ne, %rem3A_217, %ne3A_218 : i32
    %lt3A_220 = arith.constant 0 : i32
    %lt3A_221 = arith.cmpi slt, %rem3A_217, %lt3A_220 : i32
    %lt3A_222 = arith.constant 0 : i32
    %lt3A_223 = arith.cmpi slt, %select_n3A_216, %lt3A_222 : i32
    %ne3A_224 = arith.xori %lt3A_221, %lt3A_223 : i1
    %and3A_225 = arith.andi %ne3A_224, %ne3A_219 : i1
    %add3A_226 = arith.addi %rem3A_217, %select_n3A_216 : i32
    %select_n3A_227 = arith.select %and3A_225, %add3A_226, %rem3A_217 : i32
    %multiple_of3A_228 = tpu.assume_multiple %select_n3A_227, 16 : i32
    %dma_wait3A_229 = arith.constant 0 : i32
    %dma_wait3A_230 = tpu.memref_slice %arg6[%select_n3A_211, %multiple_of3A_228, %dma_wait3A_229] : memref<64x256x768xf32, #tpu.memory_space<hbm>> -> memref<1x16x768xf32, #tpu.memory_space<hbm>>
    %dma_wait3A_231 = tpu.memref_squeeze %dma_wait3A_230 : memref<1x16x768xf32, #tpu.memory_space<hbm>> -> memref<16x768xf32, #tpu.memory_space<hbm>>
    %dma_wait3A_232 = arith.constant 0 : i32
    %dma_wait3A_233 = tpu.memref_slice %arg6[%select_n3A_211, %multiple_of3A_228, %dma_wait3A_232] : memref<64x256x768xf32, #tpu.memory_space<hbm>> -> memref<1x16x768xf32, #tpu.memory_space<hbm>>
    %dma_wait3A_234 = tpu.memref_squeeze %dma_wait3A_233 : memref<1x16x768xf32, #tpu.memory_space<hbm>> -> memref<16x768xf32, #tpu.memory_space<hbm>>
    tpu.wait_dma2 semaphore(%arg24 : memref<!tpu.dma_semaphore, #tpu.memory_space<semaphore_mem>>) src(%arg12 : memref<16x768xf32, #tpu.memory_space<vmem>>) dst(%dma_wait3A_234 : memref<16x768xf32, #tpu.memory_space<hbm>>)
    return
  }
}

module attributes {stable_mosaic.version = 14 : i64} {
  func.func @_topk_idx_body(%arg0: i32, %arg1: memref<4x1x1024xf32, #tpu.memory_space<vmem>>, %arg2: memref<4x1x256xi32, #tpu.memory_space<vmem>>, %arg3: memref<4x1x256xi32, #tpu.memory_space<vmem>>) attributes {dimension_semantics = [#tpu.dimension_semantics<arbitrary>], iteration_bounds = array<i64: 16>, scalar_prefetch = 0 : i64, scratch_operands = 0 : i64, tpu.core_type = #tpu.core_type<tc>, window_params = [{transform_indices = @transform_0, window_bounds = array<i64: 4, 1, 1024>}, {transform_indices = @transform_1, window_bounds = array<i64: 4, 1, 256>}, {transform_indices = @transform_2, window_bounds = array<i64: 4, 1, 256>}]} {
    %mul3A = arith.constant 4 : i32
    %mul3A_0 = arith.muli %arg0, %mul3A : i32
    %add3A = arith.constant 0 : i32
    %add3A_1 = arith.addi %mul3A_0, %add3A : i32
    %get3A = arith.constant 0 : index
    %get3A_2 = arith.constant 0 : index
    %get3A_3 = arith.constant 0 : index
    %get3A_4 = vector.load %arg1[%get3A, %get3A_2, %get3A_3] : memref<4x1x1024xf32, #tpu.memory_space<vmem>>, vector<1x1x1024xf32>
    %get3A_5 = vector.shape_cast %get3A_4 : vector<1x1x1024xf32> to vector<1x1024xf32>
    %reshape3A = vector.shape_cast %get3A_5 : vector<1x1024xf32> to vector<1024x1xf32>
    %iota3A = tpu.iota {dimensions = array<i32: 0>} : vector<1024x1024xi32>
    %iota3A_6 = tpu.iota {dimensions = array<i32: 1>} : vector<1024x1024xi32>
    %gt3A = vector.broadcast %get3A_5 : vector<1x1024xf32> to vector<1024x1024xf32>
    %gt3A_7 = vector.broadcast %reshape3A : vector<1024x1xf32> to vector<1024x1024xf32>
    %gt3A_8 = arith.cmpf ogt, %gt3A, %gt3A_7 : vector<1024x1024xf32>
    %eq3A = vector.broadcast %get3A_5 : vector<1x1024xf32> to vector<1024x1024xf32>
    %eq3A_9 = vector.broadcast %reshape3A : vector<1024x1xf32> to vector<1024x1024xf32>
    %eq3A_10 = arith.cmpf oeq, %eq3A, %eq3A_9 : vector<1024x1024xf32>
    %lt3A = arith.cmpi slt, %iota3A_6, %iota3A : vector<1024x1024xi32>
    %and3A = arith.andi %eq3A_10, %lt3A : vector<1024x1024xi1>
    %or3A = arith.ori %gt3A_8, %and3A : vector<1024x1024xi1>
    %broadcast_in_dim3A = arith.constant 1.000000e+00 : f32
    %broadcast_in_dim3A_11 = vector.broadcast %broadcast_in_dim3A : f32 to vector<1024x8xf32>
    %convert_element_type3A = arith.extui %or3A : vector<1024x1024xi1> to vector<1024x1024xi32>
    %convert_element_type3A_12 = arith.sitofp %convert_element_type3A : vector<1024x1024xi32> to vector<1024x1024xf32>
    %dot_general3A = arith.constant dense<0.000000e+00> : vector<1024x8xf32>
    %dot_general3A_13 = tpu.matmul %convert_element_type3A_12, %broadcast_in_dim3A_11, %dot_general3A {dimension_numbers = #tpu.dot_dimension_numbers<[1], [0], [0], [1], [0, 0, 1, 1], [], []>, transpose_lhs_hint = false} : vector<1024x1024xf32>, vector<1024x8xf32>, vector<1024x8xf32> -> vector<1024x8xf32>
    %slice3A = vector.extract_strided_slice %dot_general3A_13 {offsets = [0, 0], sizes = [1024, 1], strides = [1, 1]} : vector<1024x8xf32> to vector<1024x1xf32>
    %convert_element_type3A_14 = arith.fptosi %slice3A : vector<1024x1xf32> to vector<1024x1xi32>
    %iota3A_15 = tpu.iota {dimensions = array<i32: 1>} : vector<1x256xi32>
    %eq3A_16 = vector.broadcast %convert_element_type3A_14 : vector<1024x1xi32> to vector<1024x256xi32>
    %eq3A_17 = vector.broadcast %iota3A_15 : vector<1x256xi32> to vector<1024x256xi32>
    %eq3A_18 = arith.cmpi eq, %eq3A_16, %eq3A_17 : vector<1024x256xi32>
    %iota3A_19 = tpu.iota {dimensions = array<i32: 0>} : vector<1024x256xi32>
    %jit3A = arith.constant 0 : i32
    %broadcast_in_dim3A_20 = vector.broadcast %jit3A : i32 to vector<1024x256xi32>
    %select_n3A = arith.select %eq3A_18, %iota3A_19, %broadcast_in_dim3A_20 : vector<1024x256xi1>, vector<1024x256xi32>
    %reduce_sum3A = arith.constant dense<0> : vector<256xi32>
    %reduce_sum3A_21 = vector.multi_reduction <add>, %select_n3A, %reduce_sum3A [0] : vector<1024x256xi32> to vector<256xi32>
    %broadcast_in_dim3A_22 = vector.shape_cast %reduce_sum3A_21 : vector<256xi32> to vector<1x256xi32>
    %mul3A_23 = arith.constant 1024 : i32
    %mul3A_24 = arith.muli %add3A_1, %mul3A_23 : i32
    %add3A_25 = vector.broadcast %mul3A_24 : i32 to vector<1x256xi32>
    %add3A_26 = arith.addi %broadcast_in_dim3A_22, %add3A_25 : vector<1x256xi32>
    %swap3A = arith.constant 0 : index
    %swap3A_27 = arith.constant 0 : index
    %swap3A_28 = arith.constant 0 : index
    %swap3A_29 = vector.load %arg2[%swap3A, %swap3A_27, %swap3A_28] : memref<4x1x256xi32, #tpu.memory_space<vmem>>, vector<1x1x256xi32>
    %swap3A_30 = vector.shape_cast %swap3A_29 : vector<1x1x256xi32> to vector<1x256xi32>
    %swap3A_31 = vector.shape_cast %add3A_26 : vector<1x256xi32> to vector<1x1x256xi32>
    tpu.vector_store %arg2[%swap3A, %swap3A_27, %swap3A_28], %swap3A_31 {strides = array<i32>} : memref<4x1x256xi32, #tpu.memory_space<vmem>>, vector<1x1x256xi32>,
    %add3A_32 = arith.constant 1 : i32
    %add3A_33 = vector.broadcast %add3A_32 : i32 to vector<1x256xi32>
    %add3A_34 = arith.addi %broadcast_in_dim3A_22, %add3A_33 : vector<1x256xi32>
    %swap3A_35 = arith.constant 0 : index
    %swap3A_36 = arith.constant 0 : index
    %swap3A_37 = arith.constant 0 : index
    %swap3A_38 = vector.load %arg3[%swap3A_35, %swap3A_36, %swap3A_37] : memref<4x1x256xi32, #tpu.memory_space<vmem>>, vector<1x1x256xi32>
    %swap3A_39 = vector.shape_cast %swap3A_38 : vector<1x1x256xi32> to vector<1x256xi32>
    %swap3A_40 = vector.shape_cast %add3A_34 : vector<1x256xi32> to vector<1x1x256xi32>
    tpu.vector_store %arg3[%swap3A_35, %swap3A_36, %swap3A_37], %swap3A_40 {strides = array<i32>} : memref<4x1x256xi32, #tpu.memory_space<vmem>>, vector<1x1x256xi32>,
    %mul3A_41 = arith.constant 4 : i32
    %mul3A_42 = arith.muli %arg0, %mul3A_41 : i32
    %add3A_43 = arith.constant 1 : i32
    %add3A_44 = arith.addi %mul3A_42, %add3A_43 : i32
    %get3A_45 = arith.constant 1 : index
    %get3A_46 = arith.constant 0 : index
    %get3A_47 = arith.constant 0 : index
    %get3A_48 = vector.load %arg1[%get3A_45, %get3A_46, %get3A_47] : memref<4x1x1024xf32, #tpu.memory_space<vmem>>, vector<1x1x1024xf32>
    %get3A_49 = vector.shape_cast %get3A_48 : vector<1x1x1024xf32> to vector<1x1024xf32>
    %reshape3A_50 = vector.shape_cast %get3A_49 : vector<1x1024xf32> to vector<1024x1xf32>
    %iota3A_51 = tpu.iota {dimensions = array<i32: 0>} : vector<1024x1024xi32>
    %iota3A_52 = tpu.iota {dimensions = array<i32: 1>} : vector<1024x1024xi32>
    %gt3A_53 = vector.broadcast %get3A_49 : vector<1x1024xf32> to vector<1024x1024xf32>
    %gt3A_54 = vector.broadcast %reshape3A_50 : vector<1024x1xf32> to vector<1024x1024xf32>
    %gt3A_55 = arith.cmpf ogt, %gt3A_53, %gt3A_54 : vector<1024x1024xf32>
    %eq3A_56 = vector.broadcast %get3A_49 : vector<1x1024xf32> to vector<1024x1024xf32>
    %eq3A_57 = vector.broadcast %reshape3A_50 : vector<1024x1xf32> to vector<1024x1024xf32>
    %eq3A_58 = arith.cmpf oeq, %eq3A_56, %eq3A_57 : vector<1024x1024xf32>
    %lt3A_59 = arith.cmpi slt, %iota3A_52, %iota3A_51 : vector<1024x1024xi32>
    %and3A_60 = arith.andi %eq3A_58, %lt3A_59 : vector<1024x1024xi1>
    %or3A_61 = arith.ori %gt3A_55, %and3A_60 : vector<1024x1024xi1>
    %broadcast_in_dim3A_62 = arith.constant 1.000000e+00 : f32
    %broadcast_in_dim3A_63 = vector.broadcast %broadcast_in_dim3A_62 : f32 to vector<1024x8xf32>
    %convert_element_type3A_64 = arith.extui %or3A_61 : vector<1024x1024xi1> to vector<1024x1024xi32>
    %convert_element_type3A_65 = arith.sitofp %convert_element_type3A_64 : vector<1024x1024xi32> to vector<1024x1024xf32>
    %dot_general3A_66 = arith.constant dense<0.000000e+00> : vector<1024x8xf32>
    %dot_general3A_67 = tpu.matmul %convert_element_type3A_65, %broadcast_in_dim3A_63, %dot_general3A_66 {dimension_numbers = #tpu.dot_dimension_numbers<[1], [0], [0], [1], [0, 0, 1, 1], [], []>, transpose_lhs_hint = false} : vector<1024x1024xf32>, vector<1024x8xf32>, vector<1024x8xf32> -> vector<1024x8xf32>
    %slice3A_68 = vector.extract_strided_slice %dot_general3A_67 {offsets = [0, 0], sizes = [1024, 1], strides = [1, 1]} : vector<1024x8xf32> to vector<1024x1xf32>
    %convert_element_type3A_69 = arith.fptosi %slice3A_68 : vector<1024x1xf32> to vector<1024x1xi32>
    %iota3A_70 = tpu.iota {dimensions = array<i32: 1>} : vector<1x256xi32>
    %eq3A_71 = vector.broadcast %convert_element_type3A_69 : vector<1024x1xi32> to vector<1024x256xi32>
    %eq3A_72 = vector.broadcast %iota3A_70 : vector<1x256xi32> to vector<1024x256xi32>
    %eq3A_73 = arith.cmpi eq, %eq3A_71, %eq3A_72 : vector<1024x256xi32>
    %iota3A_74 = tpu.iota {dimensions = array<i32: 0>} : vector<1024x256xi32>
    %jit3A_75 = arith.constant 0 : i32
    %broadcast_in_dim3A_76 = vector.broadcast %jit3A_75 : i32 to vector<1024x256xi32>
    %select_n3A_77 = arith.select %eq3A_73, %iota3A_74, %broadcast_in_dim3A_76 : vector<1024x256xi1>, vector<1024x256xi32>
    %reduce_sum3A_78 = arith.constant dense<0> : vector<256xi32>
    %reduce_sum3A_79 = vector.multi_reduction <add>, %select_n3A_77, %reduce_sum3A_78 [0] : vector<1024x256xi32> to vector<256xi32>
    %broadcast_in_dim3A_80 = vector.shape_cast %reduce_sum3A_79 : vector<256xi32> to vector<1x256xi32>
    %mul3A_81 = arith.constant 1024 : i32
    %mul3A_82 = arith.muli %add3A_44, %mul3A_81 : i32
    %add3A_83 = vector.broadcast %mul3A_82 : i32 to vector<1x256xi32>
    %add3A_84 = arith.addi %broadcast_in_dim3A_80, %add3A_83 : vector<1x256xi32>
    %swap3A_85 = arith.constant 1 : index
    %swap3A_86 = arith.constant 0 : index
    %swap3A_87 = arith.constant 0 : index
    %swap3A_88 = vector.load %arg2[%swap3A_85, %swap3A_86, %swap3A_87] : memref<4x1x256xi32, #tpu.memory_space<vmem>>, vector<1x1x256xi32>
    %swap3A_89 = vector.shape_cast %swap3A_88 : vector<1x1x256xi32> to vector<1x256xi32>
    %swap3A_90 = vector.shape_cast %add3A_84 : vector<1x256xi32> to vector<1x1x256xi32>
    tpu.vector_store %arg2[%swap3A_85, %swap3A_86, %swap3A_87], %swap3A_90 {strides = array<i32>} : memref<4x1x256xi32, #tpu.memory_space<vmem>>, vector<1x1x256xi32>,
    %add3A_91 = arith.constant 1 : i32
    %add3A_92 = vector.broadcast %add3A_91 : i32 to vector<1x256xi32>
    %add3A_93 = arith.addi %broadcast_in_dim3A_80, %add3A_92 : vector<1x256xi32>
    %swap3A_94 = arith.constant 1 : index
    %swap3A_95 = arith.constant 0 : index
    %swap3A_96 = arith.constant 0 : index
    %swap3A_97 = vector.load %arg3[%swap3A_94, %swap3A_95, %swap3A_96] : memref<4x1x256xi32, #tpu.memory_space<vmem>>, vector<1x1x256xi32>
    %swap3A_98 = vector.shape_cast %swap3A_97 : vector<1x1x256xi32> to vector<1x256xi32>
    %swap3A_99 = vector.shape_cast %add3A_93 : vector<1x256xi32> to vector<1x1x256xi32>
    tpu.vector_store %arg3[%swap3A_94, %swap3A_95, %swap3A_96], %swap3A_99 {strides = array<i32>} : memref<4x1x256xi32, #tpu.memory_space<vmem>>, vector<1x1x256xi32>,
    %mul3A_100 = arith.constant 4 : i32
    %mul3A_101 = arith.muli %arg0, %mul3A_100 : i32
    %add3A_102 = arith.constant 2 : i32
    %add3A_103 = arith.addi %mul3A_101, %add3A_102 : i32
    %get3A_104 = arith.constant 2 : index
    %get3A_105 = arith.constant 0 : index
    %get3A_106 = arith.constant 0 : index
    %get3A_107 = vector.load %arg1[%get3A_104, %get3A_105, %get3A_106] : memref<4x1x1024xf32, #tpu.memory_space<vmem>>, vector<1x1x1024xf32>
    %get3A_108 = vector.shape_cast %get3A_107 : vector<1x1x1024xf32> to vector<1x1024xf32>
    %reshape3A_109 = vector.shape_cast %get3A_108 : vector<1x1024xf32> to vector<1024x1xf32>
    %iota3A_110 = tpu.iota {dimensions = array<i32: 0>} : vector<1024x1024xi32>
    %iota3A_111 = tpu.iota {dimensions = array<i32: 1>} : vector<1024x1024xi32>
    %gt3A_112 = vector.broadcast %get3A_108 : vector<1x1024xf32> to vector<1024x1024xf32>
    %gt3A_113 = vector.broadcast %reshape3A_109 : vector<1024x1xf32> to vector<1024x1024xf32>
    %gt3A_114 = arith.cmpf ogt, %gt3A_112, %gt3A_113 : vector<1024x1024xf32>
    %eq3A_115 = vector.broadcast %get3A_108 : vector<1x1024xf32> to vector<1024x1024xf32>
    %eq3A_116 = vector.broadcast %reshape3A_109 : vector<1024x1xf32> to vector<1024x1024xf32>
    %eq3A_117 = arith.cmpf oeq, %eq3A_115, %eq3A_116 : vector<1024x1024xf32>
    %lt3A_118 = arith.cmpi slt, %iota3A_111, %iota3A_110 : vector<1024x1024xi32>
    %and3A_119 = arith.andi %eq3A_117, %lt3A_118 : vector<1024x1024xi1>
    %or3A_120 = arith.ori %gt3A_114, %and3A_119 : vector<1024x1024xi1>
    %broadcast_in_dim3A_121 = arith.constant 1.000000e+00 : f32
    %broadcast_in_dim3A_122 = vector.broadcast %broadcast_in_dim3A_121 : f32 to vector<1024x8xf32>
    %convert_element_type3A_123 = arith.extui %or3A_120 : vector<1024x1024xi1> to vector<1024x1024xi32>
    %convert_element_type3A_124 = arith.sitofp %convert_element_type3A_123 : vector<1024x1024xi32> to vector<1024x1024xf32>
    %dot_general3A_125 = arith.constant dense<0.000000e+00> : vector<1024x8xf32>
    %dot_general3A_126 = tpu.matmul %convert_element_type3A_124, %broadcast_in_dim3A_122, %dot_general3A_125 {dimension_numbers = #tpu.dot_dimension_numbers<[1], [0], [0], [1], [0, 0, 1, 1], [], []>, transpose_lhs_hint = false} : vector<1024x1024xf32>, vector<1024x8xf32>, vector<1024x8xf32> -> vector<1024x8xf32>
    %slice3A_127 = vector.extract_strided_slice %dot_general3A_126 {offsets = [0, 0], sizes = [1024, 1], strides = [1, 1]} : vector<1024x8xf32> to vector<1024x1xf32>
    %convert_element_type3A_128 = arith.fptosi %slice3A_127 : vector<1024x1xf32> to vector<1024x1xi32>
    %iota3A_129 = tpu.iota {dimensions = array<i32: 1>} : vector<1x256xi32>
    %eq3A_130 = vector.broadcast %convert_element_type3A_128 : vector<1024x1xi32> to vector<1024x256xi32>
    %eq3A_131 = vector.broadcast %iota3A_129 : vector<1x256xi32> to vector<1024x256xi32>
    %eq3A_132 = arith.cmpi eq, %eq3A_130, %eq3A_131 : vector<1024x256xi32>
    %iota3A_133 = tpu.iota {dimensions = array<i32: 0>} : vector<1024x256xi32>
    %jit3A_134 = arith.constant 0 : i32
    %broadcast_in_dim3A_135 = vector.broadcast %jit3A_134 : i32 to vector<1024x256xi32>
    %select_n3A_136 = arith.select %eq3A_132, %iota3A_133, %broadcast_in_dim3A_135 : vector<1024x256xi1>, vector<1024x256xi32>
    %reduce_sum3A_137 = arith.constant dense<0> : vector<256xi32>
    %reduce_sum3A_138 = vector.multi_reduction <add>, %select_n3A_136, %reduce_sum3A_137 [0] : vector<1024x256xi32> to vector<256xi32>
    %broadcast_in_dim3A_139 = vector.shape_cast %reduce_sum3A_138 : vector<256xi32> to vector<1x256xi32>
    %mul3A_140 = arith.constant 1024 : i32
    %mul3A_141 = arith.muli %add3A_103, %mul3A_140 : i32
    %add3A_142 = vector.broadcast %mul3A_141 : i32 to vector<1x256xi32>
    %add3A_143 = arith.addi %broadcast_in_dim3A_139, %add3A_142 : vector<1x256xi32>
    %swap3A_144 = arith.constant 2 : index
    %swap3A_145 = arith.constant 0 : index
    %swap3A_146 = arith.constant 0 : index
    %swap3A_147 = vector.load %arg2[%swap3A_144, %swap3A_145, %swap3A_146] : memref<4x1x256xi32, #tpu.memory_space<vmem>>, vector<1x1x256xi32>
    %swap3A_148 = vector.shape_cast %swap3A_147 : vector<1x1x256xi32> to vector<1x256xi32>
    %swap3A_149 = vector.shape_cast %add3A_143 : vector<1x256xi32> to vector<1x1x256xi32>
    tpu.vector_store %arg2[%swap3A_144, %swap3A_145, %swap3A_146], %swap3A_149 {strides = array<i32>} : memref<4x1x256xi32, #tpu.memory_space<vmem>>, vector<1x1x256xi32>,
    %add3A_150 = arith.constant 1 : i32
    %add3A_151 = vector.broadcast %add3A_150 : i32 to vector<1x256xi32>
    %add3A_152 = arith.addi %broadcast_in_dim3A_139, %add3A_151 : vector<1x256xi32>
    %swap3A_153 = arith.constant 2 : index
    %swap3A_154 = arith.constant 0 : index
    %swap3A_155 = arith.constant 0 : index
    %swap3A_156 = vector.load %arg3[%swap3A_153, %swap3A_154, %swap3A_155] : memref<4x1x256xi32, #tpu.memory_space<vmem>>, vector<1x1x256xi32>
    %swap3A_157 = vector.shape_cast %swap3A_156 : vector<1x1x256xi32> to vector<1x256xi32>
    %swap3A_158 = vector.shape_cast %add3A_152 : vector<1x256xi32> to vector<1x1x256xi32>
    tpu.vector_store %arg3[%swap3A_153, %swap3A_154, %swap3A_155], %swap3A_158 {strides = array<i32>} : memref<4x1x256xi32, #tpu.memory_space<vmem>>, vector<1x1x256xi32>,
    %mul3A_159 = arith.constant 4 : i32
    %mul3A_160 = arith.muli %arg0, %mul3A_159 : i32
    %add3A_161 = arith.constant 3 : i32
    %add3A_162 = arith.addi %mul3A_160, %add3A_161 : i32
    %get3A_163 = arith.constant 3 : index
    %get3A_164 = arith.constant 0 : index
    %get3A_165 = arith.constant 0 : index
    %get3A_166 = vector.load %arg1[%get3A_163, %get3A_164, %get3A_165] : memref<4x1x1024xf32, #tpu.memory_space<vmem>>, vector<1x1x1024xf32>
    %get3A_167 = vector.shape_cast %get3A_166 : vector<1x1x1024xf32> to vector<1x1024xf32>
    %reshape3A_168 = vector.shape_cast %get3A_167 : vector<1x1024xf32> to vector<1024x1xf32>
    %iota3A_169 = tpu.iota {dimensions = array<i32: 0>} : vector<1024x1024xi32>
    %iota3A_170 = tpu.iota {dimensions = array<i32: 1>} : vector<1024x1024xi32>
    %gt3A_171 = vector.broadcast %get3A_167 : vector<1x1024xf32> to vector<1024x1024xf32>
    %gt3A_172 = vector.broadcast %reshape3A_168 : vector<1024x1xf32> to vector<1024x1024xf32>
    %gt3A_173 = arith.cmpf ogt, %gt3A_171, %gt3A_172 : vector<1024x1024xf32>
    %eq3A_174 = vector.broadcast %get3A_167 : vector<1x1024xf32> to vector<1024x1024xf32>
    %eq3A_175 = vector.broadcast %reshape3A_168 : vector<1024x1xf32> to vector<1024x1024xf32>
    %eq3A_176 = arith.cmpf oeq, %eq3A_174, %eq3A_175 : vector<1024x1024xf32>
    %lt3A_177 = arith.cmpi slt, %iota3A_170, %iota3A_169 : vector<1024x1024xi32>
    %and3A_178 = arith.andi %eq3A_176, %lt3A_177 : vector<1024x1024xi1>
    %or3A_179 = arith.ori %gt3A_173, %and3A_178 : vector<1024x1024xi1>
    %broadcast_in_dim3A_180 = arith.constant 1.000000e+00 : f32
    %broadcast_in_dim3A_181 = vector.broadcast %broadcast_in_dim3A_180 : f32 to vector<1024x8xf32>
    %convert_element_type3A_182 = arith.extui %or3A_179 : vector<1024x1024xi1> to vector<1024x1024xi32>
    %convert_element_type3A_183 = arith.sitofp %convert_element_type3A_182 : vector<1024x1024xi32> to vector<1024x1024xf32>
    %dot_general3A_184 = arith.constant dense<0.000000e+00> : vector<1024x8xf32>
    %dot_general3A_185 = tpu.matmul %convert_element_type3A_183, %broadcast_in_dim3A_181, %dot_general3A_184 {dimension_numbers = #tpu.dot_dimension_numbers<[1], [0], [0], [1], [0, 0, 1, 1], [], []>, transpose_lhs_hint = false} : vector<1024x1024xf32>, vector<1024x8xf32>, vector<1024x8xf32> -> vector<1024x8xf32>
    %slice3A_186 = vector.extract_strided_slice %dot_general3A_185 {offsets = [0, 0], sizes = [1024, 1], strides = [1, 1]} : vector<1024x8xf32> to vector<1024x1xf32>
    %convert_element_type3A_187 = arith.fptosi %slice3A_186 : vector<1024x1xf32> to vector<1024x1xi32>
    %iota3A_188 = tpu.iota {dimensions = array<i32: 1>} : vector<1x256xi32>
    %eq3A_189 = vector.broadcast %convert_element_type3A_187 : vector<1024x1xi32> to vector<1024x256xi32>
    %eq3A_190 = vector.broadcast %iota3A_188 : vector<1x256xi32> to vector<1024x256xi32>
    %eq3A_191 = arith.cmpi eq, %eq3A_189, %eq3A_190 : vector<1024x256xi32>
    %iota3A_192 = tpu.iota {dimensions = array<i32: 0>} : vector<1024x256xi32>
    %jit3A_193 = arith.constant 0 : i32
    %broadcast_in_dim3A_194 = vector.broadcast %jit3A_193 : i32 to vector<1024x256xi32>
    %select_n3A_195 = arith.select %eq3A_191, %iota3A_192, %broadcast_in_dim3A_194 : vector<1024x256xi1>, vector<1024x256xi32>
    %reduce_sum3A_196 = arith.constant dense<0> : vector<256xi32>
    %reduce_sum3A_197 = vector.multi_reduction <add>, %select_n3A_195, %reduce_sum3A_196 [0] : vector<1024x256xi32> to vector<256xi32>
    %broadcast_in_dim3A_198 = vector.shape_cast %reduce_sum3A_197 : vector<256xi32> to vector<1x256xi32>
    %mul3A_199 = arith.constant 1024 : i32
    %mul3A_200 = arith.muli %add3A_162, %mul3A_199 : i32
    %add3A_201 = vector.broadcast %mul3A_200 : i32 to vector<1x256xi32>
    %add3A_202 = arith.addi %broadcast_in_dim3A_198, %add3A_201 : vector<1x256xi32>
    %swap3A_203 = arith.constant 3 : index
    %swap3A_204 = arith.constant 0 : index
    %swap3A_205 = arith.constant 0 : index
    %swap3A_206 = vector.load %arg2[%swap3A_203, %swap3A_204, %swap3A_205] : memref<4x1x256xi32, #tpu.memory_space<vmem>>, vector<1x1x256xi32>
    %swap3A_207 = vector.shape_cast %swap3A_206 : vector<1x1x256xi32> to vector<1x256xi32>
    %swap3A_208 = vector.shape_cast %add3A_202 : vector<1x256xi32> to vector<1x1x256xi32>
    tpu.vector_store %arg2[%swap3A_203, %swap3A_204, %swap3A_205], %swap3A_208 {strides = array<i32>} : memref<4x1x256xi32, #tpu.memory_space<vmem>>, vector<1x1x256xi32>,
    %add3A_209 = arith.constant 1 : i32
    %add3A_210 = vector.broadcast %add3A_209 : i32 to vector<1x256xi32>
    %add3A_211 = arith.addi %broadcast_in_dim3A_198, %add3A_210 : vector<1x256xi32>
    %swap3A_212 = arith.constant 3 : index
    %swap3A_213 = arith.constant 0 : index
    %swap3A_214 = arith.constant 0 : index
    %swap3A_215 = vector.load %arg3[%swap3A_212, %swap3A_213, %swap3A_214] : memref<4x1x256xi32, #tpu.memory_space<vmem>>, vector<1x1x256xi32>
    %swap3A_216 = vector.shape_cast %swap3A_215 : vector<1x1x256xi32> to vector<1x256xi32>
    %swap3A_217 = vector.shape_cast %add3A_211 : vector<1x256xi32> to vector<1x1x256xi32>
    tpu.vector_store %arg3[%swap3A_212, %swap3A_213, %swap3A_214], %swap3A_217 {strides = array<i32>} : memref<4x1x256xi32, #tpu.memory_space<vmem>>, vector<1x1x256xi32>,
    return
  }
  func.func @transform_0(%arg0: i32) -> (i32, i32, i32) {
    %c0_i32 = arith.constant 0 : i32
    %c0_i32_0 = arith.constant 0 : i32
    %c0_i32_1 = arith.constant 0 : i32
    return %arg0, %c0_i32, %c0_i32_0 : i32, i32, i32
  }
  func.func @transform_1(%arg0: i32) -> (i32, i32, i32) {
    %c0_i32 = arith.constant 0 : i32
    %c0_i32_0 = arith.constant 0 : i32
    %c0_i32_1 = arith.constant 0 : i32
    return %arg0, %c0_i32, %c0_i32_0 : i32, i32, i32
  }
  func.func @transform_2(%arg0: i32) -> (i32, i32, i32) {
    %c0_i32 = arith.constant 0 : i32
    %c0_i32_0 = arith.constant 0 : i32
    %c0_i32_1 = arith.constant 0 : i32
    return %arg0, %c0_i32, %c0_i32_0 : i32, i32, i32
  }
}

</mosaic_0001>

<sc_bundles>
// kernel: kernel.4.cloned.1.call-start
scs
__scs_entry_jumppad:
0x0: {  	(pc) =	sbr.rel $0x88, $3  }
0x1: {  	(tag) =	ssettag $0x0;
	lr =	simm.s32 $0x1  }
0x2: {  	[smem:$0x3F9E] =	sst lr;
	_ =	strace $0xD0000000  }
0x3: {  	_ = 	snop  }
0x4: {  	_ = 	snop  }
0x5: {  	_ = 	snop  }
0x6: {  	_ = 	snop  }
0x7: {  	_ = 	snop  }
__scs_overlays_trampoline_lowered:
0x8: {  	[smem:$0x3FAD] =	sst s0  }
0x9: {  	[smem:$0x3FAE] =	sst s1  }
0xa: {  	[smem:$0x3FAF] =	sst s2  }
0xb: {  	[smem:$0x3FB0] =	sst s3  }
0xc: {  	[smem:$0x3FB1] =	sst s4  }
0xd: {  	[smem:$0x3FB2] =	sst s5  }
0xe: {  	[smem:$0x3FB3] =	sst s6  }
0xf: {  	[smem:$0x3FB4] =	sst s7  }
0x10: {  	[smem:$0x3FB5] =	sst s8  }
0x11: {  	[smem:$0x3FB6] =	sst s9;
	s0 =	simm.s32 @!p0 $0x0  }
0x12: {  	s1 =	sld [smem:$0x3F9C];
	s0 =	simm.s32 @p0 $0x1  }
0x13: {  	[smem:$0x3FB7] =	sst s0;
	s0 =	simm.s32 @!p1 $0x0  }
0x14: {  	s2 =	sld [smem:$0x3F9B];
	s0 =	simm.s32 @p1 $0x1  }
0x15: {  	[smem:$0x3FB8] =	sst s0;
	s0 =	simm.s32 @!p2 $0x0  }
0x16: {  	s3 =	sld [smem:$0x3FDB];
	s0 =	simm.s32 @p2 $0x1  }
0x17: {  	s4 =	simm.s32 $0x1BF5;
	[smem:$0x3FBA] =	sst s0  }
0x18: {  	s0 =	sld [smem:$0x3F9D];
	_ =	swait.ge [sflag:s4], $0x0  }
0x19: {  	s7 =	sld [smem:$0x3F9E]  }
0x1a: {  	s8 =	sadd.s32 $0xFFFFE003, lr  }
0x1b: {  	s9 =	sadd.s32 $0xFFFFFEF7, lr;
	s5 =	simm.s32 $0xFFFFFFFF;
	p2 =	slt.u32 s8, $0xFFFFF086  }
0x1c: {  	p1 =	slt.u32 s9, $0xF7A;
	s5 =	simm.s32 @!p2 $0x0  }
0x1d: {  	s5 =	simm.s32 @p1 $0x1;
	p0 =	seq.s32 s7, s2  }
0x1e: {  	s7 =	smul.u32 @!p0 $0xF7A, s2;
	p2 =	seq.s32 @!p0 s5, $0x0  }
0x1f: {  	s9 =	smul.u32 $0xF7A, s1;
	s8 =	simm.s32 @!p0 $0x1BF5;
	p2 =	por !p2, p0  }
0x20: {  	[sflag:s8] =	ssyncset.s32 @!p0 $0xFFFFF086;
	s6 =	sadd.s32 @!p0 s3, s7;
	s7 =	simm.s32 @!p0 $0x108  }
0x21: {  	s3 =	sadd.s32 s3, s9;
	s6 =	sadd.s32 @!p0 $0x88, s6;
	s7 =	simm.s32 @p2 $0x1082  }
0x22: {  	[simem:s7], [sflag:s8] =	dma.local @!p0 [hbm:s6], $0xF7A  }
0x23: {  	s9 =	sor.u32 $0xD0000000, s2;
	s6 =	simm.s32 $0x108;
	_ =	swait.ge @!p0 [sflag:s8], $0x0  }
0x24: {  	s3 =	sadd.s32 $0x88, s3;
	s6 =	simm.s32 @!p1 $0x1082;
	[sflag:s4] =	ssyncset.s32 $0xFFFFF086  }
0x25: {  	[simem:s6], [sflag:s4] =	dma.local [hbm:s3], $0xF7A  }
0x26: {  	[smem:$0x3F9E] =	sst s1;
	(tag) =	ssettag s2;
	_ =	strace s9  }
0x27: {  	s1 =	sld [smem:$0x3FAE]  }
0x28: {  	s2 =	sld [smem:$0x3FAF]  }
0x29: {  	s4 =	sld [smem:$0x3FB1]  }
0x2a: {  	p0 =	seq.s32 s5, $0x0;
	s5 =	sld [smem:$0x3FB2]  }
0x2b: {  	s6 =	sld [smem:$0x3FB3]  }
0x2c: {  	s7 =	sld [smem:$0x3FB4]  }
0x2d: {  	s3 =	simm.s32 $0x108;
	s8 =	sld [smem:$0x3FB5]  }
0x2e: {  	s3 =	simm.s32 @!p0 $0x1082;
	s9 =	sld [smem:$0x3FB6]  }
0x2f: {  	lr =	sadd.s32 s0, s3;
	s0 =	sld [smem:$0x3FAD]  }
0x30: {  	s3 =	sld [smem:$0x3FB0]  }
0x31: {  	[smem:$0x3FB9] =	sst s10  }
0x32: {  	s10 =	sld [smem:$0x3FB7];
	_ =	sdelay $0x3  }
0x33: {  	p0 =	seq.s32 s10, $0x1;
	s10 =	sld [smem:$0x3FB9];
	_ =	sdelay $0x3  }
0x34: {  	[smem:$0x3FB9] =	sst s10  }
0x35: {  	s10 =	sld [smem:$0x3FB8];
	_ =	sdelay $0x3  }
0x36: {  	p1 =	seq.s32 s10, $0x1;
	s10 =	sld [smem:$0x3FB9];
	_ =	sdelay $0x3  }
0x37: {  	[smem:$0x3FB9] =	sst s10  }
0x38: {  	s10 =	sld [smem:$0x3FBA]  }
0x39: {  	_ = 	snop;
	(pc) =	sbr.ind lr, $3  }
0x3a: {  	_ = 	snop  }
0x3b: {  	_ = 	snop  }
0x3c: {  	p2 =	seq.s32 s10, $0x1;
	s10 =	sld [smem:$0x3FB9]  }
0x3d: {  	_ =	shalt  }
0x3e: {  	_ =	shalt  }
0x3f: {  	_ =	shalt  }
0x40: {  	_ =	shalt  }
0x41: {  	_ =	shalt  }
0x42: {  	_ =	shalt  }
0x43: {  	_ =	shalt  }
0x44: {  	_ =	shalt  }
0x45: {  	_ =	shalt  }
0x46: {  	_ =	shalt  }
0x47: {  	_ =	shalt  }
0x48: {  	_ =	shalt  }
0x49: {  	_ =	shalt  }
0x4a: {  	_ =	shalt  }
0x4b: {  	_ =	shalt  }
0x4c: {  	_ =	shalt  }
0x4d: {  	_ =	shalt  }
0x4e: {  	_ =	shalt  }
0x4f: {  	_ =	shalt  }
0x50: {  	_ =	shalt  }
0x51: {  	_ =	shalt  }
0x52: {  	_ =	shalt  }
0x53: {  	_ =	shalt  }
0x54: {  	_ =	shalt  }
0x55: {  	_ =	shalt  }
0x56: {  	_ =	shalt  }
0x57: {  	_ =	shalt  }
0x58: {  	_ =	shalt  }
0x59: {  	_ =	shalt  }
0x5a: {  	_ =	shalt  }
0x5b: {  	_ =	shalt  }
0x5c: {  	_ =	shalt  }
0x5d: {  	_ =	shalt  }
0x5e: {  	_ =	shalt  }
0x5f: {  	_ =	shalt  }
0x60: {  	_ =	shalt  }
0x61: {  	_ =	shalt  }
0x62: {  	_ =	shalt  }
0x63: {  	_ =	shalt  }
0x64: {  	_ =	shalt  }
0x65: {  	_ =	shalt  }
0x66: {  	_ =	shalt  }
0x67: {  	_ =	shalt  }
0x68: {  	_ =	shalt  }
0x69: {  	_ =	shalt  }
0x6a: {  	_ =	shalt  }
0x6b: {  	_ =	shalt  }
0x6c: {  	_ =	shalt  }
0x6d: {  	_ =	shalt  }
0x6e: {  	_ =	shalt  }
0x6f: {  	_ =	shalt  }
0x70: {  	_ =	shalt  }
0x71: {  	_ =	shalt  }
0x72: {  	_ =	shalt  }
0x73: {  	_ =	shalt  }
0x74: {  	_ =	shalt  }
0x75: {  	_ =	shalt  }
0x76: {  	_ =	shalt  }
0x77: {  	_ =	shalt  }
0x78: {  	_ =	shalt  }
0x79: {  	_ =	shalt  }
0x7a: {  	_ =	shalt  }
0x7b: {  	_ =	shalt  }
0x7c: {  	_ =	shalt  }
0x7d: {  	_ =	shalt  }
0x7e: {  	_ =	shalt  }
0x7f: {  	_ =	shalt  }
0x80: {  	_ =	shalt  }
0x81: {  	_ =	shalt  }
0x82: {  	_ =	shalt  }
0x83: {  	_ =	shalt  }
0x84: {  	_ =	shalt  }
0x85: {  	_ =	shalt  }
0x86: {  	_ =	shalt  }
0x87: {  	_ =	shalt  }
.Lfunc_end0:
.L_simem_size_0:
called_computation_lowered:
.L_overlay_start_0:
0x88: {  	s2 =	sld [smem:$0x3FD9]  }
0x89: {  	s3 =	sld [smem:$0x3FFE];
	_ =	sdelay $0x1  }
0x8a: {  	s1 =	srdreg.scid  }
0x8b: {  	s0 =	sand.u32 $0x1, s1  }
0x8c: {  	s17 =	sshll.u32 s0, $0xA;
	s2 =	sadd.s32 s3, s2  }
0x8d: {  	s2 =	sadd.s32 s2, s17  }
0x8e: {  	[smem:$0x3FC5] =	sst s2  }
0x8f: {  	_ = 	snop  }
0x90: {  	s2 =	sld [smem:$0x3FC9]  }
0x91: {  	s18 =	sld [smem:$0x3FD0];
	(tm) =	ssettm $0x1  }
0x92: {  	s4 =	sld [smem:$0x3FFB];
	_ =	sdelay $0x3  }
0x93: {  	_ =	strace s4  }
0x94: {  	s4 =	sld [smem:$0x3FFC];
	_ =	sdelay $0x3  }
0x95: {  	_ =	strace s4  }
0x96: {  	s4 =	sld [smem:$0x3FFD];
	_ =	sdelay $0x3  }
0x97: {  	_ =	strace s4  }
0x98: {  	_ =	strace $0x8FFFFFFF  }
0x99: {  	s19 =	sld [smem:$0x3FDB];
	_ =	sdelay $0x1  }
0x9a: {  	s5 =	simm.s32 $_scs_section_size  }
0x9b: {  	s6 =	simm.s32 $_size__tile_overlayer_lowered;
	s7 =	simm.s32 $_tile_overlayer_lowered  }
0x9c: {  	s22 =	simm.s32 $0x1BFF;
	s21 =	sshll.u32 s7, $0x1;
	s4 =	sadd.s32 s5, s19  }
0x9d: {  	s8 =	simm.s32 $0x0;
	s20 =	sshll.u32 s6, $0x1;
	s6 =	sadd.s32 s21, s4  }
0x9e: {  	[timem:s8], [sflag:s22] =	dma.local [hbm:s6], s20  }
0x9f: {  	_ =	swait.ge [sflag:s22], s20  }
0xa0: {  	s5 =	ssub.s32 $0x0, s20;
	[sflag:s22] =	ssyncset.done $0x0  }
0xa1: {  	[sflag:s22] =	ssyncadd.s32 s5;
	_ =	sdelay $0x1  }
0xa2: {  	s23 =	simm.s32 $0x1B8B  }
0xa3: {  	_ =	swait.ge [sflag:s23], $0x1  }
0xa4: {  	[sflag:s23] =	ssyncset.done $0x0  }
0xa5: {  	s25 =	simm.s32 $0x1B8E;
	s24 =	sld [smem:$0x3FFE];
	[sflag:s23] =	ssyncadd.s32 $0xFFFFFFFF  }
0xa6: {  	s26 =	simm.s32 $execute0_lowered;
	[smem:$0x3FD2] =	sst s25  }
0xa7: {  	s6 =	sshll.u32 s26, $0x1;
	_ =	strace $0x80000046;
	[dreg:$0x1] =	wrdreg $0xFFFFFFFF  }
0xa8: {  	s28 =	simm.s32 $_size_execute0_lowered;
	s4 =	sadd.s32 s4, s6;
	[dreg:$0x0] =	wrdreg $0x0  }
0xa9: {  	s6 =	sshll.u32 s28, $0x1;
	[dreg:$0x2] =	wrdreg s4  }
0xaa: {  	[dreg:$0x3] =	wrdreg s6  }
0xab: {  	[dreg:$0x4] =	wrdreg $0xC0  }
0xac: {  	_ =	task [dreg:s8], $0x5FFFF  }
0xad: {  	[dreg:$0x1] =	wrdreg $0xFFFFFFFF  }
0xae: {  	[dreg:$0x0] =	wrdreg $0x60  }
0xaf: {  	[dreg:$0x2] =	wrdreg s2  }
0xb0: {  	[dreg:$0x3] =	wrdreg s24  }
0xb1: {  	[dreg:$0x4] =	wrdreg s18  }
0xb2: {  	[dreg:$0x5] =	wrdreg $0x9  }
0xb3: {  	_ =	task.clear_ibuf [dreg:s8], $0x6FFFF;
	_ =	strace $0x90000046  }
0xb4: {  	s29 =	simm.s32 $0x9;
	_ =	strace $0x80000048  }
0xb5: {  	_ =	swait.ge [sflag:s29], $0x1  }
0xb6: {  	[sflag:s29] =	ssyncadd.s32 $0xFFFFFFFF  }
0xb7: {  	_ =	strace $0x90000048  }
0xb8: {  	_ =	sfence  }
0xb9: {  	s30 =	sld [smem:$0x0];
	_ =	sdelay $0x2  }
0xba: {  	s31 =	sshll.u32 s1, $0xD;
	s1 =	sshrl.u32 s1, $0x2  }
0xbb: {  	s3 =	sand.u32 $0x4000, s31;
	s1 =	sadd.s32 s1, s30  }
0xbc: {  	s0 =	sor.u32 s3, s0;
	s1 =	sshll.u32 s1, $0x11  }
0xbd: {  	s0 =	sor.u32 s1, s0  }
0xbe: {  	s0 =	sadd.s32 $0x8F2B, s0  }
0xbf: {  	[sflag:s0] =	ssyncadd.remote.s32 $0x1  }
0xc0: {  	_ =	sfence.sel $0xFFFF  }
0xc1: {  	[dreg:$0x0] =	wrdreg $0xFFFFFFFF;
	(pc) =	sbr.abs _section_cstart, $3  }
0xc2: {  	[dreg:$0x1] =	wrdreg $0xFFFFFFFF  }
0xc3: {  	_ =	task.clear_ibuf [dreg:s8], $0x2FFFF;
	_ =	strace $0x9FFFFFFF  }
0xc4: {  	(tm) =	ssettm $0x7FFFFFFF  }
0xc5: {  	_ =	shalt  }
tec
execute0_lowered:
.L_overlay_start_1:
0x0: {  	(tag) =	ssettag $0x1  }
0x1: {  	s1 =	rddreg [dreg:$0x0]  }
0x2: {  	s0 =	rddreg [dreg:$0x1]  }
0x3: {  	s3 =	rddreg [dreg:$0x2]  }
0x4: {  	s2 =	srdreg.scid;
	s4 =	simm.s32 $0x0;
	s5 =	stileid.u32  }
0x5: {  	s16 =	simm.s32 $0x2000;
	s29 =	simm.s32 $0x5000;
	s23 =	simm.s32 $0x8000  }
0x6: {  	s19 =	simm.s32 $0xB000;
	s30 =	simm.s32 $0x18000;
	s31 =	simm.s32 $0x18800  }
0x7: {  	s15 =	simm.s32 $0x1;
	s17 =	simm.s32 $0x2;
	s18 =	simm.s32 $0x3  }
0x8: {  	s14 =	simm.s32 $0x0;
	s2 =	sand.u32 $0x1, s2;
	[smem:$0x7FF] =	sst s4  }
0x9: {  	s5 =	sshll.u32 s5, $0xA;
	s9 =	sadd.s32 $0x100, s1;
	s10 =	sadd.s32 $0x200, s1  }
0xa: {  	s11 =	sadd.s32 $0x8100, s0;
	s12 =	sadd.s32 $0x8200, s0;
	s6 =	sshll.u32 s2, $0x9  }
0xb: {  	_ =	strace $0x80000047;
	s2 =	ssub.s32 $0x2, s2;
	s5 =	sor.u32 s6, s5  }
0xc: {  	s6 =	sadd.s32 $0x8000, s0;
	s7 =	sshrl.u32 s2, $0x1;
	s8 =	sadd.s32 s0, s5  }
0xd: {  	v2 =	vlaneseq.u32;
	s2 =	ssub.s32 s2, s7;
	[dreg:$0x4] =	wrdreg s8;
	s26 =	sadd.s32 $0x4000, s8  }
0xe: {  	vm0 =	vmmov $0xffff;
	v1 =	vshrl.u32 v2, $0x3;
	s0 =	simm.s32 $0x19000;
	s28 =	smax.u32 s2, $0x1;
	[dreg:$0x5] =	wrdreg s26  }
0xf: {  	v0 =	vand.u32 $0x7, v2;
	v2 =	vor.u32 $0x8, v2;
	v1 =	vmul.u32 $0x8, v1;
	s2 =	simm.s32 $0x19800;
	s8 =	simm.s32 $0x4;
	[dreg:$0x6] =	wrdreg s28  }
.LBB2_1:
0x10: {  	[dreg:$0x7] =	wrdreg s14  }
0x11: {  	s7 =	rddreg [dreg:$0x5];
	s13 =	simm.s32 $0x9  }
0x12: {  	[tilespmem:s4], [sflag:$0x9] =	stream.linear.gather [hbm4b:s7+s4], $0x1000, $0x38;
	[tilespmem:$0x1A000] =	vst v63  }
0x13: {  	_ =	swait.ge [sflag:s13], $0x1000  }
0x14: {  	[sflag:s13] =	ssyncset.done $0x0  }
0x15: {  	s20 =	simm.s32 $0x1000;
	s14 =	rddreg [dreg:$0x4];
	[sflag:s13] =	ssyncadd.s32 $0xFFFFF000  }
0x16: {  	[tilespmem:s20], [sflag:$0x9] =	stream.linear.gather [hbm4b:s14+s4], $0x1000, $0x38;
	[tilespmem:$0x1A000] =	vst v63  }
0x17: {  	_ =	swait.ge [sflag:s13], $0x1000  }
0x18: {  	[sflag:s13] =	ssyncset.done $0x0  }
0x19: {  	[sflag:s13] =	ssyncadd.s32 $0xFFFFF000  }
0x1a: {  	v3 =	vld [tilespmem:$0x0];
	_ =	sdelay $0x4  }
0x1b: {  	v4 =	vshrl.u32 v3, $0x3  }
0x1c: {  	v4 =	vmul.u32 $0x30, v4  }
0x1d: {  	v3 =	vand.u32 $0x7, v3  }
0x1e: {  	v3 =	vor.u32 v3, v4  }
0x1f: {  	v4 =	vperm.xlane v3, v0;
	_ =	sdelay $0x1  }
0x20: {  	v4 =	vadd.s32 v1, v4;
	_ =	sdelay $0x3  }
0x21: {  	v3 =	vperm.xlane v3, v2  }
0x22: {  	[tilespmem:s16], [sflag:$0x1] =	stream.indirect_vreg.gather [hbm4b:s1+s4], $0x80, v4, vm0, $0xb8;
	[tilespmem:$0x1A000] =	vst v63  }
0x23: {  	s21 =	simm.s32 $0x2800;
	v3 =	vadd.s32 v1, v3  }
0x24: {  	[tilespmem:s21], [sflag:$0x1] =	stream.indirect_vreg.gather [hbm4b:s9+s4], $0x80, v4, vm0, $0xb8;
	[tilespmem:$0x1A000] =	vst v63  }
0x25: {  	s22 =	simm.s32 $0x3000  }
0x26: {  	[tilespmem:s22], [sflag:$0x1] =	stream.indirect_vreg.gather [hbm4b:s10+s4], $0x80, v4, vm0, $0xb8;
	[tilespmem:$0x1A000] =	vst v63  }
0x27: {  	s24 =	simm.s32 $0x3800  }
0x28: {  	[tilespmem:s24], [sflag:$0x1] =	stream.indirect_vreg.gather [hbm4b:s1+s4], $0x80, v3, vm0, $0xb8;
	[tilespmem:$0x1A000] =	vst v63  }
0x29: {  	s25 =	simm.s32 $0x4000  }
0x2a: {  	[tilespmem:s25], [sflag:$0x1] =	stream.indirect_vreg.gather [hbm4b:s9+s4], $0x80, v3, vm0, $0xb8;
	[tilespmem:$0x1A000] =	vst v63  }
0x2b: {  	s26 =	simm.s32 $0x4800  }
0x2c: {  	[tilespmem:s26], [sflag:$0x1] =	stream.indirect_vreg.gather [hbm4b:s10+s4], $0x80, v3, vm0, $0xb8;
	[tilespmem:$0x1A000] =	vst v63  }
0x2d: {  	v3 =	vld [tilespmem:$0x1000];
	_ =	sdelay $0x4  }
0x2e: {  	v59 =	vshrl.u32 v3, $0x3  }
0x2f: {  	v4 =	vmul.u32 $0x30, v59  }
0x30: {  	v3 =	vand.u32 $0x7, v3  }
0x31: {  	v3 =	vor.u32 v3, v4  }
0x32: {  	v4 =	vperm.xlane v3, v0;
	_ =	sdelay $0x1  }
0x33: {  	v4 =	vadd.s32 v1, v4;
	_ =	sdelay $0x3  }
0x34: {  	s28 =	simm.s32 $0xE000;
	v3 =	vperm.xlane v3, v2  }
0x35: {  	[tilespmem:s28], [sflag:$0x1] =	stream.indirect_vreg.gather [hbm4b:s6+s4], $0x80, v4, vm0, $0xb8;
	[tilespmem:$0x1A000] =	vst v63  }
0x36: {  	s13 =	simm.s32 $0xE800;
	v3 =	vadd.s32 v1, v3  }
0x37: {  	[tilespmem:s13], [sflag:$0x1] =	stream.indirect_vreg.gather [hbm4b:s11+s4], $0x80, v4, vm0, $0xb8;
	[tilespmem:$0x1A000] =	vst v63  }
0x38: {  	s14 =	simm.s32 $0xF000  }
0x39: {  	[tilespmem:s14], [sflag:$0x1] =	stream.indirect_vreg.gather [hbm4b:s12+s4], $0x80, v4, vm0, $0xb8;
	[tilespmem:$0x1A000] =	vst v63  }
0x3a: {  	s20 =	simm.s32 $0xF800  }
0x3b: {  	[tilespmem:s20], [sflag:$0x1] =	stream.indirect_vreg.gather [hbm4b:s6+s4], $0x80, v3, vm0, $0xb8;
	[tilespmem:$0x1A000] =	vst v63  }
0x3c: {  	s21 =	simm.s32 $0x10000  }
0x3d: {  	[tilespmem:s21], [sflag:$0x1] =	stream.indirect_vreg.gather [hbm4b:s11+s4], $0x80, v3, vm0, $0xb8;
	[tilespmem:$0x1A000] =	vst v63  }
0x3e: {  	s22 =	simm.s32 $0x10800  }
0x3f: {  	[tilespmem:s22], [sflag:$0x1] =	stream.indirect_vreg.gather [hbm4b:s12+s4], $0x80, v3, vm0, $0xb8;
	[tilespmem:$0x1A000] =	vst v63  }
0x40: {  	v3 =	vld [tilespmem:$0x80];
	_ =	sdelay $0x4  }
0x41: {  	v60 =	vshrl.u32 v3, $0x3  }
0x42: {  	v4 =	vmul.u32 $0x30, v60  }
0x43: {  	v3 =	vand.u32 $0x7, v3  }
0x44: {  	v3 =	vor.u32 v3, v4  }
0x45: {  	v4 =	vperm.xlane v3, v0;
	_ =	sdelay $0x1  }
0x46: {  	v4 =	vadd.s32 v1, v4;
	_ =	sdelay $0x3  }
0x47: {  	v3 =	vperm.xlane v3, v2  }
0x48: {  	[tilespmem:s29], [sflag:$0x2] =	stream.indirect_vreg.gather [hbm4b:s1+s4], $0x80, v4, vm0, $0xb8;
	[tilespmem:$0x1A000] =	vst v63  }
0x49: {  	s24 =	simm.s32 $0x5800;
	v3 =	vadd.s32 v1, v3  }
0x4a: {  	[tilespmem:s24], [sflag:$0x2] =	stream.indirect_vreg.gather [hbm4b:s9+s4], $0x80, v4, vm0, $0xb8;
	[tilespmem:$0x1A000] =	vst v63  }
0x4b: {  	s25 =	simm.s32 $0x6000  }
0x4c: {  	[tilespmem:s25], [sflag:$0x2] =	stream.indirect_vreg.gather [hbm4b:s10+s4], $0x80, v4, vm0, $0xb8;
	[tilespmem:$0x1A000] =	vst v63  }
0x4d: {  	s26 =	simm.s32 $0x6800  }
0x4e: {  	[tilespmem:s26], [sflag:$0x2] =	stream.indirect_vreg.gather [hbm4b:s1+s4], $0x80, v3, vm0, $0xb8;
	[tilespmem:$0x1A000] =	vst v63  }
0x4f: {  	s28 =	simm.s32 $0x7000  }
0x50: {  	[tilespmem:s28], [sflag:$0x2] =	stream.indirect_vreg.gather [hbm4b:s9+s4], $0x80, v3, vm0, $0xb8;
	[tilespmem:$0x1A000] =	vst v63  }
0x51: {  	s13 =	simm.s32 $0x7800  }
0x52: {  	[tilespmem:s13], [sflag:$0x2] =	stream.indirect_vreg.gather [hbm4b:s10+s4], $0x80, v3, vm0, $0xb8;
	[tilespmem:$0x1A000] =	vst v63  }
0x53: {  	v3 =	vld [tilespmem:$0x1080];
	_ =	sdelay $0x4  }
0x54: {  	v61 =	vshrl.u32 v3, $0x3  }
0x55: {  	v4 =	vmul.u32 $0x30, v61  }
0x56: {  	v3 =	vand.u32 $0x7, v3  }
0x57: {  	v3 =	vor.u32 v3, v4  }
0x58: {  	v4 =	vperm.xlane v3, v0;
	_ =	sdelay $0x1  }
0x59: {  	v4 =	vadd.s32 v1, v4;
	_ =	sdelay $0x3  }
0x5a: {  	s14 =	simm.s32 $0x11000;
	v3 =	vperm.xlane v3, v2  }
0x5b: {  	[tilespmem:s14], [sflag:$0x2] =	stream.indirect_vreg.gather [hbm4b:s6+s4], $0x80, v4, vm0, $0xb8;
	[tilespmem:$0x1A000] =	vst v63  }
0x5c: {  	s20 =	simm.s32 $0x11800;
	v3 =	vadd.s32 v1, v3  }
0x5d: {  	[tilespmem:s20], [sflag:$0x2] =	stream.indirect_vreg.gather [hbm4b:s11+s4], $0x80, v4, vm0, $0xb8;
	[tilespmem:$0x1A000] =	vst v63  }
0x5e: {  	s21 =	simm.s32 $0x12000  }
0x5f: {  	[tilespmem:s21], [sflag:$0x2] =	stream.indirect_vreg.gather [hbm4b:s12+s4], $0x80, v4, vm0, $0xb8;
	[tilespmem:$0x1A000] =	vst v63  }
0x60: {  	s22 =	simm.s32 $0x12800  }
0x61: {  	[tilespmem:s22], [sflag:$0x2] =	stream.indirect_vreg.gather [hbm4b:s6+s4], $0x80, v3, vm0, $0xb8;
	[tilespmem:$0x1A000] =	vst v63  }
0x62: {  	s24 =	simm.s32 $0x13000  }
0x63: {  	[tilespmem:s24], [sflag:$0x2] =	stream.indirect_vreg.gather [hbm4b:s11+s4], $0x80, v3, vm0, $0xb8;
	[tilespmem:$0x1A000] =	vst v63  }
0x64: {  	s25 =	simm.s32 $0x13800  }
0x65: {  	[tilespmem:s25], [sflag:$0x2] =	stream.indirect_vreg.gather [hbm4b:s12+s4], $0x80, v3, vm0, $0xb8;
	[tilespmem:$0x1A000] =	vst v63  }
0x66: {  	v3 =	vld [tilespmem:$0x100];
	_ =	sdelay $0x4  }
0x67: {  	v62 =	vshrl.u32 v3, $0x3  }
0x68: {  	v4 =	vmul.u32 $0x30, v62  }
0x69: {  	v3 =	vand.u32 $0x7, v3  }
0x6a: {  	v3 =	vor.u32 v3, v4  }
0x6b: {  	v4 =	vperm.xlane v3, v0;
	_ =	sdelay $0x1  }
0x6c: {  	v4 =	vadd.s32 v1, v4;
	_ =	sdelay $0x3  }
0x6d: {  	v3 =	vperm.xlane v3, v2  }
0x6e: {  	[tilespmem:s23], [sflag:$0x3] =	stream.indirect_vreg.gather [hbm4b:s1+s4], $0x80, v4, vm0, $0xb8;
	[tilespmem:$0x1A000] =	vst v63  }
0x6f: {  	s26 =	simm.s32 $0x8800;
	v3 =	vadd.s32 v1, v3  }
0x70: {  	[tilespmem:s26], [sflag:$0x3] =	stream.indirect_vreg.gather [hbm4b:s9+s4], $0x80, v4, vm0, $0xb8;
	[tilespmem:$0x1A000] =	vst v63  }
0x71: {  	s28 =	simm.s32 $0x9000  }
0x72: {  	[tilespmem:s28], [sflag:$0x3] =	stream.indirect_vreg.gather [hbm4b:s10+s4], $0x80, v4, vm0, $0xb8;
	[tilespmem:$0x1A000] =	vst v63  }
0x73: {  	s13 =	simm.s32 $0x9800  }
0x74: {  	[tilespmem:s13], [sflag:$0x3] =	stream.indirect_vreg.gather [hbm4b:s1+s4], $0x80, v3, vm0, $0xb8;
	[tilespmem:$0x1A000] =	vst v63  }
0x75: {  	s14 =	simm.s32 $0xA000  }
0x76: {  	[tilespmem:s14], [sflag:$0x3] =	stream.indirect_vreg.gather [hbm4b:s9+s4], $0x80, v3, vm0, $0xb8;
	[tilespmem:$0x1A000] =	vst v63  }
0x77: {  	s20 =	simm.s32 $0xA800  }
0x78: {  	[tilespmem:s20], [sflag:$0x3] =	stream.indirect_vreg.gather [hbm4b:s10+s4], $0x80, v3, vm0, $0xb8;
	[tilespmem:$0x1A000] =	vst v63  }
0x79: {  	v3 =	vld [tilespmem:$0x1100];
	_ =	sdelay $0x4  }
0x7a: {  	v63 =	vshrl.u32 v3, $0x3  }
0x7b: {  	v4 =	vmul.u32 $0x30, v63  }
0x7c: {  	v3 =	vand.u32 $0x7, v3  }
0x7d: {  	v3 =	vor.u32 v3, v4  }
0x7e: {  	v4 =	vperm.xlane v3, v0;
	_ =	sdelay $0x1  }
0x7f: {  	v4 =	vadd.s32 v1, v4;
	_ =	sdelay $0x3  }
0x80: {  	s21 =	simm.s32 $0x14000;
	v3 =	vperm.xlane v3, v2  }
0x81: {  	[tilespmem:s21], [sflag:$0x3] =	stream.indirect_vreg.gather [hbm4b:s6+s4], $0x80, v4, vm0, $0xb8;
	[tilespmem:$0x1A000] =	vst v63  }
0x82: {  	s22 =	simm.s32 $0x14800;
	v3 =	vadd.s32 v1, v3  }
0x83: {  	[tilespmem:s22], [sflag:$0x3] =	stream.indirect_vreg.gather [hbm4b:s11+s4], $0x80, v4, vm0, $0xb8;
	[tilespmem:$0x1A000] =	vst v63  }
0x84: {  	s24 =	simm.s32 $0x15000  }
0x85: {  	[tilespmem:s24], [sflag:$0x3] =	stream.indirect_vreg.gather [hbm4b:s12+s4], $0x80, v4, vm0, $0xb8;
	[tilespmem:$0x1A000] =	vst v63  }
0x86: {  	s25 =	simm.s32 $0x15800  }
0x87: {  	[tilespmem:s25], [sflag:$0x3] =	stream.indirect_vreg.gather [hbm4b:s6+s4], $0x80, v3, vm0, $0xb8;
	[tilespmem:$0x1A000] =	vst v63  }
0x88: {  	s26 =	simm.s32 $0x16000  }
0x89: {  	[tilespmem:s26], [sflag:$0x3] =	stream.indirect_vreg.gather [hbm4b:s11+s4], $0x80, v3, vm0, $0xb8;
	[tilespmem:$0x1A000] =	vst v63  }
0x8a: {  	s7 =	simm.s32 $0x0;
	s28 =	simm.s32 $0x16800  }
0x8b: {  	[tilespmem:s28], [sflag:$0x3] =	stream.indirect_vreg.gather [hbm4b:s12+s4], $0x80, v3, vm0, $0xb8;
	[tilespmem:$0x1A000] =	vst v63  }
.LBB2_2:
0x8c: {  	p0 =	seq.s32 s7, $0x0  }
0x8d: {  	s13 =	simm.s32 @!p0 $0x8  }
0x8e: {  	_ =	swait.ge @!p0 [sflag:s13], $0x3000  }
0x8f: {  	s14 =	sshllo.u32 s7, $0x2;
	[sflag:s13] =	ssyncset.done @!p0 $0x0  }
0x90: {  	s24 =	sshll.u32 s14, $0x7;
	[sflag:s13] =	ssyncadd.s32 @!p0 $0xFFFFD000  }
0x91: {  	v3 =	vld [tilespmem:s24+$0x0];
	_ =	sdelay $0x4  }
0x92: {  	v4 =	vshrl.u32 v3, $0x3  }
0x93: {  	v4 =	vmul.u32 $0x30, v4  }
0x94: {  	v3 =	vand.u32 $0x7, v3  }
0x95: {  	v3 =	vor.u32 v3, v4  }
0x96: {  	v4 =	vperm.xlane v3, v0;
	_ =	sdelay $0x1  }
0x97: {  	v4 =	vadd.s32 v1, v4;
	_ =	sdelay $0x3  }
0x98: {  	s20 =	simm.s32 $0x0;
	v3 =	vperm.xlane v3, v2  }
0x99: {  	[tilespmem:s19], [sflag:$0x4] =	stream.indirect_vreg.gather [hbm4b:s1+s20], $0x80, v4, vm0, $0xb8;
	[tilespmem:$0x1A000] =	vst v63  }
0x9a: {  	s21 =	simm.s32 $0xB800;
	v3 =	vadd.s32 v1, v3  }
0x9b: {  	[tilespmem:s21], [sflag:$0x4] =	stream.indirect_vreg.gather [hbm4b:s9+s20], $0x80, v4, vm0, $0xb8;
	[tilespmem:$0x1A000] =	vst v63  }
0x9c: {  	s25 =	simm.s32 $0xC000  }
0x9d: {  	[tilespmem:s25], [sflag:$0x4] =	stream.indirect_vreg.gather [hbm4b:s10+s20], $0x80, v4, vm0, $0xb8;
	[tilespmem:$0x1A000] =	vst v63  }
0x9e: {  	s26 =	simm.s32 $0xC800  }
0x9f: {  	[tilespmem:s26], [sflag:$0x4] =	stream.indirect_vreg.gather [hbm4b:s1+s20], $0x80, v3, vm0, $0xb8;
	[tilespmem:$0x1A000] =	vst v63  }
0xa0: {  	s28 =	simm.s32 $0xD000  }
0xa1: {  	[tilespmem:s28], [sflag:$0x4] =	stream.indirect_vreg.gather [hbm4b:s9+s20], $0x80, v3, vm0, $0xb8;
	[tilespmem:$0x1A000] =	vst v63  }
0xa2: {  	s22 =	simm.s32 $0xD800  }
0xa3: {  	[tilespmem:s22], [sflag:$0x4] =	stream.indirect_vreg.gather [hbm4b:s10+s20], $0x80, v3, vm0, $0xb8;
	[tilespmem:$0x1A000] =	vst v63  }
0xa4: {  	v3 =	vld [tilespmem:s24+$0x1000];
	_ =	sdelay $0x4  }
0xa5: {  	v4 =	vshrl.u32 v3, $0x3  }
0xa6: {  	v4 =	vmul.u32 $0x30, v4  }
0xa7: {  	v3 =	vand.u32 $0x7, v3  }
0xa8: {  	v3 =	vor.u32 v3, v4  }
0xa9: {  	v4 =	vperm.xlane v3, v0;
	_ =	sdelay $0x1  }
0xaa: {  	v4 =	vadd.s32 v1, v4;
	_ =	sdelay $0x3  }
0xab: {  	s24 =	simm.s32 $0x17000;
	v3 =	vperm.xlane v3, v2  }
0xac: {  	[tilespmem:s24], [sflag:$0x4] =	stream.indirect_vreg.gather [hbm4b:s6+s20], $0x80, v4, vm0, $0xb8;
	[tilespmem:$0x1A000] =	vst v63  }
0xad: {  	s25 =	simm.s32 $0x17800;
	v3 =	vadd.s32 v1, v3  }
0xae: {  	[tilespmem:s25], [sflag:$0x4] =	stream.indirect_vreg.gather [hbm4b:s11+s20], $0x80, v4, vm0, $0xb8;
	[tilespmem:$0x1A000] =	vst v63  }
0xaf: {  	_ = 	snop  }
0xb0: {  	[tilespmem:s30], [sflag:$0x4] =	stream.indirect_vreg.gather [hbm4b:s12+s20], $0x80, v4, vm0, $0xb8;
	[tilespmem:$0x1A000] =	vst v63  }
0xb1: {  	_ = 	snop  }
0xb2: {  	[tilespmem:s31], [sflag:$0x4] =	stream.indirect_vreg.gather [hbm4b:s6+s20], $0x80, v3, vm0, $0xb8;
	[tilespmem:$0x1A000] =	vst v63  }
0xb3: {  	_ = 	snop  }
0xb4: {  	[tilespmem:s0], [sflag:$0x4] =	stream.indirect_vreg.gather [hbm4b:s11+s20], $0x80, v3, vm0, $0xb8;
	[tilespmem:$0x1A000] =	vst v63  }
0xb5: {  	_ = 	snop  }
0xb6: {  	[tilespmem:s2], [sflag:$0x4] =	stream.indirect_vreg.gather [hbm4b:s12+s20], $0x80, v3, vm0, $0xb8;
	[tilespmem:$0x1A000] =	vst v63  }
0xb7: {  	_ =	swait.ge [sflag:s15], $0x3000  }
0xb8: {  	[sflag:s15] =	ssyncset.done $0x0  }
0xb9: {  	s26 =	simm.s32 $0x0;
	[sflag:s15] =	ssyncadd.s32 $0xFFFFD000  }
0xba: {  	s13 =	smul.u32 $0x1800, s26;
	_ =	swait.ge [sflag:s15], $0x3000  }
0xbb: {  	s28 =	sand.u32 $0x380, s20;
	[sflag:s15] =	ssyncset.done $0x0  }
0xbc: {  	s13 =	sor.u32 s28, s13;
	[sflag:s15] =	ssyncadd.s32 $0xFFFFD000  }
0xbd: {  	v12 =	vld [tilespmem:s13+$0xE000]  }
0xbe: {  	v13 =	vld [tilespmem:s13+$0xE010]  }
0xbf: {  	v14 =	vld [tilespmem:s13+$0xE020]  }
0xc0: {  	v15 =	vld [tilespmem:s13+$0xE030]  }
0xc1: {  	v16 =	vld [tilespmem:s13+$0xE040]  }
0xc2: {  	v17 =	vld [tilespmem:s13+$0xE050]  }
0xc3: {  	v18 =	vld [tilespmem:s13+$0xE060]  }
0xc4: {  	v19 =	vld [tilespmem:s13+$0xE070]  }
0xc5: {  	v20 =	vld [tilespmem:s13+$0xE400]  }
0xc6: {  	v21 =	vld [tilespmem:s13+$0xE410]  }
0xc7: {  	v22 =	vld [tilespmem:s13+$0xE420]  }
0xc8: {  	v23 =	vld [tilespmem:s13+$0xE430]  }
0xc9: {  	v24 =	vld [tilespmem:s13+$0xE440]  }
0xca: {  	v25 =	vld [tilespmem:s13+$0xE450]  }
0xcb: {  	v26 =	vld [tilespmem:s13+$0xE460]  }
0xcc: {  	v27 =	vld [tilespmem:s13+$0xE470]  }
0xcd: {  	v28 =	vld [tilespmem:s13+$0xE800]  }
0xce: {  	v29 =	vld [tilespmem:s13+$0xE810]  }
0xcf: {  	v30 =	vld [tilespmem:s13+$0xE820]  }
0xd0: {  	v31 =	vld [tilespmem:s13+$0xE830]  }
0xd1: {  	v32 =	vld [tilespmem:s13+$0xE840]  }
0xd2: {  	v33 =	vld [tilespmem:s13+$0xE850]  }
0xd3: {  	v34 =	vld [tilespmem:s13+$0xE860]  }
0xd4: {  	v35 =	vld [tilespmem:s13+$0xE870]  }
0xd5: {  	v36 =	vld [tilespmem:s13+$0xEC00]  }
0xd6: {  	v37 =	vld [tilespmem:s13+$0xEC10]  }
0xd7: {  	v38 =	vld [tilespmem:s13+$0xEC20]  }
0xd8: {  	v39 =	vld [tilespmem:s13+$0xEC30]  }
0xd9: {  	v40 =	vld [tilespmem:s13+$0xEC40]  }
0xda: {  	v41 =	vld [tilespmem:s13+$0xEC50]  }
0xdb: {  	v42 =	vld [tilespmem:s13+$0xEC60]  }
0xdc: {  	v43 =	vld [tilespmem:s13+$0xEC70]  }
0xdd: {  	v44 =	vld [tilespmem:s13+$0xF000]  }
0xde: {  	v45 =	vld [tilespmem:s13+$0xF010]  }
0xdf: {  	v46 =	vld [tilespmem:s13+$0xF020]  }
0xe0: {  	v47 =	vld [tilespmem:s13+$0xF030]  }
0xe1: {  	v48 =	vld [tilespmem:s13+$0xF040]  }
0xe2: {  	v49 =	vld [tilespmem:s13+$0xF050]  }
0xe3: {  	v50 =	vld [tilespmem:s13+$0xF060]  }
0xe4: {  	v11 =	vld [tilespmem:s13+$0xF070]  }
0xe5: {  	v10 =	vld [tilespmem:s13+$0xF400]  }
0xe6: {  	v9 =	vld [tilespmem:s13+$0xF410]  }
0xe7: {  	v8 =	vld [tilespmem:s13+$0xF420]  }
0xe8: {  	v7 =	vld [tilespmem:s13+$0xF430]  }
0xe9: {  	v6 =	vld [tilespmem:s13+$0xF440]  }
0xea: {  	v51 =	vld [tilespmem:s13+$0x2000]  }
0xeb: {  	v52 =	vld [tilespmem:s13+$0x2010]  }
0xec: {  	v53 =	vld [tilespmem:s13+$0x2020]  }
0xed: {  	v54 =	vld [tilespmem:s13+$0x2030]  }
0xee: {  	v55 =	vld [tilespmem:s13+$0x2040]  }
0xef: {  	v62 =	vld [tilespmem:s13+$0x2050];
	v12 =	vadd.f32 v12, v51  }
0xf0: {  	v63 =	vld [tilespmem:s13+$0x2060];
	v13 =	vadd.f32 v13, v52  }
0xf1: {  	[tilespmem:s13+$0x2000] =	vst v12;
	v12 =	vadd.f32 v14, v53;
	v14 =	vld [tilespmem:s13+$0x2070]  }
0xf2: {  	[tilespmem:s13+$0x2010] =	vst v13;
	v13 =	vadd.f32 v15, v54;
	v15 =	vld [tilespmem:s13+$0x2400]  }
0xf3: {  	[tilespmem:s13+$0x2020] =	vst v12;
	v12 =	vadd.f32 v16, v55;
	v16 =	vld [tilespmem:s13+$0x2410]  }
0xf4: {  	[tilespmem:s13+$0x2030] =	vst v13;
	v13 =	vadd.f32 v17, v62;
	v17 =	vld [tilespmem:s13+$0x2420]  }
0xf5: {  	v5 =	vld [tilespmem:s13+$0xF450]  }
0xf6: {  	[tilespmem:s13+$0x2040] =	vst v12;
	v12 =	vadd.f32 v18, v63;
	v18 =	vld [tilespmem:s13+$0x2470]  }
0xf7: {  	[tilespmem:s13+$0x2050] =	vst v13;
	v13 =	vadd.f32 v19, v14;
	v14 =	vld [tilespmem:s13+$0x2430]  }
0xf8: {  	[tilespmem:s13+$0x2060] =	vst v12;
	v12 =	vadd.f32 v20, v15;
	v15 =	vld [tilespmem:s13+$0x2440]  }
0xf9: {  	[tilespmem:s13+$0x2070] =	vst v13;
	v13 =	vadd.f32 v21, v16;
	v16 =	vadd.f32 v22, v17;
	v17 =	vld [tilespmem:s13+$0x2460]  }
0xfa: {  	[tilespmem:s13+$0x2400] =	vst v12;
	v12 =	vld [tilespmem:s13+$0x2450]  }
0xfb: {  	[tilespmem:s13+$0x2410] =	vst v13;
	v13 =	vld [tilespmem:s13+$0x2800];
	v18 =	vadd.f32 v27, v18  }
0xfc: {  	[tilespmem:s13+$0x2420] =	vst v16;
	v16 =	vld [tilespmem:s13+$0x2810];
	v14 =	vadd.f32 v23, v14  }
0xfd: {  	v4 =	vld [tilespmem:s13+$0xF460];
	v15 =	vadd.f32 v24, v15;
	[tilespmem:s13+$0x2470] =	vst v18  }
0xfe: {  	[tilespmem:s13+$0x2430] =	vst v14;
	v14 =	vld [tilespmem:s13+$0x2820];
	v17 =	vadd.f32 v26, v17  }
0xff: {  	v12 =	vadd.f32 v25, v12;
	[tilespmem:s13+$0x2440] =	vst v15;
	v15 =	vld [tilespmem:s13+$0x2830]  }
0x100: {  	v18 =	vld [tilespmem:s13+$0x2870];
	[tilespmem:s13+$0x2460] =	vst v17;
	v13 =	vadd.f32 v28, v13  }
0x101: {  	v16 =	vadd.f32 v29, v16;
	[tilespmem:s13+$0x2450] =	vst v12;
	v12 =	vld [tilespmem:s13+$0x2840]  }
0x102: {  	v17 =	vld [tilespmem:s13+$0x2850];
	[tilespmem:s13+$0x2800] =	vst v13  }
0x103: {  	[tilespmem:s13+$0x2810] =	vst v16;
	v16 =	vld [tilespmem:s13+$0x2860];
	v13 =	vadd.f32 v30, v14  }
0x104: {  	v14 =	vld [tilespmem:s13+$0x2C00];
	v15 =	vadd.f32 v31, v15  }
0x105: {  	[tilespmem:s13+$0x2820] =	vst v13;
	v13 =	vld [tilespmem:s13+$0x2C10]  }
0x106: {  	v12 =	vadd.f32 v32, v12;
	[tilespmem:s13+$0x2830] =	vst v15;
	v15 =	vld [tilespmem:s13+$0x2C20]  }
0x107: {  	v3 =	vld [tilespmem:s13+$0xF470];
	v17 =	vadd.f32 v33, v17  }
0x108: {  	v16 =	vadd.f32 v34, v16;
	[tilespmem:s13+$0x2840] =	vst v12;
	v12 =	vld [tilespmem:s13+$0x2C30]  }
0x109: {  	[tilespmem:s13+$0x2850] =	vst v17;
	v17 =	vld [tilespmem:s13+$0x2C40];
	v14 =	vadd.f32 v36, v14  }
0x10a: {  	v18 =	vadd.f32 v35, v18;
	[tilespmem:s13+$0x2860] =	vst v16;
	v16 =	vld [tilespmem:s13+$0x2C50]  }
0x10b: {  	v13 =	vadd.f32 v37, v13;
	[tilespmem:s13+$0x2C00] =	vst v14;
	v14 =	vadd.f32 v38, v15;
	v15 =	vld [tilespmem:s13+$0x2C60]  }
0x10c: {  	[tilespmem:s13+$0x2870] =	vst v18;
	v18 =	vld [tilespmem:s13+$0x2C70]  }
0x10d: {  	[tilespmem:s13+$0x2C10] =	vst v13;
	v13 =	vld [tilespmem:s13+$0x3000];
	v12 =	vadd.f32 v39, v12  }
0x10e: {  	v17 =	vadd.f32 v40, v17;
	[tilespmem:s13+$0x2C20] =	vst v14;
	v14 =	vld [tilespmem:s13+$0x3010]  }
0x10f: {  	v16 =	vadd.f32 v41, v16;
	[tilespmem:s13+$0x2C30] =	vst v12;
	v12 =	vld [tilespmem:s13+$0x3020]  }
0x110: {  	[tilespmem:s13+$0x2C40] =	vst v17;
	v17 =	vld [tilespmem:s13+$0x3030];
	v15 =	vadd.f32 v42, v15  }
0x111: {  	v19 =	vld [tilespmem:s13+$0x3040];
	[tilespmem:s13+$0x2C50] =	vst v16;
	v16 =	vadd.f32 v43, v18  }
0x112: {  	v18 =	vld [tilespmem:s13+$0x3050];
	v13 =	vadd.f32 v44, v13;
	[tilespmem:s13+$0x2C60] =	vst v15  }
0x113: {  	v20 =	vld [tilespmem:s13+$0x3060];
	[tilespmem:s13+$0x2C70] =	vst v16;
	v14 =	vadd.f32 v45, v14  }
0x114: {  	v16 =	vld [tilespmem:s13+$0x3070];
	[tilespmem:s13+$0x3000] =	vst v13;
	v12 =	vadd.f32 v46, v12  }
0x115: {  	v15 =	vld [tilespmem:s13+$0x3400];
	v13 =	vadd.f32 v47, v17;
	[tilespmem:s13+$0x3010] =	vst v14  }
0x116: {  	v14 =	vld [tilespmem:s13+$0x3410];
	[tilespmem:s13+$0x3020] =	vst v12;
	v12 =	vadd.f32 v48, v19  }
0x117: {  	[tilespmem:s13+$0x3030] =	vst v13;
	v13 =	vld [tilespmem:s13+$0x3420];
	v18 =	vadd.f32 v49, v18  }
0x118: {  	s21 =	simm.s32 $0x1;
	v17 =	vadd.f32 v50, v20;
	[tilespmem:s13+$0x3040] =	vst v12;
	v12 =	vld [tilespmem:s13+$0x3430]  }
.LBB2_3:
0x119: {  	s22 =	sshrl.u32 s21, $0x3;
	p0 =	sne.s32 s21, $0xF;
	[tilespmem:s13+$0x3050] =	vst v18;
	v11 =	vadd.f32 v11, v16;
	v16 =	vld [tilespmem:s13+$0x3440]  }
0x11a: {  	s20 =	sadd.s32 $0x80, s20;
	s22 =	smul.u32 $0x1800, s22;
	[tilespmem:s13+$0x3060] =	vst v17;
	v10 =	vadd.f32 v10, v15;
	v15 =	vld [tilespmem:s13+$0x3450]  }
0x11b: {  	s24 =	sand.u32 $0x380, s20;
	[tilespmem:s13+$0x3070] =	vst v11;
	v9 =	vadd.f32 v9, v14;
	v11 =	vld [tilespmem:s13+$0x3460]  }
0x11c: {  	s22 =	sor.u32 s24, s22;
	[tilespmem:s13+$0x3400] =	vst v10;
	v8 =	vadd.f32 v8, v13;
	v10 =	vld [tilespmem:s13+$0x3470]  }
0x11d: {  	v39 =	vld [tilespmem:s22+$0xE000];
	[tilespmem:s13+$0x3410] =	vst v9;
	v7 =	vadd.f32 v7, v12  }
0x11e: {  	v40 =	vld [tilespmem:s22+$0xE010];
	[tilespmem:s13+$0x3420] =	vst v8;
	v6 =	vadd.f32 v6, v16  }
0x11f: {  	v41 =	vld [tilespmem:s22+$0xE020];
	[tilespmem:s13+$0x3430] =	vst v7;
	v5 =	vadd.f32 v5, v15  }
0x120: {  	v42 =	vld [tilespmem:s22+$0xE030];
	[tilespmem:s13+$0x3440] =	vst v6;
	v4 =	vadd.f32 v4, v11  }
0x121: {  	v43 =	vld [tilespmem:s22+$0xE040];
	[tilespmem:s13+$0x3450] =	vst v5;
	v3 =	vadd.f32 v3, v10  }
0x122: {  	v44 =	vld [tilespmem:s22+$0xE050];
	[tilespmem:s13+$0x3460] =	vst v4  }
0x123: {  	v45 =	vld [tilespmem:s22+$0xE060];
	[tilespmem:s13+$0x3470] =	vst v3;
	s13 =	smov.u32 s22  }
0x124: {  	v46 =	vld [tilespmem:s13+$0xE070]  }
0x125: {  	v47 =	vld [tilespmem:s13+$0xE400]  }
0x126: {  	v48 =	vld [tilespmem:s13+$0xE410]  }
0x127: {  	v49 =	vld [tilespmem:s13+$0xE420]  }
0x128: {  	v50 =	vld [tilespmem:s13+$0xE430]  }
0x129: {  	v38 =	vld [tilespmem:s13+$0xE440]  }
0x12a: {  	v37 =	vld [tilespmem:s13+$0xE450]  }
0x12b: {  	v36 =	vld [tilespmem:s13+$0xE460]  }
0x12c: {  	v35 =	vld [tilespmem:s13+$0xE470]  }
0x12d: {  	v34 =	vld [tilespmem:s13+$0xE800]  }
0x12e: {  	v33 =	vld [tilespmem:s13+$0xE810]  }
0x12f: {  	v32 =	vld [tilespmem:s13+$0xE820]  }
0x130: {  	v31 =	vld [tilespmem:s13+$0xE830]  }
0x131: {  	v30 =	vld [tilespmem:s13+$0xE840]  }
0x132: {  	v29 =	vld [tilespmem:s13+$0xE850]  }
0x133: {  	v28 =	vld [tilespmem:s13+$0xE860]  }
0x134: {  	v27 =	vld [tilespmem:s13+$0xE870]  }
0x135: {  	v26 =	vld [tilespmem:s13+$0xEC00]  }
0x136: {  	v25 =	vld [tilespmem:s13+$0xEC10]  }
0x137: {  	v24 =	vld [tilespmem:s13+$0xEC20]  }
0x138: {  	v23 =	vld [tilespmem:s13+$0xEC30]  }
0x139: {  	v22 =	vld [tilespmem:s13+$0xEC40]  }
0x13a: {  	v21 =	vld [tilespmem:s13+$0xEC50]  }
0x13b: {  	v20 =	vld [tilespmem:s13+$0xEC60]  }
0x13c: {  	v19 =	vld [tilespmem:s13+$0xEC70]  }
0x13d: {  	v18 =	vld [tilespmem:s13+$0xF000]  }
0x13e: {  	v17 =	vld [tilespmem:s13+$0xF010]  }
0x13f: {  	v16 =	vld [tilespmem:s13+$0xF020]  }
0x140: {  	v15 =	vld [tilespmem:s13+$0xF030]  }
0x141: {  	v14 =	vld [tilespmem:s13+$0xF040]  }
0x142: {  	v13 =	vld [tilespmem:s13+$0xF050]  }
0x143: {  	v12 =	vld [tilespmem:s13+$0xF060]  }
0x144: {  	v11 =	vld [tilespmem:s13+$0xF070]  }
0x145: {  	v10 =	vld [tilespmem:s13+$0xF400]  }
0x146: {  	v9 =	vld [tilespmem:s13+$0xF410]  }
0x147: {  	v8 =	vld [tilespmem:s13+$0xF420]  }
0x148: {  	v7 =	vld [tilespmem:s13+$0xF430]  }
0x149: {  	v6 =	vld [tilespmem:s13+$0xF440]  }
0x14a: {  	v5 =	vld [tilespmem:s13+$0xF450]  }
0x14b: {  	v4 =	vld [tilespmem:s13+$0xF460]  }
0x14c: {  	v3 =	vld [tilespmem:s13+$0xF470]  }
0x14d: {  	v51 =	vld [tilespmem:s13+$0x2000]  }
0x14e: {  	v52 =	vld [tilespmem:s13+$0x2010]  }
0x14f: {  	v53 =	vld [tilespmem:s13+$0x2020]  }
0x150: {  	v54 =	vld [tilespmem:s13+$0x2030]  }
0x151: {  	v55 =	vld [tilespmem:s13+$0x2040]  }
0x152: {  	v39 =	vadd.f32 v39, v51;
	v51 =	vld [tilespmem:s13+$0x2050]  }
0x153: {  	v40 =	vadd.f32 v40, v52;
	v52 =	vld [tilespmem:s13+$0x2060]  }
0x154: {  	[tilespmem:s13+$0x2000] =	vst v39;
	v39 =	vadd.f32 v41, v53;
	v41 =	vld [tilespmem:s13+$0x2070]  }
0x155: {  	[tilespmem:s13+$0x2010] =	vst v40;
	v40 =	vadd.f32 v42, v54;
	v42 =	vld [tilespmem:s13+$0x2400]  }
0x156: {  	[tilespmem:s13+$0x2020] =	vst v39;
	v39 =	vadd.f32 v43, v55;
	v43 =	vld [tilespmem:s13+$0x2410]  }
0x157: {  	[tilespmem:s13+$0x2030] =	vst v40;
	v40 =	vadd.f32 v44, v51;
	v44 =	vld [tilespmem:s13+$0x2420]  }
0x158: {  	[tilespmem:s13+$0x2040] =	vst v39;
	v39 =	vadd.f32 v45, v52;
	v45 =	vld [tilespmem:s13+$0x2430]  }
0x159: {  	[tilespmem:s13+$0x2050] =	vst v40;
	v40 =	vadd.f32 v46, v41;
	v41 =	vld [tilespmem:s13+$0x2440]  }
0x15a: {  	[tilespmem:s13+$0x2060] =	vst v39;
	v39 =	vadd.f32 v47, v42;
	v42 =	vld [tilespmem:s13+$0x2450]  }
0x15b: {  	[tilespmem:s13+$0x2070] =	vst v40;
	v40 =	vadd.f32 v48, v43;
	v43 =	vld [tilespmem:s13+$0x2460]  }
0x15c: {  	[tilespmem:s13+$0x2400] =	vst v39;
	v39 =	vadd.f32 v49, v44;
	v44 =	vld [tilespmem:s13+$0x2470]  }
0x15d: {  	[tilespmem:s13+$0x2410] =	vst v40;
	v40 =	vadd.f32 v50, v45;
	v45 =	vld [tilespmem:s13+$0x2800]  }
0x15e: {  	[tilespmem:s13+$0x2420] =	vst v39;
	v38 =	vadd.f32 v38, v41;
	v39 =	vld [tilespmem:s13+$0x2810]  }
0x15f: {  	[tilespmem:s13+$0x2430] =	vst v40;
	v37 =	vadd.f32 v37, v42;
	v40 =	vld [tilespmem:s13+$0x2820]  }
0x160: {  	[tilespmem:s13+$0x2440] =	vst v38;
	v36 =	vadd.f32 v36, v43;
	v38 =	vld [tilespmem:s13+$0x2830]  }
0x161: {  	[tilespmem:s13+$0x2450] =	vst v37;
	v35 =	vadd.f32 v35, v44;
	v37 =	vld [tilespmem:s13+$0x2840]  }
0x162: {  	[tilespmem:s13+$0x2460] =	vst v36;
	v34 =	vadd.f32 v34, v45;
	v36 =	vld [tilespmem:s13+$0x2850]  }
0x163: {  	[tilespmem:s13+$0x2470] =	vst v35;
	v33 =	vadd.f32 v33, v39;
	v35 =	vld [tilespmem:s13+$0x2860]  }
0x164: {  	[tilespmem:s13+$0x2800] =	vst v34;
	v32 =	vadd.f32 v32, v40;
	v34 =	vld [tilespmem:s13+$0x2870]  }
0x165: {  	[tilespmem:s13+$0x2810] =	vst v33;
	v31 =	vadd.f32 v31, v38;
	v33 =	vld [tilespmem:s13+$0x2C00]  }
0x166: {  	[tilespmem:s13+$0x2820] =	vst v32;
	v30 =	vadd.f32 v30, v37;
	v32 =	vld [tilespmem:s13+$0x2C10]  }
0x167: {  	[tilespmem:s13+$0x2830] =	vst v31;
	v29 =	vadd.f32 v29, v36;
	v31 =	vld [tilespmem:s13+$0x2C20]  }
0x168: {  	[tilespmem:s13+$0x2840] =	vst v30;
	v28 =	vadd.f32 v28, v35;
	v30 =	vld [tilespmem:s13+$0x2C30]  }
0x169: {  	[tilespmem:s13+$0x2850] =	vst v29;
	v27 =	vadd.f32 v27, v34;
	v29 =	vld [tilespmem:s13+$0x2C40]  }
0x16a: {  	[tilespmem:s13+$0x2860] =	vst v28;
	v26 =	vadd.f32 v26, v33;
	v28 =	vld [tilespmem:s13+$0x2C50]  }
0x16b: {  	[tilespmem:s13+$0x2870] =	vst v27;
	v25 =	vadd.f32 v25, v32;
	v27 =	vld [tilespmem:s13+$0x2C60]  }
0x16c: {  	[tilespmem:s13+$0x2C00] =	vst v26;
	v24 =	vadd.f32 v24, v31;
	v26 =	vld [tilespmem:s13+$0x2C70]  }
0x16d: {  	[tilespmem:s13+$0x2C10] =	vst v25;
	v23 =	vadd.f32 v23, v30;
	v25 =	vld [tilespmem:s13+$0x3000]  }
0x16e: {  	[tilespmem:s13+$0x2C20] =	vst v24;
	v22 =	vadd.f32 v22, v29;
	v24 =	vld [tilespmem:s13+$0x3010]  }
0x16f: {  	[tilespmem:s13+$0x2C30] =	vst v23;
	v21 =	vadd.f32 v21, v28;
	v23 =	vld [tilespmem:s13+$0x3020]  }
0x170: {  	[tilespmem:s13+$0x2C40] =	vst v22;
	v20 =	vadd.f32 v20, v27;
	v22 =	vld [tilespmem:s13+$0x3030]  }
0x171: {  	[tilespmem:s13+$0x2C50] =	vst v21;
	v19 =	vadd.f32 v19, v26;
	v21 =	vld [tilespmem:s13+$0x3040]  }
0x172: {  	[tilespmem:s13+$0x2C60] =	vst v20;
	v18 =	vadd.f32 v18, v25;
	v20 =	vld [tilespmem:s13+$0x3050]  }
0x173: {  	[tilespmem:s13+$0x2C70] =	vst v19;
	v17 =	vadd.f32 v17, v24;
	v19 =	vld [tilespmem:s13+$0x3060]  }
.Ltmp0:
0x174: {  	[tilespmem:s13+$0x3000] =	vst v18;
	v18 =	vadd.f32 v16, v23;
	v16 =	vld [tilespmem:s13+$0x3070];
	(pc) =	sbr.rel @p0 .LBB2_3-.Ltmp0, $4  }
0x175: {  	[tilespmem:s13+$0x3010] =	vst v17;
	v17 =	vadd.f32 v15, v22;
	v15 =	vld [tilespmem:s13+$0x3400]  }
0x176: {  	[tilespmem:s13+$0x3020] =	vst v18;
	v21 =	vadd.f32 v14, v21;
	v14 =	vld [tilespmem:s13+$0x3410]  }
0x177: {  	[tilespmem:s13+$0x3030] =	vst v17;
	v18 =	vadd.f32 v13, v20;
	v13 =	vld [tilespmem:s13+$0x3420]  }
0x178: {  	s21 =	sadd.s32 $0x1, s21;
	[tilespmem:s13+$0x3040] =	vst v21;
	v17 =	vadd.f32 v12, v19;
	v12 =	vld [tilespmem:s13+$0x3430]  }
0x179: {  	s20 =	sshll.u32 s7, $0x6  }
0x17a: {  	s21 =	sand.u32 $0x3, s7;
	s20 =	sadd.s32 s5, s20  }
0x17b: {  	[tilespmem:s13+$0x3050] =	vst v18;
	v18 =	vld [tilespmem:s13+$0x3440];
	v11 =	vadd.f32 v11, v16;
	p1 =	sne.s32 s21, $0x0;
	p0 =	seq.s32 s20, $0x0  }
0x17c: {  	v16 =	vld [tilespmem:s13+$0x3450];
	[tilespmem:s13+$0x3060] =	vst v17;
	v10 =	vadd.f32 v10, v15;
	p0 =	por !p1, !p0  }
0x17d: {  	s21 =	simm.s32 $0x1;
	[tilespmem:s13+$0x3070] =	vst v11;
	v9 =	vadd.f32 v9, v14;
	v11 =	vld [tilespmem:s13+$0x3460];
	p0 =	por !p0, !p0  }
0x17e: {  	s20 =	sshrl.u32 s20, $0x8;
	[tilespmem:s13+$0x3400] =	vst v10;
	v8 =	vadd.f32 v8, v13;
	v10 =	vld [tilespmem:s13+$0x3470];
	s21 =	simm.s32 @!p0 $0x0  }
0x17f: {  	s22 =	sshll.u32 s7, $0x3;
	[tilespmem:s13+$0x3410] =	vst v9;
	v7 =	vadd.f32 v7, v12;
	s21 =	ssub.s32 s20, s21  }
0x180: {  	s22 =	sand.u32 $0x18, s22;
	[tilespmem:s13+$0x3420] =	vst v8;
	v6 =	vadd.f32 v6, v18;
	s24 =	smul.u32 $0x30000, s21  }
0x181: {  	v5 =	vadd.f32 v5, v16;
	[tilespmem:s13+$0x3430] =	vst v7;
	s21 =	smul.u32 $0x1800, s22  }
0x182: {  	[tilespmem:s13+$0x3440] =	vst v6;
	v4 =	vadd.f32 v4, v11  }
0x183: {  	[tilespmem:s13+$0x3450] =	vst v5;
	v3 =	vadd.f32 v3, v10;
	s25 =	sadd.s32 s21, s24  }
0x184: {  	p0 =	seq.s32 s7, $0x7;
	[tilespmem:s13+$0x3460] =	vst v4;
	s22 =	sshrl.u32 s25, $0x3  }
0x185: {  	[tilespmem:s13+$0x3470] =	vst v3;
	s13 =	simm.s32 @!p0 $0x5;
	s26 =	sadd.s32 s3, s22  }
0x186: {  	[hbm4b:s26+s4] =	stream.linear.scatter [tilespmem:s16], [sflag:$0x5], $0x3000, $0x38;
	[tilespmem:$0x1A000] =	vst v63  }
0x187: {  	_ =	swait.ge @!p0 [sflag:s13], $0x3000  }
0x188: {  	[sflag:s13] =	ssyncset.done @!p0 $0x0  }
0x189: {  	[sflag:s13] =	ssyncadd.s32 @!p0 $0xFFFFD000;
	s13 =	sshll.u32 @!p0 s7, $0x9  }
0x18a: {  	v3 =	vld @!p0 [tilespmem:s13+$0x200];
	_ =	sdelay $0x4  }
0x18b: {  	v4 =	vshrl.u32 @!p0 v3, $0x3  }
0x18c: {  	v4 =	vmul.u32 @!p0 $0x30, v4  }
0x18d: {  	v5 =	vlaneseq.u32 @!p0;
	v3 =	vand.u32 @!p0 $0x7, v3  }
0x18e: {  	v6 =	vshrl.u32 @!p0 v5, $0x3;
	v3 =	vor.u32 @!p0 v3, v4;
	v4 =	vand.u32 @!p0 $0x7, v5  }
0x18f: {  	v6 =	vmul.u32 @!p0 $0x8, v6;
	v7 =	vperm.xlane @!p0 v3, v4;
	_ =	sdelay $0x1  }
0x190: {  	v7 =	vadd.s32 @!p0 v6, v7;
	_ =	sdelay $0x2  }
0x191: {  	v5 =	vor.u32 @!p0 $0x8, v5  }
0x192: {  	vm1 =	vmmov @!p0 $0xffff;
	s24 =	simm.s32 @!p0 $0x2000;
	s22 =	simm.s32 @!p0 $0x0;
	v3 =	vperm.xlane @!p0 v3, v5  }
0x193: {  	[tilespmem:s24], [sflag:$0x1] =	stream.indirect_vreg.gather @!p0 [hbm4b:s1+s22], $0x80, v7, vm1, $0xb8;
	[tilespmem:$0x1A000] =	vst v63  }
0x194: {  	v3 =	vadd.s32 @!p0 v6, v3;
	s24 =	simm.s32 @!p0 $0x2800  }
0x195: {  	[tilespmem:s24], [sflag:$0x1] =	stream.indirect_vreg.gather @!p0 [hbm4b:s9+s22], $0x80, v7, vm1, $0xb8;
	[tilespmem:$0x1A000] =	vst v63  }
0x196: {  	s24 =	simm.s32 @!p0 $0x3000  }
0x197: {  	[tilespmem:s24], [sflag:$0x1] =	stream.indirect_vreg.gather @!p0 [hbm4b:s10+s22], $0x80, v7, vm1, $0xb8;
	[tilespmem:$0x1A000] =	vst v63  }
0x198: {  	s24 =	simm.s32 @!p0 $0x3800  }
0x199: {  	[tilespmem:s24], [sflag:$0x1] =	stream.indirect_vreg.gather @!p0 [hbm4b:s1+s22], $0x80, v3, vm1, $0xb8;
	[tilespmem:$0x1A000] =	vst v63  }
0x19a: {  	s24 =	simm.s32 @!p0 $0x4000  }
0x19b: {  	[tilespmem:s24], [sflag:$0x1] =	stream.indirect_vreg.gather @!p0 [hbm4b:s9+s22], $0x80, v3, vm1, $0xb8;
	[tilespmem:$0x1A000] =	vst v63  }
0x19c: {  	s24 =	simm.s32 @!p0 $0x4800  }
0x19d: {  	[tilespmem:s24], [sflag:$0x1] =	stream.indirect_vreg.gather @!p0 [hbm4b:s10+s22], $0x80, v3, vm1, $0xb8;
	[tilespmem:$0x1A000] =	vst v63  }
0x19e: {  	v3 =	vld @!p0 [tilespmem:s13+$0x1200];
	_ =	sdelay $0x4  }
0x19f: {  	v7 =	vshrl.u32 @!p0 v3, $0x3  }
0x1a0: {  	v7 =	vmul.u32 @!p0 $0x30, v7  }
0x1a1: {  	v3 =	vand.u32 @!p0 $0x7, v3  }
0x1a2: {  	v3 =	vor.u32 @!p0 v3, v7  }
0x1a3: {  	v4 =	vperm.xlane @!p0 v3, v4;
	_ =	sdelay $0x1  }
0x1a4: {  	v4 =	vadd.s32 @!p0 v6, v4;
	_ =	sdelay $0x3  }
0x1a5: {  	s24 =	simm.s32 @!p0 $0xE000;
	v3 =	vperm.xlane @!p0 v3, v5  }
0x1a6: {  	[tilespmem:s24], [sflag:$0x1] =	stream.indirect_vreg.gather @!p0 [hbm4b:s6+s22], $0x80, v4, vm1, $0xb8;
	[tilespmem:$0x1A000] =	vst v63  }
0x1a7: {  	v3 =	vadd.s32 @!p0 v6, v3;
	s24 =	simm.s32 @!p0 $0xE800  }
0x1a8: {  	[tilespmem:s24], [sflag:$0x1] =	stream.indirect_vreg.gather @!p0 [hbm4b:s11+s22], $0x80, v4, vm1, $0xb8;
	[tilespmem:$0x1A000] =	vst v63  }
0x1a9: {  	s24 =	simm.s32 @!p0 $0xF000  }
0x1aa: {  	[tilespmem:s24], [sflag:$0x1] =	stream.indirect_vreg.gather @!p0 [hbm4b:s12+s22], $0x80, v4, vm1, $0xb8;
	[tilespmem:$0x1A000] =	vst v63  }
0x1ab: {  	s24 =	simm.s32 @!p0 $0xF800  }
0x1ac: {  	[tilespmem:s24], [sflag:$0x1] =	stream.indirect_vreg.gather @!p0 [hbm4b:s6+s22], $0x80, v3, vm1, $0xb8;
	[tilespmem:$0x1A000] =	vst v63  }
0x1ad: {  	s24 =	simm.s32 @!p0 $0x10000  }
0x1ae: {  	[tilespmem:s24], [sflag:$0x1] =	stream.indirect_vreg.gather @!p0 [hbm4b:s11+s22], $0x80, v3, vm1, $0xb8;
	[tilespmem:$0x1A000] =	vst v63  }
0x1af: {  	s24 =	simm.s32 @!p0 $0x10800  }
0x1b0: {  	[tilespmem:s24], [sflag:$0x1] =	stream.indirect_vreg.gather @!p0 [hbm4b:s12+s22], $0x80, v3, vm1, $0xb8;
	[tilespmem:$0x1A000] =	vst v63  }
0x1b1: {  	_ =	swait.ge [sflag:s17], $0x3000  }
0x1b2: {  	[sflag:s17] =	ssyncset.done $0x0  }
0x1b3: {  	s28 =	simm.s32 $0x0;
	[sflag:s17] =	ssyncadd.s32 $0xFFFFD000  }
0x1b4: {  	s24 =	simm.s32 $0x0;
	s22 =	smul.u32 $0x1800, s28;
	_ =	swait.ge [sflag:s17], $0x3000  }
0x1b5: {  	s25 =	sand.u32 $0x380, s24;
	[sflag:s17] =	ssyncset.done $0x0  }
0x1b6: {  	s22 =	sor.u32 s25, s22;
	[sflag:s17] =	ssyncadd.s32 $0xFFFFD000  }
0x1b7: {  	v12 =	vld [tilespmem:s22+$0x11000]  }
0x1b8: {  	v13 =	vld [tilespmem:s22+$0x11010]  }
0x1b9: {  	v14 =	vld [tilespmem:s22+$0x11020]  }
0x1ba: {  	v15 =	vld [tilespmem:s22+$0x11030]  }
0x1bb: {  	v16 =	vld [tilespmem:s22+$0x11040]  }
0x1bc: {  	v17 =	vld [tilespmem:s22+$0x11050]  }
0x1bd: {  	v18 =	vld [tilespmem:s22+$0x11060]  }
0x1be: {  	v19 =	vld [tilespmem:s22+$0x11070]  }
0x1bf: {  	v20 =	vld [tilespmem:s22+$0x11400]  }
0x1c0: {  	v21 =	vld [tilespmem:s22+$0x11410]  }
0x1c1: {  	v22 =	vld [tilespmem:s22+$0x11420]  }
0x1c2: {  	v23 =	vld [tilespmem:s22+$0x11430]  }
0x1c3: {  	v24 =	vld [tilespmem:s22+$0x11440]  }
0x1c4: {  	v25 =	vld [tilespmem:s22+$0x11450]  }
0x1c5: {  	v26 =	vld [tilespmem:s22+$0x11460]  }
0x1c6: {  	v27 =	vld [tilespmem:s22+$0x11470]  }
0x1c7: {  	v28 =	vld [tilespmem:s22+$0x11800]  }
0x1c8: {  	v29 =	vld [tilespmem:s22+$0x11810]  }
0x1c9: {  	v30 =	vld [tilespmem:s22+$0x11820]  }
0x1ca: {  	v31 =	vld [tilespmem:s22+$0x11830]  }
0x1cb: {  	v32 =	vld [tilespmem:s22+$0x11840]  }
0x1cc: {  	v33 =	vld [tilespmem:s22+$0x11850]  }
0x1cd: {  	v34 =	vld [tilespmem:s22+$0x11860]  }
0x1ce: {  	v35 =	vld [tilespmem:s22+$0x11870]  }
0x1cf: {  	v36 =	vld [tilespmem:s22+$0x11C00]  }
0x1d0: {  	v37 =	vld [tilespmem:s22+$0x11C10]  }
0x1d1: {  	v38 =	vld [tilespmem:s22+$0x11C20]  }
0x1d2: {  	v39 =	vld [tilespmem:s22+$0x11C30]  }
0x1d3: {  	v40 =	vld [tilespmem:s22+$0x11C40]  }
0x1d4: {  	v41 =	vld [tilespmem:s22+$0x11C50]  }
0x1d5: {  	v42 =	vld [tilespmem:s22+$0x11C60]  }
0x1d6: {  	v43 =	vld [tilespmem:s22+$0x11C70]  }
0x1d7: {  	v44 =	vld [tilespmem:s22+$0x12000]  }
0x1d8: {  	v45 =	vld [tilespmem:s22+$0x12010]  }
0x1d9: {  	v46 =	vld [tilespmem:s22+$0x12020]  }
0x1da: {  	v47 =	vld [tilespmem:s22+$0x12030]  }
0x1db: {  	v48 =	vld [tilespmem:s22+$0x12040]  }
0x1dc: {  	v49 =	vld [tilespmem:s22+$0x12050]  }
0x1dd: {  	v50 =	vld [tilespmem:s22+$0x12060]  }
0x1de: {  	v11 =	vld [tilespmem:s22+$0x12070]  }
0x1df: {  	v10 =	vld [tilespmem:s22+$0x12400]  }
0x1e0: {  	v9 =	vld [tilespmem:s22+$0x12410]  }
0x1e1: {  	v8 =	vld [tilespmem:s22+$0x12420]  }
0x1e2: {  	v7 =	vld [tilespmem:s22+$0x12430]  }
0x1e3: {  	v6 =	vld [tilespmem:s22+$0x12440]  }
0x1e4: {  	v51 =	vld [tilespmem:s22+$0x5000]  }
0x1e5: {  	v52 =	vld [tilespmem:s22+$0x5010]  }
0x1e6: {  	v53 =	vld [tilespmem:s22+$0x5020]  }
0x1e7: {  	v54 =	vld [tilespmem:s22+$0x5030]  }
0x1e8: {  	v55 =	vld [tilespmem:s22+$0x5040]  }
0x1e9: {  	v62 =	vld [tilespmem:s22+$0x5050];
	v12 =	vadd.f32 v12, v51  }
0x1ea: {  	v63 =	vld [tilespmem:s22+$0x5060];
	v13 =	vadd.f32 v13, v52  }
0x1eb: {  	[tilespmem:s22+$0x5000] =	vst v12;
	v12 =	vadd.f32 v14, v53;
	v14 =	vld [tilespmem:s22+$0x5070]  }
0x1ec: {  	[tilespmem:s22+$0x5010] =	vst v13;
	v13 =	vadd.f32 v15, v54;
	v15 =	vld [tilespmem:s22+$0x5400]  }
0x1ed: {  	[tilespmem:s22+$0x5020] =	vst v12;
	v12 =	vadd.f32 v16, v55;
	v16 =	vld [tilespmem:s22+$0x5410]  }
0x1ee: {  	[tilespmem:s22+$0x5030] =	vst v13;
	v13 =	vadd.f32 v17, v62;
	v17 =	vld [tilespmem:s22+$0x5420]  }
0x1ef: {  	v5 =	vld [tilespmem:s22+$0x12450]  }
0x1f0: {  	[tilespmem:s22+$0x5040] =	vst v12;
	v12 =	vadd.f32 v18, v63;
	v18 =	vld [tilespmem:s22+$0x5470]  }
0x1f1: {  	[tilespmem:s22+$0x5050] =	vst v13;
	v13 =	vadd.f32 v19, v14;
	v14 =	vld [tilespmem:s22+$0x5430]  }
0x1f2: {  	[tilespmem:s22+$0x5060] =	vst v12;
	v12 =	vadd.f32 v20, v15;
	v15 =	vld [tilespmem:s22+$0x5440]  }
0x1f3: {  	[tilespmem:s22+$0x5070] =	vst v13;
	v13 =	vadd.f32 v21, v16;
	v16 =	vadd.f32 v22, v17;
	v17 =	vld [tilespmem:s22+$0x5460]  }
0x1f4: {  	[tilespmem:s22+$0x5400] =	vst v12;
	v12 =	vld [tilespmem:s22+$0x5450]  }
0x1f5: {  	[tilespmem:s22+$0x5410] =	vst v13;
	v13 =	vld [tilespmem:s22+$0x5800];
	v18 =	vadd.f32 v27, v18  }
0x1f6: {  	[tilespmem:s22+$0x5420] =	vst v16;
	v16 =	vld [tilespmem:s22+$0x5810];
	v14 =	vadd.f32 v23, v14  }
0x1f7: {  	v4 =	vld [tilespmem:s22+$0x12460];
	v15 =	vadd.f32 v24, v15;
	[tilespmem:s22+$0x5470] =	vst v18  }
0x1f8: {  	[tilespmem:s22+$0x5430] =	vst v14;
	v14 =	vld [tilespmem:s22+$0x5820];
	v17 =	vadd.f32 v26, v17  }
0x1f9: {  	v12 =	vadd.f32 v25, v12;
	[tilespmem:s22+$0x5440] =	vst v15;
	v15 =	vld [tilespmem:s22+$0x5830]  }
0x1fa: {  	v18 =	vld [tilespmem:s22+$0x5870];
	[tilespmem:s22+$0x5460] =	vst v17;
	v13 =	vadd.f32 v28, v13  }
0x1fb: {  	v16 =	vadd.f32 v29, v16;
	[tilespmem:s22+$0x5450] =	vst v12;
	v12 =	vld [tilespmem:s22+$0x5840]  }
0x1fc: {  	v17 =	vld [tilespmem:s22+$0x5850];
	[tilespmem:s22+$0x5800] =	vst v13  }
0x1fd: {  	[tilespmem:s22+$0x5810] =	vst v16;
	v16 =	vld [tilespmem:s22+$0x5860];
	v13 =	vadd.f32 v30, v14  }
0x1fe: {  	v14 =	vld [tilespmem:s22+$0x5C00];
	v15 =	vadd.f32 v31, v15  }
0x1ff: {  	[tilespmem:s22+$0x5820] =	vst v13;
	v13 =	vld [tilespmem:s22+$0x5C10]  }
0x200: {  	v12 =	vadd.f32 v32, v12;
	[tilespmem:s22+$0x5830] =	vst v15;
	v15 =	vld [tilespmem:s22+$0x5C20]  }
0x201: {  	v3 =	vld [tilespmem:s22+$0x12470];
	v17 =	vadd.f32 v33, v17  }
0x202: {  	v16 =	vadd.f32 v34, v16;
	[tilespmem:s22+$0x5840] =	vst v12;
	v12 =	vld [tilespmem:s22+$0x5C30]  }
0x203: {  	[tilespmem:s22+$0x5850] =	vst v17;
	v17 =	vld [tilespmem:s22+$0x5C40];
	v14 =	vadd.f32 v36, v14  }
0x204: {  	v18 =	vadd.f32 v35, v18;
	[tilespmem:s22+$0x5860] =	vst v16;
	v16 =	vld [tilespmem:s22+$0x5C50]  }
0x205: {  	v13 =	vadd.f32 v37, v13;
	[tilespmem:s22+$0x5C00] =	vst v14;
	v14 =	vadd.f32 v38, v15;
	v15 =	vld [tilespmem:s22+$0x5C60]  }
0x206: {  	[tilespmem:s22+$0x5870] =	vst v18;
	v18 =	vld [tilespmem:s22+$0x5C70]  }
0x207: {  	[tilespmem:s22+$0x5C10] =	vst v13;
	v13 =	vld [tilespmem:s22+$0x6000];
	v12 =	vadd.f32 v39, v12  }
0x208: {  	v17 =	vadd.f32 v40, v17;
	[tilespmem:s22+$0x5C20] =	vst v14;
	v14 =	vld [tilespmem:s22+$0x6010]  }
0x209: {  	v16 =	vadd.f32 v41, v16;
	[tilespmem:s22+$0x5C30] =	vst v12;
	v12 =	vld [tilespmem:s22+$0x6020]  }
0x20a: {  	[tilespmem:s22+$0x5C40] =	vst v17;
	v17 =	vld [tilespmem:s22+$0x6030];
	v15 =	vadd.f32 v42, v15  }
0x20b: {  	v19 =	vld [tilespmem:s22+$0x6040];
	[tilespmem:s22+$0x5C50] =	vst v16;
	v16 =	vadd.f32 v43, v18  }
0x20c: {  	v18 =	vld [tilespmem:s22+$0x6050];
	v13 =	vadd.f32 v44, v13;
	[tilespmem:s22+$0x5C60] =	vst v15  }
0x20d: {  	v20 =	vld [tilespmem:s22+$0x6060];
	[tilespmem:s22+$0x5C70] =	vst v16;
	v14 =	vadd.f32 v45, v14  }
0x20e: {  	v16 =	vld [tilespmem:s22+$0x6070];
	[tilespmem:s22+$0x6000] =	vst v13;
	v12 =	vadd.f32 v46, v12  }
0x20f: {  	v15 =	vld [tilespmem:s22+$0x6400];
	v13 =	vadd.f32 v47, v17;
	[tilespmem:s22+$0x6010] =	vst v14  }
0x210: {  	v14 =	vld [tilespmem:s22+$0x6410];
	[tilespmem:s22+$0x6020] =	vst v12;
	v12 =	vadd.f32 v48, v19  }
0x211: {  	[tilespmem:s22+$0x6030] =	vst v13;
	v13 =	vld [tilespmem:s22+$0x6420];
	v18 =	vadd.f32 v49, v18  }
0x212: {  	s25 =	simm.s32 $0x1;
	v17 =	vadd.f32 v50, v20;
	[tilespmem:s22+$0x6040] =	vst v12;
	v12 =	vld [tilespmem:s22+$0x6430]  }
.LBB2_5:
0x213: {  	s26 =	sshrl.u32 s25, $0x3;
	p1 =	sne.s32 s25, $0xF;
	[tilespmem:s22+$0x6050] =	vst v18;
	v11 =	vadd.f32 v11, v16;
	v16 =	vld [tilespmem:s22+$0x6440]  }
0x214: {  	s24 =	sadd.s32 $0x80, s24;
	s26 =	smul.u32 $0x1800, s26;
	[tilespmem:s22+$0x6060] =	vst v17;
	v10 =	vadd.f32 v10, v15;
	v15 =	vld [tilespmem:s22+$0x6450]  }
0x215: {  	s28 =	sand.u32 $0x380, s24;
	[tilespmem:s22+$0x6070] =	vst v11;
	v9 =	vadd.f32 v9, v14;
	v11 =	vld [tilespmem:s22+$0x6460]  }
0x216: {  	s26 =	sor.u32 s28, s26;
	[tilespmem:s22+$0x6400] =	vst v10;
	v8 =	vadd.f32 v8, v13;
	v10 =	vld [tilespmem:s22+$0x6470]  }
0x217: {  	v39 =	vld [tilespmem:s26+$0x11000];
	[tilespmem:s22+$0x6410] =	vst v9;
	v7 =	vadd.f32 v7, v12  }
0x218: {  	v40 =	vld [tilespmem:s26+$0x11010];
	[tilespmem:s22+$0x6420] =	vst v8;
	v6 =	vadd.f32 v6, v16  }
0x219: {  	v41 =	vld [tilespmem:s26+$0x11020];
	[tilespmem:s22+$0x6430] =	vst v7;
	v5 =	vadd.f32 v5, v15  }
0x21a: {  	v42 =	vld [tilespmem:s26+$0x11030];
	[tilespmem:s22+$0x6440] =	vst v6;
	v4 =	vadd.f32 v4, v11  }
0x21b: {  	v43 =	vld [tilespmem:s26+$0x11040];
	[tilespmem:s22+$0x6450] =	vst v5;
	v3 =	vadd.f32 v3, v10  }
0x21c: {  	v44 =	vld [tilespmem:s26+$0x11050];
	[tilespmem:s22+$0x6460] =	vst v4  }
0x21d: {  	v45 =	vld [tilespmem:s26+$0x11060];
	[tilespmem:s22+$0x6470] =	vst v3;
	s22 =	smov.u32 s26  }
0x21e: {  	v46 =	vld [tilespmem:s22+$0x11070]  }
0x21f: {  	v47 =	vld [tilespmem:s22+$0x11400]  }
0x220: {  	v48 =	vld [tilespmem:s22+$0x11410]  }
0x221: {  	v49 =	vld [tilespmem:s22+$0x11420]  }
0x222: {  	v50 =	vld [tilespmem:s22+$0x11430]  }
0x223: {  	v38 =	vld [tilespmem:s22+$0x11440]  }
0x224: {  	v37 =	vld [tilespmem:s22+$0x11450]  }
0x225: {  	v36 =	vld [tilespmem:s22+$0x11460]  }
0x226: {  	v35 =	vld [tilespmem:s22+$0x11470]  }
0x227: {  	v34 =	vld [tilespmem:s22+$0x11800]  }
0x228: {  	v33 =	vld [tilespmem:s22+$0x11810]  }
0x229: {  	v32 =	vld [tilespmem:s22+$0x11820]  }
0x22a: {  	v31 =	vld [tilespmem:s22+$0x11830]  }
0x22b: {  	v30 =	vld [tilespmem:s22+$0x11840]  }
0x22c: {  	v29 =	vld [tilespmem:s22+$0x11850]  }
0x22d: {  	v28 =	vld [tilespmem:s22+$0x11860]  }
0x22e: {  	v27 =	vld [tilespmem:s22+$0x11870]  }
0x22f: {  	v26 =	vld [tilespmem:s22+$0x11C00]  }
0x230: {  	v25 =	vld [tilespmem:s22+$0x11C10]  }
0x231: {  	v24 =	vld [tilespmem:s22+$0x11C20]  }
0x232: {  	v23 =	vld [tilespmem:s22+$0x11C30]  }
0x233: {  	v22 =	vld [tilespmem:s22+$0x11C40]  }
0x234: {  	v21 =	vld [tilespmem:s22+$0x11C50]  }
0x235: {  	v20 =	vld [tilespmem:s22+$0x11C60]  }
0x236: {  	v19 =	vld [tilespmem:s22+$0x11C70]  }
0x237: {  	v18 =	vld [tilespmem:s22+$0x12000]  }
0x238: {  	v17 =	vld [tilespmem:s22+$0x12010]  }
0x239: {  	v16 =	vld [tilespmem:s22+$0x12020]  }
0x23a: {  	v15 =	vld [tilespmem:s22+$0x12030]  }
0x23b: {  	v14 =	vld [tilespmem:s22+$0x12040]  }
0x23c: {  	v13 =	vld [tilespmem:s22+$0x12050]  }
0x23d: {  	v12 =	vld [tilespmem:s22+$0x12060]  }
0x23e: {  	v11 =	vld [tilespmem:s22+$0x12070]  }
0x23f: {  	v10 =	vld [tilespmem:s22+$0x12400]  }
0x240: {  	v9 =	vld [tilespmem:s22+$0x12410]  }
0x241: {  	v8 =	vld [tilespmem:s22+$0x12420]  }
0x242: {  	v7 =	vld [tilespmem:s22+$0x12430]  }
0x243: {  	v6 =	vld [tilespmem:s22+$0x12440]  }
0x244: {  	v5 =	vld [tilespmem:s22+$0x12450]  }
0x245: {  	v4 =	vld [tilespmem:s22+$0x12460]  }
0x246: {  	v3 =	vld [tilespmem:s22+$0x12470]  }
0x247: {  	v51 =	vld [tilespmem:s22+$0x5000]  }
0x248: {  	v52 =	vld [tilespmem:s22+$0x5010]  }
0x249: {  	v53 =	vld [tilespmem:s22+$0x5020]  }
0x24a: {  	v54 =	vld [tilespmem:s22+$0x5030]  }
0x24b: {  	v55 =	vld [tilespmem:s22+$0x5040]  }
0x24c: {  	v39 =	vadd.f32 v39, v51;
	v51 =	vld [tilespmem:s22+$0x5050]  }
0x24d: {  	v40 =	vadd.f32 v40, v52;
	v52 =	vld [tilespmem:s22+$0x5060]  }
0x24e: {  	[tilespmem:s22+$0x5000] =	vst v39;
	v39 =	vadd.f32 v41, v53;
	v41 =	vld [tilespmem:s22+$0x5070]  }
0x24f: {  	[tilespmem:s22+$0x5010] =	vst v40;
	v40 =	vadd.f32 v42, v54;
	v42 =	vld [tilespmem:s22+$0x5400]  }
0x250: {  	[tilespmem:s22+$0x5020] =	vst v39;
	v39 =	vadd.f32 v43, v55;
	v43 =	vld [tilespmem:s22+$0x5410]  }
0x251: {  	[tilespmem:s22+$0x5030] =	vst v40;
	v40 =	vadd.f32 v44, v51;
	v44 =	vld [tilespmem:s22+$0x5420]  }
0x252: {  	[tilespmem:s22+$0x5040] =	vst v39;
	v39 =	vadd.f32 v45, v52;
	v45 =	vld [tilespmem:s22+$0x5430]  }
0x253: {  	[tilespmem:s22+$0x5050] =	vst v40;
	v40 =	vadd.f32 v46, v41;
	v41 =	vld [tilespmem:s22+$0x5440]  }
0x254: {  	[tilespmem:s22+$0x5060] =	vst v39;
	v39 =	vadd.f32 v47, v42;
	v42 =	vld [tilespmem:s22+$0x5450]  }
0x255: {  	[tilespmem:s22+$0x5070] =	vst v40;
	v40 =	vadd.f32 v48, v43;
	v43 =	vld [tilespmem:s22+$0x5460]  }
0x256: {  	[tilespmem:s22+$0x5400] =	vst v39;
	v39 =	vadd.f32 v49, v44;
	v44 =	vld [tilespmem:s22+$0x5470]  }
0x257: {  	[tilespmem:s22+$0x5410] =	vst v40;
	v40 =	vadd.f32 v50, v45;
	v45 =	vld [tilespmem:s22+$0x5800]  }
0x258: {  	[tilespmem:s22+$0x5420] =	vst v39;
	v38 =	vadd.f32 v38, v41;
	v39 =	vld [tilespmem:s22+$0x5810]  }
0x259: {  	[tilespmem:s22+$0x5430] =	vst v40;
	v37 =	vadd.f32 v37, v42;
	v40 =	vld [tilespmem:s22+$0x5820]  }
0x25a: {  	[tilespmem:s22+$0x5440] =	vst v38;
	v36 =	vadd.f32 v36, v43;
	v38 =	vld [tilespmem:s22+$0x5830]  }
0x25b: {  	[tilespmem:s22+$0x5450] =	vst v37;
	v35 =	vadd.f32 v35, v44;
	v37 =	vld [tilespmem:s22+$0x5840]  }
0x25c: {  	[tilespmem:s22+$0x5460] =	vst v36;
	v34 =	vadd.f32 v34, v45;
	v36 =	vld [tilespmem:s22+$0x5850]  }
0x25d: {  	[tilespmem:s22+$0x5470] =	vst v35;
	v33 =	vadd.f32 v33, v39;
	v35 =	vld [tilespmem:s22+$0x5860]  }
0x25e: {  	[tilespmem:s22+$0x5800] =	vst v34;
	v32 =	vadd.f32 v32, v40;
	v34 =	vld [tilespmem:s22+$0x5870]  }
0x25f: {  	[tilespmem:s22+$0x5810] =	vst v33;
	v31 =	vadd.f32 v31, v38;
	v33 =	vld [tilespmem:s22+$0x5C00]  }
0x260: {  	[tilespmem:s22+$0x5820] =	vst v32;
	v30 =	vadd.f32 v30, v37;
	v32 =	vld [tilespmem:s22+$0x5C10]  }
0x261: {  	[tilespmem:s22+$0x5830] =	vst v31;
	v29 =	vadd.f32 v29, v36;
	v31 =	vld [tilespmem:s22+$0x5C20]  }
0x262: {  	[tilespmem:s22+$0x5840] =	vst v30;
	v28 =	vadd.f32 v28, v35;
	v30 =	vld [tilespmem:s22+$0x5C30]  }
0x263: {  	[tilespmem:s22+$0x5850] =	vst v29;
	v27 =	vadd.f32 v27, v34;
	v29 =	vld [tilespmem:s22+$0x5C40]  }
0x264: {  	[tilespmem:s22+$0x5860] =	vst v28;
	v26 =	vadd.f32 v26, v33;
	v28 =	vld [tilespmem:s22+$0x5C50]  }
0x265: {  	[tilespmem:s22+$0x5870] =	vst v27;
	v25 =	vadd.f32 v25, v32;
	v27 =	vld [tilespmem:s22+$0x5C60]  }
0x266: {  	[tilespmem:s22+$0x5C00] =	vst v26;
	v24 =	vadd.f32 v24, v31;
	v26 =	vld [tilespmem:s22+$0x5C70]  }
0x267: {  	[tilespmem:s22+$0x5C10] =	vst v25;
	v23 =	vadd.f32 v23, v30;
	v25 =	vld [tilespmem:s22+$0x6000]  }
0x268: {  	[tilespmem:s22+$0x5C20] =	vst v24;
	v22 =	vadd.f32 v22, v29;
	v24 =	vld [tilespmem:s22+$0x6010]  }
0x269: {  	[tilespmem:s22+$0x5C30] =	vst v23;
	v21 =	vadd.f32 v21, v28;
	v23 =	vld [tilespmem:s22+$0x6020]  }
0x26a: {  	[tilespmem:s22+$0x5C40] =	vst v22;
	v20 =	vadd.f32 v20, v27;
	v22 =	vld [tilespmem:s22+$0x6030]  }
0x26b: {  	[tilespmem:s22+$0x5C50] =	vst v21;
	v19 =	vadd.f32 v19, v26;
	v21 =	vld [tilespmem:s22+$0x6040]  }
0x26c: {  	[tilespmem:s22+$0x5C60] =	vst v20;
	v18 =	vadd.f32 v18, v25;
	v20 =	vld [tilespmem:s22+$0x6050]  }
0x26d: {  	[tilespmem:s22+$0x5C70] =	vst v19;
	v17 =	vadd.f32 v17, v24;
	v19 =	vld [tilespmem:s22+$0x6060]  }
.Ltmp1:
0x26e: {  	[tilespmem:s22+$0x6000] =	vst v18;
	v18 =	vadd.f32 v16, v23;
	v16 =	vld [tilespmem:s22+$0x6070];
	(pc) =	sbr.rel @p1 .LBB2_5-.Ltmp1, $4  }
0x26f: {  	[tilespmem:s22+$0x6010] =	vst v17;
	v17 =	vadd.f32 v15, v22;
	v15 =	vld [tilespmem:s22+$0x6400]  }
0x270: {  	[tilespmem:s22+$0x6020] =	vst v18;
	v21 =	vadd.f32 v14, v21;
	v14 =	vld [tilespmem:s22+$0x6410]  }
0x271: {  	[tilespmem:s22+$0x6030] =	vst v17;
	v18 =	vadd.f32 v13, v20;
	v13 =	vld [tilespmem:s22+$0x6420]  }
0x272: {  	s25 =	sadd.s32 $0x1, s25;
	[tilespmem:s22+$0x6040] =	vst v21;
	v17 =	vadd.f32 v12, v19;
	v12 =	vld [tilespmem:s22+$0x6430]  }
0x273: {  	[tilespmem:s22+$0x6050] =	vst v18;
	v18 =	vld [tilespmem:s22+$0x6440];
	v11 =	vadd.f32 v11, v16  }
0x274: {  	v16 =	vld [tilespmem:s22+$0x6450];
	[tilespmem:s22+$0x6060] =	vst v17;
	v10 =	vadd.f32 v10, v15  }
0x275: {  	[tilespmem:s22+$0x6070] =	vst v11;
	v9 =	vadd.f32 v9, v14;
	v11 =	vld [tilespmem:s22+$0x6460]  }
0x276: {  	[tilespmem:s22+$0x6400] =	vst v10;
	v8 =	vadd.f32 v8, v13;
	v10 =	vld [tilespmem:s22+$0x6470]  }
0x277: {  	[tilespmem:s22+$0x6410] =	vst v9;
	v7 =	vadd.f32 v7, v12  }
0x278: {  	s20 =	smul.u32 $0x30000, s20;
	[tilespmem:s22+$0x6420] =	vst v8;
	v6 =	vadd.f32 v6, v18  }
0x279: {  	v5 =	vadd.f32 v5, v16;
	[tilespmem:s22+$0x6430] =	vst v7  }
0x27a: {  	s24 =	sadd.s32 s21, s20;
	[tilespmem:s22+$0x6440] =	vst v6;
	v4 =	vadd.f32 v4, v11  }
0x27b: {  	s24 =	sadd.s32 $0x3000, s24;
	[tilespmem:s22+$0x6450] =	vst v5;
	v3 =	vadd.f32 v3, v10  }
0x27c: {  	s24 =	sshrl.u32 s24, $0x3;
	[tilespmem:s22+$0x6460] =	vst v4  }
0x27d: {  	s26 =	sadd.s32 s3, s24;
	[tilespmem:s22+$0x6470] =	vst v3;
	s22 =	simm.s32 @!p0 $0x6  }
0x27e: {  	[hbm4b:s26+s4] =	stream.linear.scatter [tilespmem:s29], [sflag:$0x6], $0x3000, $0x38;
	[tilespmem:$0x1A000] =	vst v63  }
0x27f: {  	_ =	swait.ge @!p0 [sflag:s22], $0x3000  }
0x280: {  	[sflag:s22] =	ssyncset.done @!p0 $0x0  }
0x281: {  	[sflag:s22] =	ssyncadd.s32 @!p0 $0xFFFFD000  }
0x282: {  	v3 =	vld @!p0 [tilespmem:s13+$0x280];
	_ =	sdelay $0x4  }
0x283: {  	v4 =	vshrl.u32 @!p0 v3, $0x3  }
0x284: {  	v4 =	vmul.u32 @!p0 $0x30, v4  }
0x285: {  	v5 =	vlaneseq.u32 @!p0;
	v3 =	vand.u32 @!p0 $0x7, v3  }
0x286: {  	v6 =	vshrl.u32 @!p0 v5, $0x3;
	v3 =	vor.u32 @!p0 v3, v4;
	v4 =	vand.u32 @!p0 $0x7, v5  }
0x287: {  	v6 =	vmul.u32 @!p0 $0x8, v6;
	v7 =	vperm.xlane @!p0 v3, v4;
	_ =	sdelay $0x1  }
0x288: {  	v7 =	vadd.s32 @!p0 v6, v7;
	_ =	sdelay $0x2  }
0x289: {  	v5 =	vor.u32 @!p0 $0x8, v5  }
0x28a: {  	s24 =	simm.s32 @!p0 $0x5000;
	s22 =	simm.s32 @!p0 $0x0;
	v3 =	vperm.xlane @!p0 v3, v5  }
0x28b: {  	[tilespmem:s24], [sflag:$0x2] =	stream.indirect_vreg.gather @!p0 [hbm4b:s1+s22], $0x80, v7, vm1, $0xb8;
	[tilespmem:$0x1A000] =	vst v63  }
0x28c: {  	v3 =	vadd.s32 @!p0 v6, v3;
	s24 =	simm.s32 @!p0 $0x5800  }
0x28d: {  	[tilespmem:s24], [sflag:$0x2] =	stream.indirect_vreg.gather @!p0 [hbm4b:s9+s22], $0x80, v7, vm1, $0xb8;
	[tilespmem:$0x1A000] =	vst v63  }
0x28e: {  	s24 =	simm.s32 @!p0 $0x6000  }
0x28f: {  	[tilespmem:s24], [sflag:$0x2] =	stream.indirect_vreg.gather @!p0 [hbm4b:s10+s22], $0x80, v7, vm1, $0xb8;
	[tilespmem:$0x1A000] =	vst v63  }
0x290: {  	s24 =	simm.s32 @!p0 $0x6800  }
0x291: {  	[tilespmem:s24], [sflag:$0x2] =	stream.indirect_vreg.gather @!p0 [hbm4b:s1+s22], $0x80, v3, vm1, $0xb8;
	[tilespmem:$0x1A000] =	vst v63  }
0x292: {  	s24 =	simm.s32 @!p0 $0x7000  }
0x293: {  	[tilespmem:s24], [sflag:$0x2] =	stream.indirect_vreg.gather @!p0 [hbm4b:s9+s22], $0x80, v3, vm1, $0xb8;
	[tilespmem:$0x1A000] =	vst v63  }
0x294: {  	s24 =	simm.s32 @!p0 $0x7800  }
0x295: {  	[tilespmem:s24], [sflag:$0x2] =	stream.indirect_vreg.gather @!p0 [hbm4b:s10+s22], $0x80, v3, vm1, $0xb8;
	[tilespmem:$0x1A000] =	vst v63  }
0x296: {  	v3 =	vld @!p0 [tilespmem:s13+$0x1280];
	_ =	sdelay $0x4  }
0x297: {  	v7 =	vshrl.u32 @!p0 v3, $0x3  }
0x298: {  	v7 =	vmul.u32 @!p0 $0x30, v7  }
0x299: {  	v3 =	vand.u32 @!p0 $0x7, v3  }
0x29a: {  	v3 =	vor.u32 @!p0 v3, v7  }
0x29b: {  	v4 =	vperm.xlane @!p0 v3, v4;
	_ =	sdelay $0x1  }
0x29c: {  	v4 =	vadd.s32 @!p0 v6, v4;
	_ =	sdelay $0x3  }
0x29d: {  	s24 =	simm.s32 @!p0 $0x11000;
	v3 =	vperm.xlane @!p0 v3, v5  }
0x29e: {  	[tilespmem:s24], [sflag:$0x2] =	stream.indirect_vreg.gather @!p0 [hbm4b:s6+s22], $0x80, v4, vm1, $0xb8;
	[tilespmem:$0x1A000] =	vst v63  }
0x29f: {  	v3 =	vadd.s32 @!p0 v6, v3;
	s24 =	simm.s32 @!p0 $0x11800  }
0x2a0: {  	[tilespmem:s24], [sflag:$0x2] =	stream.indirect_vreg.gather @!p0 [hbm4b:s11+s22], $0x80, v4, vm1, $0xb8;
	[tilespmem:$0x1A000] =	vst v63  }
0x2a1: {  	s24 =	simm.s32 @!p0 $0x12000  }
0x2a2: {  	[tilespmem:s24], [sflag:$0x2] =	stream.indirect_vreg.gather @!p0 [hbm4b:s12+s22], $0x80, v4, vm1, $0xb8;
	[tilespmem:$0x1A000] =	vst v63  }
0x2a3: {  	s24 =	simm.s32 @!p0 $0x12800  }
0x2a4: {  	[tilespmem:s24], [sflag:$0x2] =	stream.indirect_vreg.gather @!p0 [hbm4b:s6+s22], $0x80, v3, vm1, $0xb8;
	[tilespmem:$0x1A000] =	vst v63  }
0x2a5: {  	s24 =	simm.s32 @!p0 $0x13000  }
0x2a6: {  	[tilespmem:s24], [sflag:$0x2] =	stream.indirect_vreg.gather @!p0 [hbm4b:s11+s22], $0x80, v3, vm1, $0xb8;
	[tilespmem:$0x1A000] =	vst v63  }
0x2a7: {  	s24 =	simm.s32 @!p0 $0x13800  }
0x2a8: {  	[tilespmem:s24], [sflag:$0x2] =	stream.indirect_vreg.gather @!p0 [hbm4b:s12+s22], $0x80, v3, vm1, $0xb8;
	[tilespmem:$0x1A000] =	vst v63  }
0x2a9: {  	_ =	swait.ge [sflag:s18], $0x3000  }
0x2aa: {  	[sflag:s18] =	ssyncset.done $0x0  }
0x2ab: {  	s28 =	simm.s32 $0x0;
	[sflag:s18] =	ssyncadd.s32 $0xFFFFD000  }
0x2ac: {  	s24 =	simm.s32 $0x0;
	s22 =	smul.u32 $0x1800, s28;
	_ =	swait.ge [sflag:s18], $0x3000  }
0x2ad: {  	s25 =	sand.u32 $0x380, s24;
	[sflag:s18] =	ssyncset.done $0x0  }
0x2ae: {  	s22 =	sor.u32 s25, s22;
	[sflag:s18] =	ssyncadd.s32 $0xFFFFD000  }
0x2af: {  	v12 =	vld [tilespmem:s22+$0x14000]  }
0x2b0: {  	v13 =	vld [tilespmem:s22+$0x14010]  }
0x2b1: {  	v14 =	vld [tilespmem:s22+$0x14020]  }
0x2b2: {  	v15 =	vld [tilespmem:s22+$0x14030]  }
0x2b3: {  	v16 =	vld [tilespmem:s22+$0x14040]  }
0x2b4: {  	v17 =	vld [tilespmem:s22+$0x14050]  }
0x2b5: {  	v18 =	vld [tilespmem:s22+$0x14060]  }
0x2b6: {  	v19 =	vld [tilespmem:s22+$0x14070]  }
0x2b7: {  	v20 =	vld [tilespmem:s22+$0x14400]  }
0x2b8: {  	v21 =	vld [tilespmem:s22+$0x14410]  }
0x2b9: {  	v22 =	vld [tilespmem:s22+$0x14420]  }
0x2ba: {  	v23 =	vld [tilespmem:s22+$0x14430]  }
0x2bb: {  	v24 =	vld [tilespmem:s22+$0x14440]  }
0x2bc: {  	v25 =	vld [tilespmem:s22+$0x14450]  }
0x2bd: {  	v26 =	vld [tilespmem:s22+$0x14460]  }
0x2be: {  	v27 =	vld [tilespmem:s22+$0x14470]  }
0x2bf: {  	v28 =	vld [tilespmem:s22+$0x14800]  }
0x2c0: {  	v29 =	vld [tilespmem:s22+$0x14810]  }
0x2c1: {  	v30 =	vld [tilespmem:s22+$0x14820]  }
0x2c2: {  	v31 =	vld [tilespmem:s22+$0x14830]  }
0x2c3: {  	v32 =	vld [tilespmem:s22+$0x14840]  }
0x2c4: {  	v33 =	vld [tilespmem:s22+$0x14850]  }
0x2c5: {  	v34 =	vld [tilespmem:s22+$0x14860]  }
0x2c6: {  	v35 =	vld [tilespmem:s22+$0x14870]  }
0x2c7: {  	v36 =	vld [tilespmem:s22+$0x14C00]  }
0x2c8: {  	v37 =	vld [tilespmem:s22+$0x14C10]  }
0x2c9: {  	v38 =	vld [tilespmem:s22+$0x14C20]  }
0x2ca: {  	v39 =	vld [tilespmem:s22+$0x14C30]  }
0x2cb: {  	v40 =	vld [tilespmem:s22+$0x14C40]  }
0x2cc: {  	v41 =	vld [tilespmem:s22+$0x14C50]  }
0x2cd: {  	v42 =	vld [tilespmem:s22+$0x14C60]  }
0x2ce: {  	v43 =	vld [tilespmem:s22+$0x14C70]  }
0x2cf: {  	v44 =	vld [tilespmem:s22+$0x15000]  }
0x2d0: {  	v45 =	vld [tilespmem:s22+$0x15010]  }
0x2d1: {  	v46 =	vld [tilespmem:s22+$0x15020]  }
0x2d2: {  	v47 =	vld [tilespmem:s22+$0x15030]  }
0x2d3: {  	v48 =	vld [tilespmem:s22+$0x15040]  }
0x2d4: {  	v49 =	vld [tilespmem:s22+$0x15050]  }
0x2d5: {  	v50 =	vld [tilespmem:s22+$0x15060]  }
0x2d6: {  	v11 =	vld [tilespmem:s22+$0x15070]  }
0x2d7: {  	v10 =	vld [tilespmem:s22+$0x15400]  }
0x2d8: {  	v9 =	vld [tilespmem:s22+$0x15410]  }
0x2d9: {  	v8 =	vld [tilespmem:s22+$0x15420]  }
0x2da: {  	v7 =	vld [tilespmem:s22+$0x15430]  }
0x2db: {  	v6 =	vld [tilespmem:s22+$0x15440]  }
0x2dc: {  	v51 =	vld [tilespmem:s22+$0x8000]  }
0x2dd: {  	v52 =	vld [tilespmem:s22+$0x8010]  }
0x2de: {  	v53 =	vld [tilespmem:s22+$0x8020]  }
0x2df: {  	v54 =	vld [tilespmem:s22+$0x8030]  }
0x2e0: {  	v55 =	vld [tilespmem:s22+$0x8040]  }
0x2e1: {  	v62 =	vld [tilespmem:s22+$0x8050];
	v12 =	vadd.f32 v12, v51  }
0x2e2: {  	v63 =	vld [tilespmem:s22+$0x8060];
	v13 =	vadd.f32 v13, v52  }
0x2e3: {  	[tilespmem:s22+$0x8000] =	vst v12;
	v12 =	vadd.f32 v14, v53;
	v14 =	vld [tilespmem:s22+$0x8070]  }
0x2e4: {  	[tilespmem:s22+$0x8010] =	vst v13;
	v13 =	vadd.f32 v15, v54;
	v15 =	vld [tilespmem:s22+$0x8400]  }
0x2e5: {  	[tilespmem:s22+$0x8020] =	vst v12;
	v12 =	vadd.f32 v16, v55;
	v16 =	vld [tilespmem:s22+$0x8410]  }
0x2e6: {  	[tilespmem:s22+$0x8030] =	vst v13;
	v13 =	vadd.f32 v17, v62;
	v17 =	vld [tilespmem:s22+$0x8420]  }
0x2e7: {  	v5 =	vld [tilespmem:s22+$0x15450]  }
0x2e8: {  	[tilespmem:s22+$0x8040] =	vst v12;
	v12 =	vadd.f32 v18, v63;
	v18 =	vld [tilespmem:s22+$0x8470]  }
0x2e9: {  	[tilespmem:s22+$0x8050] =	vst v13;
	v13 =	vadd.f32 v19, v14;
	v14 =	vld [tilespmem:s22+$0x8430]  }
0x2ea: {  	[tilespmem:s22+$0x8060] =	vst v12;
	v12 =	vadd.f32 v20, v15;
	v15 =	vld [tilespmem:s22+$0x8440]  }
0x2eb: {  	[tilespmem:s22+$0x8070] =	vst v13;
	v13 =	vadd.f32 v21, v16;
	v16 =	vadd.f32 v22, v17;
	v17 =	vld [tilespmem:s22+$0x8460]  }
0x2ec: {  	[tilespmem:s22+$0x8400] =	vst v12;
	v12 =	vld [tilespmem:s22+$0x8450]  }
0x2ed: {  	[tilespmem:s22+$0x8410] =	vst v13;
	v13 =	vld [tilespmem:s22+$0x8800];
	v18 =	vadd.f32 v27, v18  }
0x2ee: {  	[tilespmem:s22+$0x8420] =	vst v16;
	v16 =	vld [tilespmem:s22+$0x8810];
	v14 =	vadd.f32 v23, v14  }
0x2ef: {  	v4 =	vld [tilespmem:s22+$0x15460];
	v15 =	vadd.f32 v24, v15;
	[tilespmem:s22+$0x8470] =	vst v18  }
0x2f0: {  	[tilespmem:s22+$0x8430] =	vst v14;
	v14 =	vld [tilespmem:s22+$0x8820];
	v17 =	vadd.f32 v26, v17  }
0x2f1: {  	v12 =	vadd.f32 v25, v12;
	[tilespmem:s22+$0x8440] =	vst v15;
	v15 =	vld [tilespmem:s22+$0x8830]  }
0x2f2: {  	v18 =	vld [tilespmem:s22+$0x8870];
	[tilespmem:s22+$0x8460] =	vst v17;
	v13 =	vadd.f32 v28, v13  }
0x2f3: {  	v16 =	vadd.f32 v29, v16;
	[tilespmem:s22+$0x8450] =	vst v12;
	v12 =	vld [tilespmem:s22+$0x8840]  }
0x2f4: {  	v17 =	vld [tilespmem:s22+$0x8850];
	[tilespmem:s22+$0x8800] =	vst v13  }
0x2f5: {  	[tilespmem:s22+$0x8810] =	vst v16;
	v16 =	vld [tilespmem:s22+$0x8860];
	v13 =	vadd.f32 v30, v14  }
0x2f6: {  	v14 =	vld [tilespmem:s22+$0x8C00];
	v15 =	vadd.f32 v31, v15  }
0x2f7: {  	[tilespmem:s22+$0x8820] =	vst v13;
	v13 =	vld [tilespmem:s22+$0x8C10]  }
0x2f8: {  	v12 =	vadd.f32 v32, v12;
	[tilespmem:s22+$0x8830] =	vst v15;
	v15 =	vld [tilespmem:s22+$0x8C20]  }
0x2f9: {  	v3 =	vld [tilespmem:s22+$0x15470];
	v17 =	vadd.f32 v33, v17  }
0x2fa: {  	v16 =	vadd.f32 v34, v16;
	[tilespmem:s22+$0x8840] =	vst v12;
	v12 =	vld [tilespmem:s22+$0x8C30]  }
0x2fb: {  	[tilespmem:s22+$0x8850] =	vst v17;
	v17 =	vld [tilespmem:s22+$0x8C40];
	v14 =	vadd.f32 v36, v14  }
0x2fc: {  	v18 =	vadd.f32 v35, v18;
	[tilespmem:s22+$0x8860] =	vst v16;
	v16 =	vld [tilespmem:s22+$0x8C50]  }
0x2fd: {  	v13 =	vadd.f32 v37, v13;
	[tilespmem:s22+$0x8C00] =	vst v14;
	v14 =	vadd.f32 v38, v15;
	v15 =	vld [tilespmem:s22+$0x8C60]  }
0x2fe: {  	[tilespmem:s22+$0x8870] =	vst v18;
	v18 =	vld [tilespmem:s22+$0x8C70]  }
0x2ff: {  	[tilespmem:s22+$0x8C10] =	vst v13;
	v13 =	vld [tilespmem:s22+$0x9000];
	v12 =	vadd.f32 v39, v12  }
0x300: {  	v17 =	vadd.f32 v40, v17;
	[tilespmem:s22+$0x8C20] =	vst v14;
	v14 =	vld [tilespmem:s22+$0x9010]  }
0x301: {  	v16 =	vadd.f32 v41, v16;
	[tilespmem:s22+$0x8C30] =	vst v12;
	v12 =	vld [tilespmem:s22+$0x9020]  }
0x302: {  	[tilespmem:s22+$0x8C40] =	vst v17;
	v17 =	vld [tilespmem:s22+$0x9030];
	v15 =	vadd.f32 v42, v15  }
0x303: {  	v19 =	vld [tilespmem:s22+$0x9040];
	[tilespmem:s22+$0x8C50] =	vst v16;
	v16 =	vadd.f32 v43, v18  }
0x304: {  	v18 =	vld [tilespmem:s22+$0x9050];
	v13 =	vadd.f32 v44, v13;
	[tilespmem:s22+$0x8C60] =	vst v15  }
0x305: {  	v20 =	vld [tilespmem:s22+$0x9060];
	[tilespmem:s22+$0x8C70] =	vst v16;
	v14 =	vadd.f32 v45, v14  }
0x306: {  	v16 =	vld [tilespmem:s22+$0x9070];
	[tilespmem:s22+$0x9000] =	vst v13;
	v12 =	vadd.f32 v46, v12  }
0x307: {  	v15 =	vld [tilespmem:s22+$0x9400];
	v13 =	vadd.f32 v47, v17;
	[tilespmem:s22+$0x9010] =	vst v14  }
0x308: {  	v14 =	vld [tilespmem:s22+$0x9410];
	[tilespmem:s22+$0x9020] =	vst v12;
	v12 =	vadd.f32 v48, v19  }
0x309: {  	[tilespmem:s22+$0x9030] =	vst v13;
	v13 =	vld [tilespmem:s22+$0x9420];
	v18 =	vadd.f32 v49, v18  }
0x30a: {  	s25 =	simm.s32 $0x1;
	v17 =	vadd.f32 v50, v20;
	[tilespmem:s22+$0x9040] =	vst v12;
	v12 =	vld [tilespmem:s22+$0x9430]  }
.LBB2_7:
0x30b: {  	s26 =	sshrl.u32 s25, $0x3;
	p1 =	sne.s32 s25, $0xF;
	[tilespmem:s22+$0x9050] =	vst v18;
	v11 =	vadd.f32 v11, v16;
	v16 =	vld [tilespmem:s22+$0x9440]  }
0x30c: {  	s24 =	sadd.s32 $0x80, s24;
	s26 =	smul.u32 $0x1800, s26;
	[tilespmem:s22+$0x9060] =	vst v17;
	v10 =	vadd.f32 v10, v15;
	v15 =	vld [tilespmem:s22+$0x9450]  }
0x30d: {  	s28 =	sand.u32 $0x380, s24;
	[tilespmem:s22+$0x9070] =	vst v11;
	v9 =	vadd.f32 v9, v14;
	v11 =	vld [tilespmem:s22+$0x9460]  }
0x30e: {  	s26 =	sor.u32 s28, s26;
	[tilespmem:s22+$0x9400] =	vst v10;
	v8 =	vadd.f32 v8, v13;
	v10 =	vld [tilespmem:s22+$0x9470]  }
0x30f: {  	v39 =	vld [tilespmem:s26+$0x14000];
	[tilespmem:s22+$0x9410] =	vst v9;
	v7 =	vadd.f32 v7, v12  }
0x310: {  	v40 =	vld [tilespmem:s26+$0x14010];
	[tilespmem:s22+$0x9420] =	vst v8;
	v6 =	vadd.f32 v6, v16  }
0x311: {  	v41 =	vld [tilespmem:s26+$0x14020];
	[tilespmem:s22+$0x9430] =	vst v7;
	v5 =	vadd.f32 v5, v15  }
0x312: {  	v42 =	vld [tilespmem:s26+$0x14030];
	[tilespmem:s22+$0x9440] =	vst v6;
	v4 =	vadd.f32 v4, v11  }
0x313: {  	v43 =	vld [tilespmem:s26+$0x14040];
	[tilespmem:s22+$0x9450] =	vst v5;
	v3 =	vadd.f32 v3, v10  }
0x314: {  	v44 =	vld [tilespmem:s26+$0x14050];
	[tilespmem:s22+$0x9460] =	vst v4  }
0x315: {  	v45 =	vld [tilespmem:s26+$0x14060];
	[tilespmem:s22+$0x9470] =	vst v3;
	s22 =	smov.u32 s26  }
0x316: {  	v46 =	vld [tilespmem:s22+$0x14070]  }
0x317: {  	v47 =	vld [tilespmem:s22+$0x14400]  }
0x318: {  	v48 =	vld [tilespmem:s22+$0x14410]  }
0x319: {  	v49 =	vld [tilespmem:s22+$0x14420]  }
0x31a: {  	v50 =	vld [tilespmem:s22+$0x14430]  }
0x31b: {  	v38 =	vld [tilespmem:s22+$0x14440]  }
0x31c: {  	v37 =	vld [tilespmem:s22+$0x14450]  }
0x31d: {  	v36 =	vld [tilespmem:s22+$0x14460]  }
0x31e: {  	v35 =	vld [tilespmem:s22+$0x14470]  }
0x31f: {  	v34 =	vld [tilespmem:s22+$0x14800]  }
0x320: {  	v33 =	vld [tilespmem:s22+$0x14810]  }
0x321: {  	v32 =	vld [tilespmem:s22+$0x14820]  }
0x322: {  	v31 =	vld [tilespmem:s22+$0x14830]  }
0x323: {  	v30 =	vld [tilespmem:s22+$0x14840]  }
0x324: {  	v29 =	vld [tilespmem:s22+$0x14850]  }
0x325: {  	v28 =	vld [tilespmem:s22+$0x14860]  }
0x326: {  	v27 =	vld [tilespmem:s22+$0x14870]  }
0x327: {  	v26 =	vld [tilespmem:s22+$0x14C00]  }
0x328: {  	v25 =	vld [tilespmem:s22+$0x14C10]  }
0x329: {  	v24 =	vld [tilespmem:s22+$0x14C20]  }
0x32a: {  	v23 =	vld [tilespmem:s22+$0x14C30]  }
0x32b: {  	v22 =	vld [tilespmem:s22+$0x14C40]  }
0x32c: {  	v21 =	vld [tilespmem:s22+$0x14C50]  }
0x32d: {  	v20 =	vld [tilespmem:s22+$0x14C60]  }
0x32e: {  	v19 =	vld [tilespmem:s22+$0x14C70]  }
0x32f: {  	v18 =	vld [tilespmem:s22+$0x15000]  }
0x330: {  	v17 =	vld [tilespmem:s22+$0x15010]  }
0x331: {  	v16 =	vld [tilespmem:s22+$0x15020]  }
0x332: {  	v15 =	vld [tilespmem:s22+$0x15030]  }
0x333: {  	v14 =	vld [tilespmem:s22+$0x15040]  }
0x334: {  	v13 =	vld [tilespmem:s22+$0x15050]  }
0x335: {  	v12 =	vld [tilespmem:s22+$0x15060]  }
0x336: {  	v11 =	vld [tilespmem:s22+$0x15070]  }
0x337: {  	v10 =	vld [tilespmem:s22+$0x15400]  }
0x338: {  	v9 =	vld [tilespmem:s22+$0x15410]  }
0x339: {  	v8 =	vld [tilespmem:s22+$0x15420]  }
0x33a: {  	v7 =	vld [tilespmem:s22+$0x15430]  }
0x33b: {  	v6 =	vld [tilespmem:s22+$0x15440]  }
0x33c: {  	v5 =	vld [tilespmem:s22+$0x15450]  }
0x33d: {  	v4 =	vld [tilespmem:s22+$0x15460]  }
0x33e: {  	v3 =	vld [tilespmem:s22+$0x15470]  }
0x33f: {  	v51 =	vld [tilespmem:s22+$0x8000]  }
0x340: {  	v52 =	vld [tilespmem:s22+$0x8010]  }
0x341: {  	v53 =	vld [tilespmem:s22+$0x8020]  }
0x342: {  	v54 =	vld [tilespmem:s22+$0x8030]  }
0x343: {  	v55 =	vld [tilespmem:s22+$0x8040]  }
0x344: {  	v39 =	vadd.f32 v39, v51;
	v51 =	vld [tilespmem:s22+$0x8050]  }
0x345: {  	v40 =	vadd.f32 v40, v52;
	v52 =	vld [tilespmem:s22+$0x8060]  }
0x346: {  	[tilespmem:s22+$0x8000] =	vst v39;
	v39 =	vadd.f32 v41, v53;
	v41 =	vld [tilespmem:s22+$0x8070]  }
0x347: {  	[tilespmem:s22+$0x8010] =	vst v40;
	v40 =	vadd.f32 v42, v54;
	v42 =	vld [tilespmem:s22+$0x8400]  }
0x348: {  	[tilespmem:s22+$0x8020] =	vst v39;
	v39 =	vadd.f32 v43, v55;
	v43 =	vld [tilespmem:s22+$0x8410]  }
0x349: {  	[tilespmem:s22+$0x8030] =	vst v40;
	v40 =	vadd.f32 v44, v51;
	v44 =	vld [tilespmem:s22+$0x8420]  }
0x34a: {  	[tilespmem:s22+$0x8040] =	vst v39;
	v39 =	vadd.f32 v45, v52;
	v45 =	vld [tilespmem:s22+$0x8430]  }
0x34b: {  	[tilespmem:s22+$0x8050] =	vst v40;
	v40 =	vadd.f32 v46, v41;
	v41 =	vld [tilespmem:s22+$0x8440]  }
0x34c: {  	[tilespmem:s22+$0x8060] =	vst v39;
	v39 =	vadd.f32 v47, v42;
	v42 =	vld [tilespmem:s22+$0x8450]  }
0x34d: {  	[tilespmem:s22+$0x8070] =	vst v40;
	v40 =	vadd.f32 v48, v43;
	v43 =	vld [tilespmem:s22+$0x8460]  }
0x34e: {  	[tilespmem:s22+$0x8400] =	vst v39;
	v39 =	vadd.f32 v49, v44;
	v44 =	vld [tilespmem:s22+$0x8470]  }
0x34f: {  	[tilespmem:s22+$0x8410] =	vst v40;
	v40 =	vadd.f32 v50, v45;
	v45 =	vld [tilespmem:s22+$0x8800]  }
0x350: {  	[tilespmem:s22+$0x8420] =	vst v39;
	v38 =	vadd.f32 v38, v41;
	v39 =	vld [tilespmem:s22+$0x8810]  }
0x351: {  	[tilespmem:s22+$0x8430] =	vst v40;
	v37 =	vadd.f32 v37, v42;
	v40 =	vld [tilespmem:s22+$0x8820]  }
0x352: {  	[tilespmem:s22+$0x8440] =	vst v38;
	v36 =	vadd.f32 v36, v43;
	v38 =	vld [tilespmem:s22+$0x8830]  }
0x353: {  	[tilespmem:s22+$0x8450] =	vst v37;
	v35 =	vadd.f32 v35, v44;
	v37 =	vld [tilespmem:s22+$0x8840]  }
0x354: {  	[tilespmem:s22+$0x8460] =	vst v36;
	v34 =	vadd.f32 v34, v45;
	v36 =	vld [tilespmem:s22+$0x8850]  }
0x355: {  	[tilespmem:s22+$0x8470] =	vst v35;
	v33 =	vadd.f32 v33, v39;
	v35 =	vld [tilespmem:s22+$0x8860]  }
0x356: {  	[tilespmem:s22+$0x8800] =	vst v34;
	v32 =	vadd.f32 v32, v40;
	v34 =	vld [tilespmem:s22+$0x8870]  }
0x357: {  	[tilespmem:s22+$0x8810] =	vst v33;
	v31 =	vadd.f32 v31, v38;
	v33 =	vld [tilespmem:s22+$0x8C00]  }
0x358: {  	[tilespmem:s22+$0x8820] =	vst v32;
	v30 =	vadd.f32 v30, v37;
	v32 =	vld [tilespmem:s22+$0x8C10]  }
0x359: {  	[tilespmem:s22+$0x8830] =	vst v31;
	v29 =	vadd.f32 v29, v36;
	v31 =	vld [tilespmem:s22+$0x8C20]  }
0x35a: {  	[tilespmem:s22+$0x8840] =	vst v30;
	v28 =	vadd.f32 v28, v35;
	v30 =	vld [tilespmem:s22+$0x8C30]  }
0x35b: {  	[tilespmem:s22+$0x8850] =	vst v29;
	v27 =	vadd.f32 v27, v34;
	v29 =	vld [tilespmem:s22+$0x8C40]  }
0x35c: {  	[tilespmem:s22+$0x8860] =	vst v28;
	v26 =	vadd.f32 v26, v33;
	v28 =	vld [tilespmem:s22+$0x8C50]  }
0x35d: {  	[tilespmem:s22+$0x8870] =	vst v27;
	v25 =	vadd.f32 v25, v32;
	v27 =	vld [tilespmem:s22+$0x8C60]  }
0x35e: {  	[tilespmem:s22+$0x8C00] =	vst v26;
	v24 =	vadd.f32 v24, v31;
	v26 =	vld [tilespmem:s22+$0x8C70]  }
0x35f: {  	[tilespmem:s22+$0x8C10] =	vst v25;
	v23 =	vadd.f32 v23, v30;
	v25 =	vld [tilespmem:s22+$0x9000]  }
0x360: {  	[tilespmem:s22+$0x8C20] =	vst v24;
	v22 =	vadd.f32 v22, v29;
	v24 =	vld [tilespmem:s22+$0x9010]  }
0x361: {  	[tilespmem:s22+$0x8C30] =	vst v23;
	v21 =	vadd.f32 v21, v28;
	v23 =	vld [tilespmem:s22+$0x9020]  }
0x362: {  	[tilespmem:s22+$0x8C40] =	vst v22;
	v20 =	vadd.f32 v20, v27;
	v22 =	vld [tilespmem:s22+$0x9030]  }
0x363: {  	[tilespmem:s22+$0x8C50] =	vst v21;
	v19 =	vadd.f32 v19, v26;
	v21 =	vld [tilespmem:s22+$0x9040]  }
0x364: {  	[tilespmem:s22+$0x8C60] =	vst v20;
	v18 =	vadd.f32 v18, v25;
	v20 =	vld [tilespmem:s22+$0x9050]  }
0x365: {  	[tilespmem:s22+$0x8C70] =	vst v19;
	v17 =	vadd.f32 v17, v24;
	v19 =	vld [tilespmem:s22+$0x9060]  }
.Ltmp2:
0x366: {  	[tilespmem:s22+$0x9000] =	vst v18;
	v18 =	vadd.f32 v16, v23;
	v16 =	vld [tilespmem:s22+$0x9070];
	(pc) =	sbr.rel @p1 .LBB2_7-.Ltmp2, $4  }
0x367: {  	[tilespmem:s22+$0x9010] =	vst v17;
	v17 =	vadd.f32 v15, v22;
	v15 =	vld [tilespmem:s22+$0x9400]  }
0x368: {  	[tilespmem:s22+$0x9020] =	vst v18;
	v21 =	vadd.f32 v14, v21;
	v14 =	vld [tilespmem:s22+$0x9410]  }
0x369: {  	[tilespmem:s22+$0x9030] =	vst v17;
	v18 =	vadd.f32 v13, v20;
	v13 =	vld [tilespmem:s22+$0x9420]  }
0x36a: {  	s25 =	sadd.s32 $0x1, s25;
	[tilespmem:s22+$0x9040] =	vst v21;
	v17 =	vadd.f32 v12, v19;
	v12 =	vld [tilespmem:s22+$0x9430]  }
0x36b: {  	[tilespmem:s22+$0x9050] =	vst v18;
	v18 =	vld [tilespmem:s22+$0x9440];
	v11 =	vadd.f32 v11, v16  }
0x36c: {  	v16 =	vld [tilespmem:s22+$0x9450];
	[tilespmem:s22+$0x9060] =	vst v17;
	v10 =	vadd.f32 v10, v15  }
0x36d: {  	[tilespmem:s22+$0x9070] =	vst v11;
	v9 =	vadd.f32 v9, v14;
	v11 =	vld [tilespmem:s22+$0x9460]  }
0x36e: {  	[tilespmem:s22+$0x9400] =	vst v10;
	v8 =	vadd.f32 v8, v13;
	v10 =	vld [tilespmem:s22+$0x9470]  }
0x36f: {  	[tilespmem:s22+$0x9410] =	vst v9;
	v7 =	vadd.f32 v7, v12  }
0x370: {  	[tilespmem:s22+$0x9420] =	vst v8;
	v6 =	vadd.f32 v6, v18  }
0x371: {  	v5 =	vadd.f32 v5, v16;
	[tilespmem:s22+$0x9430] =	vst v7  }
0x372: {  	s21 =	sadd.s32 s20, s21;
	[tilespmem:s22+$0x9440] =	vst v6;
	v4 =	vadd.f32 v4, v11  }
0x373: {  	s21 =	sshrl.u32 s21, $0x3;
	[tilespmem:s22+$0x9450] =	vst v5;
	v3 =	vadd.f32 v3, v10  }
0x374: {  	s21 =	sadd.s32 s3, s21;
	[tilespmem:s22+$0x9460] =	vst v4  }
0x375: {  	s21 =	sadd.s32 $0xC00, s21;
	[tilespmem:s22+$0x9470] =	vst v3  }
0x376: {  	[hbm4b:s21+s4] =	stream.linear.scatter [tilespmem:s23], [sflag:$0x7], $0x3000, $0x38;
	[tilespmem:$0x1A000] =	vst v63  }
0x377: {  	s21 =	simm.s32 @!p0 $0x7  }
0x378: {  	_ =	swait.ge @!p0 [sflag:s21], $0x3000  }
0x379: {  	[sflag:s21] =	ssyncset.done @!p0 $0x0  }
0x37a: {  	[sflag:s21] =	ssyncadd.s32 @!p0 $0xFFFFD000  }
0x37b: {  	v3 =	vld @!p0 [tilespmem:s13+$0x300];
	_ =	sdelay $0x4  }
0x37c: {  	v4 =	vshrl.u32 @!p0 v3, $0x3  }
0x37d: {  	v4 =	vmul.u32 @!p0 $0x30, v4  }
0x37e: {  	v5 =	vlaneseq.u32 @!p0;
	v3 =	vand.u32 @!p0 $0x7, v3  }
0x37f: {  	v6 =	vshrl.u32 @!p0 v5, $0x3;
	v3 =	vor.u32 @!p0 v3, v4;
	v4 =	vand.u32 @!p0 $0x7, v5  }
0x380: {  	v6 =	vmul.u32 @!p0 $0x8, v6;
	v7 =	vperm.xlane @!p0 v3, v4;
	_ =	sdelay $0x1  }
0x381: {  	v7 =	vadd.s32 @!p0 v6, v7;
	_ =	sdelay $0x2  }
0x382: {  	v5 =	vor.u32 @!p0 $0x8, v5  }
0x383: {  	s22 =	simm.s32 @!p0 $0x8000;
	s21 =	simm.s32 @!p0 $0x0;
	v3 =	vperm.xlane @!p0 v3, v5  }
0x384: {  	[tilespmem:s22], [sflag:$0x3] =	stream.indirect_vreg.gather @!p0 [hbm4b:s1+s21], $0x80, v7, vm1, $0xb8;
	[tilespmem:$0x1A000] =	vst v63  }
0x385: {  	v3 =	vadd.s32 @!p0 v6, v3;
	s22 =	simm.s32 @!p0 $0x8800  }
0x386: {  	[tilespmem:s22], [sflag:$0x3] =	stream.indirect_vreg.gather @!p0 [hbm4b:s9+s21], $0x80, v7, vm1, $0xb8;
	[tilespmem:$0x1A000] =	vst v63  }
0x387: {  	s22 =	simm.s32 @!p0 $0x9000  }
0x388: {  	[tilespmem:s22], [sflag:$0x3] =	stream.indirect_vreg.gather @!p0 [hbm4b:s10+s21], $0x80, v7, vm1, $0xb8;
	[tilespmem:$0x1A000] =	vst v63  }
0x389: {  	s22 =	simm.s32 @!p0 $0x9800  }
0x38a: {  	[tilespmem:s22], [sflag:$0x3] =	stream.indirect_vreg.gather @!p0 [hbm4b:s1+s21], $0x80, v3, vm1, $0xb8;
	[tilespmem:$0x1A000] =	vst v63  }
0x38b: {  	s22 =	simm.s32 @!p0 $0xA000  }
0x38c: {  	[tilespmem:s22], [sflag:$0x3] =	stream.indirect_vreg.gather @!p0 [hbm4b:s9+s21], $0x80, v3, vm1, $0xb8;
	[tilespmem:$0x1A000] =	vst v63  }
0x38d: {  	s22 =	simm.s32 @!p0 $0xA800  }
0x38e: {  	[tilespmem:s22], [sflag:$0x3] =	stream.indirect_vreg.gather @!p0 [hbm4b:s10+s21], $0x80, v3, vm1, $0xb8;
	[tilespmem:$0x1A000] =	vst v63  }
0x38f: {  	v3 =	vld @!p0 [tilespmem:s13+$0x1300];
	_ =	sdelay $0x4  }
0x390: {  	v7 =	vshrl.u32 @!p0 v3, $0x3  }
0x391: {  	v7 =	vmul.u32 @!p0 $0x30, v7  }
0x392: {  	v3 =	vand.u32 @!p0 $0x7, v3  }
0x393: {  	v3 =	vor.u32 @!p0 v3, v7  }
0x394: {  	v4 =	vperm.xlane @!p0 v3, v4;
	_ =	sdelay $0x1  }
0x395: {  	v4 =	vadd.s32 @!p0 v6, v4;
	_ =	sdelay $0x3  }
0x396: {  	s13 =	simm.s32 @!p0 $0x14000;
	v3 =	vperm.xlane @!p0 v3, v5  }
0x397: {  	[tilespmem:s13], [sflag:$0x3] =	stream.indirect_vreg.gather @!p0 [hbm4b:s6+s21], $0x80, v4, vm1, $0xb8;
	[tilespmem:$0x1A000] =	vst v63  }
0x398: {  	v3 =	vadd.s32 @!p0 v6, v3;
	s13 =	simm.s32 @!p0 $0x14800  }
0x399: {  	[tilespmem:s13], [sflag:$0x3] =	stream.indirect_vreg.gather @!p0 [hbm4b:s11+s21], $0x80, v4, vm1, $0xb8;
	[tilespmem:$0x1A000] =	vst v63  }
0x39a: {  	s13 =	simm.s32 @!p0 $0x15000  }
0x39b: {  	[tilespmem:s13], [sflag:$0x3] =	stream.indirect_vreg.gather @!p0 [hbm4b:s12+s21], $0x80, v4, vm1, $0xb8;
	[tilespmem:$0x1A000] =	vst v63  }
0x39c: {  	s13 =	simm.s32 @!p0 $0x15800  }
0x39d: {  	[tilespmem:s13], [sflag:$0x3] =	stream.indirect_vreg.gather @!p0 [hbm4b:s6+s21], $0x80, v3, vm1, $0xb8;
	[tilespmem:$0x1A000] =	vst v63  }
0x39e: {  	s13 =	simm.s32 @!p0 $0x16000  }
0x39f: {  	[tilespmem:s13], [sflag:$0x3] =	stream.indirect_vreg.gather @!p0 [hbm4b:s11+s21], $0x80, v3, vm1, $0xb8;
	[tilespmem:$0x1A000] =	vst v63  }
0x3a0: {  	s13 =	simm.s32 @!p0 $0x16800  }
0x3a1: {  	[tilespmem:s13], [sflag:$0x3] =	stream.indirect_vreg.gather @!p0 [hbm4b:s12+s21], $0x80, v3, vm1, $0xb8;
	[tilespmem:$0x1A000] =	vst v63  }
0x3a2: {  	_ =	swait.ge [sflag:s8], $0x3000  }
0x3a3: {  	[sflag:s8] =	ssyncset.done $0x0  }
0x3a4: {  	s26 =	simm.s32 $0x0;
	[sflag:s8] =	ssyncadd.s32 $0xFFFFD000  }
0x3a5: {  	s21 =	simm.s32 $0x0;
	s13 =	smul.u32 $0x1800, s26;
	_ =	swait.ge [sflag:s8], $0x3000  }
0x3a6: {  	s28 =	sand.u32 $0x380, s21;
	[sflag:s8] =	ssyncset.done $0x0  }
0x3a7: {  	s13 =	sor.u32 s28, s13;
	[sflag:s8] =	ssyncadd.s32 $0xFFFFD000  }
0x3a8: {  	v12 =	vld [tilespmem:s13+$0x17000]  }
0x3a9: {  	v13 =	vld [tilespmem:s13+$0x17010]  }
0x3aa: {  	v14 =	vld [tilespmem:s13+$0x17020]  }
0x3ab: {  	v15 =	vld [tilespmem:s13+$0x17030]  }
0x3ac: {  	v16 =	vld [tilespmem:s13+$0x17040]  }
0x3ad: {  	v17 =	vld [tilespmem:s13+$0x17050]  }
0x3ae: {  	v18 =	vld [tilespmem:s13+$0x17060]  }
0x3af: {  	v19 =	vld [tilespmem:s13+$0x17070]  }
0x3b0: {  	v20 =	vld [tilespmem:s13+$0x17400]  }
0x3b1: {  	v21 =	vld [tilespmem:s13+$0x17410]  }
0x3b2: {  	v22 =	vld [tilespmem:s13+$0x17420]  }
0x3b3: {  	v23 =	vld [tilespmem:s13+$0x17430]  }
0x3b4: {  	v24 =	vld [tilespmem:s13+$0x17440]  }
0x3b5: {  	v25 =	vld [tilespmem:s13+$0x17450]  }
0x3b6: {  	v26 =	vld [tilespmem:s13+$0x17460]  }
0x3b7: {  	v27 =	vld [tilespmem:s13+$0x17470]  }
0x3b8: {  	v28 =	vld [tilespmem:s13+$0x17800]  }
0x3b9: {  	v29 =	vld [tilespmem:s13+$0x17810]  }
0x3ba: {  	v30 =	vld [tilespmem:s13+$0x17820]  }
0x3bb: {  	v31 =	vld [tilespmem:s13+$0x17830]  }
0x3bc: {  	v32 =	vld [tilespmem:s13+$0x17840]  }
0x3bd: {  	v33 =	vld [tilespmem:s13+$0x17850]  }
0x3be: {  	v34 =	vld [tilespmem:s13+$0x17860]  }
0x3bf: {  	v35 =	vld [tilespmem:s13+$0x17870]  }
0x3c0: {  	v36 =	vld [tilespmem:s13+$0x17C00]  }
0x3c1: {  	v37 =	vld [tilespmem:s13+$0x17C10]  }
0x3c2: {  	v38 =	vld [tilespmem:s13+$0x17C20]  }
0x3c3: {  	v39 =	vld [tilespmem:s13+$0x17C30]  }
0x3c4: {  	v40 =	vld [tilespmem:s13+$0x17C40]  }
0x3c5: {  	v41 =	vld [tilespmem:s13+$0x17C50]  }
0x3c6: {  	v42 =	vld [tilespmem:s13+$0x17C60]  }
0x3c7: {  	v43 =	vld [tilespmem:s13+$0x17C70]  }
0x3c8: {  	v44 =	vld [tilespmem:s13+$0x18000]  }
0x3c9: {  	v45 =	vld [tilespmem:s13+$0x18010]  }
0x3ca: {  	v46 =	vld [tilespmem:s13+$0x18020]  }
0x3cb: {  	v47 =	vld [tilespmem:s13+$0x18030]  }
0x3cc: {  	v48 =	vld [tilespmem:s13+$0x18040]  }
0x3cd: {  	v49 =	vld [tilespmem:s13+$0x18050]  }
0x3ce: {  	v50 =	vld [tilespmem:s13+$0x18060]  }
0x3cf: {  	v11 =	vld [tilespmem:s13+$0x18070]  }
0x3d0: {  	v10 =	vld [tilespmem:s13+$0x18400]  }
0x3d1: {  	v9 =	vld [tilespmem:s13+$0x18410]  }
0x3d2: {  	v8 =	vld [tilespmem:s13+$0x18420]  }
0x3d3: {  	v7 =	vld [tilespmem:s13+$0x18430]  }
0x3d4: {  	v6 =	vld [tilespmem:s13+$0x18440]  }
0x3d5: {  	v51 =	vld [tilespmem:s13+$0xB000]  }
0x3d6: {  	v52 =	vld [tilespmem:s13+$0xB010]  }
0x3d7: {  	v53 =	vld [tilespmem:s13+$0xB020]  }
0x3d8: {  	v54 =	vld [tilespmem:s13+$0xB030]  }
0x3d9: {  	v55 =	vld [tilespmem:s13+$0xB040]  }
0x3da: {  	v62 =	vld [tilespmem:s13+$0xB050];
	v12 =	vadd.f32 v12, v51  }
0x3db: {  	v63 =	vld [tilespmem:s13+$0xB060];
	v13 =	vadd.f32 v13, v52  }
0x3dc: {  	[tilespmem:s13+$0xB000] =	vst v12;
	v12 =	vadd.f32 v14, v53;
	v14 =	vld [tilespmem:s13+$0xB070]  }
0x3dd: {  	[tilespmem:s13+$0xB010] =	vst v13;
	v13 =	vadd.f32 v15, v54;
	v15 =	vld [tilespmem:s13+$0xB400]  }
0x3de: {  	[tilespmem:s13+$0xB020] =	vst v12;
	v12 =	vadd.f32 v16, v55;
	v16 =	vld [tilespmem:s13+$0xB410]  }
0x3df: {  	[tilespmem:s13+$0xB030] =	vst v13;
	v13 =	vadd.f32 v17, v62;
	v17 =	vld [tilespmem:s13+$0xB420]  }
0x3e0: {  	v5 =	vld [tilespmem:s13+$0x18450]  }
0x3e1: {  	[tilespmem:s13+$0xB040] =	vst v12;
	v12 =	vadd.f32 v18, v63;
	v18 =	vld [tilespmem:s13+$0xB470]  }
0x3e2: {  	[tilespmem:s13+$0xB050] =	vst v13;
	v13 =	vadd.f32 v19, v14;
	v14 =	vld [tilespmem:s13+$0xB430]  }
0x3e3: {  	[tilespmem:s13+$0xB060] =	vst v12;
	v12 =	vadd.f32 v20, v15;
	v15 =	vld [tilespmem:s13+$0xB440]  }
0x3e4: {  	[tilespmem:s13+$0xB070] =	vst v13;
	v13 =	vadd.f32 v21, v16;
	v16 =	vadd.f32 v22, v17;
	v17 =	vld [tilespmem:s13+$0xB460]  }
0x3e5: {  	[tilespmem:s13+$0xB400] =	vst v12;
	v12 =	vld [tilespmem:s13+$0xB450]  }
0x3e6: {  	[tilespmem:s13+$0xB410] =	vst v13;
	v13 =	vld [tilespmem:s13+$0xB800];
	v18 =	vadd.f32 v27, v18  }
0x3e7: {  	[tilespmem:s13+$0xB420] =	vst v16;
	v16 =	vld [tilespmem:s13+$0xB810];
	v14 =	vadd.f32 v23, v14  }
0x3e8: {  	v4 =	vld [tilespmem:s13+$0x18460];
	v15 =	vadd.f32 v24, v15;
	[tilespmem:s13+$0xB470] =	vst v18  }
0x3e9: {  	[tilespmem:s13+$0xB430] =	vst v14;
	v14 =	vld [tilespmem:s13+$0xB820];
	v17 =	vadd.f32 v26, v17  }
0x3ea: {  	v12 =	vadd.f32 v25, v12;
	[tilespmem:s13+$0xB440] =	vst v15;
	v15 =	vld [tilespmem:s13+$0xB830]  }
0x3eb: {  	v18 =	vld [tilespmem:s13+$0xB870];
	[tilespmem:s13+$0xB460] =	vst v17;
	v13 =	vadd.f32 v28, v13  }
0x3ec: {  	v16 =	vadd.f32 v29, v16;
	[tilespmem:s13+$0xB450] =	vst v12;
	v12 =	vld [tilespmem:s13+$0xB840]  }
0x3ed: {  	v17 =	vld [tilespmem:s13+$0xB850];
	[tilespmem:s13+$0xB800] =	vst v13  }
0x3ee: {  	[tilespmem:s13+$0xB810] =	vst v16;
	v16 =	vld [tilespmem:s13+$0xB860];
	v13 =	vadd.f32 v30, v14  }
0x3ef: {  	v14 =	vld [tilespmem:s13+$0xBC00];
	v15 =	vadd.f32 v31, v15  }
0x3f0: {  	[tilespmem:s13+$0xB820] =	vst v13;
	v13 =	vld [tilespmem:s13+$0xBC10]  }
0x3f1: {  	v12 =	vadd.f32 v32, v12;
	[tilespmem:s13+$0xB830] =	vst v15;
	v15 =	vld [tilespmem:s13+$0xBC20]  }
0x3f2: {  	v3 =	vld [tilespmem:s13+$0x18470];
	v17 =	vadd.f32 v33, v17  }
0x3f3: {  	v16 =	vadd.f32 v34, v16;
	[tilespmem:s13+$0xB840] =	vst v12;
	v12 =	vld [tilespmem:s13+$0xBC30]  }
0x3f4: {  	[tilespmem:s13+$0xB850] =	vst v17;
	v17 =	vld [tilespmem:s13+$0xBC40];
	v14 =	vadd.f32 v36, v14  }
0x3f5: {  	v18 =	vadd.f32 v35, v18;
	[tilespmem:s13+$0xB860] =	vst v16;
	v16 =	vld [tilespmem:s13+$0xBC50]  }
0x3f6: {  	v13 =	vadd.f32 v37, v13;
	[tilespmem:s13+$0xBC00] =	vst v14;
	v14 =	vadd.f32 v38, v15;
	v15 =	vld [tilespmem:s13+$0xBC60]  }
0x3f7: {  	[tilespmem:s13+$0xB870] =	vst v18;
	v18 =	vld [tilespmem:s13+$0xBC70]  }
0x3f8: {  	[tilespmem:s13+$0xBC10] =	vst v13;
	v13 =	vld [tilespmem:s13+$0xC000];
	v12 =	vadd.f32 v39, v12  }
0x3f9: {  	v17 =	vadd.f32 v40, v17;
	[tilespmem:s13+$0xBC20] =	vst v14;
	v14 =	vld [tilespmem:s13+$0xC010]  }
0x3fa: {  	v16 =	vadd.f32 v41, v16;
	[tilespmem:s13+$0xBC30] =	vst v12;
	v12 =	vld [tilespmem:s13+$0xC020]  }
0x3fb: {  	[tilespmem:s13+$0xBC40] =	vst v17;
	v17 =	vld [tilespmem:s13+$0xC030];
	v15 =	vadd.f32 v42, v15  }
0x3fc: {  	v19 =	vld [tilespmem:s13+$0xC040];
	[tilespmem:s13+$0xBC50] =	vst v16;
	v16 =	vadd.f32 v43, v18  }
0x3fd: {  	v18 =	vld [tilespmem:s13+$0xC050];
	v13 =	vadd.f32 v44, v13;
	[tilespmem:s13+$0xBC60] =	vst v15  }
0x3fe: {  	v20 =	vld [tilespmem:s13+$0xC060];
	[tilespmem:s13+$0xBC70] =	vst v16;
	v14 =	vadd.f32 v45, v14  }
0x3ff: {  	v16 =	vld [tilespmem:s13+$0xC070];
	[tilespmem:s13+$0xC000] =	vst v13;
	v12 =	vadd.f32 v46, v12  }
0x400: {  	v15 =	vld [tilespmem:s13+$0xC400];
	v13 =	vadd.f32 v47, v17;
	[tilespmem:s13+$0xC010] =	vst v14  }
0x401: {  	v14 =	vld [tilespmem:s13+$0xC410];
	[tilespmem:s13+$0xC020] =	vst v12;
	v12 =	vadd.f32 v48, v19  }
0x402: {  	[tilespmem:s13+$0xC030] =	vst v13;
	v13 =	vld [tilespmem:s13+$0xC420];
	v18 =	vadd.f32 v49, v18  }
0x403: {  	s22 =	simm.s32 $0x1;
	v17 =	vadd.f32 v50, v20;
	[tilespmem:s13+$0xC040] =	vst v12;
	v12 =	vld [tilespmem:s13+$0xC430]  }
.LBB2_9:
0x404: {  	s24 =	sshrl.u32 s22, $0x3;
	p0 =	sne.s32 s22, $0xF;
	[tilespmem:s13+$0xC050] =	vst v18;
	v11 =	vadd.f32 v11, v16;
	v16 =	vld [tilespmem:s13+$0xC440]  }
0x405: {  	s21 =	sadd.s32 $0x80, s21;
	s24 =	smul.u32 $0x1800, s24;
	[tilespmem:s13+$0xC060] =	vst v17;
	v10 =	vadd.f32 v10, v15;
	v15 =	vld [tilespmem:s13+$0xC450]  }
0x406: {  	s25 =	sand.u32 $0x380, s21;
	[tilespmem:s13+$0xC070] =	vst v11;
	v9 =	vadd.f32 v9, v14;
	v11 =	vld [tilespmem:s13+$0xC460]  }
0x407: {  	s24 =	sor.u32 s25, s24;
	[tilespmem:s13+$0xC400] =	vst v10;
	v8 =	vadd.f32 v8, v13;
	v10 =	vld [tilespmem:s13+$0xC470]  }
0x408: {  	v39 =	vld [tilespmem:s24+$0x17000];
	[tilespmem:s13+$0xC410] =	vst v9;
	v7 =	vadd.f32 v7, v12  }
0x409: {  	v40 =	vld [tilespmem:s24+$0x17010];
	[tilespmem:s13+$0xC420] =	vst v8;
	v6 =	vadd.f32 v6, v16  }
0x40a: {  	v41 =	vld [tilespmem:s24+$0x17020];
	[tilespmem:s13+$0xC430] =	vst v7;
	v5 =	vadd.f32 v5, v15  }
0x40b: {  	v42 =	vld [tilespmem:s24+$0x17030];
	[tilespmem:s13+$0xC440] =	vst v6;
	v4 =	vadd.f32 v4, v11  }
0x40c: {  	v43 =	vld [tilespmem:s24+$0x17040];
	[tilespmem:s13+$0xC450] =	vst v5;
	v3 =	vadd.f32 v3, v10  }
0x40d: {  	v44 =	vld [tilespmem:s24+$0x17050];
	[tilespmem:s13+$0xC460] =	vst v4  }
0x40e: {  	v45 =	vld [tilespmem:s24+$0x17060];
	[tilespmem:s13+$0xC470] =	vst v3;
	s13 =	smov.u32 s24  }
0x40f: {  	v46 =	vld [tilespmem:s13+$0x17070]  }
0x410: {  	v47 =	vld [tilespmem:s13+$0x17400]  }
0x411: {  	v48 =	vld [tilespmem:s13+$0x17410]  }
0x412: {  	v49 =	vld [tilespmem:s13+$0x17420]  }
0x413: {  	v50 =	vld [tilespmem:s13+$0x17430]  }
0x414: {  	v38 =	vld [tilespmem:s13+$0x17440]  }
0x415: {  	v37 =	vld [tilespmem:s13+$0x17450]  }
0x416: {  	v36 =	vld [tilespmem:s13+$0x17460]  }
0x417: {  	v35 =	vld [tilespmem:s13+$0x17470]  }
0x418: {  	v34 =	vld [tilespmem:s13+$0x17800]  }
0x419: {  	v33 =	vld [tilespmem:s13+$0x17810]  }
0x41a: {  	v32 =	vld [tilespmem:s13+$0x17820]  }
0x41b: {  	v31 =	vld [tilespmem:s13+$0x17830]  }
0x41c: {  	v30 =	vld [tilespmem:s13+$0x17840]  }
0x41d: {  	v29 =	vld [tilespmem:s13+$0x17850]  }
0x41e: {  	v28 =	vld [tilespmem:s13+$0x17860]  }
0x41f: {  	v27 =	vld [tilespmem:s13+$0x17870]  }
0x420: {  	v26 =	vld [tilespmem:s13+$0x17C00]  }
0x421: {  	v25 =	vld [tilespmem:s13+$0x17C10]  }
0x422: {  	v24 =	vld [tilespmem:s13+$0x17C20]  }
0x423: {  	v23 =	vld [tilespmem:s13+$0x17C30]  }
0x424: {  	v22 =	vld [tilespmem:s13+$0x17C40]  }
0x425: {  	v21 =	vld [tilespmem:s13+$0x17C50]  }
0x426: {  	v20 =	vld [tilespmem:s13+$0x17C60]  }
0x427: {  	v19 =	vld [tilespmem:s13+$0x17C70]  }
0x428: {  	v18 =	vld [tilespmem:s13+$0x18000]  }
0x429: {  	v17 =	vld [tilespmem:s13+$0x18010]  }
0x42a: {  	v16 =	vld [tilespmem:s13+$0x18020]  }
0x42b: {  	v15 =	vld [tilespmem:s13+$0x18030]  }
0x42c: {  	v14 =	vld [tilespmem:s13+$0x18040]  }
0x42d: {  	v13 =	vld [tilespmem:s13+$0x18050]  }
0x42e: {  	v12 =	vld [tilespmem:s13+$0x18060]  }
0x42f: {  	v11 =	vld [tilespmem:s13+$0x18070]  }
0x430: {  	v10 =	vld [tilespmem:s13+$0x18400]  }
0x431: {  	v9 =	vld [tilespmem:s13+$0x18410]  }
0x432: {  	v8 =	vld [tilespmem:s13+$0x18420]  }
0x433: {  	v7 =	vld [tilespmem:s13+$0x18430]  }
0x434: {  	v6 =	vld [tilespmem:s13+$0x18440]  }
0x435: {  	v5 =	vld [tilespmem:s13+$0x18450]  }
0x436: {  	v4 =	vld [tilespmem:s13+$0x18460]  }
0x437: {  	v3 =	vld [tilespmem:s13+$0x18470]  }
0x438: {  	v51 =	vld [tilespmem:s13+$0xB000]  }
0x439: {  	v52 =	vld [tilespmem:s13+$0xB010]  }
0x43a: {  	v53 =	vld [tilespmem:s13+$0xB020]  }
0x43b: {  	v54 =	vld [tilespmem:s13+$0xB030]  }
0x43c: {  	v55 =	vld [tilespmem:s13+$0xB040]  }
0x43d: {  	v39 =	vadd.f32 v39, v51;
	v51 =	vld [tilespmem:s13+$0xB050]  }
0x43e: {  	v40 =	vadd.f32 v40, v52;
	v52 =	vld [tilespmem:s13+$0xB060]  }
0x43f: {  	[tilespmem:s13+$0xB000] =	vst v39;
	v39 =	vadd.f32 v41, v53;
	v41 =	vld [tilespmem:s13+$0xB070]  }
0x440: {  	[tilespmem:s13+$0xB010] =	vst v40;
	v40 =	vadd.f32 v42, v54;
	v42 =	vld [tilespmem:s13+$0xB400]  }
0x441: {  	[tilespmem:s13+$0xB020] =	vst v39;
	v39 =	vadd.f32 v43, v55;
	v43 =	vld [tilespmem:s13+$0xB410]  }
0x442: {  	[tilespmem:s13+$0xB030] =	vst v40;
	v40 =	vadd.f32 v44, v51;
	v44 =	vld [tilespmem:s13+$0xB420]  }
0x443: {  	[tilespmem:s13+$0xB040] =	vst v39;
	v39 =	vadd.f32 v45, v52;
	v45 =	vld [tilespmem:s13+$0xB430]  }
0x444: {  	[tilespmem:s13+$0xB050] =	vst v40;
	v40 =	vadd.f32 v46, v41;
	v41 =	vld [tilespmem:s13+$0xB440]  }
0x445: {  	[tilespmem:s13+$0xB060] =	vst v39;
	v39 =	vadd.f32 v47, v42;
	v42 =	vld [tilespmem:s13+$0xB450]  }
0x446: {  	[tilespmem:s13+$0xB070] =	vst v40;
	v40 =	vadd.f32 v48, v43;
	v43 =	vld [tilespmem:s13+$0xB460]  }
0x447: {  	[tilespmem:s13+$0xB400] =	vst v39;
	v39 =	vadd.f32 v49, v44;
	v44 =	vld [tilespmem:s13+$0xB470]  }
0x448: {  	[tilespmem:s13+$0xB410] =	vst v40;
	v40 =	vadd.f32 v50, v45;
	v45 =	vld [tilespmem:s13+$0xB800]  }
0x449: {  	[tilespmem:s13+$0xB420] =	vst v39;
	v38 =	vadd.f32 v38, v41;
	v39 =	vld [tilespmem:s13+$0xB810]  }
0x44a: {  	[tilespmem:s13+$0xB430] =	vst v40;
	v37 =	vadd.f32 v37, v42;
	v40 =	vld [tilespmem:s13+$0xB820]  }
0x44b: {  	[tilespmem:s13+$0xB440] =	vst v38;
	v36 =	vadd.f32 v36, v43;
	v38 =	vld [tilespmem:s13+$0xB830]  }
0x44c: {  	[tilespmem:s13+$0xB450] =	vst v37;
	v35 =	vadd.f32 v35, v44;
	v37 =	vld [tilespmem:s13+$0xB840]  }
0x44d: {  	[tilespmem:s13+$0xB460] =	vst v36;
	v34 =	vadd.f32 v34, v45;
	v36 =	vld [tilespmem:s13+$0xB850]  }
0x44e: {  	[tilespmem:s13+$0xB470] =	vst v35;
	v33 =	vadd.f32 v33, v39;
	v35 =	vld [tilespmem:s13+$0xB860]  }
0x44f: {  	[tilespmem:s13+$0xB800] =	vst v34;
	v32 =	vadd.f32 v32, v40;
	v34 =	vld [tilespmem:s13+$0xB870]  }
0x450: {  	[tilespmem:s13+$0xB810] =	vst v33;
	v31 =	vadd.f32 v31, v38;
	v33 =	vld [tilespmem:s13+$0xBC00]  }
0x451: {  	[tilespmem:s13+$0xB820] =	vst v32;
	v30 =	vadd.f32 v30, v37;
	v32 =	vld [tilespmem:s13+$0xBC10]  }
0x452: {  	[tilespmem:s13+$0xB830] =	vst v31;
	v29 =	vadd.f32 v29, v36;
	v31 =	vld [tilespmem:s13+$0xBC20]  }
0x453: {  	[tilespmem:s13+$0xB840] =	vst v30;
	v28 =	vadd.f32 v28, v35;
	v30 =	vld [tilespmem:s13+$0xBC30]  }
0x454: {  	[tilespmem:s13+$0xB850] =	vst v29;
	v27 =	vadd.f32 v27, v34;
	v29 =	vld [tilespmem:s13+$0xBC40]  }
0x455: {  	[tilespmem:s13+$0xB860] =	vst v28;
	v26 =	vadd.f32 v26, v33;
	v28 =	vld [tilespmem:s13+$0xBC50]  }
0x456: {  	[tilespmem:s13+$0xB870] =	vst v27;
	v25 =	vadd.f32 v25, v32;
	v27 =	vld [tilespmem:s13+$0xBC60]  }
0x457: {  	[tilespmem:s13+$0xBC00] =	vst v26;
	v24 =	vadd.f32 v24, v31;
	v26 =	vld [tilespmem:s13+$0xBC70]  }
0x458: {  	[tilespmem:s13+$0xBC10] =	vst v25;
	v23 =	vadd.f32 v23, v30;
	v25 =	vld [tilespmem:s13+$0xC000]  }
0x459: {  	[tilespmem:s13+$0xBC20] =	vst v24;
	v22 =	vadd.f32 v22, v29;
	v24 =	vld [tilespmem:s13+$0xC010]  }
0x45a: {  	[tilespmem:s13+$0xBC30] =	vst v23;
	v21 =	vadd.f32 v21, v28;
	v23 =	vld [tilespmem:s13+$0xC020]  }
0x45b: {  	[tilespmem:s13+$0xBC40] =	vst v22;
	v20 =	vadd.f32 v20, v27;
	v22 =	vld [tilespmem:s13+$0xC030]  }
0x45c: {  	[tilespmem:s13+$0xBC50] =	vst v21;
	v19 =	vadd.f32 v19, v26;
	v21 =	vld [tilespmem:s13+$0xC040]  }
0x45d: {  	[tilespmem:s13+$0xBC60] =	vst v20;
	v18 =	vadd.f32 v18, v25;
	v20 =	vld [tilespmem:s13+$0xC050]  }
0x45e: {  	[tilespmem:s13+$0xBC70] =	vst v19;
	v17 =	vadd.f32 v17, v24;
	v19 =	vld [tilespmem:s13+$0xC060]  }
.Ltmp3:
0x45f: {  	[tilespmem:s13+$0xC000] =	vst v18;
	v18 =	vadd.f32 v16, v23;
	v16 =	vld [tilespmem:s13+$0xC070];
	(pc) =	sbr.rel @p0 .LBB2_9-.Ltmp3, $4  }
0x460: {  	[tilespmem:s13+$0xC010] =	vst v17;
	v17 =	vadd.f32 v15, v22;
	v15 =	vld [tilespmem:s13+$0xC400]  }
0x461: {  	[tilespmem:s13+$0xC020] =	vst v18;
	v21 =	vadd.f32 v14, v21;
	v14 =	vld [tilespmem:s13+$0xC410]  }
0x462: {  	[tilespmem:s13+$0xC030] =	vst v17;
	v18 =	vadd.f32 v13, v20;
	v13 =	vld [tilespmem:s13+$0xC420]  }
0x463: {  	s22 =	sadd.s32 $0x1, s22;
	[tilespmem:s13+$0xC040] =	vst v21;
	v17 =	vadd.f32 v12, v19;
	v12 =	vld [tilespmem:s13+$0xC430]  }
0x464: {  	[tilespmem:s13+$0xC050] =	vst v18;
	v60 =	vld [tilespmem:s13+$0xC440];
	v11 =	vadd.f32 v11, v16  }
0x465: {  	v61 =	vld [tilespmem:s13+$0xC450];
	[tilespmem:s13+$0xC060] =	vst v17;
	v10 =	vadd.f32 v10, v15  }
0x466: {  	v62 =	vld [tilespmem:s13+$0xC460];
	[tilespmem:s13+$0xC070] =	vst v11;
	v9 =	vadd.f32 v9, v14  }
0x467: {  	v63 =	vld [tilespmem:s13+$0xC470];
	[tilespmem:s13+$0xC400] =	vst v10;
	v8 =	vadd.f32 v8, v13  }
0x468: {  	s14 =	sshll.u32 s14, $0x1;
	[tilespmem:s13+$0xC410] =	vst v9;
	v7 =	vadd.f32 v7, v12  }
0x469: {  	s7 =	sadd.s32 $0x1, s7;
	s14 =	sand.u32 $0x1E, s14;
	[tilespmem:s13+$0xC420] =	vst v8;
	v6 =	vadd.f32 v6, v60  }
0x46a: {  	p0 =	sne.s32 s7, $0x8;
	s14 =	smul.u32 $0x1800, s14;
	v5 =	vadd.f32 v5, v61;
	[tilespmem:s13+$0xC430] =	vst v7  }
.Ltmp4:
0x46b: {  	v4 =	vadd.f32 v4, v62;
	[tilespmem:s13+$0xC440] =	vst v6;
	(pc) =	sbr.rel @p0 .LBB2_2-.Ltmp4, $4  }
0x46c: {  	s14 =	sadd.s32 s20, s14;
	v3 =	vadd.f32 v3, v63;
	[tilespmem:s13+$0xC450] =	vst v5  }
0x46d: {  	s14 =	sshrl.u32 s14, $0x3;
	[tilespmem:s13+$0xC460] =	vst v4  }
0x46e: {  	s28 =	sadd.s32 s3, s14;
	[tilespmem:s13+$0xC470] =	vst v3  }
0x46f: {  	[hbm4b:s28+s4] =	stream.linear.scatter [tilespmem:s19], [sflag:$0x8], $0x3000, $0x38;
	[tilespmem:$0x1A000] =	vst v63  }
0x470: {  	s7 =	simm.s32 $0x5  }
0x471: {  	_ =	swait.ge [sflag:s7], $0x3000  }
0x472: {  	[sflag:s7] =	ssyncset.done $0x0  }
0x473: {  	s25 =	simm.s32 $0x6;
	[sflag:s7] =	ssyncadd.s32 $0xFFFFD000  }
0x474: {  	_ =	swait.ge [sflag:s25], $0x3000  }
0x475: {  	[sflag:s25] =	ssyncset.done $0x0  }
0x476: {  	s26 =	simm.s32 $0x7;
	[sflag:s25] =	ssyncadd.s32 $0xFFFFD000  }
0x477: {  	_ =	swait.ge [sflag:s26], $0x3000  }
0x478: {  	[sflag:s26] =	ssyncset.done $0x0  }
0x479: {  	s13 =	simm.s32 $0x8;
	[sflag:s26] =	ssyncadd.s32 $0xFFFFD000  }
0x47a: {  	_ =	swait.ge [sflag:s13], $0x3000  }
0x47b: {  	s14 =	rddreg [dreg:$0x7]  }
0x47c: {  	s28 =	rddreg [dreg:$0x6];
	s14 =	sadd.s32 $0x1, s14  }
0x47d: {  	p0 =	sne.s32 s14, s28  }
.Ltmp5:
0x47e: {  	_ = 	snop;
	(pc) =	sbr.rel @p0 .LBB2_1-.Ltmp5, $3  }
0x47f: {  	_ =	sdelay $0x1  }
0x480: {  	[sflag:s13] =	ssyncset.done $0x0  }
0x481: {  	[sflag:s13] =	ssyncadd.s32 $0xFFFFD000  }
0x482: {  	_ =	sfence.sel $0x180000  }
0x483: {  	[bflag:$0x0] =	sbarrier.arrive $0xFFFF  }
0x484: {  	_ =	strace $0x90000047  }
0x485: {  	s0 =	stileid.u32;
	[bflag:$0x2] =	sbarrier.arrive $0xFFFF  }
0x486: {  	p0 =	sne.s32 s0, $0x0;
	s0 =	rddreg [dreg:$0x3]  }
0x487: {  	s0 =	sadd.s32 @!p0 $0x100000, s0  }
0x488: {  	[sflag:s0] =	ssyncadd.tile.s32 @!p0 $0x1;
	_ =	shalt  }
.Lfunc_end2:
_tile_overlayer_lowered:
.L_overlay_start_2:
0x489: {  	(tag) =	ssettag $0x2  }
0x48a: {  	s0 =	rddreg [dreg:$0x0];
	s2 =	stileid.u32  }
0x48b: {  	s1 =	rddreg [dreg:$0x1];
	p0 =	sne.s32 s2, $0x0  }
0x48c: {  	s3 =	rddreg [dreg:$0x2];
	[bflag:$0x3] =	sbarrier.arrive $0xFFFF;
	s2 =	simm.s32 @!p0 $0x1C09  }
0x48d: {  	[timem:s3], [sflag:s2] =	dma.local @!p0 [hbm:s0], s1  }
0x48e: {  	s0 =	simm.s32 @!p0 $0x9  }
0x48f: {  	_ =	swait.ge @!p0 [sflag:s0], s1  }
0x490: {  	s1 =	ssub.s32 @!p0 $0x0, s1;
	[sflag:s0] =	ssyncset.done @!p0 $0x0  }
0x491: {  	[sflag:s0] =	ssyncadd.s32 @!p0 s1  }
0x492: {  	[bflag:$0x3] =	sbarrier.arrive $0xFFFF  }
0x493: {  	_ =	shalt  }

</sc_bundles>
